<compile_context>
chip_gen: v7x
topology: tpu7x:2x2x1
jax: 0.10.2.dev20260603
libtpu: 0.0.44.dev20260713+nightly
codegen_flags: <defaults>
</compile_context>

<pallas_src>
import functools

import jax
import jax.numpy as jnp
from jax import lax
from jax.experimental import pallas as pl
from jax.experimental.pallas import tpu as pltpu
from jax.experimental.pallas import tpu_sc as plsc

_D = 768
_SEQ = 8192
_BATCH = 4

_NC = 2
_NS = 16
_NW = _NC * _NS
_SEQ_PER_W = _SEQ // _NW
_CHUNK_ROWS = 16
_N_CHUNKS = _SEQ_PER_W // _CHUNK_ROWS
_VECS_PER_ROW = _D // 16
_NBUF = 8
_N_GROUPS = _N_CHUNKS // 2


def _sc_body(we_hbm, pe_hbm, out_hbm, *scratch):
    pbufs, wbufs = scratch[0:2], scratch[2:2 + _NBUF]
    pe_sems = scratch[2 + _NBUF:4 + _NBUF]
    we_sems = scratch[4 + _NBUF:4 + 2 * _NBUF]
    out_sems = scratch[4 + 2 * _NBUF:4 + 3 * _NBUF]
    wid = lax.axis_index("s") * _NC + lax.axis_index("c")
    base_row = wid * _SEQ_PER_W

    def row0(c):
        return pl.multiple_of(base_row + c * _CHUNK_ROWS, 8)

    def we_desc(k, j):
        c, b = 2 * k + j // 4, j % 4
        return pltpu.make_async_copy(
            we_hbm.at[b, pl.ds(row0(c), _CHUNK_ROWS), :], wbufs[j], we_sems[j])

    def out_desc(k, j):
        c, b = 2 * k + j // 4, j % 4
        return pltpu.make_async_copy(
            wbufs[j], out_hbm.at[b, pl.ds(row0(c), _CHUNK_ROWS), :], out_sems[j])

    def pe_desc(c, parity):
        return pltpu.make_async_copy(
            pe_hbm.at[pl.ds(row0(c), _CHUNK_ROWS), :], pbufs[parity], pe_sems[parity])

    def group(k, first=False, last=False):
        for j in range(_NBUF):
            if j == 0:
                pe_desc(2 * k, 0).wait()
                pe_desc(2 * k + 1, 1).start()
            if j == 4:
                pe_desc(2 * k + 1, 1).wait()
                if not last:
                    pe_desc(2 * k + 2, 0).start()
            if j < 4:
                if not first:
                    out_desc(k - 1, j + 4).wait()
                we_desc(k, j + 4).start()
            elif not last:
                out_desc(k, j - 4).wait()
                we_desc(k + 1, j - 4).start()
            we_desc(k, j).wait()
            wbuf, pbuf = wbufs[j], pbufs[j // 4]

            @plsc.parallel_loop(0, _CHUNK_ROWS * _VECS_PER_ROW, 1, unroll=8)
            def _add(i):
                r = i // _VECS_PER_ROW
                v = (i - r * _VECS_PER_ROW) * 16
                plsc.addupdate(wbuf.at[r, pl.ds(v, 16)], pbuf[r, pl.ds(v, 16)])

            out_desc(k, j).start()

    pe_desc(0, 0).start()
    for j in range(4):
        we_desc(0, j).start()
    group(0, first=True)

    def body(k, carry):
        group(k)
        return carry

    lax.fori_loop(1, _N_GROUPS - 1, body, 0, unroll=False)
    group(_N_GROUPS - 1, last=True)
    for j in range(_NBUF):
        out_desc(_N_GROUPS - 1, j).wait()


_sc_add = functools.partial(
    pl.kernel,
    out_type=jax.ShapeDtypeStruct((_BATCH, _SEQ, _D), jnp.float32),
    mesh=plsc.VectorSubcoreMesh(core_axis_name="c", subcore_axis_name="s"),
    scratch_types=(
        [pltpu.VMEM((_CHUNK_ROWS, _D), jnp.float32)] * (2 + _NBUF)
        + [pltpu.SemaphoreType.DMA] * (2 + 2 * _NBUF)
    ),
)(_sc_body)


def kernel(word_embeddings, pe):
    return _sc_add(word_embeddings, pe)

# --- scband reference (transcript-rebuilt; emitter-appended) ---
"""Pipeline reference for scband-learnt-position-encoding-30030411334104 (READ-ONLY COPY).

The authoritative reference and input builder live on the scoring server;
editing this copy changes nothing except your own understanding.
"""

import jax, jax.numpy as jnp
import numpy as np

D_MODEL = 768
MAX_LEN = 8192

def setup_inputs(seed: int = 0) -> dict:
    key = jax.random.key(seed)
    k1, k2 = jax.random.split(key)
    word_embeddings = jax.random.normal(k1, (4, 8192, D_MODEL), dtype=jnp.float32)
    pe = jax.random.normal(k2, (MAX_LEN, D_MODEL), dtype=jnp.float32) * 0.02
    return {"word_embeddings": word_embeddings, "pe": pe}

def reference(word_embeddings, pe):
    batch_size, seq_len, _ = word_embeddings.shape
    positions = jnp.arange(seq_len)[None, :]  # (1, seq_len)
    pos_embeddings = jnp.take(pe, positions, axis=0)  # (1, seq_len, d_model)
    return word_embeddings + pos_embeddings

if __name__ == "__main__":
    import jax
    _d = setup_inputs()
    print(jax.jit(kernel)(*tuple(_d.values())))

</pallas_src>

<mosaic_0001>
#map = affine_map<(d0, d1) -> (0, 0, 0)>
#map1 = affine_map<(d0, d1) -> (0, 0)>
module attributes {stable_mosaic.version = 14 : i64} {
  func.func @_sc_body(%arg0: i32, %arg1: i32, %arg2: memref<4x8192x768xf32, #tpu.memory_space<hbm>>, %arg3: memref<8192x768xf32, #tpu.memory_space<hbm>>, %arg4: memref<4x8192x768xf32, #tpu.memory_space<hbm>>, %arg5: memref<16x768xf32, #tpu.memory_space<vmem>>, %arg6: memref<16x768xf32, #tpu.memory_space<vmem>>, %arg7: memref<16x768xf32, #tpu.memory_space<vmem>>, %arg8: memref<16x768xf32, #tpu.memory_space<vmem>>, %arg9: memref<16x768xf32, #tpu.memory_space<vmem>>, %arg10: memref<16x768xf32, #tpu.memory_space<vmem>>, %arg11: memref<16x768xf32, #tpu.memory_space<vmem>>, %arg12: memref<16x768xf32, #tpu.memory_space<vmem>>, %arg13: memref<16x768xf32, #tpu.memory_space<vmem>>, %arg14: memref<16x768xf32, #tpu.memory_space<vmem>>, %arg15: memref<!tpu.dma_semaphore, #tpu.memory_space<semaphore_mem>>, %arg16: memref<!tpu.dma_semaphore, #tpu.memory_space<semaphore_mem>>, %arg17: memref<!tpu.dma_semaphore, #tpu.memory_space<semaphore_mem>>, %arg18: memref<!tpu.dma_semaphore, #tpu.memory_space<semaphore_mem>>, %arg19: memref<!tpu.dma_semaphore, #tpu.memory_space<semaphore_mem>>, %arg20: memref<!tpu.dma_semaphore, #tpu.memory_space<semaphore_mem>>, %arg21: memref<!tpu.dma_semaphore, #tpu.memory_space<semaphore_mem>>, %arg22: memref<!tpu.dma_semaphore, #tpu.memory_space<semaphore_mem>>, %arg23: memref<!tpu.dma_semaphore, #tpu.memory_space<semaphore_mem>>, %arg24: memref<!tpu.dma_semaphore, #tpu.memory_space<semaphore_mem>>, %arg25: memref<!tpu.dma_semaphore, #tpu.memory_space<semaphore_mem>>, %arg26: memref<!tpu.dma_semaphore, #tpu.memory_space<semaphore_mem>>, %arg27: memref<!tpu.dma_semaphore, #tpu.memory_space<semaphore_mem>>, %arg28: memref<!tpu.dma_semaphore, #tpu.memory_space<semaphore_mem>>, %arg29: memref<!tpu.dma_semaphore, #tpu.memory_space<semaphore_mem>>, %arg30: memref<!tpu.dma_semaphore, #tpu.memory_space<semaphore_mem>>, %arg31: memref<!tpu.dma_semaphore, #tpu.memory_space<semaphore_mem>>, %arg32: memref<!tpu.dma_semaphore, #tpu.memory_space<semaphore_mem>>) attributes {dimension_semantics = [#tpu.dimension_semantics<core_parallel>, #tpu.dimension_semantics<subcore_parallel>], iteration_bounds = array<i64: 2, 16>, scalar_prefetch = 0 : i64, scratch_operands = 28 : i64, tpu.core_type = #tpu.core_type<sc_vector_subcore>, window_params = [{transform_indices = #map}, {transform_indices = #map1}, {transform_indices = #map}]} {
    %mul3A = arith.constant 2 : i32
    %mul3A_0 = arith.muli %arg1, %mul3A : i32
    %add3A = arith.addi %mul3A_0, %arg0 : i32
    %mul3A_1 = arith.constant 256 : i32
    %mul3A_2 = arith.muli %add3A, %mul3A_1 : i32
    %add3A_3 = arith.constant 0 : i32
    %add3A_4 = arith.addi %mul3A_2, %add3A_3 : i32
    %multiple_of3A = tpu.assume_multiple %add3A_4, 8 : i32
    %dma_start3A = arith.constant 0 : i32
    %dma_start3A_5 = tpu.memref_slice %arg3[%multiple_of3A, %dma_start3A] : memref<8192x768xf32, #tpu.memory_space<hbm>> -> memref<16x768xf32, #tpu.memory_space<hbm>>
    %dma_start3A_6 = arith.constant 0 : i32
    %dma_start3A_7 = tpu.memref_slice %arg3[%multiple_of3A, %dma_start3A_6] : memref<8192x768xf32, #tpu.memory_space<hbm>> -> memref<16x768xf32, #tpu.memory_space<hbm>>
    tpu.enqueue_dma source(%dma_start3A_7 : memref<16x768xf32, #tpu.memory_space<hbm>>) target(%arg5 : memref<16x768xf32, #tpu.memory_space<vmem>>) target_semaphore(%arg15 : memref<!tpu.dma_semaphore, #tpu.memory_space<semaphore_mem>>)
    %add3A_8 = arith.constant 0 : i32
    %add3A_9 = arith.addi %mul3A_2, %add3A_8 : i32
    %multiple_of3A_10 = tpu.assume_multiple %add3A_9, 8 : i32
    %dma_start3A_11 = arith.constant 0 : i32
    %dma_start3A_12 = arith.constant 0 : i32
    %dma_start3A_13 = tpu.memref_slice %arg2[%dma_start3A_11, %multiple_of3A_10, %dma_start3A_12] : memref<4x8192x768xf32, #tpu.memory_space<hbm>> -> memref<1x16x768xf32, #tpu.memory_space<hbm>>
    %dma_start3A_14 = tpu.memref_squeeze %dma_start3A_13 : memref<1x16x768xf32, #tpu.memory_space<hbm>> -> memref<16x768xf32, #tpu.memory_space<hbm>>
    %dma_start3A_15 = arith.constant 0 : i32
    %dma_start3A_16 = tpu.memref_slice %arg2[%dma_start3A_11, %multiple_of3A_10, %dma_start3A_15] : memref<4x8192x768xf32, #tpu.memory_space<hbm>> -> memref<1x16x768xf32, #tpu.memory_space<hbm>>
    %dma_start3A_17 = tpu.memref_squeeze %dma_start3A_16 : memref<1x16x768xf32, #tpu.memory_space<hbm>> -> memref<16x768xf32, #tpu.memory_space<hbm>>
    tpu.enqueue_dma source(%dma_start3A_17 : memref<16x768xf32, #tpu.memory_space<hbm>>) target(%arg7 : memref<16x768xf32, #tpu.memory_space<vmem>>) target_semaphore(%arg17 : memref<!tpu.dma_semaphore, #tpu.memory_space<semaphore_mem>>)
    %add3A_18 = arith.constant 0 : i32
    %add3A_19 = arith.addi %mul3A_2, %add3A_18 : i32
    %multiple_of3A_20 = tpu.assume_multiple %add3A_19, 8 : i32
    %dma_start3A_21 = arith.constant 1 : i32
    %dma_start3A_22 = arith.constant 0 : i32
    %dma_start3A_23 = tpu.memref_slice %arg2[%dma_start3A_21, %multiple_of3A_20, %dma_start3A_22] : memref<4x8192x768xf32, #tpu.memory_space<hbm>> -> memref<1x16x768xf32, #tpu.memory_space<hbm>>
    %dma_start3A_24 = tpu.memref_squeeze %dma_start3A_23 : memref<1x16x768xf32, #tpu.memory_space<hbm>> -> memref<16x768xf32, #tpu.memory_space<hbm>>
    %dma_start3A_25 = arith.constant 0 : i32
    %dma_start3A_26 = tpu.memref_slice %arg2[%dma_start3A_21, %multiple_of3A_20, %dma_start3A_25] : memref<4x8192x768xf32, #tpu.memory_space<hbm>> -> memref<1x16x768xf32, #tpu.memory_space<hbm>>
    %dma_start3A_27 = tpu.memref_squeeze %dma_start3A_26 : memref<1x16x768xf32, #tpu.memory_space<hbm>> -> memref<16x768xf32, #tpu.memory_space<hbm>>
    tpu.enqueue_dma source(%dma_start3A_27 : memref<16x768xf32, #tpu.memory_space<hbm>>) target(%arg8 : memref<16x768xf32, #tpu.memory_space<vmem>>) target_semaphore(%arg18 : memref<!tpu.dma_semaphore, #tpu.memory_space<semaphore_mem>>)
    %add3A_28 = arith.constant 0 : i32
    %add3A_29 = arith.addi %mul3A_2, %add3A_28 : i32
    %multiple_of3A_30 = tpu.assume_multiple %add3A_29, 8 : i32
    %dma_start3A_31 = arith.constant 2 : i32
    %dma_start3A_32 = arith.constant 0 : i32
    %dma_start3A_33 = tpu.memref_slice %arg2[%dma_start3A_31, %multiple_of3A_30, %dma_start3A_32] : memref<4x8192x768xf32, #tpu.memory_space<hbm>> -> memref<1x16x768xf32, #tpu.memory_space<hbm>>
    %dma_start3A_34 = tpu.memref_squeeze %dma_start3A_33 : memref<1x16x768xf32, #tpu.memory_space<hbm>> -> memref<16x768xf32, #tpu.memory_space<hbm>>
    %dma_start3A_35 = arith.constant 0 : i32
    %dma_start3A_36 = tpu.memref_slice %arg2[%dma_start3A_31, %multiple_of3A_30, %dma_start3A_35] : memref<4x8192x768xf32, #tpu.memory_space<hbm>> -> memref<1x16x768xf32, #tpu.memory_space<hbm>>
    %dma_start3A_37 = tpu.memref_squeeze %dma_start3A_36 : memref<1x16x768xf32, #tpu.memory_space<hbm>> -> memref<16x768xf32, #tpu.memory_space<hbm>>
    tpu.enqueue_dma source(%dma_start3A_37 : memref<16x768xf32, #tpu.memory_space<hbm>>) target(%arg9 : memref<16x768xf32, #tpu.memory_space<vmem>>) target_semaphore(%arg19 : memref<!tpu.dma_semaphore, #tpu.memory_space<semaphore_mem>>)
    %add3A_38 = arith.constant 0 : i32
    %add3A_39 = arith.addi %mul3A_2, %add3A_38 : i32
    %multiple_of3A_40 = tpu.assume_multiple %add3A_39, 8 : i32
    %dma_start3A_41 = arith.constant 3 : i32
    %dma_start3A_42 = arith.constant 0 : i32
    %dma_start3A_43 = tpu.memref_slice %arg2[%dma_start3A_41, %multiple_of3A_40, %dma_start3A_42] : memref<4x8192x768xf32, #tpu.memory_space<hbm>> -> memref<1x16x768xf32, #tpu.memory_space<hbm>>
    %dma_start3A_44 = tpu.memref_squeeze %dma_start3A_43 : memref<1x16x768xf32, #tpu.memory_space<hbm>> -> memref<16x768xf32, #tpu.memory_space<hbm>>
    %dma_start3A_45 = arith.constant 0 : i32
    %dma_start3A_46 = tpu.memref_slice %arg2[%dma_start3A_41, %multiple_of3A_40, %dma_start3A_45] : memref<4x8192x768xf32, #tpu.memory_space<hbm>> -> memref<1x16x768xf32, #tpu.memory_space<hbm>>
    %dma_start3A_47 = tpu.memref_squeeze %dma_start3A_46 : memref<1x16x768xf32, #tpu.memory_space<hbm>> -> memref<16x768xf32, #tpu.memory_space<hbm>>
    tpu.enqueue_dma source(%dma_start3A_47 : memref<16x768xf32, #tpu.memory_space<hbm>>) target(%arg10 : memref<16x768xf32, #tpu.memory_space<vmem>>) target_semaphore(%arg20 : memref<!tpu.dma_semaphore, #tpu.memory_space<semaphore_mem>>)
    %add3A_48 = arith.constant 0 : i32
    %add3A_49 = arith.addi %mul3A_2, %add3A_48 : i32
    %multiple_of3A_50 = tpu.assume_multiple %add3A_49, 8 : i32
    %dma_wait3A = arith.constant 0 : i32
    %dma_wait3A_51 = tpu.memref_slice %arg3[%multiple_of3A_50, %dma_wait3A] : memref<8192x768xf32, #tpu.memory_space<hbm>> -> memref<16x768xf32, #tpu.memory_space<hbm>>
    %dma_wait3A_52 = arith.constant 0 : i32
    %dma_wait3A_53 = tpu.memref_slice %arg3[%multiple_of3A_50, %dma_wait3A_52] : memref<8192x768xf32, #tpu.memory_space<hbm>> -> memref<16x768xf32, #tpu.memory_space<hbm>>
    tpu.wait_dma2 semaphore(%arg15 : memref<!tpu.dma_semaphore, #tpu.memory_space<semaphore_mem>>) src(%dma_wait3A_53 : memref<16x768xf32, #tpu.memory_space<hbm>>) dst(%arg5 : memref<16x768xf32, #tpu.memory_space<vmem>>)
    %add3A_54 = arith.constant 16 : i32
    %add3A_55 = arith.addi %mul3A_2, %add3A_54 : i32
    %multiple_of3A_56 = tpu.assume_multiple %add3A_55, 8 : i32
    %dma_start3A_57 = arith.constant 0 : i32
    %dma_start3A_58 = tpu.memref_slice %arg3[%multiple_of3A_56, %dma_start3A_57] : memref<8192x768xf32, #tpu.memory_space<hbm>> -> memref<16x768xf32, #tpu.memory_space<hbm>>
    %dma_start3A_59 = arith.constant 0 : i32
    %dma_start3A_60 = tpu.memref_slice %arg3[%multiple_of3A_56, %dma_start3A_59] : memref<8192x768xf32, #tpu.memory_space<hbm>> -> memref<16x768xf32, #tpu.memory_space<hbm>>
    tpu.enqueue_dma source(%dma_start3A_60 : memref<16x768xf32, #tpu.memory_space<hbm>>) target(%arg6 : memref<16x768xf32, #tpu.memory_space<vmem>>) target_semaphore(%arg16 : memref<!tpu.dma_semaphore, #tpu.memory_space<semaphore_mem>>)
    %add3A_61 = arith.constant 16 : i32
    %add3A_62 = arith.addi %mul3A_2, %add3A_61 : i32
    %multiple_of3A_63 = tpu.assume_multiple %add3A_62, 8 : i32
    %dma_start3A_64 = arith.constant 0 : i32
    %dma_start3A_65 = arith.constant 0 : i32
    %dma_start3A_66 = tpu.memref_slice %arg2[%dma_start3A_64, %multiple_of3A_63, %dma_start3A_65] : memref<4x8192x768xf32, #tpu.memory_space<hbm>> -> memref<1x16x768xf32, #tpu.memory_space<hbm>>
    %dma_start3A_67 = tpu.memref_squeeze %dma_start3A_66 : memref<1x16x768xf32, #tpu.memory_space<hbm>> -> memref<16x768xf32, #tpu.memory_space<hbm>>
    %dma_start3A_68 = arith.constant 0 : i32
    %dma_start3A_69 = tpu.memref_slice %arg2[%dma_start3A_64, %multiple_of3A_63, %dma_start3A_68] : memref<4x8192x768xf32, #tpu.memory_space<hbm>> -> memref<1x16x768xf32, #tpu.memory_space<hbm>>
    %dma_start3A_70 = tpu.memref_squeeze %dma_start3A_69 : memref<1x16x768xf32, #tpu.memory_space<hbm>> -> memref<16x768xf32, #tpu.memory_space<hbm>>
    tpu.enqueue_dma source(%dma_start3A_70 : memref<16x768xf32, #tpu.memory_space<hbm>>) target(%arg11 : memref<16x768xf32, #tpu.memory_space<vmem>>) target_semaphore(%arg21 : memref<!tpu.dma_semaphore, #tpu.memory_space<semaphore_mem>>)
    %add3A_71 = arith.constant 0 : i32
    %add3A_72 = arith.addi %mul3A_2, %add3A_71 : i32
    %multiple_of3A_73 = tpu.assume_multiple %add3A_72, 8 : i32
    %dma_wait3A_74 = arith.constant 0 : i32
    %dma_wait3A_75 = arith.constant 0 : i32
    %dma_wait3A_76 = tpu.memref_slice %arg2[%dma_wait3A_74, %multiple_of3A_73, %dma_wait3A_75] : memref<4x8192x768xf32, #tpu.memory_space<hbm>> -> memref<1x16x768xf32, #tpu.memory_space<hbm>>
    %dma_wait3A_77 = tpu.memref_squeeze %dma_wait3A_76 : memref<1x16x768xf32, #tpu.memory_space<hbm>> -> memref<16x768xf32, #tpu.memory_space<hbm>>
    %dma_wait3A_78 = arith.constant 0 : i32
    %dma_wait3A_79 = tpu.memref_slice %arg2[%dma_wait3A_74, %multiple_of3A_73, %dma_wait3A_78] : memref<4x8192x768xf32, #tpu.memory_space<hbm>> -> memref<1x16x768xf32, #tpu.memory_space<hbm>>
    %dma_wait3A_80 = tpu.memref_squeeze %dma_wait3A_79 : memref<1x16x768xf32, #tpu.memory_space<hbm>> -> memref<16x768xf32, #tpu.memory_space<hbm>>
    tpu.wait_dma2 semaphore(%arg17 : memref<!tpu.dma_semaphore, #tpu.memory_space<semaphore_mem>>) src(%dma_wait3A_80 : memref<16x768xf32, #tpu.memory_space<hbm>>) dst(%arg7 : memref<16x768xf32, #tpu.memory_space<vmem>>)
    %parallel_loop3A = arith.constant 0 : i32
    %parallel_loop3A_81 = arith.constant 768 : i32
    %parallel_loop3A_82 = arith.constant 1 : i32
    scf.for %parallel_loop3A_748 = %parallel_loop3A to %parallel_loop3A_81 step %parallel_loop3A_82  : i32 {
      %parallel_loop3A_749 = arith.constant 48 : i32
      %parallel_loop3A_750 = arith.divsi %parallel_loop3A_748, %parallel_loop3A_749 : i32
      %parallel_loop3A_751 = arith.constant 0 : i32
      %parallel_loop3A_752 = arith.cmpi sgt, %parallel_loop3A_748, %parallel_loop3A_751 : i32
      %parallel_loop3A_753 = arith.extui %parallel_loop3A_752 : i1 to i32
      %parallel_loop3A_754 = arith.constant 0 : i32
      %parallel_loop3A_755 = arith.cmpi slt, %parallel_loop3A_748, %parallel_loop3A_754 : i32
      %parallel_loop3A_756 = arith.extui %parallel_loop3A_755 : i1 to i32
      %parallel_loop3A_757 = arith.subi %parallel_loop3A_753, %parallel_loop3A_756 : i32
      %parallel_loop3A_758 = arith.constant 0 : i32
      %parallel_loop3A_759 = arith.cmpi sgt, %parallel_loop3A_749, %parallel_loop3A_758 : i32
      %parallel_loop3A_760 = arith.extui %parallel_loop3A_759 : i1 to i32
      %parallel_loop3A_761 = arith.constant 0 : i32
      %parallel_loop3A_762 = arith.cmpi slt, %parallel_loop3A_749, %parallel_loop3A_761 : i32
      %parallel_loop3A_763 = arith.extui %parallel_loop3A_762 : i1 to i32
      %parallel_loop3A_764 = arith.subi %parallel_loop3A_760, %parallel_loop3A_763 : i32
      %parallel_loop3A_765 = arith.cmpi ne, %parallel_loop3A_757, %parallel_loop3A_764 : i32
      %parallel_loop3A_766 = arith.remsi %parallel_loop3A_748, %parallel_loop3A_749 : i32
      %parallel_loop3A_767 = arith.constant 0 : i32
      %parallel_loop3A_768 = arith.cmpi ne, %parallel_loop3A_766, %parallel_loop3A_767 : i32
      %parallel_loop3A_769 = arith.andi %parallel_loop3A_765, %parallel_loop3A_768 : i1
      %parallel_loop3A_770 = arith.constant 1 : i32
      %parallel_loop3A_771 = arith.subi %parallel_loop3A_750, %parallel_loop3A_770 : i32
      %parallel_loop3A_772 = arith.select %parallel_loop3A_769, %parallel_loop3A_771, %parallel_loop3A_750 : i32
      %parallel_loop3A_773 = arith.constant 48 : i32
      %parallel_loop3A_774 = arith.muli %parallel_loop3A_772, %parallel_loop3A_773 : i32
      %parallel_loop3A_775 = arith.subi %parallel_loop3A_748, %parallel_loop3A_774 : i32
      %parallel_loop3A_776 = arith.constant 16 : i32
      %parallel_loop3A_777 = arith.muli %parallel_loop3A_775, %parallel_loop3A_776 : i32
      %parallel_loop3A_778 = arith.index_cast %parallel_loop3A_772 : i32 to index
      %parallel_loop3A_779 = arith.index_cast %parallel_loop3A_777 : i32 to index
      %parallel_loop3A_780 = tpu.vector_load %arg5[%parallel_loop3A_778, %parallel_loop3A_779] {strides = array<i32>} : memref<16x768xf32, #tpu.memory_space<vmem>>, vector<1x16xf32>,
      %parallel_loop3A_781 = vector.shape_cast %parallel_loop3A_780 : vector<1x16xf32> to vector<16xf32>
      %parallel_loop3A_782 = arith.index_cast %parallel_loop3A_772 : i32 to index
      %parallel_loop3A_783 = arith.index_cast %parallel_loop3A_777 : i32 to index
      %parallel_loop3A_784 = tpu.vector_load %arg7[%parallel_loop3A_782, %parallel_loop3A_783] {strides = array<i32>} : memref<16x768xf32, #tpu.memory_space<vmem>>, vector<1x16xf32>,
      %parallel_loop3A_785 = vector.shape_cast %parallel_loop3A_784 : vector<1x16xf32> to vector<16xf32>
      %parallel_loop3A_786 = vector.shape_cast %parallel_loop3A_781 : vector<16xf32> to vector<1x16xf32>
      tpu.vector_store %arg7[%parallel_loop3A_782, %parallel_loop3A_783], %parallel_loop3A_786 {add = true, strides = array<i32>} : memref<16x768xf32, #tpu.memory_space<vmem>>, vector<1x16xf32>,
    } {sc.loop_unroll_factor = 8 : i64, sc.parallel_access}
    %add3A_83 = arith.constant 0 : i32
    %add3A_84 = arith.addi %mul3A_2, %add3A_83 : i32
    %multiple_of3A_85 = tpu.assume_multiple %add3A_84, 8 : i32
    %dma_start3A_86 = arith.constant 0 : i32
    %dma_start3A_87 = arith.constant 0 : i32
    %dma_start3A_88 = tpu.memref_slice %arg4[%dma_start3A_86, %multiple_of3A_85, %dma_start3A_87] : memref<4x8192x768xf32, #tpu.memory_space<hbm>> -> memref<1x16x768xf32, #tpu.memory_space<hbm>>
    %dma_start3A_89 = tpu.memref_squeeze %dma_start3A_88 : memref<1x16x768xf32, #tpu.memory_space<hbm>> -> memref<16x768xf32, #tpu.memory_space<hbm>>
    %dma_start3A_90 = arith.constant 0 : i32
    %dma_start3A_91 = tpu.memref_slice %arg4[%dma_start3A_86, %multiple_of3A_85, %dma_start3A_90] : memref<4x8192x768xf32, #tpu.memory_space<hbm>> -> memref<1x16x768xf32, #tpu.memory_space<hbm>>
    %dma_start3A_92 = tpu.memref_squeeze %dma_start3A_91 : memref<1x16x768xf32, #tpu.memory_space<hbm>> -> memref<16x768xf32, #tpu.memory_space<hbm>>
    tpu.enqueue_dma source(%arg7 : memref<16x768xf32, #tpu.memory_space<vmem>>) target(%dma_start3A_92 : memref<16x768xf32, #tpu.memory_space<hbm>>) target_semaphore(%arg25 : memref<!tpu.dma_semaphore, #tpu.memory_space<semaphore_mem>>)
    %add3A_93 = arith.constant 16 : i32
    %add3A_94 = arith.addi %mul3A_2, %add3A_93 : i32
    %multiple_of3A_95 = tpu.assume_multiple %add3A_94, 8 : i32
    %dma_start3A_96 = arith.constant 1 : i32
    %dma_start3A_97 = arith.constant 0 : i32
    %dma_start3A_98 = tpu.memref_slice %arg2[%dma_start3A_96, %multiple_of3A_95, %dma_start3A_97] : memref<4x8192x768xf32, #tpu.memory_space<hbm>> -> memref<1x16x768xf32, #tpu.memory_space<hbm>>
    %dma_start3A_99 = tpu.memref_squeeze %dma_start3A_98 : memref<1x16x768xf32, #tpu.memory_space<hbm>> -> memref<16x768xf32, #tpu.memory_space<hbm>>
    %dma_start3A_100 = arith.constant 0 : i32
    %dma_start3A_101 = tpu.memref_slice %arg2[%dma_start3A_96, %multiple_of3A_95, %dma_start3A_100] : memref<4x8192x768xf32, #tpu.memory_space<hbm>> -> memref<1x16x768xf32, #tpu.memory_space<hbm>>
    %dma_start3A_102 = tpu.memref_squeeze %dma_start3A_101 : memref<1x16x768xf32, #tpu.memory_space<hbm>> -> memref<16x768xf32, #tpu.memory_space<hbm>>
    tpu.enqueue_dma source(%dma_start3A_102 : memref<16x768xf32, #tpu.memory_space<hbm>>) target(%arg12 : memref<16x768xf32, #tpu.memory_space<vmem>>) target_semaphore(%arg22 : memref<!tpu.dma_semaphore, #tpu.memory_space<semaphore_mem>>)
    %add3A_103 = arith.constant 0 : i32
    %add3A_104 = arith.addi %mul3A_2, %add3A_103 : i32
    %multiple_of3A_105 = tpu.assume_multiple %add3A_104, 8 : i32
    %dma_wait3A_106 = arith.constant 1 : i32
    %dma_wait3A_107 = arith.constant 0 : i32
    %dma_wait3A_108 = tpu.memref_slice %arg2[%dma_wait3A_106, %multiple_of3A_105, %dma_wait3A_107] : memref<4x8192x768xf32, #tpu.memory_space<hbm>> -> memref<1x16x768xf32, #tpu.memory_space<hbm>>
    %dma_wait3A_109 = tpu.memref_squeeze %dma_wait3A_108 : memref<1x16x768xf32, #tpu.memory_space<hbm>> -> memref<16x768xf32, #tpu.memory_space<hbm>>
    %dma_wait3A_110 = arith.constant 0 : i32
    %dma_wait3A_111 = tpu.memref_slice %arg2[%dma_wait3A_106, %multiple_of3A_105, %dma_wait3A_110] : memref<4x8192x768xf32, #tpu.memory_space<hbm>> -> memref<1x16x768xf32, #tpu.memory_space<hbm>>
    %dma_wait3A_112 = tpu.memref_squeeze %dma_wait3A_111 : memref<1x16x768xf32, #tpu.memory_space<hbm>> -> memref<16x768xf32, #tpu.memory_space<hbm>>
    tpu.wait_dma2 semaphore(%arg18 : memref<!tpu.dma_semaphore, #tpu.memory_space<semaphore_mem>>) src(%dma_wait3A_112 : memref<16x768xf32, #tpu.memory_space<hbm>>) dst(%arg8 : memref<16x768xf32, #tpu.memory_space<vmem>>)
    %parallel_loop3A_113 = arith.constant 0 : i32
    %parallel_loop3A_114 = arith.constant 768 : i32
    %parallel_loop3A_115 = arith.constant 1 : i32
    scf.for %parallel_loop3A_748 = %parallel_loop3A_113 to %parallel_loop3A_114 step %parallel_loop3A_115  : i32 {
      %parallel_loop3A_749 = arith.constant 48 : i32
      %parallel_loop3A_750 = arith.divsi %parallel_loop3A_748, %parallel_loop3A_749 : i32
      %parallel_loop3A_751 = arith.constant 0 : i32
      %parallel_loop3A_752 = arith.cmpi sgt, %parallel_loop3A_748, %parallel_loop3A_751 : i32
      %parallel_loop3A_753 = arith.extui %parallel_loop3A_752 : i1 to i32
      %parallel_loop3A_754 = arith.constant 0 : i32
      %parallel_loop3A_755 = arith.cmpi slt, %parallel_loop3A_748, %parallel_loop3A_754 : i32
      %parallel_loop3A_756 = arith.extui %parallel_loop3A_755 : i1 to i32
      %parallel_loop3A_757 = arith.subi %parallel_loop3A_753, %parallel_loop3A_756 : i32
      %parallel_loop3A_758 = arith.constant 0 : i32
      %parallel_loop3A_759 = arith.cmpi sgt, %parallel_loop3A_749, %parallel_loop3A_758 : i32
      %parallel_loop3A_760 = arith.extui %parallel_loop3A_759 : i1 to i32
      %parallel_loop3A_761 = arith.constant 0 : i32
      %parallel_loop3A_762 = arith.cmpi slt, %parallel_loop3A_749, %parallel_loop3A_761 : i32
      %parallel_loop3A_763 = arith.extui %parallel_loop3A_762 : i1 to i32
      %parallel_loop3A_764 = arith.subi %parallel_loop3A_760, %parallel_loop3A_763 : i32
      %parallel_loop3A_765 = arith.cmpi ne, %parallel_loop3A_757, %parallel_loop3A_764 : i32
      %parallel_loop3A_766 = arith.remsi %parallel_loop3A_748, %parallel_loop3A_749 : i32
      %parallel_loop3A_767 = arith.constant 0 : i32
      %parallel_loop3A_768 = arith.cmpi ne, %parallel_loop3A_766, %parallel_loop3A_767 : i32
      %parallel_loop3A_769 = arith.andi %parallel_loop3A_765, %parallel_loop3A_768 : i1
      %parallel_loop3A_770 = arith.constant 1 : i32
      %parallel_loop3A_771 = arith.subi %parallel_loop3A_750, %parallel_loop3A_770 : i32
      %parallel_loop3A_772 = arith.select %parallel_loop3A_769, %parallel_loop3A_771, %parallel_loop3A_750 : i32
      %parallel_loop3A_773 = arith.constant 48 : i32
      %parallel_loop3A_774 = arith.muli %parallel_loop3A_772, %parallel_loop3A_773 : i32
      %parallel_loop3A_775 = arith.subi %parallel_loop3A_748, %parallel_loop3A_774 : i32
      %parallel_loop3A_776 = arith.constant 16 : i32
      %parallel_loop3A_777 = arith.muli %parallel_loop3A_775, %parallel_loop3A_776 : i32
      %parallel_loop3A_778 = arith.index_cast %parallel_loop3A_772 : i32 to index
      %parallel_loop3A_779 = arith.index_cast %parallel_loop3A_777 : i32 to index
      %parallel_loop3A_780 = tpu.vector_load %arg5[%parallel_loop3A_778, %parallel_loop3A_779] {strides = array<i32>} : memref<16x768xf32, #tpu.memory_space<vmem>>, vector<1x16xf32>,
      %parallel_loop3A_781 = vector.shape_cast %parallel_loop3A_780 : vector<1x16xf32> to vector<16xf32>
      %parallel_loop3A_782 = arith.index_cast %parallel_loop3A_772 : i32 to index
      %parallel_loop3A_783 = arith.index_cast %parallel_loop3A_777 : i32 to index
      %parallel_loop3A_784 = tpu.vector_load %arg8[%parallel_loop3A_782, %parallel_loop3A_783] {strides = array<i32>} : memref<16x768xf32, #tpu.memory_space<vmem>>, vector<1x16xf32>,
      %parallel_loop3A_785 = vector.shape_cast %parallel_loop3A_784 : vector<1x16xf32> to vector<16xf32>
      %parallel_loop3A_786 = vector.shape_cast %parallel_loop3A_781 : vector<16xf32> to vector<1x16xf32>
      tpu.vector_store %arg8[%parallel_loop3A_782, %parallel_loop3A_783], %parallel_loop3A_786 {add = true, strides = array<i32>} : memref<16x768xf32, #tpu.memory_space<vmem>>, vector<1x16xf32>,
    } {sc.loop_unroll_factor = 8 : i64, sc.parallel_access}
    %add3A_116 = arith.constant 0 : i32
    %add3A_117 = arith.addi %mul3A_2, %add3A_116 : i32
    %multiple_of3A_118 = tpu.assume_multiple %add3A_117, 8 : i32
    %dma_start3A_119 = arith.constant 1 : i32
    %dma_start3A_120 = arith.constant 0 : i32
    %dma_start3A_121 = tpu.memref_slice %arg4[%dma_start3A_119, %multiple_of3A_118, %dma_start3A_120] : memref<4x8192x768xf32, #tpu.memory_space<hbm>> -> memref<1x16x768xf32, #tpu.memory_space<hbm>>
    %dma_start3A_122 = tpu.memref_squeeze %dma_start3A_121 : memref<1x16x768xf32, #tpu.memory_space<hbm>> -> memref<16x768xf32, #tpu.memory_space<hbm>>
    %dma_start3A_123 = arith.constant 0 : i32
    %dma_start3A_124 = tpu.memref_slice %arg4[%dma_start3A_119, %multiple_of3A_118, %dma_start3A_123] : memref<4x8192x768xf32, #tpu.memory_space<hbm>> -> memref<1x16x768xf32, #tpu.memory_space<hbm>>
    %dma_start3A_125 = tpu.memref_squeeze %dma_start3A_124 : memref<1x16x768xf32, #tpu.memory_space<hbm>> -> memref<16x768xf32, #tpu.memory_space<hbm>>
    tpu.enqueue_dma source(%arg8 : memref<16x768xf32, #tpu.memory_space<vmem>>) target(%dma_start3A_125 : memref<16x768xf32, #tpu.memory_space<hbm>>) target_semaphore(%arg26 : memref<!tpu.dma_semaphore, #tpu.memory_space<semaphore_mem>>)
    %add3A_126 = arith.constant 16 : i32
    %add3A_127 = arith.addi %mul3A_2, %add3A_126 : i32
    %multiple_of3A_128 = tpu.assume_multiple %add3A_127, 8 : i32
    %dma_start3A_129 = arith.constant 2 : i32
    %dma_start3A_130 = arith.constant 0 : i32
    %dma_start3A_131 = tpu.memref_slice %arg2[%dma_start3A_129, %multiple_of3A_128, %dma_start3A_130] : memref<4x8192x768xf32, #tpu.memory_space<hbm>> -> memref<1x16x768xf32, #tpu.memory_space<hbm>>
    %dma_start3A_132 = tpu.memref_squeeze %dma_start3A_131 : memref<1x16x768xf32, #tpu.memory_space<hbm>> -> memref<16x768xf32, #tpu.memory_space<hbm>>
    %dma_start3A_133 = arith.constant 0 : i32
    %dma_start3A_134 = tpu.memref_slice %arg2[%dma_start3A_129, %multiple_of3A_128, %dma_start3A_133] : memref<4x8192x768xf32, #tpu.memory_space<hbm>> -> memref<1x16x768xf32, #tpu.memory_space<hbm>>
    %dma_start3A_135 = tpu.memref_squeeze %dma_start3A_134 : memref<1x16x768xf32, #tpu.memory_space<hbm>> -> memref<16x768xf32, #tpu.memory_space<hbm>>
    tpu.enqueue_dma source(%dma_start3A_135 : memref<16x768xf32, #tpu.memory_space<hbm>>) target(%arg13 : memref<16x768xf32, #tpu.memory_space<vmem>>) target_semaphore(%arg23 : memref<!tpu.dma_semaphore, #tpu.memory_space<semaphore_mem>>)
    %add3A_136 = arith.constant 0 : i32
    %add3A_137 = arith.addi %mul3A_2, %add3A_136 : i32
    %multiple_of3A_138 = tpu.assume_multiple %add3A_137, 8 : i32
    %dma_wait3A_139 = arith.constant 2 : i32
    %dma_wait3A_140 = arith.constant 0 : i32
    %dma_wait3A_141 = tpu.memref_slice %arg2[%dma_wait3A_139, %multiple_of3A_138, %dma_wait3A_140] : memref<4x8192x768xf32, #tpu.memory_space<hbm>> -> memref<1x16x768xf32, #tpu.memory_space<hbm>>
    %dma_wait3A_142 = tpu.memref_squeeze %dma_wait3A_141 : memref<1x16x768xf32, #tpu.memory_space<hbm>> -> memref<16x768xf32, #tpu.memory_space<hbm>>
    %dma_wait3A_143 = arith.constant 0 : i32
    %dma_wait3A_144 = tpu.memref_slice %arg2[%dma_wait3A_139, %multiple_of3A_138, %dma_wait3A_143] : memref<4x8192x768xf32, #tpu.memory_space<hbm>> -> memref<1x16x768xf32, #tpu.memory_space<hbm>>
    %dma_wait3A_145 = tpu.memref_squeeze %dma_wait3A_144 : memref<1x16x768xf32, #tpu.memory_space<hbm>> -> memref<16x768xf32, #tpu.memory_space<hbm>>
    tpu.wait_dma2 semaphore(%arg19 : memref<!tpu.dma_semaphore, #tpu.memory_space<semaphore_mem>>) src(%dma_wait3A_145 : memref<16x768xf32, #tpu.memory_space<hbm>>) dst(%arg9 : memref<16x768xf32, #tpu.memory_space<vmem>>)
    %parallel_loop3A_146 = arith.constant 0 : i32
    %parallel_loop3A_147 = arith.constant 768 : i32
    %parallel_loop3A_148 = arith.constant 1 : i32
    scf.for %parallel_loop3A_748 = %parallel_loop3A_146 to %parallel_loop3A_147 step %parallel_loop3A_148  : i32 {
      %parallel_loop3A_749 = arith.constant 48 : i32
      %parallel_loop3A_750 = arith.divsi %parallel_loop3A_748, %parallel_loop3A_749 : i32
      %parallel_loop3A_751 = arith.constant 0 : i32
      %parallel_loop3A_752 = arith.cmpi sgt, %parallel_loop3A_748, %parallel_loop3A_751 : i32
      %parallel_loop3A_753 = arith.extui %parallel_loop3A_752 : i1 to i32
      %parallel_loop3A_754 = arith.constant 0 : i32
      %parallel_loop3A_755 = arith.cmpi slt, %parallel_loop3A_748, %parallel_loop3A_754 : i32
      %parallel_loop3A_756 = arith.extui %parallel_loop3A_755 : i1 to i32
      %parallel_loop3A_757 = arith.subi %parallel_loop3A_753, %parallel_loop3A_756 : i32
      %parallel_loop3A_758 = arith.constant 0 : i32
      %parallel_loop3A_759 = arith.cmpi sgt, %parallel_loop3A_749, %parallel_loop3A_758 : i32
      %parallel_loop3A_760 = arith.extui %parallel_loop3A_759 : i1 to i32
      %parallel_loop3A_761 = arith.constant 0 : i32
      %parallel_loop3A_762 = arith.cmpi slt, %parallel_loop3A_749, %parallel_loop3A_761 : i32
      %parallel_loop3A_763 = arith.extui %parallel_loop3A_762 : i1 to i32
      %parallel_loop3A_764 = arith.subi %parallel_loop3A_760, %parallel_loop3A_763 : i32
      %parallel_loop3A_765 = arith.cmpi ne, %parallel_loop3A_757, %parallel_loop3A_764 : i32
      %parallel_loop3A_766 = arith.remsi %parallel_loop3A_748, %parallel_loop3A_749 : i32
      %parallel_loop3A_767 = arith.constant 0 : i32
      %parallel_loop3A_768 = arith.cmpi ne, %parallel_loop3A_766, %parallel_loop3A_767 : i32
      %parallel_loop3A_769 = arith.andi %parallel_loop3A_765, %parallel_loop3A_768 : i1
      %parallel_loop3A_770 = arith.constant 1 : i32
      %parallel_loop3A_771 = arith.subi %parallel_loop3A_750, %parallel_loop3A_770 : i32
      %parallel_loop3A_772 = arith.select %parallel_loop3A_769, %parallel_loop3A_771, %parallel_loop3A_750 : i32
      %parallel_loop3A_773 = arith.constant 48 : i32
      %parallel_loop3A_774 = arith.muli %parallel_loop3A_772, %parallel_loop3A_773 : i32
      %parallel_loop3A_775 = arith.subi %parallel_loop3A_748, %parallel_loop3A_774 : i32
      %parallel_loop3A_776 = arith.constant 16 : i32
      %parallel_loop3A_777 = arith.muli %parallel_loop3A_775, %parallel_loop3A_776 : i32
      %parallel_loop3A_778 = arith.index_cast %parallel_loop3A_772 : i32 to index
      %parallel_loop3A_779 = arith.index_cast %parallel_loop3A_777 : i32 to index
      %parallel_loop3A_780 = tpu.vector_load %arg5[%parallel_loop3A_778, %parallel_loop3A_779] {strides = array<i32>} : memref<16x768xf32, #tpu.memory_space<vmem>>, vector<1x16xf32>,
      %parallel_loop3A_781 = vector.shape_cast %parallel_loop3A_780 : vector<1x16xf32> to vector<16xf32>
      %parallel_loop3A_782 = arith.index_cast %parallel_loop3A_772 : i32 to index
      %parallel_loop3A_783 = arith.index_cast %parallel_loop3A_777 : i32 to index
      %parallel_loop3A_784 = tpu.vector_load %arg9[%parallel_loop3A_782, %parallel_loop3A_783] {strides = array<i32>} : memref<16x768xf32, #tpu.memory_space<vmem>>, vector<1x16xf32>,
      %parallel_loop3A_785 = vector.shape_cast %parallel_loop3A_784 : vector<1x16xf32> to vector<16xf32>
      %parallel_loop3A_786 = vector.shape_cast %parallel_loop3A_781 : vector<16xf32> to vector<1x16xf32>
      tpu.vector_store %arg9[%parallel_loop3A_782, %parallel_loop3A_783], %parallel_loop3A_786 {add = true, strides = array<i32>} : memref<16x768xf32, #tpu.memory_space<vmem>>, vector<1x16xf32>,
    } {sc.loop_unroll_factor = 8 : i64, sc.parallel_access}
    %add3A_149 = arith.constant 0 : i32
    %add3A_150 = arith.addi %mul3A_2, %add3A_149 : i32
    %multiple_of3A_151 = tpu.assume_multiple %add3A_150, 8 : i32
    %dma_start3A_152 = arith.constant 2 : i32
    %dma_start3A_153 = arith.constant 0 : i32
    %dma_start3A_154 = tpu.memref_slice %arg4[%dma_start3A_152, %multiple_of3A_151, %dma_start3A_153] : memref<4x8192x768xf32, #tpu.memory_space<hbm>> -> memref<1x16x768xf32, #tpu.memory_space<hbm>>
    %dma_start3A_155 = tpu.memref_squeeze %dma_start3A_154 : memref<1x16x768xf32, #tpu.memory_space<hbm>> -> memref<16x768xf32, #tpu.memory_space<hbm>>
    %dma_start3A_156 = arith.constant 0 : i32
    %dma_start3A_157 = tpu.memref_slice %arg4[%dma_start3A_152, %multiple_of3A_151, %dma_start3A_156] : memref<4x8192x768xf32, #tpu.memory_space<hbm>> -> memref<1x16x768xf32, #tpu.memory_space<hbm>>
    %dma_start3A_158 = tpu.memref_squeeze %dma_start3A_157 : memref<1x16x768xf32, #tpu.memory_space<hbm>> -> memref<16x768xf32, #tpu.memory_space<hbm>>
    tpu.enqueue_dma source(%arg9 : memref<16x768xf32, #tpu.memory_space<vmem>>) target(%dma_start3A_158 : memref<16x768xf32, #tpu.memory_space<hbm>>) target_semaphore(%arg27 : memref<!tpu.dma_semaphore, #tpu.memory_space<semaphore_mem>>)
    %add3A_159 = arith.constant 16 : i32
    %add3A_160 = arith.addi %mul3A_2, %add3A_159 : i32
    %multiple_of3A_161 = tpu.assume_multiple %add3A_160, 8 : i32
    %dma_start3A_162 = arith.constant 3 : i32
    %dma_start3A_163 = arith.constant 0 : i32
    %dma_start3A_164 = tpu.memref_slice %arg2[%dma_start3A_162, %multiple_of3A_161, %dma_start3A_163] : memref<4x8192x768xf32, #tpu.memory_space<hbm>> -> memref<1x16x768xf32, #tpu.memory_space<hbm>>
    %dma_start3A_165 = tpu.memref_squeeze %dma_start3A_164 : memref<1x16x768xf32, #tpu.memory_space<hbm>> -> memref<16x768xf32, #tpu.memory_space<hbm>>
    %dma_start3A_166 = arith.constant 0 : i32
    %dma_start3A_167 = tpu.memref_slice %arg2[%dma_start3A_162, %multiple_of3A_161, %dma_start3A_166] : memref<4x8192x768xf32, #tpu.memory_space<hbm>> -> memref<1x16x768xf32, #tpu.memory_space<hbm>>
    %dma_start3A_168 = tpu.memref_squeeze %dma_start3A_167 : memref<1x16x768xf32, #tpu.memory_space<hbm>> -> memref<16x768xf32, #tpu.memory_space<hbm>>
    tpu.enqueue_dma source(%dma_start3A_168 : memref<16x768xf32, #tpu.memory_space<hbm>>) target(%arg14 : memref<16x768xf32, #tpu.memory_space<vmem>>) target_semaphore(%arg24 : memref<!tpu.dma_semaphore, #tpu.memory_space<semaphore_mem>>)
    %add3A_169 = arith.constant 0 : i32
    %add3A_170 = arith.addi %mul3A_2, %add3A_169 : i32
    %multiple_of3A_171 = tpu.assume_multiple %add3A_170, 8 : i32
    %dma_wait3A_172 = arith.constant 3 : i32
    %dma_wait3A_173 = arith.constant 0 : i32
    %dma_wait3A_174 = tpu.memref_slice %arg2[%dma_wait3A_172, %multiple_of3A_171, %dma_wait3A_173] : memref<4x8192x768xf32, #tpu.memory_space<hbm>> -> memref<1x16x768xf32, #tpu.memory_space<hbm>>
    %dma_wait3A_175 = tpu.memref_squeeze %dma_wait3A_174 : memref<1x16x768xf32, #tpu.memory_space<hbm>> -> memref<16x768xf32, #tpu.memory_space<hbm>>
    %dma_wait3A_176 = arith.constant 0 : i32
    %dma_wait3A_177 = tpu.memref_slice %arg2[%dma_wait3A_172, %multiple_of3A_171, %dma_wait3A_176] : memref<4x8192x768xf32, #tpu.memory_space<hbm>> -> memref<1x16x768xf32, #tpu.memory_space<hbm>>
    %dma_wait3A_178 = tpu.memref_squeeze %dma_wait3A_177 : memref<1x16x768xf32, #tpu.memory_space<hbm>> -> memref<16x768xf32, #tpu.memory_space<hbm>>
    tpu.wait_dma2 semaphore(%arg20 : memref<!tpu.dma_semaphore, #tpu.memory_space<semaphore_mem>>) src(%dma_wait3A_178 : memref<16x768xf32, #tpu.memory_space<hbm>>) dst(%arg10 : memref<16x768xf32, #tpu.memory_space<vmem>>)
    %parallel_loop3A_179 = arith.constant 0 : i32
    %parallel_loop3A_180 = arith.constant 768 : i32
    %parallel_loop3A_181 = arith.constant 1 : i32
    scf.for %parallel_loop3A_748 = %parallel_loop3A_179 to %parallel_loop3A_180 step %parallel_loop3A_181  : i32 {
      %parallel_loop3A_749 = arith.constant 48 : i32
      %parallel_loop3A_750 = arith.divsi %parallel_loop3A_748, %parallel_loop3A_749 : i32
      %parallel_loop3A_751 = arith.constant 0 : i32
      %parallel_loop3A_752 = arith.cmpi sgt, %parallel_loop3A_748, %parallel_loop3A_751 : i32
      %parallel_loop3A_753 = arith.extui %parallel_loop3A_752 : i1 to i32
      %parallel_loop3A_754 = arith.constant 0 : i32
      %parallel_loop3A_755 = arith.cmpi slt, %parallel_loop3A_748, %parallel_loop3A_754 : i32
      %parallel_loop3A_756 = arith.extui %parallel_loop3A_755 : i1 to i32
      %parallel_loop3A_757 = arith.subi %parallel_loop3A_753, %parallel_loop3A_756 : i32
      %parallel_loop3A_758 = arith.constant 0 : i32
      %parallel_loop3A_759 = arith.cmpi sgt, %parallel_loop3A_749, %parallel_loop3A_758 : i32
      %parallel_loop3A_760 = arith.extui %parallel_loop3A_759 : i1 to i32
      %parallel_loop3A_761 = arith.constant 0 : i32
      %parallel_loop3A_762 = arith.cmpi slt, %parallel_loop3A_749, %parallel_loop3A_761 : i32
      %parallel_loop3A_763 = arith.extui %parallel_loop3A_762 : i1 to i32
      %parallel_loop3A_764 = arith.subi %parallel_loop3A_760, %parallel_loop3A_763 : i32
      %parallel_loop3A_765 = arith.cmpi ne, %parallel_loop3A_757, %parallel_loop3A_764 : i32
      %parallel_loop3A_766 = arith.remsi %parallel_loop3A_748, %parallel_loop3A_749 : i32
      %parallel_loop3A_767 = arith.constant 0 : i32
      %parallel_loop3A_768 = arith.cmpi ne, %parallel_loop3A_766, %parallel_loop3A_767 : i32
      %parallel_loop3A_769 = arith.andi %parallel_loop3A_765, %parallel_loop3A_768 : i1
      %parallel_loop3A_770 = arith.constant 1 : i32
      %parallel_loop3A_771 = arith.subi %parallel_loop3A_750, %parallel_loop3A_770 : i32
      %parallel_loop3A_772 = arith.select %parallel_loop3A_769, %parallel_loop3A_771, %parallel_loop3A_750 : i32
      %parallel_loop3A_773 = arith.constant 48 : i32
      %parallel_loop3A_774 = arith.muli %parallel_loop3A_772, %parallel_loop3A_773 : i32
      %parallel_loop3A_775 = arith.subi %parallel_loop3A_748, %parallel_loop3A_774 : i32
      %parallel_loop3A_776 = arith.constant 16 : i32
      %parallel_loop3A_777 = arith.muli %parallel_loop3A_775, %parallel_loop3A_776 : i32
      %parallel_loop3A_778 = arith.index_cast %parallel_loop3A_772 : i32 to index
      %parallel_loop3A_779 = arith.index_cast %parallel_loop3A_777 : i32 to index
      %parallel_loop3A_780 = tpu.vector_load %arg5[%parallel_loop3A_778, %parallel_loop3A_779] {strides = array<i32>} : memref<16x768xf32, #tpu.memory_space<vmem>>, vector<1x16xf32>,
      %parallel_loop3A_781 = vector.shape_cast %parallel_loop3A_780 : vector<1x16xf32> to vector<16xf32>
      %parallel_loop3A_782 = arith.index_cast %parallel_loop3A_772 : i32 to index
      %parallel_loop3A_783 = arith.index_cast %parallel_loop3A_777 : i32 to index
      %parallel_loop3A_784 = tpu.vector_load %arg10[%parallel_loop3A_782, %parallel_loop3A_783] {strides = array<i32>} : memref<16x768xf32, #tpu.memory_space<vmem>>, vector<1x16xf32>,
      %parallel_loop3A_785 = vector.shape_cast %parallel_loop3A_784 : vector<1x16xf32> to vector<16xf32>
      %parallel_loop3A_786 = vector.shape_cast %parallel_loop3A_781 : vector<16xf32> to vector<1x16xf32>
      tpu.vector_store %arg10[%parallel_loop3A_782, %parallel_loop3A_783], %parallel_loop3A_786 {add = true, strides = array<i32>} : memref<16x768xf32, #tpu.memory_space<vmem>>, vector<1x16xf32>,
    } {sc.loop_unroll_factor = 8 : i64, sc.parallel_access}
    %add3A_182 = arith.constant 0 : i32
    %add3A_183 = arith.addi %mul3A_2, %add3A_182 : i32
    %multiple_of3A_184 = tpu.assume_multiple %add3A_183, 8 : i32
    %dma_start3A_185 = arith.constant 3 : i32
    %dma_start3A_186 = arith.constant 0 : i32
    %dma_start3A_187 = tpu.memref_slice %arg4[%dma_start3A_185, %multiple_of3A_184, %dma_start3A_186] : memref<4x8192x768xf32, #tpu.memory_space<hbm>> -> memref<1x16x768xf32, #tpu.memory_space<hbm>>
    %dma_start3A_188 = tpu.memref_squeeze %dma_start3A_187 : memref<1x16x768xf32, #tpu.memory_space<hbm>> -> memref<16x768xf32, #tpu.memory_space<hbm>>
    %dma_start3A_189 = arith.constant 0 : i32
    %dma_start3A_190 = tpu.memref_slice %arg4[%dma_start3A_185, %multiple_of3A_184, %dma_start3A_189] : memref<4x8192x768xf32, #tpu.memory_space<hbm>> -> memref<1x16x768xf32, #tpu.memory_space<hbm>>
    %dma_start3A_191 = tpu.memref_squeeze %dma_start3A_190 : memref<1x16x768xf32, #tpu.memory_space<hbm>> -> memref<16x768xf32, #tpu.memory_space<hbm>>
    tpu.enqueue_dma source(%arg10 : memref<16x768xf32, #tpu.memory_space<vmem>>) target(%dma_start3A_191 : memref<16x768xf32, #tpu.memory_space<hbm>>) target_semaphore(%arg28 : memref<!tpu.dma_semaphore, #tpu.memory_space<semaphore_mem>>)
    %add3A_192 = arith.constant 16 : i32
    %add3A_193 = arith.addi %mul3A_2, %add3A_192 : i32
    %multiple_of3A_194 = tpu.assume_multiple %add3A_193, 8 : i32
    %dma_wait3A_195 = arith.constant 0 : i32
    %dma_wait3A_196 = tpu.memref_slice %arg3[%multiple_of3A_194, %dma_wait3A_195] : memref<8192x768xf32, #tpu.memory_space<hbm>> -> memref<16x768xf32, #tpu.memory_space<hbm>>
    %dma_wait3A_197 = arith.constant 0 : i32
    %dma_wait3A_198 = tpu.memref_slice %arg3[%multiple_of3A_194, %dma_wait3A_197] : memref<8192x768xf32, #tpu.memory_space<hbm>> -> memref<16x768xf32, #tpu.memory_space<hbm>>
    tpu.wait_dma2 semaphore(%arg16 : memref<!tpu.dma_semaphore, #tpu.memory_space<semaphore_mem>>) src(%dma_wait3A_198 : memref<16x768xf32, #tpu.memory_space<hbm>>) dst(%arg6 : memref<16x768xf32, #tpu.memory_space<vmem>>)
    %add3A_199 = arith.constant 32 : i32
    %add3A_200 = arith.addi %mul3A_2, %add3A_199 : i32
    %multiple_of3A_201 = tpu.assume_multiple %add3A_200, 8 : i32
    %dma_start3A_202 = arith.constant 0 : i32
    %dma_start3A_203 = tpu.memref_slice %arg3[%multiple_of3A_201, %dma_start3A_202] : memref<8192x768xf32, #tpu.memory_space<hbm>> -> memref<16x768xf32, #tpu.memory_space<hbm>>
    %dma_start3A_204 = arith.constant 0 : i32
    %dma_start3A_205 = tpu.memref_slice %arg3[%multiple_of3A_201, %dma_start3A_204] : memref<8192x768xf32, #tpu.memory_space<hbm>> -> memref<16x768xf32, #tpu.memory_space<hbm>>
    tpu.enqueue_dma source(%dma_start3A_205 : memref<16x768xf32, #tpu.memory_space<hbm>>) target(%arg5 : memref<16x768xf32, #tpu.memory_space<vmem>>) target_semaphore(%arg15 : memref<!tpu.dma_semaphore, #tpu.memory_space<semaphore_mem>>)
    %add3A_206 = arith.constant 0 : i32
    %add3A_207 = arith.addi %mul3A_2, %add3A_206 : i32
    %multiple_of3A_208 = tpu.assume_multiple %add3A_207, 8 : i32
    %dma_wait3A_209 = arith.constant 0 : i32
    %dma_wait3A_210 = arith.constant 0 : i32
    %dma_wait3A_211 = tpu.memref_slice %arg4[%dma_wait3A_209, %multiple_of3A_208, %dma_wait3A_210] : memref<4x8192x768xf32, #tpu.memory_space<hbm>> -> memref<1x16x768xf32, #tpu.memory_space<hbm>>
    %dma_wait3A_212 = tpu.memref_squeeze %dma_wait3A_211 : memref<1x16x768xf32, #tpu.memory_space<hbm>> -> memref<16x768xf32, #tpu.memory_space<hbm>>
    %dma_wait3A_213 = arith.constant 0 : i32
    %dma_wait3A_214 = tpu.memref_slice %arg4[%dma_wait3A_209, %multiple_of3A_208, %dma_wait3A_213] : memref<4x8192x768xf32, #tpu.memory_space<hbm>> -> memref<1x16x768xf32, #tpu.memory_space<hbm>>
    %dma_wait3A_215 = tpu.memref_squeeze %dma_wait3A_214 : memref<1x16x768xf32, #tpu.memory_space<hbm>> -> memref<16x768xf32, #tpu.memory_space<hbm>>
    tpu.wait_dma2 semaphore(%arg25 : memref<!tpu.dma_semaphore, #tpu.memory_space<semaphore_mem>>) src(%arg7 : memref<16x768xf32, #tpu.memory_space<vmem>>) dst(%dma_wait3A_215 : memref<16x768xf32, #tpu.memory_space<hbm>>)
    %add3A_216 = arith.constant 32 : i32
    %add3A_217 = arith.addi %mul3A_2, %add3A_216 : i32
    %multiple_of3A_218 = tpu.assume_multiple %add3A_217, 8 : i32
    %dma_start3A_219 = arith.constant 0 : i32
    %dma_start3A_220 = arith.constant 0 : i32
    %dma_start3A_221 = tpu.memref_slice %arg2[%dma_start3A_219, %multiple_of3A_218, %dma_start3A_220] : memref<4x8192x768xf32, #tpu.memory_space<hbm>> -> memref<1x16x768xf32, #tpu.memory_space<hbm>>
    %dma_start3A_222 = tpu.memref_squeeze %dma_start3A_221 : memref<1x16x768xf32, #tpu.memory_space<hbm>> -> memref<16x768xf32, #tpu.memory_space<hbm>>
    %dma_start3A_223 = arith.constant 0 : i32
    %dma_start3A_224 = tpu.memref_slice %arg2[%dma_start3A_219, %multiple_of3A_218, %dma_start3A_223] : memref<4x8192x768xf32, #tpu.memory_space<hbm>> -> memref<1x16x768xf32, #tpu.memory_space<hbm>>
    %dma_start3A_225 = tpu.memref_squeeze %dma_start3A_224 : memref<1x16x768xf32, #tpu.memory_space<hbm>> -> memref<16x768xf32, #tpu.memory_space<hbm>>
    tpu.enqueue_dma source(%dma_start3A_225 : memref<16x768xf32, #tpu.memory_space<hbm>>) target(%arg7 : memref<16x768xf32, #tpu.memory_space<vmem>>) target_semaphore(%arg17 : memref<!tpu.dma_semaphore, #tpu.memory_space<semaphore_mem>>)
    %add3A_226 = arith.constant 16 : i32
    %add3A_227 = arith.addi %mul3A_2, %add3A_226 : i32
    %multiple_of3A_228 = tpu.assume_multiple %add3A_227, 8 : i32
    %dma_wait3A_229 = arith.constant 0 : i32
    %dma_wait3A_230 = arith.constant 0 : i32
    %dma_wait3A_231 = tpu.memref_slice %arg2[%dma_wait3A_229, %multiple_of3A_228, %dma_wait3A_230] : memref<4x8192x768xf32, #tpu.memory_space<hbm>> -> memref<1x16x768xf32, #tpu.memory_space<hbm>>
    %dma_wait3A_232 = tpu.memref_squeeze %dma_wait3A_231 : memref<1x16x768xf32, #tpu.memory_space<hbm>> -> memref<16x768xf32, #tpu.memory_space<hbm>>
    %dma_wait3A_233 = arith.constant 0 : i32
    %dma_wait3A_234 = tpu.memref_slice %arg2[%dma_wait3A_229, %multiple_of3A_228, %dma_wait3A_233] : memref<4x8192x768xf32, #tpu.memory_space<hbm>> -> memref<1x16x768xf32, #tpu.memory_space<hbm>>
    %dma_wait3A_235 = tpu.memref_squeeze %dma_wait3A_234 : memref<1x16x768xf32, #tpu.memory_space<hbm>> -> memref<16x768xf32, #tpu.memory_space<hbm>>
    tpu.wait_dma2 semaphore(%arg21 : memref<!tpu.dma_semaphore, #tpu.memory_space<semaphore_mem>>) src(%dma_wait3A_235 : memref<16x768xf32, #tpu.memory_space<hbm>>) dst(%arg11 : memref<16x768xf32, #tpu.memory_space<vmem>>)
    %parallel_loop3A_236 = arith.constant 0 : i32
    %parallel_loop3A_237 = arith.constant 768 : i32
    %parallel_loop3A_238 = arith.constant 1 : i32
    scf.for %parallel_loop3A_748 = %parallel_loop3A_236 to %parallel_loop3A_237 step %parallel_loop3A_238  : i32 {
      %parallel_loop3A_749 = arith.constant 48 : i32
      %parallel_loop3A_750 = arith.divsi %parallel_loop3A_748, %parallel_loop3A_749 : i32
      %parallel_loop3A_751 = arith.constant 0 : i32
      %parallel_loop3A_752 = arith.cmpi sgt, %parallel_loop3A_748, %parallel_loop3A_751 : i32
      %parallel_loop3A_753 = arith.extui %parallel_loop3A_752 : i1 to i32
      %parallel_loop3A_754 = arith.constant 0 : i32
      %parallel_loop3A_755 = arith.cmpi slt, %parallel_loop3A_748, %parallel_loop3A_754 : i32
      %parallel_loop3A_756 = arith.extui %parallel_loop3A_755 : i1 to i32
      %parallel_loop3A_757 = arith.subi %parallel_loop3A_753, %parallel_loop3A_756 : i32
      %parallel_loop3A_758 = arith.constant 0 : i32
      %parallel_loop3A_759 = arith.cmpi sgt, %parallel_loop3A_749, %parallel_loop3A_758 : i32
      %parallel_loop3A_760 = arith.extui %parallel_loop3A_759 : i1 to i32
      %parallel_loop3A_761 = arith.constant 0 : i32
      %parallel_loop3A_762 = arith.cmpi slt, %parallel_loop3A_749, %parallel_loop3A_761 : i32
      %parallel_loop3A_763 = arith.extui %parallel_loop3A_762 : i1 to i32
      %parallel_loop3A_764 = arith.subi %parallel_loop3A_760, %parallel_loop3A_763 : i32
      %parallel_loop3A_765 = arith.cmpi ne, %parallel_loop3A_757, %parallel_loop3A_764 : i32
      %parallel_loop3A_766 = arith.remsi %parallel_loop3A_748, %parallel_loop3A_749 : i32
      %parallel_loop3A_767 = arith.constant 0 : i32
      %parallel_loop3A_768 = arith.cmpi ne, %parallel_loop3A_766, %parallel_loop3A_767 : i32
      %parallel_loop3A_769 = arith.andi %parallel_loop3A_765, %parallel_loop3A_768 : i1
      %parallel_loop3A_770 = arith.constant 1 : i32
      %parallel_loop3A_771 = arith.subi %parallel_loop3A_750, %parallel_loop3A_770 : i32
      %parallel_loop3A_772 = arith.select %parallel_loop3A_769, %parallel_loop3A_771, %parallel_loop3A_750 : i32
      %parallel_loop3A_773 = arith.constant 48 : i32
      %parallel_loop3A_774 = arith.muli %parallel_loop3A_772, %parallel_loop3A_773 : i32
      %parallel_loop3A_775 = arith.subi %parallel_loop3A_748, %parallel_loop3A_774 : i32
      %parallel_loop3A_776 = arith.constant 16 : i32
      %parallel_loop3A_777 = arith.muli %parallel_loop3A_775, %parallel_loop3A_776 : i32
      %parallel_loop3A_778 = arith.index_cast %parallel_loop3A_772 : i32 to index
      %parallel_loop3A_779 = arith.index_cast %parallel_loop3A_777 : i32 to index
      %parallel_loop3A_780 = tpu.vector_load %arg6[%parallel_loop3A_778, %parallel_loop3A_779] {strides = array<i32>} : memref<16x768xf32, #tpu.memory_space<vmem>>, vector<1x16xf32>,
      %parallel_loop3A_781 = vector.shape_cast %parallel_loop3A_780 : vector<1x16xf32> to vector<16xf32>
      %parallel_loop3A_782 = arith.index_cast %parallel_loop3A_772 : i32 to index
      %parallel_loop3A_783 = arith.index_cast %parallel_loop3A_777 : i32 to index
      %parallel_loop3A_784 = tpu.vector_load %arg11[%parallel_loop3A_782, %parallel_loop3A_783] {strides = array<i32>} : memref<16x768xf32, #tpu.memory_space<vmem>>, vector<1x16xf32>,
      %parallel_loop3A_785 = vector.shape_cast %parallel_loop3A_784 : vector<1x16xf32> to vector<16xf32>
      %parallel_loop3A_786 = vector.shape_cast %parallel_loop3A_781 : vector<16xf32> to vector<1x16xf32>
      tpu.vector_store %arg11[%parallel_loop3A_782, %parallel_loop3A_783], %parallel_loop3A_786 {add = true, strides = array<i32>} : memref<16x768xf32, #tpu.memory_space<vmem>>, vector<1x16xf32>,
    } {sc.loop_unroll_factor = 8 : i64, sc.parallel_access}
    %add3A_239 = arith.constant 16 : i32
    %add3A_240 = arith.addi %mul3A_2, %add3A_239 : i32
    %multiple_of3A_241 = tpu.assume_multiple %add3A_240, 8 : i32
    %dma_start3A_242 = arith.constant 0 : i32
    %dma_start3A_243 = arith.constant 0 : i32
    %dma_start3A_244 = tpu.memref_slice %arg4[%dma_start3A_242, %multiple_of3A_241, %dma_start3A_243] : memref<4x8192x768xf32, #tpu.memory_space<hbm>> -> memref<1x16x768xf32, #tpu.memory_space<hbm>>
    %dma_start3A_245 = tpu.memref_squeeze %dma_start3A_244 : memref<1x16x768xf32, #tpu.memory_space<hbm>> -> memref<16x768xf32, #tpu.memory_space<hbm>>
    %dma_start3A_246 = arith.constant 0 : i32
    %dma_start3A_247 = tpu.memref_slice %arg4[%dma_start3A_242, %multiple_of3A_241, %dma_start3A_246] : memref<4x8192x768xf32, #tpu.memory_space<hbm>> -> memref<1x16x768xf32, #tpu.memory_space<hbm>>
    %dma_start3A_248 = tpu.memref_squeeze %dma_start3A_247 : memref<1x16x768xf32, #tpu.memory_space<hbm>> -> memref<16x768xf32, #tpu.memory_space<hbm>>
    tpu.enqueue_dma source(%arg11 : memref<16x768xf32, #tpu.memory_space<vmem>>) target(%dma_start3A_248 : memref<16x768xf32, #tpu.memory_space<hbm>>) target_semaphore(%arg29 : memref<!tpu.dma_semaphore, #tpu.memory_space<semaphore_mem>>)
    %add3A_249 = arith.constant 0 : i32
    %add3A_250 = arith.addi %mul3A_2, %add3A_249 : i32
    %multiple_of3A_251 = tpu.assume_multiple %add3A_250, 8 : i32
    %dma_wait3A_252 = arith.constant 1 : i32
    %dma_wait3A_253 = arith.constant 0 : i32
    %dma_wait3A_254 = tpu.memref_slice %arg4[%dma_wait3A_252, %multiple_of3A_251, %dma_wait3A_253] : memref<4x8192x768xf32, #tpu.memory_space<hbm>> -> memref<1x16x768xf32, #tpu.memory_space<hbm>>
    %dma_wait3A_255 = tpu.memref_squeeze %dma_wait3A_254 : memref<1x16x768xf32, #tpu.memory_space<hbm>> -> memref<16x768xf32, #tpu.memory_space<hbm>>
    %dma_wait3A_256 = arith.constant 0 : i32
    %dma_wait3A_257 = tpu.memref_slice %arg4[%dma_wait3A_252, %multiple_of3A_251, %dma_wait3A_256] : memref<4x8192x768xf32, #tpu.memory_space<hbm>> -> memref<1x16x768xf32, #tpu.memory_space<hbm>>
    %dma_wait3A_258 = tpu.memref_squeeze %dma_wait3A_257 : memref<1x16x768xf32, #tpu.memory_space<hbm>> -> memref<16x768xf32, #tpu.memory_space<hbm>>
    tpu.wait_dma2 semaphore(%arg26 : memref<!tpu.dma_semaphore, #tpu.memory_space<semaphore_mem>>) src(%arg8 : memref<16x768xf32, #tpu.memory_space<vmem>>) dst(%dma_wait3A_258 : memref<16x768xf32, #tpu.memory_space<hbm>>)
    %add3A_259 = arith.constant 32 : i32
    %add3A_260 = arith.addi %mul3A_2, %add3A_259 : i32
    %multiple_of3A_261 = tpu.assume_multiple %add3A_260, 8 : i32
    %dma_start3A_262 = arith.constant 1 : i32
    %dma_start3A_263 = arith.constant 0 : i32
    %dma_start3A_264 = tpu.memref_slice %arg2[%dma_start3A_262, %multiple_of3A_261, %dma_start3A_263] : memref<4x8192x768xf32, #tpu.memory_space<hbm>> -> memref<1x16x768xf32, #tpu.memory_space<hbm>>
    %dma_start3A_265 = tpu.memref_squeeze %dma_start3A_264 : memref<1x16x768xf32, #tpu.memory_space<hbm>> -> memref<16x768xf32, #tpu.memory_space<hbm>>
    %dma_start3A_266 = arith.constant 0 : i32
    %dma_start3A_267 = tpu.memref_slice %arg2[%dma_start3A_262, %multiple_of3A_261, %dma_start3A_266] : memref<4x8192x768xf32, #tpu.memory_space<hbm>> -> memref<1x16x768xf32, #tpu.memory_space<hbm>>
    %dma_start3A_268 = tpu.memref_squeeze %dma_start3A_267 : memref<1x16x768xf32, #tpu.memory_space<hbm>> -> memref<16x768xf32, #tpu.memory_space<hbm>>
    tpu.enqueue_dma source(%dma_start3A_268 : memref<16x768xf32, #tpu.memory_space<hbm>>) target(%arg8 : memref<16x768xf32, #tpu.memory_space<vmem>>) target_semaphore(%arg18 : memref<!tpu.dma_semaphore, #tpu.memory_space<semaphore_mem>>)
    %add3A_269 = arith.constant 16 : i32
    %add3A_270 = arith.addi %mul3A_2, %add3A_269 : i32
    %multiple_of3A_271 = tpu.assume_multiple %add3A_270, 8 : i32
    %dma_wait3A_272 = arith.constant 1 : i32
    %dma_wait3A_273 = arith.constant 0 : i32
    %dma_wait3A_274 = tpu.memref_slice %arg2[%dma_wait3A_272, %multiple_of3A_271, %dma_wait3A_273] : memref<4x8192x768xf32, #tpu.memory_space<hbm>> -> memref<1x16x768xf32, #tpu.memory_space<hbm>>
    %dma_wait3A_275 = tpu.memref_squeeze %dma_wait3A_274 : memref<1x16x768xf32, #tpu.memory_space<hbm>> -> memref<16x768xf32, #tpu.memory_space<hbm>>
    %dma_wait3A_276 = arith.constant 0 : i32
    %dma_wait3A_277 = tpu.memref_slice %arg2[%dma_wait3A_272, %multiple_of3A_271, %dma_wait3A_276] : memref<4x8192x768xf32, #tpu.memory_space<hbm>> -> memref<1x16x768xf32, #tpu.memory_space<hbm>>
    %dma_wait3A_278 = tpu.memref_squeeze %dma_wait3A_277 : memref<1x16x768xf32, #tpu.memory_space<hbm>> -> memref<16x768xf32, #tpu.memory_space<hbm>>
    tpu.wait_dma2 semaphore(%arg22 : memref<!tpu.dma_semaphore, #tpu.memory_space<semaphore_mem>>) src(%dma_wait3A_278 : memref<16x768xf32, #tpu.memory_space<hbm>>) dst(%arg12 : memref<16x768xf32, #tpu.memory_space<vmem>>)
    %parallel_loop3A_279 = arith.constant 0 : i32
    %parallel_loop3A_280 = arith.constant 768 : i32
    %parallel_loop3A_281 = arith.constant 1 : i32
    scf.for %parallel_loop3A_748 = %parallel_loop3A_279 to %parallel_loop3A_280 step %parallel_loop3A_281  : i32 {
      %parallel_loop3A_749 = arith.constant 48 : i32
      %parallel_loop3A_750 = arith.divsi %parallel_loop3A_748, %parallel_loop3A_749 : i32
      %parallel_loop3A_751 = arith.constant 0 : i32
      %parallel_loop3A_752 = arith.cmpi sgt, %parallel_loop3A_748, %parallel_loop3A_751 : i32
      %parallel_loop3A_753 = arith.extui %parallel_loop3A_752 : i1 to i32
      %parallel_loop3A_754 = arith.constant 0 : i32
      %parallel_loop3A_755 = arith.cmpi slt, %parallel_loop3A_748, %parallel_loop3A_754 : i32
      %parallel_loop3A_756 = arith.extui %parallel_loop3A_755 : i1 to i32
      %parallel_loop3A_757 = arith.subi %parallel_loop3A_753, %parallel_loop3A_756 : i32
      %parallel_loop3A_758 = arith.constant 0 : i32
      %parallel_loop3A_759 = arith.cmpi sgt, %parallel_loop3A_749, %parallel_loop3A_758 : i32
      %parallel_loop3A_760 = arith.extui %parallel_loop3A_759 : i1 to i32
      %parallel_loop3A_761 = arith.constant 0 : i32
      %parallel_loop3A_762 = arith.cmpi slt, %parallel_loop3A_749, %parallel_loop3A_761 : i32
      %parallel_loop3A_763 = arith.extui %parallel_loop3A_762 : i1 to i32
      %parallel_loop3A_764 = arith.subi %parallel_loop3A_760, %parallel_loop3A_763 : i32
      %parallel_loop3A_765 = arith.cmpi ne, %parallel_loop3A_757, %parallel_loop3A_764 : i32
      %parallel_loop3A_766 = arith.remsi %parallel_loop3A_748, %parallel_loop3A_749 : i32
      %parallel_loop3A_767 = arith.constant 0 : i32
      %parallel_loop3A_768 = arith.cmpi ne, %parallel_loop3A_766, %parallel_loop3A_767 : i32
      %parallel_loop3A_769 = arith.andi %parallel_loop3A_765, %parallel_loop3A_768 : i1
      %parallel_loop3A_770 = arith.constant 1 : i32
      %parallel_loop3A_771 = arith.subi %parallel_loop3A_750, %parallel_loop3A_770 : i32
      %parallel_loop3A_772 = arith.select %parallel_loop3A_769, %parallel_loop3A_771, %parallel_loop3A_750 : i32
      %parallel_loop3A_773 = arith.constant 48 : i32
      %parallel_loop3A_774 = arith.muli %parallel_loop3A_772, %parallel_loop3A_773 : i32
      %parallel_loop3A_775 = arith.subi %parallel_loop3A_748, %parallel_loop3A_774 : i32
      %parallel_loop3A_776 = arith.constant 16 : i32
      %parallel_loop3A_777 = arith.muli %parallel_loop3A_775, %parallel_loop3A_776 : i32
      %parallel_loop3A_778 = arith.index_cast %parallel_loop3A_772 : i32 to index
      %parallel_loop3A_779 = arith.index_cast %parallel_loop3A_777 : i32 to index
      %parallel_loop3A_780 = tpu.vector_load %arg6[%parallel_loop3A_778, %parallel_loop3A_779] {strides = array<i32>} : memref<16x768xf32, #tpu.memory_space<vmem>>, vector<1x16xf32>,
      %parallel_loop3A_781 = vector.shape_cast %parallel_loop3A_780 : vector<1x16xf32> to vector<16xf32>
      %parallel_loop3A_782 = arith.index_cast %parallel_loop3A_772 : i32 to index
      %parallel_loop3A_783 = arith.index_cast %parallel_loop3A_777 : i32 to index
      %parallel_loop3A_784 = tpu.vector_load %arg12[%parallel_loop3A_782, %parallel_loop3A_783] {strides = array<i32>} : memref<16x768xf32, #tpu.memory_space<vmem>>, vector<1x16xf32>,
      %parallel_loop3A_785 = vector.shape_cast %parallel_loop3A_784 : vector<1x16xf32> to vector<16xf32>
      %parallel_loop3A_786 = vector.shape_cast %parallel_loop3A_781 : vector<16xf32> to vector<1x16xf32>
      tpu.vector_store %arg12[%parallel_loop3A_782, %parallel_loop3A_783], %parallel_loop3A_786 {add = true, strides = array<i32>} : memref<16x768xf32, #tpu.memory_space<vmem>>, vector<1x16xf32>,
    } {sc.loop_unroll_factor = 8 : i64, sc.parallel_access}
    %add3A_282 = arith.constant 16 : i32
    %add3A_283 = arith.addi %mul3A_2, %add3A_282 : i32
    %multiple_of3A_284 = tpu.assume_multiple %add3A_283, 8 : i32
    %dma_start3A_285 = arith.constant 1 : i32
    %dma_start3A_286 = arith.constant 0 : i32
    %dma_start3A_287 = tpu.memref_slice %arg4[%dma_start3A_285, %multiple_of3A_284, %dma_start3A_286] : memref<4x8192x768xf32, #tpu.memory_space<hbm>> -> memref<1x16x768xf32, #tpu.memory_space<hbm>>
    %dma_start3A_288 = tpu.memref_squeeze %dma_start3A_287 : memref<1x16x768xf32, #tpu.memory_space<hbm>> -> memref<16x768xf32, #tpu.memory_space<hbm>>
    %dma_start3A_289 = arith.constant 0 : i32
    %dma_start3A_290 = tpu.memref_slice %arg4[%dma_start3A_285, %multiple_of3A_284, %dma_start3A_289] : memref<4x8192x768xf32, #tpu.memory_space<hbm>> -> memref<1x16x768xf32, #tpu.memory_space<hbm>>
    %dma_start3A_291 = tpu.memref_squeeze %dma_start3A_290 : memref<1x16x768xf32, #tpu.memory_space<hbm>> -> memref<16x768xf32, #tpu.memory_space<hbm>>
    tpu.enqueue_dma source(%arg12 : memref<16x768xf32, #tpu.memory_space<vmem>>) target(%dma_start3A_291 : memref<16x768xf32, #tpu.memory_space<hbm>>) target_semaphore(%arg30 : memref<!tpu.dma_semaphore, #tpu.memory_space<semaphore_mem>>)
    %add3A_292 = arith.constant 0 : i32
    %add3A_293 = arith.addi %mul3A_2, %add3A_292 : i32
    %multiple_of3A_294 = tpu.assume_multiple %add3A_293, 8 : i32
    %dma_wait3A_295 = arith.constant 2 : i32
    %dma_wait3A_296 = arith.constant 0 : i32
    %dma_wait3A_297 = tpu.memref_slice %arg4[%dma_wait3A_295, %multiple_of3A_294, %dma_wait3A_296] : memref<4x8192x768xf32, #tpu.memory_space<hbm>> -> memref<1x16x768xf32, #tpu.memory_space<hbm>>
    %dma_wait3A_298 = tpu.memref_squeeze %dma_wait3A_297 : memref<1x16x768xf32, #tpu.memory_space<hbm>> -> memref<16x768xf32, #tpu.memory_space<hbm>>
    %dma_wait3A_299 = arith.constant 0 : i32
    %dma_wait3A_300 = tpu.memref_slice %arg4[%dma_wait3A_295, %multiple_of3A_294, %dma_wait3A_299] : memref<4x8192x768xf32, #tpu.memory_space<hbm>> -> memref<1x16x768xf32, #tpu.memory_space<hbm>>
    %dma_wait3A_301 = tpu.memref_squeeze %dma_wait3A_300 : memref<1x16x768xf32, #tpu.memory_space<hbm>> -> memref<16x768xf32, #tpu.memory_space<hbm>>
    tpu.wait_dma2 semaphore(%arg27 : memref<!tpu.dma_semaphore, #tpu.memory_space<semaphore_mem>>) src(%arg9 : memref<16x768xf32, #tpu.memory_space<vmem>>) dst(%dma_wait3A_301 : memref<16x768xf32, #tpu.memory_space<hbm>>)
    %add3A_302 = arith.constant 32 : i32
    %add3A_303 = arith.addi %mul3A_2, %add3A_302 : i32
    %multiple_of3A_304 = tpu.assume_multiple %add3A_303, 8 : i32
    %dma_start3A_305 = arith.constant 2 : i32
    %dma_start3A_306 = arith.constant 0 : i32
    %dma_start3A_307 = tpu.memref_slice %arg2[%dma_start3A_305, %multiple_of3A_304, %dma_start3A_306] : memref<4x8192x768xf32, #tpu.memory_space<hbm>> -> memref<1x16x768xf32, #tpu.memory_space<hbm>>
    %dma_start3A_308 = tpu.memref_squeeze %dma_start3A_307 : memref<1x16x768xf32, #tpu.memory_space<hbm>> -> memref<16x768xf32, #tpu.memory_space<hbm>>
    %dma_start3A_309 = arith.constant 0 : i32
    %dma_start3A_310 = tpu.memref_slice %arg2[%dma_start3A_305, %multiple_of3A_304, %dma_start3A_309] : memref<4x8192x768xf32, #tpu.memory_space<hbm>> -> memref<1x16x768xf32, #tpu.memory_space<hbm>>
    %dma_start3A_311 = tpu.memref_squeeze %dma_start3A_310 : memref<1x16x768xf32, #tpu.memory_space<hbm>> -> memref<16x768xf32, #tpu.memory_space<hbm>>
    tpu.enqueue_dma source(%dma_start3A_311 : memref<16x768xf32, #tpu.memory_space<hbm>>) target(%arg9 : memref<16x768xf32, #tpu.memory_space<vmem>>) target_semaphore(%arg19 : memref<!tpu.dma_semaphore, #tpu.memory_space<semaphore_mem>>)
    %add3A_312 = arith.constant 16 : i32
    %add3A_313 = arith.addi %mul3A_2, %add3A_312 : i32
    %multiple_of3A_314 = tpu.assume_multiple %add3A_313, 8 : i32
    %dma_wait3A_315 = arith.constant 2 : i32
    %dma_wait3A_316 = arith.constant 0 : i32
    %dma_wait3A_317 = tpu.memref_slice %arg2[%dma_wait3A_315, %multiple_of3A_314, %dma_wait3A_316] : memref<4x8192x768xf32, #tpu.memory_space<hbm>> -> memref<1x16x768xf32, #tpu.memory_space<hbm>>
    %dma_wait3A_318 = tpu.memref_squeeze %dma_wait3A_317 : memref<1x16x768xf32, #tpu.memory_space<hbm>> -> memref<16x768xf32, #tpu.memory_space<hbm>>
    %dma_wait3A_319 = arith.constant 0 : i32
    %dma_wait3A_320 = tpu.memref_slice %arg2[%dma_wait3A_315, %multiple_of3A_314, %dma_wait3A_319] : memref<4x8192x768xf32, #tpu.memory_space<hbm>> -> memref<1x16x768xf32, #tpu.memory_space<hbm>>
    %dma_wait3A_321 = tpu.memref_squeeze %dma_wait3A_320 : memref<1x16x768xf32, #tpu.memory_space<hbm>> -> memref<16x768xf32, #tpu.memory_space<hbm>>
    tpu.wait_dma2 semaphore(%arg23 : memref<!tpu.dma_semaphore, #tpu.memory_space<semaphore_mem>>) src(%dma_wait3A_321 : memref<16x768xf32, #tpu.memory_space<hbm>>) dst(%arg13 : memref<16x768xf32, #tpu.memory_space<vmem>>)
    %parallel_loop3A_322 = arith.constant 0 : i32
    %parallel_loop3A_323 = arith.constant 768 : i32
    %parallel_loop3A_324 = arith.constant 1 : i32
    scf.for %parallel_loop3A_748 = %parallel_loop3A_322 to %parallel_loop3A_323 step %parallel_loop3A_324  : i32 {
      %parallel_loop3A_749 = arith.constant 48 : i32
      %parallel_loop3A_750 = arith.divsi %parallel_loop3A_748, %parallel_loop3A_749 : i32
      %parallel_loop3A_751 = arith.constant 0 : i32
      %parallel_loop3A_752 = arith.cmpi sgt, %parallel_loop3A_748, %parallel_loop3A_751 : i32
      %parallel_loop3A_753 = arith.extui %parallel_loop3A_752 : i1 to i32
      %parallel_loop3A_754 = arith.constant 0 : i32
      %parallel_loop3A_755 = arith.cmpi slt, %parallel_loop3A_748, %parallel_loop3A_754 : i32
      %parallel_loop3A_756 = arith.extui %parallel_loop3A_755 : i1 to i32
      %parallel_loop3A_757 = arith.subi %parallel_loop3A_753, %parallel_loop3A_756 : i32
      %parallel_loop3A_758 = arith.constant 0 : i32
      %parallel_loop3A_759 = arith.cmpi sgt, %parallel_loop3A_749, %parallel_loop3A_758 : i32
      %parallel_loop3A_760 = arith.extui %parallel_loop3A_759 : i1 to i32
      %parallel_loop3A_761 = arith.constant 0 : i32
      %parallel_loop3A_762 = arith.cmpi slt, %parallel_loop3A_749, %parallel_loop3A_761 : i32
      %parallel_loop3A_763 = arith.extui %parallel_loop3A_762 : i1 to i32
      %parallel_loop3A_764 = arith.subi %parallel_loop3A_760, %parallel_loop3A_763 : i32
      %parallel_loop3A_765 = arith.cmpi ne, %parallel_loop3A_757, %parallel_loop3A_764 : i32
      %parallel_loop3A_766 = arith.remsi %parallel_loop3A_748, %parallel_loop3A_749 : i32
      %parallel_loop3A_767 = arith.constant 0 : i32
      %parallel_loop3A_768 = arith.cmpi ne, %parallel_loop3A_766, %parallel_loop3A_767 : i32
      %parallel_loop3A_769 = arith.andi %parallel_loop3A_765, %parallel_loop3A_768 : i1
      %parallel_loop3A_770 = arith.constant 1 : i32
      %parallel_loop3A_771 = arith.subi %parallel_loop3A_750, %parallel_loop3A_770 : i32
      %parallel_loop3A_772 = arith.select %parallel_loop3A_769, %parallel_loop3A_771, %parallel_loop3A_750 : i32
      %parallel_loop3A_773 = arith.constant 48 : i32
      %parallel_loop3A_774 = arith.muli %parallel_loop3A_772, %parallel_loop3A_773 : i32
      %parallel_loop3A_775 = arith.subi %parallel_loop3A_748, %parallel_loop3A_774 : i32
      %parallel_loop3A_776 = arith.constant 16 : i32
      %parallel_loop3A_777 = arith.muli %parallel_loop3A_775, %parallel_loop3A_776 : i32
      %parallel_loop3A_778 = arith.index_cast %parallel_loop3A_772 : i32 to index
      %parallel_loop3A_779 = arith.index_cast %parallel_loop3A_777 : i32 to index
      %parallel_loop3A_780 = tpu.vector_load %arg6[%parallel_loop3A_778, %parallel_loop3A_779] {strides = array<i32>} : memref<16x768xf32, #tpu.memory_space<vmem>>, vector<1x16xf32>,
      %parallel_loop3A_781 = vector.shape_cast %parallel_loop3A_780 : vector<1x16xf32> to vector<16xf32>
      %parallel_loop3A_782 = arith.index_cast %parallel_loop3A_772 : i32 to index
      %parallel_loop3A_783 = arith.index_cast %parallel_loop3A_777 : i32 to index
      %parallel_loop3A_784 = tpu.vector_load %arg13[%parallel_loop3A_782, %parallel_loop3A_783] {strides = array<i32>} : memref<16x768xf32, #tpu.memory_space<vmem>>, vector<1x16xf32>,
      %parallel_loop3A_785 = vector.shape_cast %parallel_loop3A_784 : vector<1x16xf32> to vector<16xf32>
      %parallel_loop3A_786 = vector.shape_cast %parallel_loop3A_781 : vector<16xf32> to vector<1x16xf32>
      tpu.vector_store %arg13[%parallel_loop3A_782, %parallel_loop3A_783], %parallel_loop3A_786 {add = true, strides = array<i32>} : memref<16x768xf32, #tpu.memory_space<vmem>>, vector<1x16xf32>,
    } {sc.loop_unroll_factor = 8 : i64, sc.parallel_access}
    %add3A_325 = arith.constant 16 : i32
    %add3A_326 = arith.addi %mul3A_2, %add3A_325 : i32
    %multiple_of3A_327 = tpu.assume_multiple %add3A_326, 8 : i32
    %dma_start3A_328 = arith.constant 2 : i32
    %dma_start3A_329 = arith.constant 0 : i32
    %dma_start3A_330 = tpu.memref_slice %arg4[%dma_start3A_328, %multiple_of3A_327, %dma_start3A_329] : memref<4x8192x768xf32, #tpu.memory_space<hbm>> -> memref<1x16x768xf32, #tpu.memory_space<hbm>>
    %dma_start3A_331 = tpu.memref_squeeze %dma_start3A_330 : memref<1x16x768xf32, #tpu.memory_space<hbm>> -> memref<16x768xf32, #tpu.memory_space<hbm>>
    %dma_start3A_332 = arith.constant 0 : i32
    %dma_start3A_333 = tpu.memref_slice %arg4[%dma_start3A_328, %multiple_of3A_327, %dma_start3A_332] : memref<4x8192x768xf32, #tpu.memory_space<hbm>> -> memref<1x16x768xf32, #tpu.memory_space<hbm>>
    %dma_start3A_334 = tpu.memref_squeeze %dma_start3A_333 : memref<1x16x768xf32, #tpu.memory_space<hbm>> -> memref<16x768xf32, #tpu.memory_space<hbm>>
    tpu.enqueue_dma source(%arg13 : memref<16x768xf32, #tpu.memory_space<vmem>>) target(%dma_start3A_334 : memref<16x768xf32, #tpu.memory_space<hbm>>) target_semaphore(%arg31 : memref<!tpu.dma_semaphore, #tpu.memory_space<semaphore_mem>>)
    %add3A_335 = arith.constant 0 : i32
    %add3A_336 = arith.addi %mul3A_2, %add3A_335 : i32
    %multiple_of3A_337 = tpu.assume_multiple %add3A_336, 8 : i32
    %dma_wait3A_338 = arith.constant 3 : i32
    %dma_wait3A_339 = arith.constant 0 : i32
    %dma_wait3A_340 = tpu.memref_slice %arg4[%dma_wait3A_338, %multiple_of3A_337, %dma_wait3A_339] : memref<4x8192x768xf32, #tpu.memory_space<hbm>> -> memref<1x16x768xf32, #tpu.memory_space<hbm>>
    %dma_wait3A_341 = tpu.memref_squeeze %dma_wait3A_340 : memref<1x16x768xf32, #tpu.memory_space<hbm>> -> memref<16x768xf32, #tpu.memory_space<hbm>>
    %dma_wait3A_342 = arith.constant 0 : i32
    %dma_wait3A_343 = tpu.memref_slice %arg4[%dma_wait3A_338, %multiple_of3A_337, %dma_wait3A_342] : memref<4x8192x768xf32, #tpu.memory_space<hbm>> -> memref<1x16x768xf32, #tpu.memory_space<hbm>>
    %dma_wait3A_344 = tpu.memref_squeeze %dma_wait3A_343 : memref<1x16x768xf32, #tpu.memory_space<hbm>> -> memref<16x768xf32, #tpu.memory_space<hbm>>
    tpu.wait_dma2 semaphore(%arg28 : memref<!tpu.dma_semaphore, #tpu.memory_space<semaphore_mem>>) src(%arg10 : memref<16x768xf32, #tpu.memory_space<vmem>>) dst(%dma_wait3A_344 : memref<16x768xf32, #tpu.memory_space<hbm>>)
    %add3A_345 = arith.constant 32 : i32
    %add3A_346 = arith.addi %mul3A_2, %add3A_345 : i32
    %multiple_of3A_347 = tpu.assume_multiple %add3A_346, 8 : i32
    %dma_start3A_348 = arith.constant 3 : i32
    %dma_start3A_349 = arith.constant 0 : i32
    %dma_start3A_350 = tpu.memref_slice %arg2[%dma_start3A_348, %multiple_of3A_347, %dma_start3A_349] : memref<4x8192x768xf32, #tpu.memory_space<hbm>> -> memref<1x16x768xf32, #tpu.memory_space<hbm>>
    %dma_start3A_351 = tpu.memref_squeeze %dma_start3A_350 : memref<1x16x768xf32, #tpu.memory_space<hbm>> -> memref<16x768xf32, #tpu.memory_space<hbm>>
    %dma_start3A_352 = arith.constant 0 : i32
    %dma_start3A_353 = tpu.memref_slice %arg2[%dma_start3A_348, %multiple_of3A_347, %dma_start3A_352] : memref<4x8192x768xf32, #tpu.memory_space<hbm>> -> memref<1x16x768xf32, #tpu.memory_space<hbm>>
    %dma_start3A_354 = tpu.memref_squeeze %dma_start3A_353 : memref<1x16x768xf32, #tpu.memory_space<hbm>> -> memref<16x768xf32, #tpu.memory_space<hbm>>
    tpu.enqueue_dma source(%dma_start3A_354 : memref<16x768xf32, #tpu.memory_space<hbm>>) target(%arg10 : memref<16x768xf32, #tpu.memory_space<vmem>>) target_semaphore(%arg20 : memref<!tpu.dma_semaphore, #tpu.memory_space<semaphore_mem>>)
    %add3A_355 = arith.constant 16 : i32
    %add3A_356 = arith.addi %mul3A_2, %add3A_355 : i32
    %multiple_of3A_357 = tpu.assume_multiple %add3A_356, 8 : i32
    %dma_wait3A_358 = arith.constant 3 : i32
    %dma_wait3A_359 = arith.constant 0 : i32
    %dma_wait3A_360 = tpu.memref_slice %arg2[%dma_wait3A_358, %multiple_of3A_357, %dma_wait3A_359] : memref<4x8192x768xf32, #tpu.memory_space<hbm>> -> memref<1x16x768xf32, #tpu.memory_space<hbm>>
    %dma_wait3A_361 = tpu.memref_squeeze %dma_wait3A_360 : memref<1x16x768xf32, #tpu.memory_space<hbm>> -> memref<16x768xf32, #tpu.memory_space<hbm>>
    %dma_wait3A_362 = arith.constant 0 : i32
    %dma_wait3A_363 = tpu.memref_slice %arg2[%dma_wait3A_358, %multiple_of3A_357, %dma_wait3A_362] : memref<4x8192x768xf32, #tpu.memory_space<hbm>> -> memref<1x16x768xf32, #tpu.memory_space<hbm>>
    %dma_wait3A_364 = tpu.memref_squeeze %dma_wait3A_363 : memref<1x16x768xf32, #tpu.memory_space<hbm>> -> memref<16x768xf32, #tpu.memory_space<hbm>>
    tpu.wait_dma2 semaphore(%arg24 : memref<!tpu.dma_semaphore, #tpu.memory_space<semaphore_mem>>) src(%dma_wait3A_364 : memref<16x768xf32, #tpu.memory_space<hbm>>) dst(%arg14 : memref<16x768xf32, #tpu.memory_space<vmem>>)
    %parallel_loop3A_365 = arith.constant 0 : i32
    %parallel_loop3A_366 = arith.constant 768 : i32
    %parallel_loop3A_367 = arith.constant 1 : i32
    scf.for %parallel_loop3A_748 = %parallel_loop3A_365 to %parallel_loop3A_366 step %parallel_loop3A_367  : i32 {
      %parallel_loop3A_749 = arith.constant 48 : i32
      %parallel_loop3A_750 = arith.divsi %parallel_loop3A_748, %parallel_loop3A_749 : i32
      %parallel_loop3A_751 = arith.constant 0 : i32
      %parallel_loop3A_752 = arith.cmpi sgt, %parallel_loop3A_748, %parallel_loop3A_751 : i32
      %parallel_loop3A_753 = arith.extui %parallel_loop3A_752 : i1 to i32
      %parallel_loop3A_754 = arith.constant 0 : i32
      %parallel_loop3A_755 = arith.cmpi slt, %parallel_loop3A_748, %parallel_loop3A_754 : i32
      %parallel_loop3A_756 = arith.extui %parallel_loop3A_755 : i1 to i32
      %parallel_loop3A_757 = arith.subi %parallel_loop3A_753, %parallel_loop3A_756 : i32
      %parallel_loop3A_758 = arith.constant 0 : i32
      %parallel_loop3A_759 = arith.cmpi sgt, %parallel_loop3A_749, %parallel_loop3A_758 : i32
      %parallel_loop3A_760 = arith.extui %parallel_loop3A_759 : i1 to i32
      %parallel_loop3A_761 = arith.constant 0 : i32
      %parallel_loop3A_762 = arith.cmpi slt, %parallel_loop3A_749, %parallel_loop3A_761 : i32
      %parallel_loop3A_763 = arith.extui %parallel_loop3A_762 : i1 to i32
      %parallel_loop3A_764 = arith.subi %parallel_loop3A_760, %parallel_loop3A_763 : i32
      %parallel_loop3A_765 = arith.cmpi ne, %parallel_loop3A_757, %parallel_loop3A_764 : i32
      %parallel_loop3A_766 = arith.remsi %parallel_loop3A_748, %parallel_loop3A_749 : i32
      %parallel_loop3A_767 = arith.constant 0 : i32
      %parallel_loop3A_768 = arith.cmpi ne, %parallel_loop3A_766, %parallel_loop3A_767 : i32
      %parallel_loop3A_769 = arith.andi %parallel_loop3A_765, %parallel_loop3A_768 : i1
      %parallel_loop3A_770 = arith.constant 1 : i32
      %parallel_loop3A_771 = arith.subi %parallel_loop3A_750, %parallel_loop3A_770 : i32
      %parallel_loop3A_772 = arith.select %parallel_loop3A_769, %parallel_loop3A_771, %parallel_loop3A_750 : i32
      %parallel_loop3A_773 = arith.constant 48 : i32
      %parallel_loop3A_774 = arith.muli %parallel_loop3A_772, %parallel_loop3A_773 : i32
      %parallel_loop3A_775 = arith.subi %parallel_loop3A_748, %parallel_loop3A_774 : i32
      %parallel_loop3A_776 = arith.constant 16 : i32
      %parallel_loop3A_777 = arith.muli %parallel_loop3A_775, %parallel_loop3A_776 : i32
      %parallel_loop3A_778 = arith.index_cast %parallel_loop3A_772 : i32 to index
      %parallel_loop3A_779 = arith.index_cast %parallel_loop3A_777 : i32 to index
      %parallel_loop3A_780 = tpu.vector_load %arg6[%parallel_loop3A_778, %parallel_loop3A_779] {strides = array<i32>} : memref<16x768xf32, #tpu.memory_space<vmem>>, vector<1x16xf32>,
      %parallel_loop3A_781 = vector.shape_cast %parallel_loop3A_780 : vector<1x16xf32> to vector<16xf32>
      %parallel_loop3A_782 = arith.index_cast %parallel_loop3A_772 : i32 to index
      %parallel_loop3A_783 = arith.index_cast %parallel_loop3A_777 : i32 to index
      %parallel_loop3A_784 = tpu.vector_load %arg14[%parallel_loop3A_782, %parallel_loop3A_783] {strides = array<i32>} : memref<16x768xf32, #tpu.memory_space<vmem>>, vector<1x16xf32>,
      %parallel_loop3A_785 = vector.shape_cast %parallel_loop3A_784 : vector<1x16xf32> to vector<16xf32>
      %parallel_loop3A_786 = vector.shape_cast %parallel_loop3A_781 : vector<16xf32> to vector<1x16xf32>
      tpu.vector_store %arg14[%parallel_loop3A_782, %parallel_loop3A_783], %parallel_loop3A_786 {add = true, strides = array<i32>} : memref<16x768xf32, #tpu.memory_space<vmem>>, vector<1x16xf32>,
    } {sc.loop_unroll_factor = 8 : i64, sc.parallel_access}
    %add3A_368 = arith.constant 16 : i32
    %add3A_369 = arith.addi %mul3A_2, %add3A_368 : i32
    %multiple_of3A_370 = tpu.assume_multiple %add3A_369, 8 : i32
    %dma_start3A_371 = arith.constant 3 : i32
    %dma_start3A_372 = arith.constant 0 : i32
    %dma_start3A_373 = tpu.memref_slice %arg4[%dma_start3A_371, %multiple_of3A_370, %dma_start3A_372] : memref<4x8192x768xf32, #tpu.memory_space<hbm>> -> memref<1x16x768xf32, #tpu.memory_space<hbm>>
    %dma_start3A_374 = tpu.memref_squeeze %dma_start3A_373 : memref<1x16x768xf32, #tpu.memory_space<hbm>> -> memref<16x768xf32, #tpu.memory_space<hbm>>
    %dma_start3A_375 = arith.constant 0 : i32
    %dma_start3A_376 = tpu.memref_slice %arg4[%dma_start3A_371, %multiple_of3A_370, %dma_start3A_375] : memref<4x8192x768xf32, #tpu.memory_space<hbm>> -> memref<1x16x768xf32, #tpu.memory_space<hbm>>
    %dma_start3A_377 = tpu.memref_squeeze %dma_start3A_376 : memref<1x16x768xf32, #tpu.memory_space<hbm>> -> memref<16x768xf32, #tpu.memory_space<hbm>>
    tpu.enqueue_dma source(%arg14 : memref<16x768xf32, #tpu.memory_space<vmem>>) target(%dma_start3A_377 : memref<16x768xf32, #tpu.memory_space<hbm>>) target_semaphore(%arg32 : memref<!tpu.dma_semaphore, #tpu.memory_space<semaphore_mem>>)
    %scan3A = arith.constant 0 : i32
    %scan3A_378 = arith.constant 1 : i32
    %scan3A_379 = arith.constant 6 : i32
    %scan3A_380 = arith.addi %scan3A_378, %scan3A_379 : i32
    %scan3A_381 = arith.constant 1 : i32
    scf.for %scan3A_748 = %scan3A_378 to %scan3A_380 step %scan3A_381  : i32 {
      %mul3A_749 = arith.constant 2 : i32
      %mul3A_750 = arith.muli %mul3A_749, %scan3A_748 : i32
      %mul3A_751 = arith.constant 16 : i32
      %mul3A_752 = arith.muli %mul3A_750, %mul3A_751 : i32
      %add3A_753 = arith.addi %mul3A_2, %mul3A_752 : i32
      %multiple_of3A_754 = tpu.assume_multiple %add3A_753, 8 : i32
      %dma_wait3A_755 = arith.constant 0 : i32
      %dma_wait3A_756 = tpu.memref_slice %arg3[%multiple_of3A_754, %dma_wait3A_755] : memref<8192x768xf32, #tpu.memory_space<hbm>> -> memref<16x768xf32, #tpu.memory_space<hbm>>
      %dma_wait3A_757 = arith.constant 0 : i32
      %dma_wait3A_758 = tpu.memref_slice %arg3[%multiple_of3A_754, %dma_wait3A_757] : memref<8192x768xf32, #tpu.memory_space<hbm>> -> memref<16x768xf32, #tpu.memory_space<hbm>>
      tpu.wait_dma2 semaphore(%arg15 : memref<!tpu.dma_semaphore, #tpu.memory_space<semaphore_mem>>) src(%dma_wait3A_758 : memref<16x768xf32, #tpu.memory_space<hbm>>) dst(%arg5 : memref<16x768xf32, #tpu.memory_space<vmem>>)
      %mul3A_759 = arith.constant 2 : i32
      %mul3A_760 = arith.muli %mul3A_759, %scan3A_748 : i32
      %add3A_761 = arith.constant 1 : i32
      %add3A_762 = arith.addi %mul3A_760, %add3A_761 : i32
      %mul3A_763 = arith.constant 16 : i32
      %mul3A_764 = arith.muli %add3A_762, %mul3A_763 : i32
      %add3A_765 = arith.addi %mul3A_2, %mul3A_764 : i32
      %multiple_of3A_766 = tpu.assume_multiple %add3A_765, 8 : i32
      %dma_start3A_767 = arith.constant 0 : i32
      %dma_start3A_768 = tpu.memref_slice %arg3[%multiple_of3A_766, %dma_start3A_767] : memref<8192x768xf32, #tpu.memory_space<hbm>> -> memref<16x768xf32, #tpu.memory_space<hbm>>
      %dma_start3A_769 = arith.constant 0 : i32
      %dma_start3A_770 = tpu.memref_slice %arg3[%multiple_of3A_766, %dma_start3A_769] : memref<8192x768xf32, #tpu.memory_space<hbm>> -> memref<16x768xf32, #tpu.memory_space<hbm>>
      tpu.enqueue_dma source(%dma_start3A_770 : memref<16x768xf32, #tpu.memory_space<hbm>>) target(%arg6 : memref<16x768xf32, #tpu.memory_space<vmem>>) target_semaphore(%arg16 : memref<!tpu.dma_semaphore, #tpu.memory_space<semaphore_mem>>)
      %sub3A = arith.constant 1 : i32
      %sub3A_771 = arith.subi %scan3A_748, %sub3A : i32
      %mul3A_772 = arith.constant 2 : i32
      %mul3A_773 = arith.muli %mul3A_772, %sub3A_771 : i32
      %add3A_774 = arith.constant 1 : i32
      %add3A_775 = arith.addi %mul3A_773, %add3A_774 : i32
      %mul3A_776 = arith.constant 16 : i32
      %mul3A_777 = arith.muli %add3A_775, %mul3A_776 : i32
      %add3A_778 = arith.addi %mul3A_2, %mul3A_777 : i32
      %multiple_of3A_779 = tpu.assume_multiple %add3A_778, 8 : i32
      %dma_wait3A_780 = arith.constant 0 : i32
      %dma_wait3A_781 = arith.constant 0 : i32
      %dma_wait3A_782 = tpu.memref_slice %arg4[%dma_wait3A_780, %multiple_of3A_779, %dma_wait3A_781] : memref<4x8192x768xf32, #tpu.memory_space<hbm>> -> memref<1x16x768xf32, #tpu.memory_space<hbm>>
      %dma_wait3A_783 = tpu.memref_squeeze %dma_wait3A_782 : memref<1x16x768xf32, #tpu.memory_space<hbm>> -> memref<16x768xf32, #tpu.memory_space<hbm>>
      %dma_wait3A_784 = arith.constant 0 : i32
      %dma_wait3A_785 = tpu.memref_slice %arg4[%dma_wait3A_780, %multiple_of3A_779, %dma_wait3A_784] : memref<4x8192x768xf32, #tpu.memory_space<hbm>> -> memref<1x16x768xf32, #tpu.memory_space<hbm>>
      %dma_wait3A_786 = tpu.memref_squeeze %dma_wait3A_785 : memref<1x16x768xf32, #tpu.memory_space<hbm>> -> memref<16x768xf32, #tpu.memory_space<hbm>>
      tpu.wait_dma2 semaphore(%arg29 : memref<!tpu.dma_semaphore, #tpu.memory_space<semaphore_mem>>) src(%arg11 : memref<16x768xf32, #tpu.memory_space<vmem>>) dst(%dma_wait3A_786 : memref<16x768xf32, #tpu.memory_space<hbm>>)
      %mul3A_787 = arith.constant 2 : i32
      %mul3A_788 = arith.muli %mul3A_787, %scan3A_748 : i32
      %add3A_789 = arith.constant 1 : i32
      %add3A_790 = arith.addi %mul3A_788, %add3A_789 : i32
      %mul3A_791 = arith.constant 16 : i32
      %mul3A_792 = arith.muli %add3A_790, %mul3A_791 : i32
      %add3A_793 = arith.addi %mul3A_2, %mul3A_792 : i32
      %multiple_of3A_794 = tpu.assume_multiple %add3A_793, 8 : i32
      %dma_start3A_795 = arith.constant 0 : i32
      %dma_start3A_796 = arith.constant 0 : i32
      %dma_start3A_797 = tpu.memref_slice %arg2[%dma_start3A_795, %multiple_of3A_794, %dma_start3A_796] : memref<4x8192x768xf32, #tpu.memory_space<hbm>> -> memref<1x16x768xf32, #tpu.memory_space<hbm>>
      %dma_start3A_798 = tpu.memref_squeeze %dma_start3A_797 : memref<1x16x768xf32, #tpu.memory_space<hbm>> -> memref<16x768xf32, #tpu.memory_space<hbm>>
      %dma_start3A_799 = arith.constant 0 : i32
      %dma_start3A_800 = tpu.memref_slice %arg2[%dma_start3A_795, %multiple_of3A_794, %dma_start3A_799] : memref<4x8192x768xf32, #tpu.memory_space<hbm>> -> memref<1x16x768xf32, #tpu.memory_space<hbm>>
      %dma_start3A_801 = tpu.memref_squeeze %dma_start3A_800 : memref<1x16x768xf32, #tpu.memory_space<hbm>> -> memref<16x768xf32, #tpu.memory_space<hbm>>
      tpu.enqueue_dma source(%dma_start3A_801 : memref<16x768xf32, #tpu.memory_space<hbm>>) target(%arg11 : memref<16x768xf32, #tpu.memory_space<vmem>>) target_semaphore(%arg21 : memref<!tpu.dma_semaphore, #tpu.memory_space<semaphore_mem>>)
      %mul3A_802 = arith.constant 2 : i32
      %mul3A_803 = arith.muli %mul3A_802, %scan3A_748 : i32
      %add3A_804 = arith.constant 0 : i32
      %add3A_805 = arith.addi %mul3A_803, %add3A_804 : i32
      %mul3A_806 = arith.constant 16 : i32
      %mul3A_807 = arith.muli %add3A_805, %mul3A_806 : i32
      %add3A_808 = arith.addi %mul3A_2, %mul3A_807 : i32
      %multiple_of3A_809 = tpu.assume_multiple %add3A_808, 8 : i32
      %dma_wait3A_810 = arith.constant 0 : i32
      %dma_wait3A_811 = arith.constant 0 : i32
      %dma_wait3A_812 = tpu.memref_slice %arg2[%dma_wait3A_810, %multiple_of3A_809, %dma_wait3A_811] : memref<4x8192x768xf32, #tpu.memory_space<hbm>> -> memref<1x16x768xf32, #tpu.memory_space<hbm>>
      %dma_wait3A_813 = tpu.memref_squeeze %dma_wait3A_812 : memref<1x16x768xf32, #tpu.memory_space<hbm>> -> memref<16x768xf32, #tpu.memory_space<hbm>>
      %dma_wait3A_814 = arith.constant 0 : i32
      %dma_wait3A_815 = tpu.memref_slice %arg2[%dma_wait3A_810, %multiple_of3A_809, %dma_wait3A_814] : memref<4x8192x768xf32, #tpu.memory_space<hbm>> -> memref<1x16x768xf32, #tpu.memory_space<hbm>>
      %dma_wait3A_816 = tpu.memref_squeeze %dma_wait3A_815 : memref<1x16x768xf32, #tpu.memory_space<hbm>> -> memref<16x768xf32, #tpu.memory_space<hbm>>
      tpu.wait_dma2 semaphore(%arg17 : memref<!tpu.dma_semaphore, #tpu.memory_space<semaphore_mem>>) src(%dma_wait3A_816 : memref<16x768xf32, #tpu.memory_space<hbm>>) dst(%arg7 : memref<16x768xf32, #tpu.memory_space<vmem>>)
      %parallel_loop3A_817 = arith.constant 0 : i32
      %parallel_loop3A_818 = arith.constant 768 : i32
      %parallel_loop3A_819 = arith.constant 1 : i32
      scf.for %parallel_loop3A_1314 = %parallel_loop3A_817 to %parallel_loop3A_818 step %parallel_loop3A_819  : i32 {
        %parallel_loop3A_1315 = arith.constant 48 : i32
        %parallel_loop3A_1316 = arith.divsi %parallel_loop3A_1314, %parallel_loop3A_1315 : i32
        %parallel_loop3A_1317 = arith.constant 0 : i32
        %parallel_loop3A_1318 = arith.cmpi sgt, %parallel_loop3A_1314, %parallel_loop3A_1317 : i32
        %parallel_loop3A_1319 = arith.extui %parallel_loop3A_1318 : i1 to i32
        %parallel_loop3A_1320 = arith.constant 0 : i32
        %parallel_loop3A_1321 = arith.cmpi slt, %parallel_loop3A_1314, %parallel_loop3A_1320 : i32
        %parallel_loop3A_1322 = arith.extui %parallel_loop3A_1321 : i1 to i32
        %parallel_loop3A_1323 = arith.subi %parallel_loop3A_1319, %parallel_loop3A_1322 : i32
        %parallel_loop3A_1324 = arith.constant 0 : i32
        %parallel_loop3A_1325 = arith.cmpi sgt, %parallel_loop3A_1315, %parallel_loop3A_1324 : i32
        %parallel_loop3A_1326 = arith.extui %parallel_loop3A_1325 : i1 to i32
        %parallel_loop3A_1327 = arith.constant 0 : i32
        %parallel_loop3A_1328 = arith.cmpi slt, %parallel_loop3A_1315, %parallel_loop3A_1327 : i32
        %parallel_loop3A_1329 = arith.extui %parallel_loop3A_1328 : i1 to i32
        %parallel_loop3A_1330 = arith.subi %parallel_loop3A_1326, %parallel_loop3A_1329 : i32
        %parallel_loop3A_1331 = arith.cmpi ne, %parallel_loop3A_1323, %parallel_loop3A_1330 : i32
        %parallel_loop3A_1332 = arith.remsi %parallel_loop3A_1314, %parallel_loop3A_1315 : i32
        %parallel_loop3A_1333 = arith.constant 0 : i32
        %parallel_loop3A_1334 = arith.cmpi ne, %parallel_loop3A_1332, %parallel_loop3A_1333 : i32
        %parallel_loop3A_1335 = arith.andi %parallel_loop3A_1331, %parallel_loop3A_1334 : i1
        %parallel_loop3A_1336 = arith.constant 1 : i32
        %parallel_loop3A_1337 = arith.subi %parallel_loop3A_1316, %parallel_loop3A_1336 : i32
        %parallel_loop3A_1338 = arith.select %parallel_loop3A_1335, %parallel_loop3A_1337, %parallel_loop3A_1316 : i32
        %parallel_loop3A_1339 = arith.constant 48 : i32
        %parallel_loop3A_1340 = arith.muli %parallel_loop3A_1338, %parallel_loop3A_1339 : i32
        %parallel_loop3A_1341 = arith.subi %parallel_loop3A_1314, %parallel_loop3A_1340 : i32
        %parallel_loop3A_1342 = arith.constant 16 : i32
        %parallel_loop3A_1343 = arith.muli %parallel_loop3A_1341, %parallel_loop3A_1342 : i32
        %parallel_loop3A_1344 = arith.index_cast %parallel_loop3A_1338 : i32 to index
        %parallel_loop3A_1345 = arith.index_cast %parallel_loop3A_1343 : i32 to index
        %parallel_loop3A_1346 = tpu.vector_load %arg5[%parallel_loop3A_1344, %parallel_loop3A_1345] {strides = array<i32>} : memref<16x768xf32, #tpu.memory_space<vmem>>, vector<1x16xf32>,
        %parallel_loop3A_1347 = vector.shape_cast %parallel_loop3A_1346 : vector<1x16xf32> to vector<16xf32>
        %parallel_loop3A_1348 = arith.index_cast %parallel_loop3A_1338 : i32 to index
        %parallel_loop3A_1349 = arith.index_cast %parallel_loop3A_1343 : i32 to index
        %parallel_loop3A_1350 = tpu.vector_load %arg7[%parallel_loop3A_1348, %parallel_loop3A_1349] {strides = array<i32>} : memref<16x768xf32, #tpu.memory_space<vmem>>, vector<1x16xf32>,
        %parallel_loop3A_1351 = vector.shape_cast %parallel_loop3A_1350 : vector<1x16xf32> to vector<16xf32>
        %parallel_loop3A_1352 = vector.shape_cast %parallel_loop3A_1347 : vector<16xf32> to vector<1x16xf32>
        tpu.vector_store %arg7[%parallel_loop3A_1348, %parallel_loop3A_1349], %parallel_loop3A_1352 {add = true, strides = array<i32>} : memref<16x768xf32, #tpu.memory_space<vmem>>, vector<1x16xf32>,
      } {sc.loop_unroll_factor = 8 : i64, sc.parallel_access}
      %mul3A_820 = arith.constant 2 : i32
      %mul3A_821 = arith.muli %mul3A_820, %scan3A_748 : i32
      %add3A_822 = arith.constant 0 : i32
      %add3A_823 = arith.addi %mul3A_821, %add3A_822 : i32
      %mul3A_824 = arith.constant 16 : i32
      %mul3A_825 = arith.muli %add3A_823, %mul3A_824 : i32
      %add3A_826 = arith.addi %mul3A_2, %mul3A_825 : i32
      %multiple_of3A_827 = tpu.assume_multiple %add3A_826, 8 : i32
      %dma_start3A_828 = arith.constant 0 : i32
      %dma_start3A_829 = arith.constant 0 : i32
      %dma_start3A_830 = tpu.memref_slice %arg4[%dma_start3A_828, %multiple_of3A_827, %dma_start3A_829] : memref<4x8192x768xf32, #tpu.memory_space<hbm>> -> memref<1x16x768xf32, #tpu.memory_space<hbm>>
      %dma_start3A_831 = tpu.memref_squeeze %dma_start3A_830 : memref<1x16x768xf32, #tpu.memory_space<hbm>> -> memref<16x768xf32, #tpu.memory_space<hbm>>
      %dma_start3A_832 = arith.constant 0 : i32
      %dma_start3A_833 = tpu.memref_slice %arg4[%dma_start3A_828, %multiple_of3A_827, %dma_start3A_832] : memref<4x8192x768xf32, #tpu.memory_space<hbm>> -> memref<1x16x768xf32, #tpu.memory_space<hbm>>
      %dma_start3A_834 = tpu.memref_squeeze %dma_start3A_833 : memref<1x16x768xf32, #tpu.memory_space<hbm>> -> memref<16x768xf32, #tpu.memory_space<hbm>>
      tpu.enqueue_dma source(%arg7 : memref<16x768xf32, #tpu.memory_space<vmem>>) target(%dma_start3A_834 : memref<16x768xf32, #tpu.memory_space<hbm>>) target_semaphore(%arg25 : memref<!tpu.dma_semaphore, #tpu.memory_space<semaphore_mem>>)
      %sub3A_835 = arith.constant 1 : i32
      %sub3A_836 = arith.subi %scan3A_748, %sub3A_835 : i32
      %mul3A_837 = arith.constant 2 : i32
      %mul3A_838 = arith.muli %mul3A_837, %sub3A_836 : i32
      %add3A_839 = arith.constant 1 : i32
      %add3A_840 = arith.addi %mul3A_838, %add3A_839 : i32
      %mul3A_841 = arith.constant 16 : i32
      %mul3A_842 = arith.muli %add3A_840, %mul3A_841 : i32
      %add3A_843 = arith.addi %mul3A_2, %mul3A_842 : i32
      %multiple_of3A_844 = tpu.assume_multiple %add3A_843, 8 : i32
      %dma_wait3A_845 = arith.constant 1 : i32
      %dma_wait3A_846 = arith.constant 0 : i32
      %dma_wait3A_847 = tpu.memref_slice %arg4[%dma_wait3A_845, %multiple_of3A_844, %dma_wait3A_846] : memref<4x8192x768xf32, #tpu.memory_space<hbm>> -> memref<1x16x768xf32, #tpu.memory_space<hbm>>
      %dma_wait3A_848 = tpu.memref_squeeze %dma_wait3A_847 : memref<1x16x768xf32, #tpu.memory_space<hbm>> -> memref<16x768xf32, #tpu.memory_space<hbm>>
      %dma_wait3A_849 = arith.constant 0 : i32
      %dma_wait3A_850 = tpu.memref_slice %arg4[%dma_wait3A_845, %multiple_of3A_844, %dma_wait3A_849] : memref<4x8192x768xf32, #tpu.memory_space<hbm>> -> memref<1x16x768xf32, #tpu.memory_space<hbm>>
      %dma_wait3A_851 = tpu.memref_squeeze %dma_wait3A_850 : memref<1x16x768xf32, #tpu.memory_space<hbm>> -> memref<16x768xf32, #tpu.memory_space<hbm>>
      tpu.wait_dma2 semaphore(%arg30 : memref<!tpu.dma_semaphore, #tpu.memory_space<semaphore_mem>>) src(%arg12 : memref<16x768xf32, #tpu.memory_space<vmem>>) dst(%dma_wait3A_851 : memref<16x768xf32, #tpu.memory_space<hbm>>)
      %mul3A_852 = arith.constant 2 : i32
      %mul3A_853 = arith.muli %mul3A_852, %scan3A_748 : i32
      %add3A_854 = arith.constant 1 : i32
      %add3A_855 = arith.addi %mul3A_853, %add3A_854 : i32
      %mul3A_856 = arith.constant 16 : i32
      %mul3A_857 = arith.muli %add3A_855, %mul3A_856 : i32
      %add3A_858 = arith.addi %mul3A_2, %mul3A_857 : i32
      %multiple_of3A_859 = tpu.assume_multiple %add3A_858, 8 : i32
      %dma_start3A_860 = arith.constant 1 : i32
      %dma_start3A_861 = arith.constant 0 : i32
      %dma_start3A_862 = tpu.memref_slice %arg2[%dma_start3A_860, %multiple_of3A_859, %dma_start3A_861] : memref<4x8192x768xf32, #tpu.memory_space<hbm>> -> memref<1x16x768xf32, #tpu.memory_space<hbm>>
      %dma_start3A_863 = tpu.memref_squeeze %dma_start3A_862 : memref<1x16x768xf32, #tpu.memory_space<hbm>> -> memref<16x768xf32, #tpu.memory_space<hbm>>
      %dma_start3A_864 = arith.constant 0 : i32
      %dma_start3A_865 = tpu.memref_slice %arg2[%dma_start3A_860, %multiple_of3A_859, %dma_start3A_864] : memref<4x8192x768xf32, #tpu.memory_space<hbm>> -> memref<1x16x768xf32, #tpu.memory_space<hbm>>
      %dma_start3A_866 = tpu.memref_squeeze %dma_start3A_865 : memref<1x16x768xf32, #tpu.memory_space<hbm>> -> memref<16x768xf32, #tpu.memory_space<hbm>>
      tpu.enqueue_dma source(%dma_start3A_866 : memref<16x768xf32, #tpu.memory_space<hbm>>) target(%arg12 : memref<16x768xf32, #tpu.memory_space<vmem>>) target_semaphore(%arg22 : memref<!tpu.dma_semaphore, #tpu.memory_space<semaphore_mem>>)
      %mul3A_867 = arith.constant 2 : i32
      %mul3A_868 = arith.muli %mul3A_867, %scan3A_748 : i32
      %add3A_869 = arith.constant 0 : i32
      %add3A_870 = arith.addi %mul3A_868, %add3A_869 : i32
      %mul3A_871 = arith.constant 16 : i32
      %mul3A_872 = arith.muli %add3A_870, %mul3A_871 : i32
      %add3A_873 = arith.addi %mul3A_2, %mul3A_872 : i32
      %multiple_of3A_874 = tpu.assume_multiple %add3A_873, 8 : i32
      %dma_wait3A_875 = arith.constant 1 : i32
      %dma_wait3A_876 = arith.constant 0 : i32
      %dma_wait3A_877 = tpu.memref_slice %arg2[%dma_wait3A_875, %multiple_of3A_874, %dma_wait3A_876] : memref<4x8192x768xf32, #tpu.memory_space<hbm>> -> memref<1x16x768xf32, #tpu.memory_space<hbm>>
      %dma_wait3A_878 = tpu.memref_squeeze %dma_wait3A_877 : memref<1x16x768xf32, #tpu.memory_space<hbm>> -> memref<16x768xf32, #tpu.memory_space<hbm>>
      %dma_wait3A_879 = arith.constant 0 : i32
      %dma_wait3A_880 = tpu.memref_slice %arg2[%dma_wait3A_875, %multiple_of3A_874, %dma_wait3A_879] : memref<4x8192x768xf32, #tpu.memory_space<hbm>> -> memref<1x16x768xf32, #tpu.memory_space<hbm>>
      %dma_wait3A_881 = tpu.memref_squeeze %dma_wait3A_880 : memref<1x16x768xf32, #tpu.memory_space<hbm>> -> memref<16x768xf32, #tpu.memory_space<hbm>>
      tpu.wait_dma2 semaphore(%arg18 : memref<!tpu.dma_semaphore, #tpu.memory_space<semaphore_mem>>) src(%dma_wait3A_881 : memref<16x768xf32, #tpu.memory_space<hbm>>) dst(%arg8 : memref<16x768xf32, #tpu.memory_space<vmem>>)
      %parallel_loop3A_882 = arith.constant 0 : i32
      %parallel_loop3A_883 = arith.constant 768 : i32
      %parallel_loop3A_884 = arith.constant 1 : i32
      scf.for %parallel_loop3A_1314 = %parallel_loop3A_882 to %parallel_loop3A_883 step %parallel_loop3A_884  : i32 {
        %parallel_loop3A_1315 = arith.constant 48 : i32
        %parallel_loop3A_1316 = arith.divsi %parallel_loop3A_1314, %parallel_loop3A_1315 : i32
        %parallel_loop3A_1317 = arith.constant 0 : i32
        %parallel_loop3A_1318 = arith.cmpi sgt, %parallel_loop3A_1314, %parallel_loop3A_1317 : i32
        %parallel_loop3A_1319 = arith.extui %parallel_loop3A_1318 : i1 to i32
        %parallel_loop3A_1320 = arith.constant 0 : i32
        %parallel_loop3A_1321 = arith.cmpi slt, %parallel_loop3A_1314, %parallel_loop3A_1320 : i32
        %parallel_loop3A_1322 = arith.extui %parallel_loop3A_1321 : i1 to i32
        %parallel_loop3A_1323 = arith.subi %parallel_loop3A_1319, %parallel_loop3A_1322 : i32
        %parallel_loop3A_1324 = arith.constant 0 : i32
        %parallel_loop3A_1325 = arith.cmpi sgt, %parallel_loop3A_1315, %parallel_loop3A_1324 : i32
        %parallel_loop3A_1326 = arith.extui %parallel_loop3A_1325 : i1 to i32
        %parallel_loop3A_1327 = arith.constant 0 : i32
        %parallel_loop3A_1328 = arith.cmpi slt, %parallel_loop3A_1315, %parallel_loop3A_1327 : i32
        %parallel_loop3A_1329 = arith.extui %parallel_loop3A_1328 : i1 to i32
        %parallel_loop3A_1330 = arith.subi %parallel_loop3A_1326, %parallel_loop3A_1329 : i32
        %parallel_loop3A_1331 = arith.cmpi ne, %parallel_loop3A_1323, %parallel_loop3A_1330 : i32
        %parallel_loop3A_1332 = arith.remsi %parallel_loop3A_1314, %parallel_loop3A_1315 : i32
        %parallel_loop3A_1333 = arith.constant 0 : i32
        %parallel_loop3A_1334 = arith.cmpi ne, %parallel_loop3A_1332, %parallel_loop3A_1333 : i32
        %parallel_loop3A_1335 = arith.andi %parallel_loop3A_1331, %parallel_loop3A_1334 : i1
        %parallel_loop3A_1336 = arith.constant 1 : i32
        %parallel_loop3A_1337 = arith.subi %parallel_loop3A_1316, %parallel_loop3A_1336 : i32
        %parallel_loop3A_1338 = arith.select %parallel_loop3A_1335, %parallel_loop3A_1337, %parallel_loop3A_1316 : i32
        %parallel_loop3A_1339 = arith.constant 48 : i32
        %parallel_loop3A_1340 = arith.muli %parallel_loop3A_1338, %parallel_loop3A_1339 : i32
        %parallel_loop3A_1341 = arith.subi %parallel_loop3A_1314, %parallel_loop3A_1340 : i32
        %parallel_loop3A_1342 = arith.constant 16 : i32
        %parallel_loop3A_1343 = arith.muli %parallel_loop3A_1341, %parallel_loop3A_1342 : i32
        %parallel_loop3A_1344 = arith.index_cast %parallel_loop3A_1338 : i32 to index
        %parallel_loop3A_1345 = arith.index_cast %parallel_loop3A_1343 : i32 to index
        %parallel_loop3A_1346 = tpu.vector_load %arg5[%parallel_loop3A_1344, %parallel_loop3A_1345] {strides = array<i32>} : memref<16x768xf32, #tpu.memory_space<vmem>>, vector<1x16xf32>,
        %parallel_loop3A_1347 = vector.shape_cast %parallel_loop3A_1346 : vector<1x16xf32> to vector<16xf32>
        %parallel_loop3A_1348 = arith.index_cast %parallel_loop3A_1338 : i32 to index
        %parallel_loop3A_1349 = arith.index_cast %parallel_loop3A_1343 : i32 to index
        %parallel_loop3A_1350 = tpu.vector_load %arg8[%parallel_loop3A_1348, %parallel_loop3A_1349] {strides = array<i32>} : memref<16x768xf32, #tpu.memory_space<vmem>>, vector<1x16xf32>,
        %parallel_loop3A_1351 = vector.shape_cast %parallel_loop3A_1350 : vector<1x16xf32> to vector<16xf32>
        %parallel_loop3A_1352 = vector.shape_cast %parallel_loop3A_1347 : vector<16xf32> to vector<1x16xf32>
        tpu.vector_store %arg8[%parallel_loop3A_1348, %parallel_loop3A_1349], %parallel_loop3A_1352 {add = true, strides = array<i32>} : memref<16x768xf32, #tpu.memory_space<vmem>>, vector<1x16xf32>,
      } {sc.loop_unroll_factor = 8 : i64, sc.parallel_access}
      %mul3A_885 = arith.constant 2 : i32
      %mul3A_886 = arith.muli %mul3A_885, %scan3A_748 : i32
      %add3A_887 = arith.constant 0 : i32
      %add3A_888 = arith.addi %mul3A_886, %add3A_887 : i32
      %mul3A_889 = arith.constant 16 : i32
      %mul3A_890 = arith.muli %add3A_888, %mul3A_889 : i32
      %add3A_891 = arith.addi %mul3A_2, %mul3A_890 : i32
      %multiple_of3A_892 = tpu.assume_multiple %add3A_891, 8 : i32
      %dma_start3A_893 = arith.constant 1 : i32
      %dma_start3A_894 = arith.constant 0 : i32
      %dma_start3A_895 = tpu.memref_slice %arg4[%dma_start3A_893, %multiple_of3A_892, %dma_start3A_894] : memref<4x8192x768xf32, #tpu.memory_space<hbm>> -> memref<1x16x768xf32, #tpu.memory_space<hbm>>
      %dma_start3A_896 = tpu.memref_squeeze %dma_start3A_895 : memref<1x16x768xf32, #tpu.memory_space<hbm>> -> memref<16x768xf32, #tpu.memory_space<hbm>>
      %dma_start3A_897 = arith.constant 0 : i32
      %dma_start3A_898 = tpu.memref_slice %arg4[%dma_start3A_893, %multiple_of3A_892, %dma_start3A_897] : memref<4x8192x768xf32, #tpu.memory_space<hbm>> -> memref<1x16x768xf32, #tpu.memory_space<hbm>>
      %dma_start3A_899 = tpu.memref_squeeze %dma_start3A_898 : memref<1x16x768xf32, #tpu.memory_space<hbm>> -> memref<16x768xf32, #tpu.memory_space<hbm>>
      tpu.enqueue_dma source(%arg8 : memref<16x768xf32, #tpu.memory_space<vmem>>) target(%dma_start3A_899 : memref<16x768xf32, #tpu.memory_space<hbm>>) target_semaphore(%arg26 : memref<!tpu.dma_semaphore, #tpu.memory_space<semaphore_mem>>)
      %sub3A_900 = arith.constant 1 : i32
      %sub3A_901 = arith.subi %scan3A_748, %sub3A_900 : i32
      %mul3A_902 = arith.constant 2 : i32
      %mul3A_903 = arith.muli %mul3A_902, %sub3A_901 : i32
      %add3A_904 = arith.constant 1 : i32
      %add3A_905 = arith.addi %mul3A_903, %add3A_904 : i32
      %mul3A_906 = arith.constant 16 : i32
      %mul3A_907 = arith.muli %add3A_905, %mul3A_906 : i32
      %add3A_908 = arith.addi %mul3A_2, %mul3A_907 : i32
      %multiple_of3A_909 = tpu.assume_multiple %add3A_908, 8 : i32
      %dma_wait3A_910 = arith.constant 2 : i32
      %dma_wait3A_911 = arith.constant 0 : i32
      %dma_wait3A_912 = tpu.memref_slice %arg4[%dma_wait3A_910, %multiple_of3A_909, %dma_wait3A_911] : memref<4x8192x768xf32, #tpu.memory_space<hbm>> -> memref<1x16x768xf32, #tpu.memory_space<hbm>>
      %dma_wait3A_913 = tpu.memref_squeeze %dma_wait3A_912 : memref<1x16x768xf32, #tpu.memory_space<hbm>> -> memref<16x768xf32, #tpu.memory_space<hbm>>
      %dma_wait3A_914 = arith.constant 0 : i32
      %dma_wait3A_915 = tpu.memref_slice %arg4[%dma_wait3A_910, %multiple_of3A_909, %dma_wait3A_914] : memref<4x8192x768xf32, #tpu.memory_space<hbm>> -> memref<1x16x768xf32, #tpu.memory_space<hbm>>
      %dma_wait3A_916 = tpu.memref_squeeze %dma_wait3A_915 : memref<1x16x768xf32, #tpu.memory_space<hbm>> -> memref<16x768xf32, #tpu.memory_space<hbm>>
      tpu.wait_dma2 semaphore(%arg31 : memref<!tpu.dma_semaphore, #tpu.memory_space<semaphore_mem>>) src(%arg13 : memref<16x768xf32, #tpu.memory_space<vmem>>) dst(%dma_wait3A_916 : memref<16x768xf32, #tpu.memory_space<hbm>>)
      %mul3A_917 = arith.constant 2 : i32
      %mul3A_918 = arith.muli %mul3A_917, %scan3A_748 : i32
      %add3A_919 = arith.constant 1 : i32
      %add3A_920 = arith.addi %mul3A_918, %add3A_919 : i32
      %mul3A_921 = arith.constant 16 : i32
      %mul3A_922 = arith.muli %add3A_920, %mul3A_921 : i32
      %add3A_923 = arith.addi %mul3A_2, %mul3A_922 : i32
      %multiple_of3A_924 = tpu.assume_multiple %add3A_923, 8 : i32
      %dma_start3A_925 = arith.constant 2 : i32
      %dma_start3A_926 = arith.constant 0 : i32
      %dma_start3A_927 = tpu.memref_slice %arg2[%dma_start3A_925, %multiple_of3A_924, %dma_start3A_926] : memref<4x8192x768xf32, #tpu.memory_space<hbm>> -> memref<1x16x768xf32, #tpu.memory_space<hbm>>
      %dma_start3A_928 = tpu.memref_squeeze %dma_start3A_927 : memref<1x16x768xf32, #tpu.memory_space<hbm>> -> memref<16x768xf32, #tpu.memory_space<hbm>>
      %dma_start3A_929 = arith.constant 0 : i32
      %dma_start3A_930 = tpu.memref_slice %arg2[%dma_start3A_925, %multiple_of3A_924, %dma_start3A_929] : memref<4x8192x768xf32, #tpu.memory_space<hbm>> -> memref<1x16x768xf32, #tpu.memory_space<hbm>>
      %dma_start3A_931 = tpu.memref_squeeze %dma_start3A_930 : memref<1x16x768xf32, #tpu.memory_space<hbm>> -> memref<16x768xf32, #tpu.memory_space<hbm>>
      tpu.enqueue_dma source(%dma_start3A_931 : memref<16x768xf32, #tpu.memory_space<hbm>>) target(%arg13 : memref<16x768xf32, #tpu.memory_space<vmem>>) target_semaphore(%arg23 : memref<!tpu.dma_semaphore, #tpu.memory_space<semaphore_mem>>)
      %mul3A_932 = arith.constant 2 : i32
      %mul3A_933 = arith.muli %mul3A_932, %scan3A_748 : i32
      %add3A_934 = arith.constant 0 : i32
      %add3A_935 = arith.addi %mul3A_933, %add3A_934 : i32
      %mul3A_936 = arith.constant 16 : i32
      %mul3A_937 = arith.muli %add3A_935, %mul3A_936 : i32
      %add3A_938 = arith.addi %mul3A_2, %mul3A_937 : i32
      %multiple_of3A_939 = tpu.assume_multiple %add3A_938, 8 : i32
      %dma_wait3A_940 = arith.constant 2 : i32
      %dma_wait3A_941 = arith.constant 0 : i32
      %dma_wait3A_942 = tpu.memref_slice %arg2[%dma_wait3A_940, %multiple_of3A_939, %dma_wait3A_941] : memref<4x8192x768xf32, #tpu.memory_space<hbm>> -> memref<1x16x768xf32, #tpu.memory_space<hbm>>
      %dma_wait3A_943 = tpu.memref_squeeze %dma_wait3A_942 : memref<1x16x768xf32, #tpu.memory_space<hbm>> -> memref<16x768xf32, #tpu.memory_space<hbm>>
      %dma_wait3A_944 = arith.constant 0 : i32
      %dma_wait3A_945 = tpu.memref_slice %arg2[%dma_wait3A_940, %multiple_of3A_939, %dma_wait3A_944] : memref<4x8192x768xf32, #tpu.memory_space<hbm>> -> memref<1x16x768xf32, #tpu.memory_space<hbm>>
      %dma_wait3A_946 = tpu.memref_squeeze %dma_wait3A_945 : memref<1x16x768xf32, #tpu.memory_space<hbm>> -> memref<16x768xf32, #tpu.memory_space<hbm>>
      tpu.wait_dma2 semaphore(%arg19 : memref<!tpu.dma_semaphore, #tpu.memory_space<semaphore_mem>>) src(%dma_wait3A_946 : memref<16x768xf32, #tpu.memory_space<hbm>>) dst(%arg9 : memref<16x768xf32, #tpu.memory_space<vmem>>)
      %parallel_loop3A_947 = arith.constant 0 : i32
      %parallel_loop3A_948 = arith.constant 768 : i32
      %parallel_loop3A_949 = arith.constant 1 : i32
      scf.for %parallel_loop3A_1314 = %parallel_loop3A_947 to %parallel_loop3A_948 step %parallel_loop3A_949  : i32 {
        %parallel_loop3A_1315 = arith.constant 48 : i32
        %parallel_loop3A_1316 = arith.divsi %parallel_loop3A_1314, %parallel_loop3A_1315 : i32
        %parallel_loop3A_1317 = arith.constant 0 : i32
        %parallel_loop3A_1318 = arith.cmpi sgt, %parallel_loop3A_1314, %parallel_loop3A_1317 : i32
        %parallel_loop3A_1319 = arith.extui %parallel_loop3A_1318 : i1 to i32
        %parallel_loop3A_1320 = arith.constant 0 : i32
        %parallel_loop3A_1321 = arith.cmpi slt, %parallel_loop3A_1314, %parallel_loop3A_1320 : i32
        %parallel_loop3A_1322 = arith.extui %parallel_loop3A_1321 : i1 to i32
        %parallel_loop3A_1323 = arith.subi %parallel_loop3A_1319, %parallel_loop3A_1322 : i32
        %parallel_loop3A_1324 = arith.constant 0 : i32
        %parallel_loop3A_1325 = arith.cmpi sgt, %parallel_loop3A_1315, %parallel_loop3A_1324 : i32
        %parallel_loop3A_1326 = arith.extui %parallel_loop3A_1325 : i1 to i32
        %parallel_loop3A_1327 = arith.constant 0 : i32
        %parallel_loop3A_1328 = arith.cmpi slt, %parallel_loop3A_1315, %parallel_loop3A_1327 : i32
        %parallel_loop3A_1329 = arith.extui %parallel_loop3A_1328 : i1 to i32
        %parallel_loop3A_1330 = arith.subi %parallel_loop3A_1326, %parallel_loop3A_1329 : i32
        %parallel_loop3A_1331 = arith.cmpi ne, %parallel_loop3A_1323, %parallel_loop3A_1330 : i32
        %parallel_loop3A_1332 = arith.remsi %parallel_loop3A_1314, %parallel_loop3A_1315 : i32
        %parallel_loop3A_1333 = arith.constant 0 : i32
        %parallel_loop3A_1334 = arith.cmpi ne, %parallel_loop3A_1332, %parallel_loop3A_1333 : i32
        %parallel_loop3A_1335 = arith.andi %parallel_loop3A_1331, %parallel_loop3A_1334 : i1
        %parallel_loop3A_1336 = arith.constant 1 : i32
        %parallel_loop3A_1337 = arith.subi %parallel_loop3A_1316, %parallel_loop3A_1336 : i32
        %parallel_loop3A_1338 = arith.select %parallel_loop3A_1335, %parallel_loop3A_1337, %parallel_loop3A_1316 : i32
        %parallel_loop3A_1339 = arith.constant 48 : i32
        %parallel_loop3A_1340 = arith.muli %parallel_loop3A_1338, %parallel_loop3A_1339 : i32
        %parallel_loop3A_1341 = arith.subi %parallel_loop3A_1314, %parallel_loop3A_1340 : i32
        %parallel_loop3A_1342 = arith.constant 16 : i32
        %parallel_loop3A_1343 = arith.muli %parallel_loop3A_1341, %parallel_loop3A_1342 : i32
        %parallel_loop3A_1344 = arith.index_cast %parallel_loop3A_1338 : i32 to index
        %parallel_loop3A_1345 = arith.index_cast %parallel_loop3A_1343 : i32 to index
        %parallel_loop3A_1346 = tpu.vector_load %arg5[%parallel_loop3A_1344, %parallel_loop3A_1345] {strides = array<i32>} : memref<16x768xf32, #tpu.memory_space<vmem>>, vector<1x16xf32>,
        %parallel_loop3A_1347 = vector.shape_cast %parallel_loop3A_1346 : vector<1x16xf32> to vector<16xf32>
        %parallel_loop3A_1348 = arith.index_cast %parallel_loop3A_1338 : i32 to index
        %parallel_loop3A_1349 = arith.index_cast %parallel_loop3A_1343 : i32 to index
        %parallel_loop3A_1350 = tpu.vector_load %arg9[%parallel_loop3A_1348, %parallel_loop3A_1349] {strides = array<i32>} : memref<16x768xf32, #tpu.memory_space<vmem>>, vector<1x16xf32>,
        %parallel_loop3A_1351 = vector.shape_cast %parallel_loop3A_1350 : vector<1x16xf32> to vector<16xf32>
        %parallel_loop3A_1352 = vector.shape_cast %parallel_loop3A_1347 : vector<16xf32> to vector<1x16xf32>
        tpu.vector_store %arg9[%parallel_loop3A_1348, %parallel_loop3A_1349], %parallel_loop3A_1352 {add = true, strides = array<i32>} : memref<16x768xf32, #tpu.memory_space<vmem>>, vector<1x16xf32>,
      } {sc.loop_unroll_factor = 8 : i64, sc.parallel_access}
      %mul3A_950 = arith.constant 2 : i32
      %mul3A_951 = arith.muli %mul3A_950, %scan3A_748 : i32
      %add3A_952 = arith.constant 0 : i32
      %add3A_953 = arith.addi %mul3A_951, %add3A_952 : i32
      %mul3A_954 = arith.constant 16 : i32
      %mul3A_955 = arith.muli %add3A_953, %mul3A_954 : i32
      %add3A_956 = arith.addi %mul3A_2, %mul3A_955 : i32
      %multiple_of3A_957 = tpu.assume_multiple %add3A_956, 8 : i32
      %dma_start3A_958 = arith.constant 2 : i32
      %dma_start3A_959 = arith.constant 0 : i32
      %dma_start3A_960 = tpu.memref_slice %arg4[%dma_start3A_958, %multiple_of3A_957, %dma_start3A_959] : memref<4x8192x768xf32, #tpu.memory_space<hbm>> -> memref<1x16x768xf32, #tpu.memory_space<hbm>>
      %dma_start3A_961 = tpu.memref_squeeze %dma_start3A_960 : memref<1x16x768xf32, #tpu.memory_space<hbm>> -> memref<16x768xf32, #tpu.memory_space<hbm>>
      %dma_start3A_962 = arith.constant 0 : i32
      %dma_start3A_963 = tpu.memref_slice %arg4[%dma_start3A_958, %multiple_of3A_957, %dma_start3A_962] : memref<4x8192x768xf32, #tpu.memory_space<hbm>> -> memref<1x16x768xf32, #tpu.memory_space<hbm>>
      %dma_start3A_964 = tpu.memref_squeeze %dma_start3A_963 : memref<1x16x768xf32, #tpu.memory_space<hbm>> -> memref<16x768xf32, #tpu.memory_space<hbm>>
      tpu.enqueue_dma source(%arg9 : memref<16x768xf32, #tpu.memory_space<vmem>>) target(%dma_start3A_964 : memref<16x768xf32, #tpu.memory_space<hbm>>) target_semaphore(%arg27 : memref<!tpu.dma_semaphore, #tpu.memory_space<semaphore_mem>>)
      %sub3A_965 = arith.constant 1 : i32
      %sub3A_966 = arith.subi %scan3A_748, %sub3A_965 : i32
      %mul3A_967 = arith.constant 2 : i32
      %mul3A_968 = arith.muli %mul3A_967, %sub3A_966 : i32
      %add3A_969 = arith.constant 1 : i32
      %add3A_970 = arith.addi %mul3A_968, %add3A_969 : i32
      %mul3A_971 = arith.constant 16 : i32
      %mul3A_972 = arith.muli %add3A_970, %mul3A_971 : i32
      %add3A_973 = arith.addi %mul3A_2, %mul3A_972 : i32
      %multiple_of3A_974 = tpu.assume_multiple %add3A_973, 8 : i32
      %dma_wait3A_975 = arith.constant 3 : i32
      %dma_wait3A_976 = arith.constant 0 : i32
      %dma_wait3A_977 = tpu.memref_slice %arg4[%dma_wait3A_975, %multiple_of3A_974, %dma_wait3A_976] : memref<4x8192x768xf32, #tpu.memory_space<hbm>> -> memref<1x16x768xf32, #tpu.memory_space<hbm>>
      %dma_wait3A_978 = tpu.memref_squeeze %dma_wait3A_977 : memref<1x16x768xf32, #tpu.memory_space<hbm>> -> memref<16x768xf32, #tpu.memory_space<hbm>>
      %dma_wait3A_979 = arith.constant 0 : i32
      %dma_wait3A_980 = tpu.memref_slice %arg4[%dma_wait3A_975, %multiple_of3A_974, %dma_wait3A_979] : memref<4x8192x768xf32, #tpu.memory_space<hbm>> -> memref<1x16x768xf32, #tpu.memory_space<hbm>>
      %dma_wait3A_981 = tpu.memref_squeeze %dma_wait3A_980 : memref<1x16x768xf32, #tpu.memory_space<hbm>> -> memref<16x768xf32, #tpu.memory_space<hbm>>
      tpu.wait_dma2 semaphore(%arg32 : memref<!tpu.dma_semaphore, #tpu.memory_space<semaphore_mem>>) src(%arg14 : memref<16x768xf32, #tpu.memory_space<vmem>>) dst(%dma_wait3A_981 : memref<16x768xf32, #tpu.memory_space<hbm>>)
      %mul3A_982 = arith.constant 2 : i32
      %mul3A_983 = arith.muli %mul3A_982, %scan3A_748 : i32
      %add3A_984 = arith.constant 1 : i32
      %add3A_985 = arith.addi %mul3A_983, %add3A_984 : i32
      %mul3A_986 = arith.constant 16 : i32
      %mul3A_987 = arith.muli %add3A_985, %mul3A_986 : i32
      %add3A_988 = arith.addi %mul3A_2, %mul3A_987 : i32
      %multiple_of3A_989 = tpu.assume_multiple %add3A_988, 8 : i32
      %dma_start3A_990 = arith.constant 3 : i32
      %dma_start3A_991 = arith.constant 0 : i32
      %dma_start3A_992 = tpu.memref_slice %arg2[%dma_start3A_990, %multiple_of3A_989, %dma_start3A_991] : memref<4x8192x768xf32, #tpu.memory_space<hbm>> -> memref<1x16x768xf32, #tpu.memory_space<hbm>>
      %dma_start3A_993 = tpu.memref_squeeze %dma_start3A_992 : memref<1x16x768xf32, #tpu.memory_space<hbm>> -> memref<16x768xf32, #tpu.memory_space<hbm>>
      %dma_start3A_994 = arith.constant 0 : i32
      %dma_start3A_995 = tpu.memref_slice %arg2[%dma_start3A_990, %multiple_of3A_989, %dma_start3A_994] : memref<4x8192x768xf32, #tpu.memory_space<hbm>> -> memref<1x16x768xf32, #tpu.memory_space<hbm>>
      %dma_start3A_996 = tpu.memref_squeeze %dma_start3A_995 : memref<1x16x768xf32, #tpu.memory_space<hbm>> -> memref<16x768xf32, #tpu.memory_space<hbm>>
      tpu.enqueue_dma source(%dma_start3A_996 : memref<16x768xf32, #tpu.memory_space<hbm>>) target(%arg14 : memref<16x768xf32, #tpu.memory_space<vmem>>) target_semaphore(%arg24 : memref<!tpu.dma_semaphore, #tpu.memory_space<semaphore_mem>>)
      %mul3A_997 = arith.constant 2 : i32
      %mul3A_998 = arith.muli %mul3A_997, %scan3A_748 : i32
      %add3A_999 = arith.constant 0 : i32
      %add3A_1000 = arith.addi %mul3A_998, %add3A_999 : i32
      %mul3A_1001 = arith.constant 16 : i32
      %mul3A_1002 = arith.muli %add3A_1000, %mul3A_1001 : i32
      %add3A_1003 = arith.addi %mul3A_2, %mul3A_1002 : i32
      %multiple_of3A_1004 = tpu.assume_multiple %add3A_1003, 8 : i32
      %dma_wait3A_1005 = arith.constant 3 : i32
      %dma_wait3A_1006 = arith.constant 0 : i32
      %dma_wait3A_1007 = tpu.memref_slice %arg2[%dma_wait3A_1005, %multiple_of3A_1004, %dma_wait3A_1006] : memref<4x8192x768xf32, #tpu.memory_space<hbm>> -> memref<1x16x768xf32, #tpu.memory_space<hbm>>
      %dma_wait3A_1008 = tpu.memref_squeeze %dma_wait3A_1007 : memref<1x16x768xf32, #tpu.memory_space<hbm>> -> memref<16x768xf32, #tpu.memory_space<hbm>>
      %dma_wait3A_1009 = arith.constant 0 : i32
      %dma_wait3A_1010 = tpu.memref_slice %arg2[%dma_wait3A_1005, %multiple_of3A_1004, %dma_wait3A_1009] : memref<4x8192x768xf32, #tpu.memory_space<hbm>> -> memref<1x16x768xf32, #tpu.memory_space<hbm>>
      %dma_wait3A_1011 = tpu.memref_squeeze %dma_wait3A_1010 : memref<1x16x768xf32, #tpu.memory_space<hbm>> -> memref<16x768xf32, #tpu.memory_space<hbm>>
      tpu.wait_dma2 semaphore(%arg20 : memref<!tpu.dma_semaphore, #tpu.memory_space<semaphore_mem>>) src(%dma_wait3A_1011 : memref<16x768xf32, #tpu.memory_space<hbm>>) dst(%arg10 : memref<16x768xf32, #tpu.memory_space<vmem>>)
      %parallel_loop3A_1012 = arith.constant 0 : i32
      %parallel_loop3A_1013 = arith.constant 768 : i32
      %parallel_loop3A_1014 = arith.constant 1 : i32
      scf.for %parallel_loop3A_1314 = %parallel_loop3A_1012 to %parallel_loop3A_1013 step %parallel_loop3A_1014  : i32 {
        %parallel_loop3A_1315 = arith.constant 48 : i32
        %parallel_loop3A_1316 = arith.divsi %parallel_loop3A_1314, %parallel_loop3A_1315 : i32
        %parallel_loop3A_1317 = arith.constant 0 : i32
        %parallel_loop3A_1318 = arith.cmpi sgt, %parallel_loop3A_1314, %parallel_loop3A_1317 : i32
        %parallel_loop3A_1319 = arith.extui %parallel_loop3A_1318 : i1 to i32
        %parallel_loop3A_1320 = arith.constant 0 : i32
        %parallel_loop3A_1321 = arith.cmpi slt, %parallel_loop3A_1314, %parallel_loop3A_1320 : i32
        %parallel_loop3A_1322 = arith.extui %parallel_loop3A_1321 : i1 to i32
        %parallel_loop3A_1323 = arith.subi %parallel_loop3A_1319, %parallel_loop3A_1322 : i32
        %parallel_loop3A_1324 = arith.constant 0 : i32
        %parallel_loop3A_1325 = arith.cmpi sgt, %parallel_loop3A_1315, %parallel_loop3A_1324 : i32
        %parallel_loop3A_1326 = arith.extui %parallel_loop3A_1325 : i1 to i32
        %parallel_loop3A_1327 = arith.constant 0 : i32
        %parallel_loop3A_1328 = arith.cmpi slt, %parallel_loop3A_1315, %parallel_loop3A_1327 : i32
        %parallel_loop3A_1329 = arith.extui %parallel_loop3A_1328 : i1 to i32
        %parallel_loop3A_1330 = arith.subi %parallel_loop3A_1326, %parallel_loop3A_1329 : i32
        %parallel_loop3A_1331 = arith.cmpi ne, %parallel_loop3A_1323, %parallel_loop3A_1330 : i32
        %parallel_loop3A_1332 = arith.remsi %parallel_loop3A_1314, %parallel_loop3A_1315 : i32
        %parallel_loop3A_1333 = arith.constant 0 : i32
        %parallel_loop3A_1334 = arith.cmpi ne, %parallel_loop3A_1332, %parallel_loop3A_1333 : i32
        %parallel_loop3A_1335 = arith.andi %parallel_loop3A_1331, %parallel_loop3A_1334 : i1
        %parallel_loop3A_1336 = arith.constant 1 : i32
        %parallel_loop3A_1337 = arith.subi %parallel_loop3A_1316, %parallel_loop3A_1336 : i32
        %parallel_loop3A_1338 = arith.select %parallel_loop3A_1335, %parallel_loop3A_1337, %parallel_loop3A_1316 : i32
        %parallel_loop3A_1339 = arith.constant 48 : i32
        %parallel_loop3A_1340 = arith.muli %parallel_loop3A_1338, %parallel_loop3A_1339 : i32
        %parallel_loop3A_1341 = arith.subi %parallel_loop3A_1314, %parallel_loop3A_1340 : i32
        %parallel_loop3A_1342 = arith.constant 16 : i32
        %parallel_loop3A_1343 = arith.muli %parallel_loop3A_1341, %parallel_loop3A_1342 : i32
        %parallel_loop3A_1344 = arith.index_cast %parallel_loop3A_1338 : i32 to index
        %parallel_loop3A_1345 = arith.index_cast %parallel_loop3A_1343 : i32 to index
        %parallel_loop3A_1346 = tpu.vector_load %arg5[%parallel_loop3A_1344, %parallel_loop3A_1345] {strides = array<i32>} : memref<16x768xf32, #tpu.memory_space<vmem>>, vector<1x16xf32>,
        %parallel_loop3A_1347 = vector.shape_cast %parallel_loop3A_1346 : vector<1x16xf32> to vector<16xf32>
        %parallel_loop3A_1348 = arith.index_cast %parallel_loop3A_1338 : i32 to index
        %parallel_loop3A_1349 = arith.index_cast %parallel_loop3A_1343 : i32 to index
        %parallel_loop3A_1350 = tpu.vector_load %arg10[%parallel_loop3A_1348, %parallel_loop3A_1349] {strides = array<i32>} : memref<16x768xf32, #tpu.memory_space<vmem>>, vector<1x16xf32>,
        %parallel_loop3A_1351 = vector.shape_cast %parallel_loop3A_1350 : vector<1x16xf32> to vector<16xf32>
        %parallel_loop3A_1352 = vector.shape_cast %parallel_loop3A_1347 : vector<16xf32> to vector<1x16xf32>
        tpu.vector_store %arg10[%parallel_loop3A_1348, %parallel_loop3A_1349], %parallel_loop3A_1352 {add = true, strides = array<i32>} : memref<16x768xf32, #tpu.memory_space<vmem>>, vector<1x16xf32>,
      } {sc.loop_unroll_factor = 8 : i64, sc.parallel_access}
      %mul3A_1015 = arith.constant 2 : i32
      %mul3A_1016 = arith.muli %mul3A_1015, %scan3A_748 : i32
      %add3A_1017 = arith.constant 0 : i32
      %add3A_1018 = arith.addi %mul3A_1016, %add3A_1017 : i32
      %mul3A_1019 = arith.constant 16 : i32
      %mul3A_1020 = arith.muli %add3A_1018, %mul3A_1019 : i32
      %add3A_1021 = arith.addi %mul3A_2, %mul3A_1020 : i32
      %multiple_of3A_1022 = tpu.assume_multiple %add3A_1021, 8 : i32
      %dma_start3A_1023 = arith.constant 3 : i32
      %dma_start3A_1024 = arith.constant 0 : i32
      %dma_start3A_1025 = tpu.memref_slice %arg4[%dma_start3A_1023, %multiple_of3A_1022, %dma_start3A_1024] : memref<4x8192x768xf32, #tpu.memory_space<hbm>> -> memref<1x16x768xf32, #tpu.memory_space<hbm>>
      %dma_start3A_1026 = tpu.memref_squeeze %dma_start3A_1025 : memref<1x16x768xf32, #tpu.memory_space<hbm>> -> memref<16x768xf32, #tpu.memory_space<hbm>>
      %dma_start3A_1027 = arith.constant 0 : i32
      %dma_start3A_1028 = tpu.memref_slice %arg4[%dma_start3A_1023, %multiple_of3A_1022, %dma_start3A_1027] : memref<4x8192x768xf32, #tpu.memory_space<hbm>> -> memref<1x16x768xf32, #tpu.memory_space<hbm>>
      %dma_start3A_1029 = tpu.memref_squeeze %dma_start3A_1028 : memref<1x16x768xf32, #tpu.memory_space<hbm>> -> memref<16x768xf32, #tpu.memory_space<hbm>>
      tpu.enqueue_dma source(%arg10 : memref<16x768xf32, #tpu.memory_space<vmem>>) target(%dma_start3A_1029 : memref<16x768xf32, #tpu.memory_space<hbm>>) target_semaphore(%arg28 : memref<!tpu.dma_semaphore, #tpu.memory_space<semaphore_mem>>)
      %mul3A_1030 = arith.constant 2 : i32
      %mul3A_1031 = arith.muli %mul3A_1030, %scan3A_748 : i32
      %add3A_1032 = arith.constant 1 : i32
      %add3A_1033 = arith.addi %mul3A_1031, %add3A_1032 : i32
      %mul3A_1034 = arith.constant 16 : i32
      %mul3A_1035 = arith.muli %add3A_1033, %mul3A_1034 : i32
      %add3A_1036 = arith.addi %mul3A_2, %mul3A_1035 : i32
      %multiple_of3A_1037 = tpu.assume_multiple %add3A_1036, 8 : i32
      %dma_wait3A_1038 = arith.constant 0 : i32
      %dma_wait3A_1039 = tpu.memref_slice %arg3[%multiple_of3A_1037, %dma_wait3A_1038] : memref<8192x768xf32, #tpu.memory_space<hbm>> -> memref<16x768xf32, #tpu.memory_space<hbm>>
      %dma_wait3A_1040 = arith.constant 0 : i32
      %dma_wait3A_1041 = tpu.memref_slice %arg3[%multiple_of3A_1037, %dma_wait3A_1040] : memref<8192x768xf32, #tpu.memory_space<hbm>> -> memref<16x768xf32, #tpu.memory_space<hbm>>
      tpu.wait_dma2 semaphore(%arg16 : memref<!tpu.dma_semaphore, #tpu.memory_space<semaphore_mem>>) src(%dma_wait3A_1041 : memref<16x768xf32, #tpu.memory_space<hbm>>) dst(%arg6 : memref<16x768xf32, #tpu.memory_space<vmem>>)
      %mul3A_1042 = arith.constant 2 : i32
      %mul3A_1043 = arith.muli %mul3A_1042, %scan3A_748 : i32
      %add3A_1044 = arith.constant 2 : i32
      %add3A_1045 = arith.addi %mul3A_1043, %add3A_1044 : i32
      %mul3A_1046 = arith.constant 16 : i32
      %mul3A_1047 = arith.muli %add3A_1045, %mul3A_1046 : i32
      %add3A_1048 = arith.addi %mul3A_2, %mul3A_1047 : i32
      %multiple_of3A_1049 = tpu.assume_multiple %add3A_1048, 8 : i32
      %dma_start3A_1050 = arith.constant 0 : i32
      %dma_start3A_1051 = tpu.memref_slice %arg3[%multiple_of3A_1049, %dma_start3A_1050] : memref<8192x768xf32, #tpu.memory_space<hbm>> -> memref<16x768xf32, #tpu.memory_space<hbm>>
      %dma_start3A_1052 = arith.constant 0 : i32
      %dma_start3A_1053 = tpu.memref_slice %arg3[%multiple_of3A_1049, %dma_start3A_1052] : memref<8192x768xf32, #tpu.memory_space<hbm>> -> memref<16x768xf32, #tpu.memory_space<hbm>>
      tpu.enqueue_dma source(%dma_start3A_1053 : memref<16x768xf32, #tpu.memory_space<hbm>>) target(%arg5 : memref<16x768xf32, #tpu.memory_space<vmem>>) target_semaphore(%arg15 : memref<!tpu.dma_semaphore, #tpu.memory_space<semaphore_mem>>)
      %mul3A_1054 = arith.constant 2 : i32
      %mul3A_1055 = arith.muli %mul3A_1054, %scan3A_748 : i32
      %add3A_1056 = arith.constant 0 : i32
      %add3A_1057 = arith.addi %mul3A_1055, %add3A_1056 : i32
      %mul3A_1058 = arith.constant 16 : i32
      %mul3A_1059 = arith.muli %add3A_1057, %mul3A_1058 : i32
      %add3A_1060 = arith.addi %mul3A_2, %mul3A_1059 : i32
      %multiple_of3A_1061 = tpu.assume_multiple %add3A_1060, 8 : i32
      %dma_wait3A_1062 = arith.constant 0 : i32
      %dma_wait3A_1063 = arith.constant 0 : i32
      %dma_wait3A_1064 = tpu.memref_slice %arg4[%dma_wait3A_1062, %multiple_of3A_1061, %dma_wait3A_1063] : memref<4x8192x768xf32, #tpu.memory_space<hbm>> -> memref<1x16x768xf32, #tpu.memory_space<hbm>>
      %dma_wait3A_1065 = tpu.memref_squeeze %dma_wait3A_1064 : memref<1x16x768xf32, #tpu.memory_space<hbm>> -> memref<16x768xf32, #tpu.memory_space<hbm>>
      %dma_wait3A_1066 = arith.constant 0 : i32
      %dma_wait3A_1067 = tpu.memref_slice %arg4[%dma_wait3A_1062, %multiple_of3A_1061, %dma_wait3A_1066] : memref<4x8192x768xf32, #tpu.memory_space<hbm>> -> memref<1x16x768xf32, #tpu.memory_space<hbm>>
      %dma_wait3A_1068 = tpu.memref_squeeze %dma_wait3A_1067 : memref<1x16x768xf32, #tpu.memory_space<hbm>> -> memref<16x768xf32, #tpu.memory_space<hbm>>
      tpu.wait_dma2 semaphore(%arg25 : memref<!tpu.dma_semaphore, #tpu.memory_space<semaphore_mem>>) src(%arg7 : memref<16x768xf32, #tpu.memory_space<vmem>>) dst(%dma_wait3A_1068 : memref<16x768xf32, #tpu.memory_space<hbm>>)
      %add3A_1069 = arith.constant 1 : i32
      %add3A_1070 = arith.addi %scan3A_748, %add3A_1069 : i32
      %mul3A_1071 = arith.constant 2 : i32
      %mul3A_1072 = arith.muli %mul3A_1071, %add3A_1070 : i32
      %add3A_1073 = arith.constant 0 : i32
      %add3A_1074 = arith.addi %mul3A_1072, %add3A_1073 : i32
      %mul3A_1075 = arith.constant 16 : i32
      %mul3A_1076 = arith.muli %add3A_1074, %mul3A_1075 : i32
      %add3A_1077 = arith.addi %mul3A_2, %mul3A_1076 : i32
      %multiple_of3A_1078 = tpu.assume_multiple %add3A_1077, 8 : i32
      %dma_start3A_1079 = arith.constant 0 : i32
      %dma_start3A_1080 = arith.constant 0 : i32
      %dma_start3A_1081 = tpu.memref_slice %arg2[%dma_start3A_1079, %multiple_of3A_1078, %dma_start3A_1080] : memref<4x8192x768xf32, #tpu.memory_space<hbm>> -> memref<1x16x768xf32, #tpu.memory_space<hbm>>
      %dma_start3A_1082 = tpu.memref_squeeze %dma_start3A_1081 : memref<1x16x768xf32, #tpu.memory_space<hbm>> -> memref<16x768xf32, #tpu.memory_space<hbm>>
      %dma_start3A_1083 = arith.constant 0 : i32
      %dma_start3A_1084 = tpu.memref_slice %arg2[%dma_start3A_1079, %multiple_of3A_1078, %dma_start3A_1083] : memref<4x8192x768xf32, #tpu.memory_space<hbm>> -> memref<1x16x768xf32, #tpu.memory_space<hbm>>
      %dma_start3A_1085 = tpu.memref_squeeze %dma_start3A_1084 : memref<1x16x768xf32, #tpu.memory_space<hbm>> -> memref<16x768xf32, #tpu.memory_space<hbm>>
      tpu.enqueue_dma source(%dma_start3A_1085 : memref<16x768xf32, #tpu.memory_space<hbm>>) target(%arg7 : memref<16x768xf32, #tpu.memory_space<vmem>>) target_semaphore(%arg17 : memref<!tpu.dma_semaphore, #tpu.memory_space<semaphore_mem>>)
      %mul3A_1086 = arith.constant 2 : i32
      %mul3A_1087 = arith.muli %mul3A_1086, %scan3A_748 : i32
      %add3A_1088 = arith.constant 1 : i32
      %add3A_1089 = arith.addi %mul3A_1087, %add3A_1088 : i32
      %mul3A_1090 = arith.constant 16 : i32
      %mul3A_1091 = arith.muli %add3A_1089, %mul3A_1090 : i32
      %add3A_1092 = arith.addi %mul3A_2, %mul3A_1091 : i32
      %multiple_of3A_1093 = tpu.assume_multiple %add3A_1092, 8 : i32
      %dma_wait3A_1094 = arith.constant 0 : i32
      %dma_wait3A_1095 = arith.constant 0 : i32
      %dma_wait3A_1096 = tpu.memref_slice %arg2[%dma_wait3A_1094, %multiple_of3A_1093, %dma_wait3A_1095] : memref<4x8192x768xf32, #tpu.memory_space<hbm>> -> memref<1x16x768xf32, #tpu.memory_space<hbm>>
      %dma_wait3A_1097 = tpu.memref_squeeze %dma_wait3A_1096 : memref<1x16x768xf32, #tpu.memory_space<hbm>> -> memref<16x768xf32, #tpu.memory_space<hbm>>
      %dma_wait3A_1098 = arith.constant 0 : i32
      %dma_wait3A_1099 = tpu.memref_slice %arg2[%dma_wait3A_1094, %multiple_of3A_1093, %dma_wait3A_1098] : memref<4x8192x768xf32, #tpu.memory_space<hbm>> -> memref<1x16x768xf32, #tpu.memory_space<hbm>>
      %dma_wait3A_1100 = tpu.memref_squeeze %dma_wait3A_1099 : memref<1x16x768xf32, #tpu.memory_space<hbm>> -> memref<16x768xf32, #tpu.memory_space<hbm>>
      tpu.wait_dma2 semaphore(%arg21 : memref<!tpu.dma_semaphore, #tpu.memory_space<semaphore_mem>>) src(%dma_wait3A_1100 : memref<16x768xf32, #tpu.memory_space<hbm>>) dst(%arg11 : memref<16x768xf32, #tpu.memory_space<vmem>>)
      %parallel_loop3A_1101 = arith.constant 0 : i32
      %parallel_loop3A_1102 = arith.constant 768 : i32
      %parallel_loop3A_1103 = arith.constant 1 : i32
      scf.for %parallel_loop3A_1314 = %parallel_loop3A_1101 to %parallel_loop3A_1102 step %parallel_loop3A_1103  : i32 {
        %parallel_loop3A_1315 = arith.constant 48 : i32
        %parallel_loop3A_1316 = arith.divsi %parallel_loop3A_1314, %parallel_loop3A_1315 : i32
        %parallel_loop3A_1317 = arith.constant 0 : i32
        %parallel_loop3A_1318 = arith.cmpi sgt, %parallel_loop3A_1314, %parallel_loop3A_1317 : i32
        %parallel_loop3A_1319 = arith.extui %parallel_loop3A_1318 : i1 to i32
        %parallel_loop3A_1320 = arith.constant 0 : i32
        %parallel_loop3A_1321 = arith.cmpi slt, %parallel_loop3A_1314, %parallel_loop3A_1320 : i32
        %parallel_loop3A_1322 = arith.extui %parallel_loop3A_1321 : i1 to i32
        %parallel_loop3A_1323 = arith.subi %parallel_loop3A_1319, %parallel_loop3A_1322 : i32
        %parallel_loop3A_1324 = arith.constant 0 : i32
        %parallel_loop3A_1325 = arith.cmpi sgt, %parallel_loop3A_1315, %parallel_loop3A_1324 : i32
        %parallel_loop3A_1326 = arith.extui %parallel_loop3A_1325 : i1 to i32
        %parallel_loop3A_1327 = arith.constant 0 : i32
        %parallel_loop3A_1328 = arith.cmpi slt, %parallel_loop3A_1315, %parallel_loop3A_1327 : i32
        %parallel_loop3A_1329 = arith.extui %parallel_loop3A_1328 : i1 to i32
        %parallel_loop3A_1330 = arith.subi %parallel_loop3A_1326, %parallel_loop3A_1329 : i32
        %parallel_loop3A_1331 = arith.cmpi ne, %parallel_loop3A_1323, %parallel_loop3A_1330 : i32
        %parallel_loop3A_1332 = arith.remsi %parallel_loop3A_1314, %parallel_loop3A_1315 : i32
        %parallel_loop3A_1333 = arith.constant 0 : i32
        %parallel_loop3A_1334 = arith.cmpi ne, %parallel_loop3A_1332, %parallel_loop3A_1333 : i32
        %parallel_loop3A_1335 = arith.andi %parallel_loop3A_1331, %parallel_loop3A_1334 : i1
        %parallel_loop3A_1336 = arith.constant 1 : i32
        %parallel_loop3A_1337 = arith.subi %parallel_loop3A_1316, %parallel_loop3A_1336 : i32
        %parallel_loop3A_1338 = arith.select %parallel_loop3A_1335, %parallel_loop3A_1337, %parallel_loop3A_1316 : i32
        %parallel_loop3A_1339 = arith.constant 48 : i32
        %parallel_loop3A_1340 = arith.muli %parallel_loop3A_1338, %parallel_loop3A_1339 : i32
        %parallel_loop3A_1341 = arith.subi %parallel_loop3A_1314, %parallel_loop3A_1340 : i32
        %parallel_loop3A_1342 = arith.constant 16 : i32
        %parallel_loop3A_1343 = arith.muli %parallel_loop3A_1341, %parallel_loop3A_1342 : i32
        %parallel_loop3A_1344 = arith.index_cast %parallel_loop3A_1338 : i32 to index
        %parallel_loop3A_1345 = arith.index_cast %parallel_loop3A_1343 : i32 to index
        %parallel_loop3A_1346 = tpu.vector_load %arg6[%parallel_loop3A_1344, %parallel_loop3A_1345] {strides = array<i32>} : memref<16x768xf32, #tpu.memory_space<vmem>>, vector<1x16xf32>,
        %parallel_loop3A_1347 = vector.shape_cast %parallel_loop3A_1346 : vector<1x16xf32> to vector<16xf32>
        %parallel_loop3A_1348 = arith.index_cast %parallel_loop3A_1338 : i32 to index
        %parallel_loop3A_1349 = arith.index_cast %parallel_loop3A_1343 : i32 to index
        %parallel_loop3A_1350 = tpu.vector_load %arg11[%parallel_loop3A_1348, %parallel_loop3A_1349] {strides = array<i32>} : memref<16x768xf32, #tpu.memory_space<vmem>>, vector<1x16xf32>,
        %parallel_loop3A_1351 = vector.shape_cast %parallel_loop3A_1350 : vector<1x16xf32> to vector<16xf32>
        %parallel_loop3A_1352 = vector.shape_cast %parallel_loop3A_1347 : vector<16xf32> to vector<1x16xf32>
        tpu.vector_store %arg11[%parallel_loop3A_1348, %parallel_loop3A_1349], %parallel_loop3A_1352 {add = true, strides = array<i32>} : memref<16x768xf32, #tpu.memory_space<vmem>>, vector<1x16xf32>,
      } {sc.loop_unroll_factor = 8 : i64, sc.parallel_access}
      %mul3A_1104 = arith.constant 2 : i32
      %mul3A_1105 = arith.muli %mul3A_1104, %scan3A_748 : i32
      %add3A_1106 = arith.constant 1 : i32
      %add3A_1107 = arith.addi %mul3A_1105, %add3A_1106 : i32
      %mul3A_1108 = arith.constant 16 : i32
      %mul3A_1109 = arith.muli %add3A_1107, %mul3A_1108 : i32
      %add3A_1110 = arith.addi %mul3A_2, %mul3A_1109 : i32
      %multiple_of3A_1111 = tpu.assume_multiple %add3A_1110, 8 : i32
      %dma_start3A_1112 = arith.constant 0 : i32
      %dma_start3A_1113 = arith.constant 0 : i32
      %dma_start3A_1114 = tpu.memref_slice %arg4[%dma_start3A_1112, %multiple_of3A_1111, %dma_start3A_1113] : memref<4x8192x768xf32, #tpu.memory_space<hbm>> -> memref<1x16x768xf32, #tpu.memory_space<hbm>>
      %dma_start3A_1115 = tpu.memref_squeeze %dma_start3A_1114 : memref<1x16x768xf32, #tpu.memory_space<hbm>> -> memref<16x768xf32, #tpu.memory_space<hbm>>
      %dma_start3A_1116 = arith.constant 0 : i32
      %dma_start3A_1117 = tpu.memref_slice %arg4[%dma_start3A_1112, %multiple_of3A_1111, %dma_start3A_1116] : memref<4x8192x768xf32, #tpu.memory_space<hbm>> -> memref<1x16x768xf32, #tpu.memory_space<hbm>>
      %dma_start3A_1118 = tpu.memref_squeeze %dma_start3A_1117 : memref<1x16x768xf32, #tpu.memory_space<hbm>> -> memref<16x768xf32, #tpu.memory_space<hbm>>
      tpu.enqueue_dma source(%arg11 : memref<16x768xf32, #tpu.memory_space<vmem>>) target(%dma_start3A_1118 : memref<16x768xf32, #tpu.memory_space<hbm>>) target_semaphore(%arg29 : memref<!tpu.dma_semaphore, #tpu.memory_space<semaphore_mem>>)
      %mul3A_1119 = arith.constant 2 : i32
      %mul3A_1120 = arith.muli %mul3A_1119, %scan3A_748 : i32
      %add3A_1121 = arith.constant 0 : i32
      %add3A_1122 = arith.addi %mul3A_1120, %add3A_1121 : i32
      %mul3A_1123 = arith.constant 16 : i32
      %mul3A_1124 = arith.muli %add3A_1122, %mul3A_1123 : i32
      %add3A_1125 = arith.addi %mul3A_2, %mul3A_1124 : i32
      %multiple_of3A_1126 = tpu.assume_multiple %add3A_1125, 8 : i32
      %dma_wait3A_1127 = arith.constant 1 : i32
      %dma_wait3A_1128 = arith.constant 0 : i32
      %dma_wait3A_1129 = tpu.memref_slice %arg4[%dma_wait3A_1127, %multiple_of3A_1126, %dma_wait3A_1128] : memref<4x8192x768xf32, #tpu.memory_space<hbm>> -> memref<1x16x768xf32, #tpu.memory_space<hbm>>
      %dma_wait3A_1130 = tpu.memref_squeeze %dma_wait3A_1129 : memref<1x16x768xf32, #tpu.memory_space<hbm>> -> memref<16x768xf32, #tpu.memory_space<hbm>>
      %dma_wait3A_1131 = arith.constant 0 : i32
      %dma_wait3A_1132 = tpu.memref_slice %arg4[%dma_wait3A_1127, %multiple_of3A_1126, %dma_wait3A_1131] : memref<4x8192x768xf32, #tpu.memory_space<hbm>> -> memref<1x16x768xf32, #tpu.memory_space<hbm>>
      %dma_wait3A_1133 = tpu.memref_squeeze %dma_wait3A_1132 : memref<1x16x768xf32, #tpu.memory_space<hbm>> -> memref<16x768xf32, #tpu.memory_space<hbm>>
      tpu.wait_dma2 semaphore(%arg26 : memref<!tpu.dma_semaphore, #tpu.memory_space<semaphore_mem>>) src(%arg8 : memref<16x768xf32, #tpu.memory_space<vmem>>) dst(%dma_wait3A_1133 : memref<16x768xf32, #tpu.memory_space<hbm>>)
      %add3A_1134 = arith.constant 1 : i32
      %add3A_1135 = arith.addi %scan3A_748, %add3A_1134 : i32
      %mul3A_1136 = arith.constant 2 : i32
      %mul3A_1137 = arith.muli %mul3A_1136, %add3A_1135 : i32
      %add3A_1138 = arith.constant 0 : i32
      %add3A_1139 = arith.addi %mul3A_1137, %add3A_1138 : i32
      %mul3A_1140 = arith.constant 16 : i32
      %mul3A_1141 = arith.muli %add3A_1139, %mul3A_1140 : i32
      %add3A_1142 = arith.addi %mul3A_2, %mul3A_1141 : i32
      %multiple_of3A_1143 = tpu.assume_multiple %add3A_1142, 8 : i32
      %dma_start3A_1144 = arith.constant 1 : i32
      %dma_start3A_1145 = arith.constant 0 : i32
      %dma_start3A_1146 = tpu.memref_slice %arg2[%dma_start3A_1144, %multiple_of3A_1143, %dma_start3A_1145] : memref<4x8192x768xf32, #tpu.memory_space<hbm>> -> memref<1x16x768xf32, #tpu.memory_space<hbm>>
      %dma_start3A_1147 = tpu.memref_squeeze %dma_start3A_1146 : memref<1x16x768xf32, #tpu.memory_space<hbm>> -> memref<16x768xf32, #tpu.memory_space<hbm>>
      %dma_start3A_1148 = arith.constant 0 : i32
      %dma_start3A_1149 = tpu.memref_slice %arg2[%dma_start3A_1144, %multiple_of3A_1143, %dma_start3A_1148] : memref<4x8192x768xf32, #tpu.memory_space<hbm>> -> memref<1x16x768xf32, #tpu.memory_space<hbm>>
      %dma_start3A_1150 = tpu.memref_squeeze %dma_start3A_1149 : memref<1x16x768xf32, #tpu.memory_space<hbm>> -> memref<16x768xf32, #tpu.memory_space<hbm>>
      tpu.enqueue_dma source(%dma_start3A_1150 : memref<16x768xf32, #tpu.memory_space<hbm>>) target(%arg8 : memref<16x768xf32, #tpu.memory_space<vmem>>) target_semaphore(%arg18 : memref<!tpu.dma_semaphore, #tpu.memory_space<semaphore_mem>>)
      %mul3A_1151 = arith.constant 2 : i32
      %mul3A_1152 = arith.muli %mul3A_1151, %scan3A_748 : i32
      %add3A_1153 = arith.constant 1 : i32
      %add3A_1154 = arith.addi %mul3A_1152, %add3A_1153 : i32
      %mul3A_1155 = arith.constant 16 : i32
      %mul3A_1156 = arith.muli %add3A_1154, %mul3A_1155 : i32
      %add3A_1157 = arith.addi %mul3A_2, %mul3A_1156 : i32
      %multiple_of3A_1158 = tpu.assume_multiple %add3A_1157, 8 : i32
      %dma_wait3A_1159 = arith.constant 1 : i32
      %dma_wait3A_1160 = arith.constant 0 : i32
      %dma_wait3A_1161 = tpu.memref_slice %arg2[%dma_wait3A_1159, %multiple_of3A_1158, %dma_wait3A_1160] : memref<4x8192x768xf32, #tpu.memory_space<hbm>> -> memref<1x16x768xf32, #tpu.memory_space<hbm>>
      %dma_wait3A_1162 = tpu.memref_squeeze %dma_wait3A_1161 : memref<1x16x768xf32, #tpu.memory_space<hbm>> -> memref<16x768xf32, #tpu.memory_space<hbm>>
      %dma_wait3A_1163 = arith.constant 0 : i32
      %dma_wait3A_1164 = tpu.memref_slice %arg2[%dma_wait3A_1159, %multiple_of3A_1158, %dma_wait3A_1163] : memref<4x8192x768xf32, #tpu.memory_space<hbm>> -> memref<1x16x768xf32, #tpu.memory_space<hbm>>
      %dma_wait3A_1165 = tpu.memref_squeeze %dma_wait3A_1164 : memref<1x16x768xf32, #tpu.memory_space<hbm>> -> memref<16x768xf32, #tpu.memory_space<hbm>>
      tpu.wait_dma2 semaphore(%arg22 : memref<!tpu.dma_semaphore, #tpu.memory_space<semaphore_mem>>) src(%dma_wait3A_1165 : memref<16x768xf32, #tpu.memory_space<hbm>>) dst(%arg12 : memref<16x768xf32, #tpu.memory_space<vmem>>)
      %parallel_loop3A_1166 = arith.constant 0 : i32
      %parallel_loop3A_1167 = arith.constant 768 : i32
      %parallel_loop3A_1168 = arith.constant 1 : i32
      scf.for %parallel_loop3A_1314 = %parallel_loop3A_1166 to %parallel_loop3A_1167 step %parallel_loop3A_1168  : i32 {
        %parallel_loop3A_1315 = arith.constant 48 : i32
        %parallel_loop3A_1316 = arith.divsi %parallel_loop3A_1314, %parallel_loop3A_1315 : i32
        %parallel_loop3A_1317 = arith.constant 0 : i32
        %parallel_loop3A_1318 = arith.cmpi sgt, %parallel_loop3A_1314, %parallel_loop3A_1317 : i32
        %parallel_loop3A_1319 = arith.extui %parallel_loop3A_1318 : i1 to i32
        %parallel_loop3A_1320 = arith.constant 0 : i32
        %parallel_loop3A_1321 = arith.cmpi slt, %parallel_loop3A_1314, %parallel_loop3A_1320 : i32
        %parallel_loop3A_1322 = arith.extui %parallel_loop3A_1321 : i1 to i32
        %parallel_loop3A_1323 = arith.subi %parallel_loop3A_1319, %parallel_loop3A_1322 : i32
        %parallel_loop3A_1324 = arith.constant 0 : i32
        %parallel_loop3A_1325 = arith.cmpi sgt, %parallel_loop3A_1315, %parallel_loop3A_1324 : i32
        %parallel_loop3A_1326 = arith.extui %parallel_loop3A_1325 : i1 to i32
        %parallel_loop3A_1327 = arith.constant 0 : i32
        %parallel_loop3A_1328 = arith.cmpi slt, %parallel_loop3A_1315, %parallel_loop3A_1327 : i32
        %parallel_loop3A_1329 = arith.extui %parallel_loop3A_1328 : i1 to i32
        %parallel_loop3A_1330 = arith.subi %parallel_loop3A_1326, %parallel_loop3A_1329 : i32
        %parallel_loop3A_1331 = arith.cmpi ne, %parallel_loop3A_1323, %parallel_loop3A_1330 : i32
        %parallel_loop3A_1332 = arith.remsi %parallel_loop3A_1314, %parallel_loop3A_1315 : i32
        %parallel_loop3A_1333 = arith.constant 0 : i32
        %parallel_loop3A_1334 = arith.cmpi ne, %parallel_loop3A_1332, %parallel_loop3A_1333 : i32
        %parallel_loop3A_1335 = arith.andi %parallel_loop3A_1331, %parallel_loop3A_1334 : i1
        %parallel_loop3A_1336 = arith.constant 1 : i32
        %parallel_loop3A_1337 = arith.subi %parallel_loop3A_1316, %parallel_loop3A_1336 : i32
        %parallel_loop3A_1338 = arith.select %parallel_loop3A_1335, %parallel_loop3A_1337, %parallel_loop3A_1316 : i32
        %parallel_loop3A_1339 = arith.constant 48 : i32
        %parallel_loop3A_1340 = arith.muli %parallel_loop3A_1338, %parallel_loop3A_1339 : i32
        %parallel_loop3A_1341 = arith.subi %parallel_loop3A_1314, %parallel_loop3A_1340 : i32
        %parallel_loop3A_1342 = arith.constant 16 : i32
        %parallel_loop3A_1343 = arith.muli %parallel_loop3A_1341, %parallel_loop3A_1342 : i32
        %parallel_loop3A_1344 = arith.index_cast %parallel_loop3A_1338 : i32 to index
        %parallel_loop3A_1345 = arith.index_cast %parallel_loop3A_1343 : i32 to index
        %parallel_loop3A_1346 = tpu.vector_load %arg6[%parallel_loop3A_1344, %parallel_loop3A_1345] {strides = array<i32>} : memref<16x768xf32, #tpu.memory_space<vmem>>, vector<1x16xf32>,
        %parallel_loop3A_1347 = vector.shape_cast %parallel_loop3A_1346 : vector<1x16xf32> to vector<16xf32>
        %parallel_loop3A_1348 = arith.index_cast %parallel_loop3A_1338 : i32 to index
        %parallel_loop3A_1349 = arith.index_cast %parallel_loop3A_1343 : i32 to index
        %parallel_loop3A_1350 = tpu.vector_load %arg12[%parallel_loop3A_1348, %parallel_loop3A_1349] {strides = array<i32>} : memref<16x768xf32, #tpu.memory_space<vmem>>, vector<1x16xf32>,
        %parallel_loop3A_1351 = vector.shape_cast %parallel_loop3A_1350 : vector<1x16xf32> to vector<16xf32>
        %parallel_loop3A_1352 = vector.shape_cast %parallel_loop3A_1347 : vector<16xf32> to vector<1x16xf32>
        tpu.vector_store %arg12[%parallel_loop3A_1348, %parallel_loop3A_1349], %parallel_loop3A_1352 {add = true, strides = array<i32>} : memref<16x768xf32, #tpu.memory_space<vmem>>, vector<1x16xf32>,
      } {sc.loop_unroll_factor = 8 : i64, sc.parallel_access}
      %mul3A_1169 = arith.constant 2 : i32
      %mul3A_1170 = arith.muli %mul3A_1169, %scan3A_748 : i32
      %add3A_1171 = arith.constant 1 : i32
      %add3A_1172 = arith.addi %mul3A_1170, %add3A_1171 : i32
      %mul3A_1173 = arith.constant 16 : i32
      %mul3A_1174 = arith.muli %add3A_1172, %mul3A_1173 : i32
      %add3A_1175 = arith.addi %mul3A_2, %mul3A_1174 : i32
      %multiple_of3A_1176 = tpu.assume_multiple %add3A_1175, 8 : i32
      %dma_start3A_1177 = arith.constant 1 : i32
      %dma_start3A_1178 = arith.constant 0 : i32
      %dma_start3A_1179 = tpu.memref_slice %arg4[%dma_start3A_1177, %multiple_of3A_1176, %dma_start3A_1178] : memref<4x8192x768xf32, #tpu.memory_space<hbm>> -> memref<1x16x768xf32, #tpu.memory_space<hbm>>
      %dma_start3A_1180 = tpu.memref_squeeze %dma_start3A_1179 : memref<1x16x768xf32, #tpu.memory_space<hbm>> -> memref<16x768xf32, #tpu.memory_space<hbm>>
      %dma_start3A_1181 = arith.constant 0 : i32
      %dma_start3A_1182 = tpu.memref_slice %arg4[%dma_start3A_1177, %multiple_of3A_1176, %dma_start3A_1181] : memref<4x8192x768xf32, #tpu.memory_space<hbm>> -> memref<1x16x768xf32, #tpu.memory_space<hbm>>
      %dma_start3A_1183 = tpu.memref_squeeze %dma_start3A_1182 : memref<1x16x768xf32, #tpu.memory_space<hbm>> -> memref<16x768xf32, #tpu.memory_space<hbm>>
      tpu.enqueue_dma source(%arg12 : memref<16x768xf32, #tpu.memory_space<vmem>>) target(%dma_start3A_1183 : memref<16x768xf32, #tpu.memory_space<hbm>>) target_semaphore(%arg30 : memref<!tpu.dma_semaphore, #tpu.memory_space<semaphore_mem>>)
      %mul3A_1184 = arith.constant 2 : i32
      %mul3A_1185 = arith.muli %mul3A_1184, %scan3A_748 : i32
      %add3A_1186 = arith.constant 0 : i32
      %add3A_1187 = arith.addi %mul3A_1185, %add3A_1186 : i32
      %mul3A_1188 = arith.constant 16 : i32
      %mul3A_1189 = arith.muli %add3A_1187, %mul3A_1188 : i32
      %add3A_1190 = arith.addi %mul3A_2, %mul3A_1189 : i32
      %multiple_of3A_1191 = tpu.assume_multiple %add3A_1190, 8 : i32
      %dma_wait3A_1192 = arith.constant 2 : i32
      %dma_wait3A_1193 = arith.constant 0 : i32
      %dma_wait3A_1194 = tpu.memref_slice %arg4[%dma_wait3A_1192, %multiple_of3A_1191, %dma_wait3A_1193] : memref<4x8192x768xf32, #tpu.memory_space<hbm>> -> memref<1x16x768xf32, #tpu.memory_space<hbm>>
      %dma_wait3A_1195 = tpu.memref_squeeze %dma_wait3A_1194 : memref<1x16x768xf32, #tpu.memory_space<hbm>> -> memref<16x768xf32, #tpu.memory_space<hbm>>
      %dma_wait3A_1196 = arith.constant 0 : i32
      %dma_wait3A_1197 = tpu.memref_slice %arg4[%dma_wait3A_1192, %multiple_of3A_1191, %dma_wait3A_1196] : memref<4x8192x768xf32, #tpu.memory_space<hbm>> -> memref<1x16x768xf32, #tpu.memory_space<hbm>>
      %dma_wait3A_1198 = tpu.memref_squeeze %dma_wait3A_1197 : memref<1x16x768xf32, #tpu.memory_space<hbm>> -> memref<16x768xf32, #tpu.memory_space<hbm>>
      tpu.wait_dma2 semaphore(%arg27 : memref<!tpu.dma_semaphore, #tpu.memory_space<semaphore_mem>>) src(%arg9 : memref<16x768xf32, #tpu.memory_space<vmem>>) dst(%dma_wait3A_1198 : memref<16x768xf32, #tpu.memory_space<hbm>>)
      %add3A_1199 = arith.constant 1 : i32
      %add3A_1200 = arith.addi %scan3A_748, %add3A_1199 : i32
      %mul3A_1201 = arith.constant 2 : i32
      %mul3A_1202 = arith.muli %mul3A_1201, %add3A_1200 : i32
      %add3A_1203 = arith.constant 0 : i32
      %add3A_1204 = arith.addi %mul3A_1202, %add3A_1203 : i32
      %mul3A_1205 = arith.constant 16 : i32
      %mul3A_1206 = arith.muli %add3A_1204, %mul3A_1205 : i32
      %add3A_1207 = arith.addi %mul3A_2, %mul3A_1206 : i32
      %multiple_of3A_1208 = tpu.assume_multiple %add3A_1207, 8 : i32
      %dma_start3A_1209 = arith.constant 2 : i32
      %dma_start3A_1210 = arith.constant 0 : i32
      %dma_start3A_1211 = tpu.memref_slice %arg2[%dma_start3A_1209, %multiple_of3A_1208, %dma_start3A_1210] : memref<4x8192x768xf32, #tpu.memory_space<hbm>> -> memref<1x16x768xf32, #tpu.memory_space<hbm>>
      %dma_start3A_1212 = tpu.memref_squeeze %dma_start3A_1211 : memref<1x16x768xf32, #tpu.memory_space<hbm>> -> memref<16x768xf32, #tpu.memory_space<hbm>>
      %dma_start3A_1213 = arith.constant 0 : i32
      %dma_start3A_1214 = tpu.memref_slice %arg2[%dma_start3A_1209, %multiple_of3A_1208, %dma_start3A_1213] : memref<4x8192x768xf32, #tpu.memory_space<hbm>> -> memref<1x16x768xf32, #tpu.memory_space<hbm>>
      %dma_start3A_1215 = tpu.memref_squeeze %dma_start3A_1214 : memref<1x16x768xf32, #tpu.memory_space<hbm>> -> memref<16x768xf32, #tpu.memory_space<hbm>>
      tpu.enqueue_dma source(%dma_start3A_1215 : memref<16x768xf32, #tpu.memory_space<hbm>>) target(%arg9 : memref<16x768xf32, #tpu.memory_space<vmem>>) target_semaphore(%arg19 : memref<!tpu.dma_semaphore, #tpu.memory_space<semaphore_mem>>)
      %mul3A_1216 = arith.constant 2 : i32
      %mul3A_1217 = arith.muli %mul3A_1216, %scan3A_748 : i32
      %add3A_1218 = arith.constant 1 : i32
      %add3A_1219 = arith.addi %mul3A_1217, %add3A_1218 : i32
      %mul3A_1220 = arith.constant 16 : i32
      %mul3A_1221 = arith.muli %add3A_1219, %mul3A_1220 : i32
      %add3A_1222 = arith.addi %mul3A_2, %mul3A_1221 : i32
      %multiple_of3A_1223 = tpu.assume_multiple %add3A_1222, 8 : i32
      %dma_wait3A_1224 = arith.constant 2 : i32
      %dma_wait3A_1225 = arith.constant 0 : i32
      %dma_wait3A_1226 = tpu.memref_slice %arg2[%dma_wait3A_1224, %multiple_of3A_1223, %dma_wait3A_1225] : memref<4x8192x768xf32, #tpu.memory_space<hbm>> -> memref<1x16x768xf32, #tpu.memory_space<hbm>>
      %dma_wait3A_1227 = tpu.memref_squeeze %dma_wait3A_1226 : memref<1x16x768xf32, #tpu.memory_space<hbm>> -> memref<16x768xf32, #tpu.memory_space<hbm>>
      %dma_wait3A_1228 = arith.constant 0 : i32
      %dma_wait3A_1229 = tpu.memref_slice %arg2[%dma_wait3A_1224, %multiple_of3A_1223, %dma_wait3A_1228] : memref<4x8192x768xf32, #tpu.memory_space<hbm>> -> memref<1x16x768xf32, #tpu.memory_space<hbm>>
      %dma_wait3A_1230 = tpu.memref_squeeze %dma_wait3A_1229 : memref<1x16x768xf32, #tpu.memory_space<hbm>> -> memref<16x768xf32, #tpu.memory_space<hbm>>
      tpu.wait_dma2 semaphore(%arg23 : memref<!tpu.dma_semaphore, #tpu.memory_space<semaphore_mem>>) src(%dma_wait3A_1230 : memref<16x768xf32, #tpu.memory_space<hbm>>) dst(%arg13 : memref<16x768xf32, #tpu.memory_space<vmem>>)
      %parallel_loop3A_1231 = arith.constant 0 : i32
      %parallel_loop3A_1232 = arith.constant 768 : i32
      %parallel_loop3A_1233 = arith.constant 1 : i32
      scf.for %parallel_loop3A_1314 = %parallel_loop3A_1231 to %parallel_loop3A_1232 step %parallel_loop3A_1233  : i32 {
        %parallel_loop3A_1315 = arith.constant 48 : i32
        %parallel_loop3A_1316 = arith.divsi %parallel_loop3A_1314, %parallel_loop3A_1315 : i32
        %parallel_loop3A_1317 = arith.constant 0 : i32
        %parallel_loop3A_1318 = arith.cmpi sgt, %parallel_loop3A_1314, %parallel_loop3A_1317 : i32
        %parallel_loop3A_1319 = arith.extui %parallel_loop3A_1318 : i1 to i32
        %parallel_loop3A_1320 = arith.constant 0 : i32
        %parallel_loop3A_1321 = arith.cmpi slt, %parallel_loop3A_1314, %parallel_loop3A_1320 : i32
        %parallel_loop3A_1322 = arith.extui %parallel_loop3A_1321 : i1 to i32
        %parallel_loop3A_1323 = arith.subi %parallel_loop3A_1319, %parallel_loop3A_1322 : i32
        %parallel_loop3A_1324 = arith.constant 0 : i32
        %parallel_loop3A_1325 = arith.cmpi sgt, %parallel_loop3A_1315, %parallel_loop3A_1324 : i32
        %parallel_loop3A_1326 = arith.extui %parallel_loop3A_1325 : i1 to i32
        %parallel_loop3A_1327 = arith.constant 0 : i32
        %parallel_loop3A_1328 = arith.cmpi slt, %parallel_loop3A_1315, %parallel_loop3A_1327 : i32
        %parallel_loop3A_1329 = arith.extui %parallel_loop3A_1328 : i1 to i32
        %parallel_loop3A_1330 = arith.subi %parallel_loop3A_1326, %parallel_loop3A_1329 : i32
        %parallel_loop3A_1331 = arith.cmpi ne, %parallel_loop3A_1323, %parallel_loop3A_1330 : i32
        %parallel_loop3A_1332 = arith.remsi %parallel_loop3A_1314, %parallel_loop3A_1315 : i32
        %parallel_loop3A_1333 = arith.constant 0 : i32
        %parallel_loop3A_1334 = arith.cmpi ne, %parallel_loop3A_1332, %parallel_loop3A_1333 : i32
        %parallel_loop3A_1335 = arith.andi %parallel_loop3A_1331, %parallel_loop3A_1334 : i1
        %parallel_loop3A_1336 = arith.constant 1 : i32
        %parallel_loop3A_1337 = arith.subi %parallel_loop3A_1316, %parallel_loop3A_1336 : i32
        %parallel_loop3A_1338 = arith.select %parallel_loop3A_1335, %parallel_loop3A_1337, %parallel_loop3A_1316 : i32
        %parallel_loop3A_1339 = arith.constant 48 : i32
        %parallel_loop3A_1340 = arith.muli %parallel_loop3A_1338, %parallel_loop3A_1339 : i32
        %parallel_loop3A_1341 = arith.subi %parallel_loop3A_1314, %parallel_loop3A_1340 : i32
        %parallel_loop3A_1342 = arith.constant 16 : i32
        %parallel_loop3A_1343 = arith.muli %parallel_loop3A_1341, %parallel_loop3A_1342 : i32
        %parallel_loop3A_1344 = arith.index_cast %parallel_loop3A_1338 : i32 to index
        %parallel_loop3A_1345 = arith.index_cast %parallel_loop3A_1343 : i32 to index
        %parallel_loop3A_1346 = tpu.vector_load %arg6[%parallel_loop3A_1344, %parallel_loop3A_1345] {strides = array<i32>} : memref<16x768xf32, #tpu.memory_space<vmem>>, vector<1x16xf32>,
        %parallel_loop3A_1347 = vector.shape_cast %parallel_loop3A_1346 : vector<1x16xf32> to vector<16xf32>
        %parallel_loop3A_1348 = arith.index_cast %parallel_loop3A_1338 : i32 to index
        %parallel_loop3A_1349 = arith.index_cast %parallel_loop3A_1343 : i32 to index
        %parallel_loop3A_1350 = tpu.vector_load %arg13[%parallel_loop3A_1348, %parallel_loop3A_1349] {strides = array<i32>} : memref<16x768xf32, #tpu.memory_space<vmem>>, vector<1x16xf32>,
        %parallel_loop3A_1351 = vector.shape_cast %parallel_loop3A_1350 : vector<1x16xf32> to vector<16xf32>
        %parallel_loop3A_1352 = vector.shape_cast %parallel_loop3A_1347 : vector<16xf32> to vector<1x16xf32>
        tpu.vector_store %arg13[%parallel_loop3A_1348, %parallel_loop3A_1349], %parallel_loop3A_1352 {add = true, strides = array<i32>} : memref<16x768xf32, #tpu.memory_space<vmem>>, vector<1x16xf32>,
      } {sc.loop_unroll_factor = 8 : i64, sc.parallel_access}
      %mul3A_1234 = arith.constant 2 : i32
      %mul3A_1235 = arith.muli %mul3A_1234, %scan3A_748 : i32
      %add3A_1236 = arith.constant 1 : i32
      %add3A_1237 = arith.addi %mul3A_1235, %add3A_1236 : i32
      %mul3A_1238 = arith.constant 16 : i32
      %mul3A_1239 = arith.muli %add3A_1237, %mul3A_1238 : i32
      %add3A_1240 = arith.addi %mul3A_2, %mul3A_1239 : i32
      %multiple_of3A_1241 = tpu.assume_multiple %add3A_1240, 8 : i32
      %dma_start3A_1242 = arith.constant 2 : i32
      %dma_start3A_1243 = arith.constant 0 : i32
      %dma_start3A_1244 = tpu.memref_slice %arg4[%dma_start3A_1242, %multiple_of3A_1241, %dma_start3A_1243] : memref<4x8192x768xf32, #tpu.memory_space<hbm>> -> memref<1x16x768xf32, #tpu.memory_space<hbm>>
      %dma_start3A_1245 = tpu.memref_squeeze %dma_start3A_1244 : memref<1x16x768xf32, #tpu.memory_space<hbm>> -> memref<16x768xf32, #tpu.memory_space<hbm>>
      %dma_start3A_1246 = arith.constant 0 : i32
      %dma_start3A_1247 = tpu.memref_slice %arg4[%dma_start3A_1242, %multiple_of3A_1241, %dma_start3A_1246] : memref<4x8192x768xf32, #tpu.memory_space<hbm>> -> memref<1x16x768xf32, #tpu.memory_space<hbm>>
      %dma_start3A_1248 = tpu.memref_squeeze %dma_start3A_1247 : memref<1x16x768xf32, #tpu.memory_space<hbm>> -> memref<16x768xf32, #tpu.memory_space<hbm>>
      tpu.enqueue_dma source(%arg13 : memref<16x768xf32, #tpu.memory_space<vmem>>) target(%dma_start3A_1248 : memref<16x768xf32, #tpu.memory_space<hbm>>) target_semaphore(%arg31 : memref<!tpu.dma_semaphore, #tpu.memory_space<semaphore_mem>>)
      %mul3A_1249 = arith.constant 2 : i32
      %mul3A_1250 = arith.muli %mul3A_1249, %scan3A_748 : i32
      %add3A_1251 = arith.constant 0 : i32
      %add3A_1252 = arith.addi %mul3A_1250, %add3A_1251 : i32
      %mul3A_1253 = arith.constant 16 : i32
      %mul3A_1254 = arith.muli %add3A_1252, %mul3A_1253 : i32
      %add3A_1255 = arith.addi %mul3A_2, %mul3A_1254 : i32
      %multiple_of3A_1256 = tpu.assume_multiple %add3A_1255, 8 : i32
      %dma_wait3A_1257 = arith.constant 3 : i32
      %dma_wait3A_1258 = arith.constant 0 : i32
      %dma_wait3A_1259 = tpu.memref_slice %arg4[%dma_wait3A_1257, %multiple_of3A_1256, %dma_wait3A_1258] : memref<4x8192x768xf32, #tpu.memory_space<hbm>> -> memref<1x16x768xf32, #tpu.memory_space<hbm>>
      %dma_wait3A_1260 = tpu.memref_squeeze %dma_wait3A_1259 : memref<1x16x768xf32, #tpu.memory_space<hbm>> -> memref<16x768xf32, #tpu.memory_space<hbm>>
      %dma_wait3A_1261 = arith.constant 0 : i32
      %dma_wait3A_1262 = tpu.memref_slice %arg4[%dma_wait3A_1257, %multiple_of3A_1256, %dma_wait3A_1261] : memref<4x8192x768xf32, #tpu.memory_space<hbm>> -> memref<1x16x768xf32, #tpu.memory_space<hbm>>
      %dma_wait3A_1263 = tpu.memref_squeeze %dma_wait3A_1262 : memref<1x16x768xf32, #tpu.memory_space<hbm>> -> memref<16x768xf32, #tpu.memory_space<hbm>>
      tpu.wait_dma2 semaphore(%arg28 : memref<!tpu.dma_semaphore, #tpu.memory_space<semaphore_mem>>) src(%arg10 : memref<16x768xf32, #tpu.memory_space<vmem>>) dst(%dma_wait3A_1263 : memref<16x768xf32, #tpu.memory_space<hbm>>)
      %add3A_1264 = arith.constant 1 : i32
      %add3A_1265 = arith.addi %scan3A_748, %add3A_1264 : i32
      %mul3A_1266 = arith.constant 2 : i32
      %mul3A_1267 = arith.muli %mul3A_1266, %add3A_1265 : i32
      %add3A_1268 = arith.constant 0 : i32
      %add3A_1269 = arith.addi %mul3A_1267, %add3A_1268 : i32
      %mul3A_1270 = arith.constant 16 : i32
      %mul3A_1271 = arith.muli %add3A_1269, %mul3A_1270 : i32
      %add3A_1272 = arith.addi %mul3A_2, %mul3A_1271 : i32
      %multiple_of3A_1273 = tpu.assume_multiple %add3A_1272, 8 : i32
      %dma_start3A_1274 = arith.constant 3 : i32
      %dma_start3A_1275 = arith.constant 0 : i32
      %dma_start3A_1276 = tpu.memref_slice %arg2[%dma_start3A_1274, %multiple_of3A_1273, %dma_start3A_1275] : memref<4x8192x768xf32, #tpu.memory_space<hbm>> -> memref<1x16x768xf32, #tpu.memory_space<hbm>>
      %dma_start3A_1277 = tpu.memref_squeeze %dma_start3A_1276 : memref<1x16x768xf32, #tpu.memory_space<hbm>> -> memref<16x768xf32, #tpu.memory_space<hbm>>
      %dma_start3A_1278 = arith.constant 0 : i32
      %dma_start3A_1279 = tpu.memref_slice %arg2[%dma_start3A_1274, %multiple_of3A_1273, %dma_start3A_1278] : memref<4x8192x768xf32, #tpu.memory_space<hbm>> -> memref<1x16x768xf32, #tpu.memory_space<hbm>>
      %dma_start3A_1280 = tpu.memref_squeeze %dma_start3A_1279 : memref<1x16x768xf32, #tpu.memory_space<hbm>> -> memref<16x768xf32, #tpu.memory_space<hbm>>
      tpu.enqueue_dma source(%dma_start3A_1280 : memref<16x768xf32, #tpu.memory_space<hbm>>) target(%arg10 : memref<16x768xf32, #tpu.memory_space<vmem>>) target_semaphore(%arg20 : memref<!tpu.dma_semaphore, #tpu.memory_space<semaphore_mem>>)
      %mul3A_1281 = arith.constant 2 : i32
      %mul3A_1282 = arith.muli %mul3A_1281, %scan3A_748 : i32
      %add3A_1283 = arith.constant 1 : i32
      %add3A_1284 = arith.addi %mul3A_1282, %add3A_1283 : i32
      %mul3A_1285 = arith.constant 16 : i32
      %mul3A_1286 = arith.muli %add3A_1284, %mul3A_1285 : i32
      %add3A_1287 = arith.addi %mul3A_2, %mul3A_1286 : i32
      %multiple_of3A_1288 = tpu.assume_multiple %add3A_1287, 8 : i32
      %dma_wait3A_1289 = arith.constant 3 : i32
      %dma_wait3A_1290 = arith.constant 0 : i32
      %dma_wait3A_1291 = tpu.memref_slice %arg2[%dma_wait3A_1289, %multiple_of3A_1288, %dma_wait3A_1290] : memref<4x8192x768xf32, #tpu.memory_space<hbm>> -> memref<1x16x768xf32, #tpu.memory_space<hbm>>
      %dma_wait3A_1292 = tpu.memref_squeeze %dma_wait3A_1291 : memref<1x16x768xf32, #tpu.memory_space<hbm>> -> memref<16x768xf32, #tpu.memory_space<hbm>>
      %dma_wait3A_1293 = arith.constant 0 : i32
      %dma_wait3A_1294 = tpu.memref_slice %arg2[%dma_wait3A_1289, %multiple_of3A_1288, %dma_wait3A_1293] : memref<4x8192x768xf32, #tpu.memory_space<hbm>> -> memref<1x16x768xf32, #tpu.memory_space<hbm>>
      %dma_wait3A_1295 = tpu.memref_squeeze %dma_wait3A_1294 : memref<1x16x768xf32, #tpu.memory_space<hbm>> -> memref<16x768xf32, #tpu.memory_space<hbm>>
      tpu.wait_dma2 semaphore(%arg24 : memref<!tpu.dma_semaphore, #tpu.memory_space<semaphore_mem>>) src(%dma_wait3A_1295 : memref<16x768xf32, #tpu.memory_space<hbm>>) dst(%arg14 : memref<16x768xf32, #tpu.memory_space<vmem>>)
      %parallel_loop3A_1296 = arith.constant 0 : i32
      %parallel_loop3A_1297 = arith.constant 768 : i32
      %parallel_loop3A_1298 = arith.constant 1 : i32
      scf.for %parallel_loop3A_1314 = %parallel_loop3A_1296 to %parallel_loop3A_1297 step %parallel_loop3A_1298  : i32 {
        %parallel_loop3A_1315 = arith.constant 48 : i32
        %parallel_loop3A_1316 = arith.divsi %parallel_loop3A_1314, %parallel_loop3A_1315 : i32
        %parallel_loop3A_1317 = arith.constant 0 : i32
        %parallel_loop3A_1318 = arith.cmpi sgt, %parallel_loop3A_1314, %parallel_loop3A_1317 : i32
        %parallel_loop3A_1319 = arith.extui %parallel_loop3A_1318 : i1 to i32
        %parallel_loop3A_1320 = arith.constant 0 : i32
        %parallel_loop3A_1321 = arith.cmpi slt, %parallel_loop3A_1314, %parallel_loop3A_1320 : i32
        %parallel_loop3A_1322 = arith.extui %parallel_loop3A_1321 : i1 to i32
        %parallel_loop3A_1323 = arith.subi %parallel_loop3A_1319, %parallel_loop3A_1322 : i32
        %parallel_loop3A_1324 = arith.constant 0 : i32
        %parallel_loop3A_1325 = arith.cmpi sgt, %parallel_loop3A_1315, %parallel_loop3A_1324 : i32
        %parallel_loop3A_1326 = arith.extui %parallel_loop3A_1325 : i1 to i32
        %parallel_loop3A_1327 = arith.constant 0 : i32
        %parallel_loop3A_1328 = arith.cmpi slt, %parallel_loop3A_1315, %parallel_loop3A_1327 : i32
        %parallel_loop3A_1329 = arith.extui %parallel_loop3A_1328 : i1 to i32
        %parallel_loop3A_1330 = arith.subi %parallel_loop3A_1326, %parallel_loop3A_1329 : i32
        %parallel_loop3A_1331 = arith.cmpi ne, %parallel_loop3A_1323, %parallel_loop3A_1330 : i32
        %parallel_loop3A_1332 = arith.remsi %parallel_loop3A_1314, %parallel_loop3A_1315 : i32
        %parallel_loop3A_1333 = arith.constant 0 : i32
        %parallel_loop3A_1334 = arith.cmpi ne, %parallel_loop3A_1332, %parallel_loop3A_1333 : i32
        %parallel_loop3A_1335 = arith.andi %parallel_loop3A_1331, %parallel_loop3A_1334 : i1
        %parallel_loop3A_1336 = arith.constant 1 : i32
        %parallel_loop3A_1337 = arith.subi %parallel_loop3A_1316, %parallel_loop3A_1336 : i32
        %parallel_loop3A_1338 = arith.select %parallel_loop3A_1335, %parallel_loop3A_1337, %parallel_loop3A_1316 : i32
        %parallel_loop3A_1339 = arith.constant 48 : i32
        %parallel_loop3A_1340 = arith.muli %parallel_loop3A_1338, %parallel_loop3A_1339 : i32
        %parallel_loop3A_1341 = arith.subi %parallel_loop3A_1314, %parallel_loop3A_1340 : i32
        %parallel_loop3A_1342 = arith.constant 16 : i32
        %parallel_loop3A_1343 = arith.muli %parallel_loop3A_1341, %parallel_loop3A_1342 : i32
        %parallel_loop3A_1344 = arith.index_cast %parallel_loop3A_1338 : i32 to index
        %parallel_loop3A_1345 = arith.index_cast %parallel_loop3A_1343 : i32 to index
        %parallel_loop3A_1346 = tpu.vector_load %arg6[%parallel_loop3A_1344, %parallel_loop3A_1345] {strides = array<i32>} : memref<16x768xf32, #tpu.memory_space<vmem>>, vector<1x16xf32>,
        %parallel_loop3A_1347 = vector.shape_cast %parallel_loop3A_1346 : vector<1x16xf32> to vector<16xf32>
        %parallel_loop3A_1348 = arith.index_cast %parallel_loop3A_1338 : i32 to index
        %parallel_loop3A_1349 = arith.index_cast %parallel_loop3A_1343 : i32 to index
        %parallel_loop3A_1350 = tpu.vector_load %arg14[%parallel_loop3A_1348, %parallel_loop3A_1349] {strides = array<i32>} : memref<16x768xf32, #tpu.memory_space<vmem>>, vector<1x16xf32>,
        %parallel_loop3A_1351 = vector.shape_cast %parallel_loop3A_1350 : vector<1x16xf32> to vector<16xf32>
        %parallel_loop3A_1352 = vector.shape_cast %parallel_loop3A_1347 : vector<16xf32> to vector<1x16xf32>
        tpu.vector_store %arg14[%parallel_loop3A_1348, %parallel_loop3A_1349], %parallel_loop3A_1352 {add = true, strides = array<i32>} : memref<16x768xf32, #tpu.memory_space<vmem>>, vector<1x16xf32>,
      } {sc.loop_unroll_factor = 8 : i64, sc.parallel_access}
      %mul3A_1299 = arith.constant 2 : i32
      %mul3A_1300 = arith.muli %mul3A_1299, %scan3A_748 : i32
      %add3A_1301 = arith.constant 1 : i32
      %add3A_1302 = arith.addi %mul3A_1300, %add3A_1301 : i32
      %mul3A_1303 = arith.constant 16 : i32
      %mul3A_1304 = arith.muli %add3A_1302, %mul3A_1303 : i32
      %add3A_1305 = arith.addi %mul3A_2, %mul3A_1304 : i32
      %multiple_of3A_1306 = tpu.assume_multiple %add3A_1305, 8 : i32
      %dma_start3A_1307 = arith.constant 3 : i32
      %dma_start3A_1308 = arith.constant 0 : i32
      %dma_start3A_1309 = tpu.memref_slice %arg4[%dma_start3A_1307, %multiple_of3A_1306, %dma_start3A_1308] : memref<4x8192x768xf32, #tpu.memory_space<hbm>> -> memref<1x16x768xf32, #tpu.memory_space<hbm>>
      %dma_start3A_1310 = tpu.memref_squeeze %dma_start3A_1309 : memref<1x16x768xf32, #tpu.memory_space<hbm>> -> memref<16x768xf32, #tpu.memory_space<hbm>>
      %dma_start3A_1311 = arith.constant 0 : i32
      %dma_start3A_1312 = tpu.memref_slice %arg4[%dma_start3A_1307, %multiple_of3A_1306, %dma_start3A_1311] : memref<4x8192x768xf32, #tpu.memory_space<hbm>> -> memref<1x16x768xf32, #tpu.memory_space<hbm>>
      %dma_start3A_1313 = tpu.memref_squeeze %dma_start3A_1312 : memref<1x16x768xf32, #tpu.memory_space<hbm>> -> memref<16x768xf32, #tpu.memory_space<hbm>>
      tpu.enqueue_dma source(%arg14 : memref<16x768xf32, #tpu.memory_space<vmem>>) target(%dma_start3A_1313 : memref<16x768xf32, #tpu.memory_space<hbm>>) target_semaphore(%arg32 : memref<!tpu.dma_semaphore, #tpu.memory_space<semaphore_mem>>)
    }
    %scan3A_382 = arith.constant 6 : i32
    %add3A_383 = arith.constant 224 : i32
    %add3A_384 = arith.addi %mul3A_2, %add3A_383 : i32
    %multiple_of3A_385 = tpu.assume_multiple %add3A_384, 8 : i32
    %dma_wait3A_386 = arith.constant 0 : i32
    %dma_wait3A_387 = tpu.memref_slice %arg3[%multiple_of3A_385, %dma_wait3A_386] : memref<8192x768xf32, #tpu.memory_space<hbm>> -> memref<16x768xf32, #tpu.memory_space<hbm>>
    %dma_wait3A_388 = arith.constant 0 : i32
    %dma_wait3A_389 = tpu.memref_slice %arg3[%multiple_of3A_385, %dma_wait3A_388] : memref<8192x768xf32, #tpu.memory_space<hbm>> -> memref<16x768xf32, #tpu.memory_space<hbm>>
    tpu.wait_dma2 semaphore(%arg15 : memref<!tpu.dma_semaphore, #tpu.memory_space<semaphore_mem>>) src(%dma_wait3A_389 : memref<16x768xf32, #tpu.memory_space<hbm>>) dst(%arg5 : memref<16x768xf32, #tpu.memory_space<vmem>>)
    %add3A_390 = arith.constant 240 : i32
    %add3A_391 = arith.addi %mul3A_2, %add3A_390 : i32
    %multiple_of3A_392 = tpu.assume_multiple %add3A_391, 8 : i32
    %dma_start3A_393 = arith.constant 0 : i32
    %dma_start3A_394 = tpu.memref_slice %arg3[%multiple_of3A_392, %dma_start3A_393] : memref<8192x768xf32, #tpu.memory_space<hbm>> -> memref<16x768xf32, #tpu.memory_space<hbm>>
    %dma_start3A_395 = arith.constant 0 : i32
    %dma_start3A_396 = tpu.memref_slice %arg3[%multiple_of3A_392, %dma_start3A_395] : memref<8192x768xf32, #tpu.memory_space<hbm>> -> memref<16x768xf32, #tpu.memory_space<hbm>>
    tpu.enqueue_dma source(%dma_start3A_396 : memref<16x768xf32, #tpu.memory_space<hbm>>) target(%arg6 : memref<16x768xf32, #tpu.memory_space<vmem>>) target_semaphore(%arg16 : memref<!tpu.dma_semaphore, #tpu.memory_space<semaphore_mem>>)
    %add3A_397 = arith.constant 208 : i32
    %add3A_398 = arith.addi %mul3A_2, %add3A_397 : i32
    %multiple_of3A_399 = tpu.assume_multiple %add3A_398, 8 : i32
    %dma_wait3A_400 = arith.constant 0 : i32
    %dma_wait3A_401 = arith.constant 0 : i32
    %dma_wait3A_402 = tpu.memref_slice %arg4[%dma_wait3A_400, %multiple_of3A_399, %dma_wait3A_401] : memref<4x8192x768xf32, #tpu.memory_space<hbm>> -> memref<1x16x768xf32, #tpu.memory_space<hbm>>
    %dma_wait3A_403 = tpu.memref_squeeze %dma_wait3A_402 : memref<1x16x768xf32, #tpu.memory_space<hbm>> -> memref<16x768xf32, #tpu.memory_space<hbm>>
    %dma_wait3A_404 = arith.constant 0 : i32
    %dma_wait3A_405 = tpu.memref_slice %arg4[%dma_wait3A_400, %multiple_of3A_399, %dma_wait3A_404] : memref<4x8192x768xf32, #tpu.memory_space<hbm>> -> memref<1x16x768xf32, #tpu.memory_space<hbm>>
    %dma_wait3A_406 = tpu.memref_squeeze %dma_wait3A_405 : memref<1x16x768xf32, #tpu.memory_space<hbm>> -> memref<16x768xf32, #tpu.memory_space<hbm>>
    tpu.wait_dma2 semaphore(%arg29 : memref<!tpu.dma_semaphore, #tpu.memory_space<semaphore_mem>>) src(%arg11 : memref<16x768xf32, #tpu.memory_space<vmem>>) dst(%dma_wait3A_406 : memref<16x768xf32, #tpu.memory_space<hbm>>)
    %add3A_407 = arith.constant 240 : i32
    %add3A_408 = arith.addi %mul3A_2, %add3A_407 : i32
    %multiple_of3A_409 = tpu.assume_multiple %add3A_408, 8 : i32
    %dma_start3A_410 = arith.constant 0 : i32
    %dma_start3A_411 = arith.constant 0 : i32
    %dma_start3A_412 = tpu.memref_slice %arg2[%dma_start3A_410, %multiple_of3A_409, %dma_start3A_411] : memref<4x8192x768xf32, #tpu.memory_space<hbm>> -> memref<1x16x768xf32, #tpu.memory_space<hbm>>
    %dma_start3A_413 = tpu.memref_squeeze %dma_start3A_412 : memref<1x16x768xf32, #tpu.memory_space<hbm>> -> memref<16x768xf32, #tpu.memory_space<hbm>>
    %dma_start3A_414 = arith.constant 0 : i32
    %dma_start3A_415 = tpu.memref_slice %arg2[%dma_start3A_410, %multiple_of3A_409, %dma_start3A_414] : memref<4x8192x768xf32, #tpu.memory_space<hbm>> -> memref<1x16x768xf32, #tpu.memory_space<hbm>>
    %dma_start3A_416 = tpu.memref_squeeze %dma_start3A_415 : memref<1x16x768xf32, #tpu.memory_space<hbm>> -> memref<16x768xf32, #tpu.memory_space<hbm>>
    tpu.enqueue_dma source(%dma_start3A_416 : memref<16x768xf32, #tpu.memory_space<hbm>>) target(%arg11 : memref<16x768xf32, #tpu.memory_space<vmem>>) target_semaphore(%arg21 : memref<!tpu.dma_semaphore, #tpu.memory_space<semaphore_mem>>)
    %add3A_417 = arith.constant 224 : i32
    %add3A_418 = arith.addi %mul3A_2, %add3A_417 : i32
    %multiple_of3A_419 = tpu.assume_multiple %add3A_418, 8 : i32
    %dma_wait3A_420 = arith.constant 0 : i32
    %dma_wait3A_421 = arith.constant 0 : i32
    %dma_wait3A_422 = tpu.memref_slice %arg2[%dma_wait3A_420, %multiple_of3A_419, %dma_wait3A_421] : memref<4x8192x768xf32, #tpu.memory_space<hbm>> -> memref<1x16x768xf32, #tpu.memory_space<hbm>>
    %dma_wait3A_423 = tpu.memref_squeeze %dma_wait3A_422 : memref<1x16x768xf32, #tpu.memory_space<hbm>> -> memref<16x768xf32, #tpu.memory_space<hbm>>
    %dma_wait3A_424 = arith.constant 0 : i32
    %dma_wait3A_425 = tpu.memref_slice %arg2[%dma_wait3A_420, %multiple_of3A_419, %dma_wait3A_424] : memref<4x8192x768xf32, #tpu.memory_space<hbm>> -> memref<1x16x768xf32, #tpu.memory_space<hbm>>
    %dma_wait3A_426 = tpu.memref_squeeze %dma_wait3A_425 : memref<1x16x768xf32, #tpu.memory_space<hbm>> -> memref<16x768xf32, #tpu.memory_space<hbm>>
    tpu.wait_dma2 semaphore(%arg17 : memref<!tpu.dma_semaphore, #tpu.memory_space<semaphore_mem>>) src(%dma_wait3A_426 : memref<16x768xf32, #tpu.memory_space<hbm>>) dst(%arg7 : memref<16x768xf32, #tpu.memory_space<vmem>>)
    %parallel_loop3A_427 = arith.constant 0 : i32
    %parallel_loop3A_428 = arith.constant 768 : i32
    %parallel_loop3A_429 = arith.constant 1 : i32
    scf.for %parallel_loop3A_748 = %parallel_loop3A_427 to %parallel_loop3A_428 step %parallel_loop3A_429  : i32 {
      %parallel_loop3A_749 = arith.constant 48 : i32
      %parallel_loop3A_750 = arith.divsi %parallel_loop3A_748, %parallel_loop3A_749 : i32
      %parallel_loop3A_751 = arith.constant 0 : i32
      %parallel_loop3A_752 = arith.cmpi sgt, %parallel_loop3A_748, %parallel_loop3A_751 : i32
      %parallel_loop3A_753 = arith.extui %parallel_loop3A_752 : i1 to i32
      %parallel_loop3A_754 = arith.constant 0 : i32
      %parallel_loop3A_755 = arith.cmpi slt, %parallel_loop3A_748, %parallel_loop3A_754 : i32
      %parallel_loop3A_756 = arith.extui %parallel_loop3A_755 : i1 to i32
      %parallel_loop3A_757 = arith.subi %parallel_loop3A_753, %parallel_loop3A_756 : i32
      %parallel_loop3A_758 = arith.constant 0 : i32
      %parallel_loop3A_759 = arith.cmpi sgt, %parallel_loop3A_749, %parallel_loop3A_758 : i32
      %parallel_loop3A_760 = arith.extui %parallel_loop3A_759 : i1 to i32
      %parallel_loop3A_761 = arith.constant 0 : i32
      %parallel_loop3A_762 = arith.cmpi slt, %parallel_loop3A_749, %parallel_loop3A_761 : i32
      %parallel_loop3A_763 = arith.extui %parallel_loop3A_762 : i1 to i32
      %parallel_loop3A_764 = arith.subi %parallel_loop3A_760, %parallel_loop3A_763 : i32
      %parallel_loop3A_765 = arith.cmpi ne, %parallel_loop3A_757, %parallel_loop3A_764 : i32
      %parallel_loop3A_766 = arith.remsi %parallel_loop3A_748, %parallel_loop3A_749 : i32
      %parallel_loop3A_767 = arith.constant 0 : i32
      %parallel_loop3A_768 = arith.cmpi ne, %parallel_loop3A_766, %parallel_loop3A_767 : i32
      %parallel_loop3A_769 = arith.andi %parallel_loop3A_765, %parallel_loop3A_768 : i1
      %parallel_loop3A_770 = arith.constant 1 : i32
      %parallel_loop3A_771 = arith.subi %parallel_loop3A_750, %parallel_loop3A_770 : i32
      %parallel_loop3A_772 = arith.select %parallel_loop3A_769, %parallel_loop3A_771, %parallel_loop3A_750 : i32
      %parallel_loop3A_773 = arith.constant 48 : i32
      %parallel_loop3A_774 = arith.muli %parallel_loop3A_772, %parallel_loop3A_773 : i32
      %parallel_loop3A_775 = arith.subi %parallel_loop3A_748, %parallel_loop3A_774 : i32
      %parallel_loop3A_776 = arith.constant 16 : i32
      %parallel_loop3A_777 = arith.muli %parallel_loop3A_775, %parallel_loop3A_776 : i32
      %parallel_loop3A_778 = arith.index_cast %parallel_loop3A_772 : i32 to index
      %parallel_loop3A_779 = arith.index_cast %parallel_loop3A_777 : i32 to index
      %parallel_loop3A_780 = tpu.vector_load %arg5[%parallel_loop3A_778, %parallel_loop3A_779] {strides = array<i32>} : memref<16x768xf32, #tpu.memory_space<vmem>>, vector<1x16xf32>,
      %parallel_loop3A_781 = vector.shape_cast %parallel_loop3A_780 : vector<1x16xf32> to vector<16xf32>
      %parallel_loop3A_782 = arith.index_cast %parallel_loop3A_772 : i32 to index
      %parallel_loop3A_783 = arith.index_cast %parallel_loop3A_777 : i32 to index
      %parallel_loop3A_784 = tpu.vector_load %arg7[%parallel_loop3A_782, %parallel_loop3A_783] {strides = array<i32>} : memref<16x768xf32, #tpu.memory_space<vmem>>, vector<1x16xf32>,
      %parallel_loop3A_785 = vector.shape_cast %parallel_loop3A_784 : vector<1x16xf32> to vector<16xf32>
      %parallel_loop3A_786 = vector.shape_cast %parallel_loop3A_781 : vector<16xf32> to vector<1x16xf32>
      tpu.vector_store %arg7[%parallel_loop3A_782, %parallel_loop3A_783], %parallel_loop3A_786 {add = true, strides = array<i32>} : memref<16x768xf32, #tpu.memory_space<vmem>>, vector<1x16xf32>,
    } {sc.loop_unroll_factor = 8 : i64, sc.parallel_access}
    %add3A_430 = arith.constant 224 : i32
    %add3A_431 = arith.addi %mul3A_2, %add3A_430 : i32
    %multiple_of3A_432 = tpu.assume_multiple %add3A_431, 8 : i32
    %dma_start3A_433 = arith.constant 0 : i32
    %dma_start3A_434 = arith.constant 0 : i32
    %dma_start3A_435 = tpu.memref_slice %arg4[%dma_start3A_433, %multiple_of3A_432, %dma_start3A_434] : memref<4x8192x768xf32, #tpu.memory_space<hbm>> -> memref<1x16x768xf32, #tpu.memory_space<hbm>>
    %dma_start3A_436 = tpu.memref_squeeze %dma_start3A_435 : memref<1x16x768xf32, #tpu.memory_space<hbm>> -> memref<16x768xf32, #tpu.memory_space<hbm>>
    %dma_start3A_437 = arith.constant 0 : i32
    %dma_start3A_438 = tpu.memref_slice %arg4[%dma_start3A_433, %multiple_of3A_432, %dma_start3A_437] : memref<4x8192x768xf32, #tpu.memory_space<hbm>> -> memref<1x16x768xf32, #tpu.memory_space<hbm>>
    %dma_start3A_439 = tpu.memref_squeeze %dma_start3A_438 : memref<1x16x768xf32, #tpu.memory_space<hbm>> -> memref<16x768xf32, #tpu.memory_space<hbm>>
    tpu.enqueue_dma source(%arg7 : memref<16x768xf32, #tpu.memory_space<vmem>>) target(%dma_start3A_439 : memref<16x768xf32, #tpu.memory_space<hbm>>) target_semaphore(%arg25 : memref<!tpu.dma_semaphore, #tpu.memory_space<semaphore_mem>>)
    %add3A_440 = arith.constant 208 : i32
    %add3A_441 = arith.addi %mul3A_2, %add3A_440 : i32
    %multiple_of3A_442 = tpu.assume_multiple %add3A_441, 8 : i32
    %dma_wait3A_443 = arith.constant 1 : i32
    %dma_wait3A_444 = arith.constant 0 : i32
    %dma_wait3A_445 = tpu.memref_slice %arg4[%dma_wait3A_443, %multiple_of3A_442, %dma_wait3A_444] : memref<4x8192x768xf32, #tpu.memory_space<hbm>> -> memref<1x16x768xf32, #tpu.memory_space<hbm>>
    %dma_wait3A_446 = tpu.memref_squeeze %dma_wait3A_445 : memref<1x16x768xf32, #tpu.memory_space<hbm>> -> memref<16x768xf32, #tpu.memory_space<hbm>>
    %dma_wait3A_447 = arith.constant 0 : i32
    %dma_wait3A_448 = tpu.memref_slice %arg4[%dma_wait3A_443, %multiple_of3A_442, %dma_wait3A_447] : memref<4x8192x768xf32, #tpu.memory_space<hbm>> -> memref<1x16x768xf32, #tpu.memory_space<hbm>>
    %dma_wait3A_449 = tpu.memref_squeeze %dma_wait3A_448 : memref<1x16x768xf32, #tpu.memory_space<hbm>> -> memref<16x768xf32, #tpu.memory_space<hbm>>
    tpu.wait_dma2 semaphore(%arg30 : memref<!tpu.dma_semaphore, #tpu.memory_space<semaphore_mem>>) src(%arg12 : memref<16x768xf32, #tpu.memory_space<vmem>>) dst(%dma_wait3A_449 : memref<16x768xf32, #tpu.memory_space<hbm>>)
    %add3A_450 = arith.constant 240 : i32
    %add3A_451 = arith.addi %mul3A_2, %add3A_450 : i32
    %multiple_of3A_452 = tpu.assume_multiple %add3A_451, 8 : i32
    %dma_start3A_453 = arith.constant 1 : i32
    %dma_start3A_454 = arith.constant 0 : i32
    %dma_start3A_455 = tpu.memref_slice %arg2[%dma_start3A_453, %multiple_of3A_452, %dma_start3A_454] : memref<4x8192x768xf32, #tpu.memory_space<hbm>> -> memref<1x16x768xf32, #tpu.memory_space<hbm>>
    %dma_start3A_456 = tpu.memref_squeeze %dma_start3A_455 : memref<1x16x768xf32, #tpu.memory_space<hbm>> -> memref<16x768xf32, #tpu.memory_space<hbm>>
    %dma_start3A_457 = arith.constant 0 : i32
    %dma_start3A_458 = tpu.memref_slice %arg2[%dma_start3A_453, %multiple_of3A_452, %dma_start3A_457] : memref<4x8192x768xf32, #tpu.memory_space<hbm>> -> memref<1x16x768xf32, #tpu.memory_space<hbm>>
    %dma_start3A_459 = tpu.memref_squeeze %dma_start3A_458 : memref<1x16x768xf32, #tpu.memory_space<hbm>> -> memref<16x768xf32, #tpu.memory_space<hbm>>
    tpu.enqueue_dma source(%dma_start3A_459 : memref<16x768xf32, #tpu.memory_space<hbm>>) target(%arg12 : memref<16x768xf32, #tpu.memory_space<vmem>>) target_semaphore(%arg22 : memref<!tpu.dma_semaphore, #tpu.memory_space<semaphore_mem>>)
    %add3A_460 = arith.constant 224 : i32
    %add3A_461 = arith.addi %mul3A_2, %add3A_460 : i32
    %multiple_of3A_462 = tpu.assume_multiple %add3A_461, 8 : i32
    %dma_wait3A_463 = arith.constant 1 : i32
    %dma_wait3A_464 = arith.constant 0 : i32
    %dma_wait3A_465 = tpu.memref_slice %arg2[%dma_wait3A_463, %multiple_of3A_462, %dma_wait3A_464] : memref<4x8192x768xf32, #tpu.memory_space<hbm>> -> memref<1x16x768xf32, #tpu.memory_space<hbm>>
    %dma_wait3A_466 = tpu.memref_squeeze %dma_wait3A_465 : memref<1x16x768xf32, #tpu.memory_space<hbm>> -> memref<16x768xf32, #tpu.memory_space<hbm>>
    %dma_wait3A_467 = arith.constant 0 : i32
    %dma_wait3A_468 = tpu.memref_slice %arg2[%dma_wait3A_463, %multiple_of3A_462, %dma_wait3A_467] : memref<4x8192x768xf32, #tpu.memory_space<hbm>> -> memref<1x16x768xf32, #tpu.memory_space<hbm>>
    %dma_wait3A_469 = tpu.memref_squeeze %dma_wait3A_468 : memref<1x16x768xf32, #tpu.memory_space<hbm>> -> memref<16x768xf32, #tpu.memory_space<hbm>>
    tpu.wait_dma2 semaphore(%arg18 : memref<!tpu.dma_semaphore, #tpu.memory_space<semaphore_mem>>) src(%dma_wait3A_469 : memref<16x768xf32, #tpu.memory_space<hbm>>) dst(%arg8 : memref<16x768xf32, #tpu.memory_space<vmem>>)
    %parallel_loop3A_470 = arith.constant 0 : i32
    %parallel_loop3A_471 = arith.constant 768 : i32
    %parallel_loop3A_472 = arith.constant 1 : i32
    scf.for %parallel_loop3A_748 = %parallel_loop3A_470 to %parallel_loop3A_471 step %parallel_loop3A_472  : i32 {
      %parallel_loop3A_749 = arith.constant 48 : i32
      %parallel_loop3A_750 = arith.divsi %parallel_loop3A_748, %parallel_loop3A_749 : i32
      %parallel_loop3A_751 = arith.constant 0 : i32
      %parallel_loop3A_752 = arith.cmpi sgt, %parallel_loop3A_748, %parallel_loop3A_751 : i32
      %parallel_loop3A_753 = arith.extui %parallel_loop3A_752 : i1 to i32
      %parallel_loop3A_754 = arith.constant 0 : i32
      %parallel_loop3A_755 = arith.cmpi slt, %parallel_loop3A_748, %parallel_loop3A_754 : i32
      %parallel_loop3A_756 = arith.extui %parallel_loop3A_755 : i1 to i32
      %parallel_loop3A_757 = arith.subi %parallel_loop3A_753, %parallel_loop3A_756 : i32
      %parallel_loop3A_758 = arith.constant 0 : i32
      %parallel_loop3A_759 = arith.cmpi sgt, %parallel_loop3A_749, %parallel_loop3A_758 : i32
      %parallel_loop3A_760 = arith.extui %parallel_loop3A_759 : i1 to i32
      %parallel_loop3A_761 = arith.constant 0 : i32
      %parallel_loop3A_762 = arith.cmpi slt, %parallel_loop3A_749, %parallel_loop3A_761 : i32
      %parallel_loop3A_763 = arith.extui %parallel_loop3A_762 : i1 to i32
      %parallel_loop3A_764 = arith.subi %parallel_loop3A_760, %parallel_loop3A_763 : i32
      %parallel_loop3A_765 = arith.cmpi ne, %parallel_loop3A_757, %parallel_loop3A_764 : i32
      %parallel_loop3A_766 = arith.remsi %parallel_loop3A_748, %parallel_loop3A_749 : i32
      %parallel_loop3A_767 = arith.constant 0 : i32
      %parallel_loop3A_768 = arith.cmpi ne, %parallel_loop3A_766, %parallel_loop3A_767 : i32
      %parallel_loop3A_769 = arith.andi %parallel_loop3A_765, %parallel_loop3A_768 : i1
      %parallel_loop3A_770 = arith.constant 1 : i32
      %parallel_loop3A_771 = arith.subi %parallel_loop3A_750, %parallel_loop3A_770 : i32
      %parallel_loop3A_772 = arith.select %parallel_loop3A_769, %parallel_loop3A_771, %parallel_loop3A_750 : i32
      %parallel_loop3A_773 = arith.constant 48 : i32
      %parallel_loop3A_774 = arith.muli %parallel_loop3A_772, %parallel_loop3A_773 : i32
      %parallel_loop3A_775 = arith.subi %parallel_loop3A_748, %parallel_loop3A_774 : i32
      %parallel_loop3A_776 = arith.constant 16 : i32
      %parallel_loop3A_777 = arith.muli %parallel_loop3A_775, %parallel_loop3A_776 : i32
      %parallel_loop3A_778 = arith.index_cast %parallel_loop3A_772 : i32 to index
      %parallel_loop3A_779 = arith.index_cast %parallel_loop3A_777 : i32 to index
      %parallel_loop3A_780 = tpu.vector_load %arg5[%parallel_loop3A_778, %parallel_loop3A_779] {strides = array<i32>} : memref<16x768xf32, #tpu.memory_space<vmem>>, vector<1x16xf32>,
      %parallel_loop3A_781 = vector.shape_cast %parallel_loop3A_780 : vector<1x16xf32> to vector<16xf32>
      %parallel_loop3A_782 = arith.index_cast %parallel_loop3A_772 : i32 to index
      %parallel_loop3A_783 = arith.index_cast %parallel_loop3A_777 : i32 to index
      %parallel_loop3A_784 = tpu.vector_load %arg8[%parallel_loop3A_782, %parallel_loop3A_783] {strides = array<i32>} : memref<16x768xf32, #tpu.memory_space<vmem>>, vector<1x16xf32>,
      %parallel_loop3A_785 = vector.shape_cast %parallel_loop3A_784 : vector<1x16xf32> to vector<16xf32>
      %parallel_loop3A_786 = vector.shape_cast %parallel_loop3A_781 : vector<16xf32> to vector<1x16xf32>
      tpu.vector_store %arg8[%parallel_loop3A_782, %parallel_loop3A_783], %parallel_loop3A_786 {add = true, strides = array<i32>} : memref<16x768xf32, #tpu.memory_space<vmem>>, vector<1x16xf32>,
    } {sc.loop_unroll_factor = 8 : i64, sc.parallel_access}
    %add3A_473 = arith.constant 224 : i32
    %add3A_474 = arith.addi %mul3A_2, %add3A_473 : i32
    %multiple_of3A_475 = tpu.assume_multiple %add3A_474, 8 : i32
    %dma_start3A_476 = arith.constant 1 : i32
    %dma_start3A_477 = arith.constant 0 : i32
    %dma_start3A_478 = tpu.memref_slice %arg4[%dma_start3A_476, %multiple_of3A_475, %dma_start3A_477] : memref<4x8192x768xf32, #tpu.memory_space<hbm>> -> memref<1x16x768xf32, #tpu.memory_space<hbm>>
    %dma_start3A_479 = tpu.memref_squeeze %dma_start3A_478 : memref<1x16x768xf32, #tpu.memory_space<hbm>> -> memref<16x768xf32, #tpu.memory_space<hbm>>
    %dma_start3A_480 = arith.constant 0 : i32
    %dma_start3A_481 = tpu.memref_slice %arg4[%dma_start3A_476, %multiple_of3A_475, %dma_start3A_480] : memref<4x8192x768xf32, #tpu.memory_space<hbm>> -> memref<1x16x768xf32, #tpu.memory_space<hbm>>
    %dma_start3A_482 = tpu.memref_squeeze %dma_start3A_481 : memref<1x16x768xf32, #tpu.memory_space<hbm>> -> memref<16x768xf32, #tpu.memory_space<hbm>>
    tpu.enqueue_dma source(%arg8 : memref<16x768xf32, #tpu.memory_space<vmem>>) target(%dma_start3A_482 : memref<16x768xf32, #tpu.memory_space<hbm>>) target_semaphore(%arg26 : memref<!tpu.dma_semaphore, #tpu.memory_space<semaphore_mem>>)
    %add3A_483 = arith.constant 208 : i32
    %add3A_484 = arith.addi %mul3A_2, %add3A_483 : i32
    %multiple_of3A_485 = tpu.assume_multiple %add3A_484, 8 : i32
    %dma_wait3A_486 = arith.constant 2 : i32
    %dma_wait3A_487 = arith.constant 0 : i32
    %dma_wait3A_488 = tpu.memref_slice %arg4[%dma_wait3A_486, %multiple_of3A_485, %dma_wait3A_487] : memref<4x8192x768xf32, #tpu.memory_space<hbm>> -> memref<1x16x768xf32, #tpu.memory_space<hbm>>
    %dma_wait3A_489 = tpu.memref_squeeze %dma_wait3A_488 : memref<1x16x768xf32, #tpu.memory_space<hbm>> -> memref<16x768xf32, #tpu.memory_space<hbm>>
    %dma_wait3A_490 = arith.constant 0 : i32
    %dma_wait3A_491 = tpu.memref_slice %arg4[%dma_wait3A_486, %multiple_of3A_485, %dma_wait3A_490] : memref<4x8192x768xf32, #tpu.memory_space<hbm>> -> memref<1x16x768xf32, #tpu.memory_space<hbm>>
    %dma_wait3A_492 = tpu.memref_squeeze %dma_wait3A_491 : memref<1x16x768xf32, #tpu.memory_space<hbm>> -> memref<16x768xf32, #tpu.memory_space<hbm>>
    tpu.wait_dma2 semaphore(%arg31 : memref<!tpu.dma_semaphore, #tpu.memory_space<semaphore_mem>>) src(%arg13 : memref<16x768xf32, #tpu.memory_space<vmem>>) dst(%dma_wait3A_492 : memref<16x768xf32, #tpu.memory_space<hbm>>)
    %add3A_493 = arith.constant 240 : i32
    %add3A_494 = arith.addi %mul3A_2, %add3A_493 : i32
    %multiple_of3A_495 = tpu.assume_multiple %add3A_494, 8 : i32
    %dma_start3A_496 = arith.constant 2 : i32
    %dma_start3A_497 = arith.constant 0 : i32
    %dma_start3A_498 = tpu.memref_slice %arg2[%dma_start3A_496, %multiple_of3A_495, %dma_start3A_497] : memref<4x8192x768xf32, #tpu.memory_space<hbm>> -> memref<1x16x768xf32, #tpu.memory_space<hbm>>
    %dma_start3A_499 = tpu.memref_squeeze %dma_start3A_498 : memref<1x16x768xf32, #tpu.memory_space<hbm>> -> memref<16x768xf32, #tpu.memory_space<hbm>>
    %dma_start3A_500 = arith.constant 0 : i32
    %dma_start3A_501 = tpu.memref_slice %arg2[%dma_start3A_496, %multiple_of3A_495, %dma_start3A_500] : memref<4x8192x768xf32, #tpu.memory_space<hbm>> -> memref<1x16x768xf32, #tpu.memory_space<hbm>>
    %dma_start3A_502 = tpu.memref_squeeze %dma_start3A_501 : memref<1x16x768xf32, #tpu.memory_space<hbm>> -> memref<16x768xf32, #tpu.memory_space<hbm>>
    tpu.enqueue_dma source(%dma_start3A_502 : memref<16x768xf32, #tpu.memory_space<hbm>>) target(%arg13 : memref<16x768xf32, #tpu.memory_space<vmem>>) target_semaphore(%arg23 : memref<!tpu.dma_semaphore, #tpu.memory_space<semaphore_mem>>)
    %add3A_503 = arith.constant 224 : i32
    %add3A_504 = arith.addi %mul3A_2, %add3A_503 : i32
    %multiple_of3A_505 = tpu.assume_multiple %add3A_504, 8 : i32
    %dma_wait3A_506 = arith.constant 2 : i32
    %dma_wait3A_507 = arith.constant 0 : i32
    %dma_wait3A_508 = tpu.memref_slice %arg2[%dma_wait3A_506, %multiple_of3A_505, %dma_wait3A_507] : memref<4x8192x768xf32, #tpu.memory_space<hbm>> -> memref<1x16x768xf32, #tpu.memory_space<hbm>>
    %dma_wait3A_509 = tpu.memref_squeeze %dma_wait3A_508 : memref<1x16x768xf32, #tpu.memory_space<hbm>> -> memref<16x768xf32, #tpu.memory_space<hbm>>
    %dma_wait3A_510 = arith.constant 0 : i32
    %dma_wait3A_511 = tpu.memref_slice %arg2[%dma_wait3A_506, %multiple_of3A_505, %dma_wait3A_510] : memref<4x8192x768xf32, #tpu.memory_space<hbm>> -> memref<1x16x768xf32, #tpu.memory_space<hbm>>
    %dma_wait3A_512 = tpu.memref_squeeze %dma_wait3A_511 : memref<1x16x768xf32, #tpu.memory_space<hbm>> -> memref<16x768xf32, #tpu.memory_space<hbm>>
    tpu.wait_dma2 semaphore(%arg19 : memref<!tpu.dma_semaphore, #tpu.memory_space<semaphore_mem>>) src(%dma_wait3A_512 : memref<16x768xf32, #tpu.memory_space<hbm>>) dst(%arg9 : memref<16x768xf32, #tpu.memory_space<vmem>>)
    %parallel_loop3A_513 = arith.constant 0 : i32
    %parallel_loop3A_514 = arith.constant 768 : i32
    %parallel_loop3A_515 = arith.constant 1 : i32
    scf.for %parallel_loop3A_748 = %parallel_loop3A_513 to %parallel_loop3A_514 step %parallel_loop3A_515  : i32 {
      %parallel_loop3A_749 = arith.constant 48 : i32
      %parallel_loop3A_750 = arith.divsi %parallel_loop3A_748, %parallel_loop3A_749 : i32
      %parallel_loop3A_751 = arith.constant 0 : i32
      %parallel_loop3A_752 = arith.cmpi sgt, %parallel_loop3A_748, %parallel_loop3A_751 : i32
      %parallel_loop3A_753 = arith.extui %parallel_loop3A_752 : i1 to i32
      %parallel_loop3A_754 = arith.constant 0 : i32
      %parallel_loop3A_755 = arith.cmpi slt, %parallel_loop3A_748, %parallel_loop3A_754 : i32
      %parallel_loop3A_756 = arith.extui %parallel_loop3A_755 : i1 to i32
      %parallel_loop3A_757 = arith.subi %parallel_loop3A_753, %parallel_loop3A_756 : i32
      %parallel_loop3A_758 = arith.constant 0 : i32
      %parallel_loop3A_759 = arith.cmpi sgt, %parallel_loop3A_749, %parallel_loop3A_758 : i32
      %parallel_loop3A_760 = arith.extui %parallel_loop3A_759 : i1 to i32
      %parallel_loop3A_761 = arith.constant 0 : i32
      %parallel_loop3A_762 = arith.cmpi slt, %parallel_loop3A_749, %parallel_loop3A_761 : i32
      %parallel_loop3A_763 = arith.extui %parallel_loop3A_762 : i1 to i32
      %parallel_loop3A_764 = arith.subi %parallel_loop3A_760, %parallel_loop3A_763 : i32
      %parallel_loop3A_765 = arith.cmpi ne, %parallel_loop3A_757, %parallel_loop3A_764 : i32
      %parallel_loop3A_766 = arith.remsi %parallel_loop3A_748, %parallel_loop3A_749 : i32
      %parallel_loop3A_767 = arith.constant 0 : i32
      %parallel_loop3A_768 = arith.cmpi ne, %parallel_loop3A_766, %parallel_loop3A_767 : i32
      %parallel_loop3A_769 = arith.andi %parallel_loop3A_765, %parallel_loop3A_768 : i1
      %parallel_loop3A_770 = arith.constant 1 : i32
      %parallel_loop3A_771 = arith.subi %parallel_loop3A_750, %parallel_loop3A_770 : i32
      %parallel_loop3A_772 = arith.select %parallel_loop3A_769, %parallel_loop3A_771, %parallel_loop3A_750 : i32
      %parallel_loop3A_773 = arith.constant 48 : i32
      %parallel_loop3A_774 = arith.muli %parallel_loop3A_772, %parallel_loop3A_773 : i32
      %parallel_loop3A_775 = arith.subi %parallel_loop3A_748, %parallel_loop3A_774 : i32
      %parallel_loop3A_776 = arith.constant 16 : i32
      %parallel_loop3A_777 = arith.muli %parallel_loop3A_775, %parallel_loop3A_776 : i32
      %parallel_loop3A_778 = arith.index_cast %parallel_loop3A_772 : i32 to index
      %parallel_loop3A_779 = arith.index_cast %parallel_loop3A_777 : i32 to index
      %parallel_loop3A_780 = tpu.vector_load %arg5[%parallel_loop3A_778, %parallel_loop3A_779] {strides = array<i32>} : memref<16x768xf32, #tpu.memory_space<vmem>>, vector<1x16xf32>,
      %parallel_loop3A_781 = vector.shape_cast %parallel_loop3A_780 : vector<1x16xf32> to vector<16xf32>
      %parallel_loop3A_782 = arith.index_cast %parallel_loop3A_772 : i32 to index
      %parallel_loop3A_783 = arith.index_cast %parallel_loop3A_777 : i32 to index
      %parallel_loop3A_784 = tpu.vector_load %arg9[%parallel_loop3A_782, %parallel_loop3A_783] {strides = array<i32>} : memref<16x768xf32, #tpu.memory_space<vmem>>, vector<1x16xf32>,
      %parallel_loop3A_785 = vector.shape_cast %parallel_loop3A_784 : vector<1x16xf32> to vector<16xf32>
      %parallel_loop3A_786 = vector.shape_cast %parallel_loop3A_781 : vector<16xf32> to vector<1x16xf32>
      tpu.vector_store %arg9[%parallel_loop3A_782, %parallel_loop3A_783], %parallel_loop3A_786 {add = true, strides = array<i32>} : memref<16x768xf32, #tpu.memory_space<vmem>>, vector<1x16xf32>,
    } {sc.loop_unroll_factor = 8 : i64, sc.parallel_access}
    %add3A_516 = arith.constant 224 : i32
    %add3A_517 = arith.addi %mul3A_2, %add3A_516 : i32
    %multiple_of3A_518 = tpu.assume_multiple %add3A_517, 8 : i32
    %dma_start3A_519 = arith.constant 2 : i32
    %dma_start3A_520 = arith.constant 0 : i32
    %dma_start3A_521 = tpu.memref_slice %arg4[%dma_start3A_519, %multiple_of3A_518, %dma_start3A_520] : memref<4x8192x768xf32, #tpu.memory_space<hbm>> -> memref<1x16x768xf32, #tpu.memory_space<hbm>>
    %dma_start3A_522 = tpu.memref_squeeze %dma_start3A_521 : memref<1x16x768xf32, #tpu.memory_space<hbm>> -> memref<16x768xf32, #tpu.memory_space<hbm>>
    %dma_start3A_523 = arith.constant 0 : i32
    %dma_start3A_524 = tpu.memref_slice %arg4[%dma_start3A_519, %multiple_of3A_518, %dma_start3A_523] : memref<4x8192x768xf32, #tpu.memory_space<hbm>> -> memref<1x16x768xf32, #tpu.memory_space<hbm>>
    %dma_start3A_525 = tpu.memref_squeeze %dma_start3A_524 : memref<1x16x768xf32, #tpu.memory_space<hbm>> -> memref<16x768xf32, #tpu.memory_space<hbm>>
    tpu.enqueue_dma source(%arg9 : memref<16x768xf32, #tpu.memory_space<vmem>>) target(%dma_start3A_525 : memref<16x768xf32, #tpu.memory_space<hbm>>) target_semaphore(%arg27 : memref<!tpu.dma_semaphore, #tpu.memory_space<semaphore_mem>>)
    %add3A_526 = arith.constant 208 : i32
    %add3A_527 = arith.addi %mul3A_2, %add3A_526 : i32
    %multiple_of3A_528 = tpu.assume_multiple %add3A_527, 8 : i32
    %dma_wait3A_529 = arith.constant 3 : i32
    %dma_wait3A_530 = arith.constant 0 : i32
    %dma_wait3A_531 = tpu.memref_slice %arg4[%dma_wait3A_529, %multiple_of3A_528, %dma_wait3A_530] : memref<4x8192x768xf32, #tpu.memory_space<hbm>> -> memref<1x16x768xf32, #tpu.memory_space<hbm>>
    %dma_wait3A_532 = tpu.memref_squeeze %dma_wait3A_531 : memref<1x16x768xf32, #tpu.memory_space<hbm>> -> memref<16x768xf32, #tpu.memory_space<hbm>>
    %dma_wait3A_533 = arith.constant 0 : i32
    %dma_wait3A_534 = tpu.memref_slice %arg4[%dma_wait3A_529, %multiple_of3A_528, %dma_wait3A_533] : memref<4x8192x768xf32, #tpu.memory_space<hbm>> -> memref<1x16x768xf32, #tpu.memory_space<hbm>>
    %dma_wait3A_535 = tpu.memref_squeeze %dma_wait3A_534 : memref<1x16x768xf32, #tpu.memory_space<hbm>> -> memref<16x768xf32, #tpu.memory_space<hbm>>
    tpu.wait_dma2 semaphore(%arg32 : memref<!tpu.dma_semaphore, #tpu.memory_space<semaphore_mem>>) src(%arg14 : memref<16x768xf32, #tpu.memory_space<vmem>>) dst(%dma_wait3A_535 : memref<16x768xf32, #tpu.memory_space<hbm>>)
    %add3A_536 = arith.constant 240 : i32
    %add3A_537 = arith.addi %mul3A_2, %add3A_536 : i32
    %multiple_of3A_538 = tpu.assume_multiple %add3A_537, 8 : i32
    %dma_start3A_539 = arith.constant 3 : i32
    %dma_start3A_540 = arith.constant 0 : i32
    %dma_start3A_541 = tpu.memref_slice %arg2[%dma_start3A_539, %multiple_of3A_538, %dma_start3A_540] : memref<4x8192x768xf32, #tpu.memory_space<hbm>> -> memref<1x16x768xf32, #tpu.memory_space<hbm>>
    %dma_start3A_542 = tpu.memref_squeeze %dma_start3A_541 : memref<1x16x768xf32, #tpu.memory_space<hbm>> -> memref<16x768xf32, #tpu.memory_space<hbm>>
    %dma_start3A_543 = arith.constant 0 : i32
    %dma_start3A_544 = tpu.memref_slice %arg2[%dma_start3A_539, %multiple_of3A_538, %dma_start3A_543] : memref<4x8192x768xf32, #tpu.memory_space<hbm>> -> memref<1x16x768xf32, #tpu.memory_space<hbm>>
    %dma_start3A_545 = tpu.memref_squeeze %dma_start3A_544 : memref<1x16x768xf32, #tpu.memory_space<hbm>> -> memref<16x768xf32, #tpu.memory_space<hbm>>
    tpu.enqueue_dma source(%dma_start3A_545 : memref<16x768xf32, #tpu.memory_space<hbm>>) target(%arg14 : memref<16x768xf32, #tpu.memory_space<vmem>>) target_semaphore(%arg24 : memref<!tpu.dma_semaphore, #tpu.memory_space<semaphore_mem>>)
    %add3A_546 = arith.constant 224 : i32
    %add3A_547 = arith.addi %mul3A_2, %add3A_546 : i32
    %multiple_of3A_548 = tpu.assume_multiple %add3A_547, 8 : i32
    %dma_wait3A_549 = arith.constant 3 : i32
    %dma_wait3A_550 = arith.constant 0 : i32
    %dma_wait3A_551 = tpu.memref_slice %arg2[%dma_wait3A_549, %multiple_of3A_548, %dma_wait3A_550] : memref<4x8192x768xf32, #tpu.memory_space<hbm>> -> memref<1x16x768xf32, #tpu.memory_space<hbm>>
    %dma_wait3A_552 = tpu.memref_squeeze %dma_wait3A_551 : memref<1x16x768xf32, #tpu.memory_space<hbm>> -> memref<16x768xf32, #tpu.memory_space<hbm>>
    %dma_wait3A_553 = arith.constant 0 : i32
    %dma_wait3A_554 = tpu.memref_slice %arg2[%dma_wait3A_549, %multiple_of3A_548, %dma_wait3A_553] : memref<4x8192x768xf32, #tpu.memory_space<hbm>> -> memref<1x16x768xf32, #tpu.memory_space<hbm>>
    %dma_wait3A_555 = tpu.memref_squeeze %dma_wait3A_554 : memref<1x16x768xf32, #tpu.memory_space<hbm>> -> memref<16x768xf32, #tpu.memory_space<hbm>>
    tpu.wait_dma2 semaphore(%arg20 : memref<!tpu.dma_semaphore, #tpu.memory_space<semaphore_mem>>) src(%dma_wait3A_555 : memref<16x768xf32, #tpu.memory_space<hbm>>) dst(%arg10 : memref<16x768xf32, #tpu.memory_space<vmem>>)
    %parallel_loop3A_556 = arith.constant 0 : i32
    %parallel_loop3A_557 = arith.constant 768 : i32
    %parallel_loop3A_558 = arith.constant 1 : i32
    scf.for %parallel_loop3A_748 = %parallel_loop3A_556 to %parallel_loop3A_557 step %parallel_loop3A_558  : i32 {
      %parallel_loop3A_749 = arith.constant 48 : i32
      %parallel_loop3A_750 = arith.divsi %parallel_loop3A_748, %parallel_loop3A_749 : i32
      %parallel_loop3A_751 = arith.constant 0 : i32
      %parallel_loop3A_752 = arith.cmpi sgt, %parallel_loop3A_748, %parallel_loop3A_751 : i32
      %parallel_loop3A_753 = arith.extui %parallel_loop3A_752 : i1 to i32
      %parallel_loop3A_754 = arith.constant 0 : i32
      %parallel_loop3A_755 = arith.cmpi slt, %parallel_loop3A_748, %parallel_loop3A_754 : i32
      %parallel_loop3A_756 = arith.extui %parallel_loop3A_755 : i1 to i32
      %parallel_loop3A_757 = arith.subi %parallel_loop3A_753, %parallel_loop3A_756 : i32
      %parallel_loop3A_758 = arith.constant 0 : i32
      %parallel_loop3A_759 = arith.cmpi sgt, %parallel_loop3A_749, %parallel_loop3A_758 : i32
      %parallel_loop3A_760 = arith.extui %parallel_loop3A_759 : i1 to i32
      %parallel_loop3A_761 = arith.constant 0 : i32
      %parallel_loop3A_762 = arith.cmpi slt, %parallel_loop3A_749, %parallel_loop3A_761 : i32
      %parallel_loop3A_763 = arith.extui %parallel_loop3A_762 : i1 to i32
      %parallel_loop3A_764 = arith.subi %parallel_loop3A_760, %parallel_loop3A_763 : i32
      %parallel_loop3A_765 = arith.cmpi ne, %parallel_loop3A_757, %parallel_loop3A_764 : i32
      %parallel_loop3A_766 = arith.remsi %parallel_loop3A_748, %parallel_loop3A_749 : i32
      %parallel_loop3A_767 = arith.constant 0 : i32
      %parallel_loop3A_768 = arith.cmpi ne, %parallel_loop3A_766, %parallel_loop3A_767 : i32
      %parallel_loop3A_769 = arith.andi %parallel_loop3A_765, %parallel_loop3A_768 : i1
      %parallel_loop3A_770 = arith.constant 1 : i32
      %parallel_loop3A_771 = arith.subi %parallel_loop3A_750, %parallel_loop3A_770 : i32
      %parallel_loop3A_772 = arith.select %parallel_loop3A_769, %parallel_loop3A_771, %parallel_loop3A_750 : i32
      %parallel_loop3A_773 = arith.constant 48 : i32
      %parallel_loop3A_774 = arith.muli %parallel_loop3A_772, %parallel_loop3A_773 : i32
      %parallel_loop3A_775 = arith.subi %parallel_loop3A_748, %parallel_loop3A_774 : i32
      %parallel_loop3A_776 = arith.constant 16 : i32
      %parallel_loop3A_777 = arith.muli %parallel_loop3A_775, %parallel_loop3A_776 : i32
      %parallel_loop3A_778 = arith.index_cast %parallel_loop3A_772 : i32 to index
      %parallel_loop3A_779 = arith.index_cast %parallel_loop3A_777 : i32 to index
      %parallel_loop3A_780 = tpu.vector_load %arg5[%parallel_loop3A_778, %parallel_loop3A_779] {strides = array<i32>} : memref<16x768xf32, #tpu.memory_space<vmem>>, vector<1x16xf32>,
      %parallel_loop3A_781 = vector.shape_cast %parallel_loop3A_780 : vector<1x16xf32> to vector<16xf32>
      %parallel_loop3A_782 = arith.index_cast %parallel_loop3A_772 : i32 to index
      %parallel_loop3A_783 = arith.index_cast %parallel_loop3A_777 : i32 to index
      %parallel_loop3A_784 = tpu.vector_load %arg10[%parallel_loop3A_782, %parallel_loop3A_783] {strides = array<i32>} : memref<16x768xf32, #tpu.memory_space<vmem>>, vector<1x16xf32>,
      %parallel_loop3A_785 = vector.shape_cast %parallel_loop3A_784 : vector<1x16xf32> to vector<16xf32>
      %parallel_loop3A_786 = vector.shape_cast %parallel_loop3A_781 : vector<16xf32> to vector<1x16xf32>
      tpu.vector_store %arg10[%parallel_loop3A_782, %parallel_loop3A_783], %parallel_loop3A_786 {add = true, strides = array<i32>} : memref<16x768xf32, #tpu.memory_space<vmem>>, vector<1x16xf32>,
    } {sc.loop_unroll_factor = 8 : i64, sc.parallel_access}
    %add3A_559 = arith.constant 224 : i32
    %add3A_560 = arith.addi %mul3A_2, %add3A_559 : i32
    %multiple_of3A_561 = tpu.assume_multiple %add3A_560, 8 : i32
    %dma_start3A_562 = arith.constant 3 : i32
    %dma_start3A_563 = arith.constant 0 : i32
    %dma_start3A_564 = tpu.memref_slice %arg4[%dma_start3A_562, %multiple_of3A_561, %dma_start3A_563] : memref<4x8192x768xf32, #tpu.memory_space<hbm>> -> memref<1x16x768xf32, #tpu.memory_space<hbm>>
    %dma_start3A_565 = tpu.memref_squeeze %dma_start3A_564 : memref<1x16x768xf32, #tpu.memory_space<hbm>> -> memref<16x768xf32, #tpu.memory_space<hbm>>
    %dma_start3A_566 = arith.constant 0 : i32
    %dma_start3A_567 = tpu.memref_slice %arg4[%dma_start3A_562, %multiple_of3A_561, %dma_start3A_566] : memref<4x8192x768xf32, #tpu.memory_space<hbm>> -> memref<1x16x768xf32, #tpu.memory_space<hbm>>
    %dma_start3A_568 = tpu.memref_squeeze %dma_start3A_567 : memref<1x16x768xf32, #tpu.memory_space<hbm>> -> memref<16x768xf32, #tpu.memory_space<hbm>>
    tpu.enqueue_dma source(%arg10 : memref<16x768xf32, #tpu.memory_space<vmem>>) target(%dma_start3A_568 : memref<16x768xf32, #tpu.memory_space<hbm>>) target_semaphore(%arg28 : memref<!tpu.dma_semaphore, #tpu.memory_space<semaphore_mem>>)
    %add3A_569 = arith.constant 240 : i32
    %add3A_570 = arith.addi %mul3A_2, %add3A_569 : i32
    %multiple_of3A_571 = tpu.assume_multiple %add3A_570, 8 : i32
    %dma_wait3A_572 = arith.constant 0 : i32
    %dma_wait3A_573 = tpu.memref_slice %arg3[%multiple_of3A_571, %dma_wait3A_572] : memref<8192x768xf32, #tpu.memory_space<hbm>> -> memref<16x768xf32, #tpu.memory_space<hbm>>
    %dma_wait3A_574 = arith.constant 0 : i32
    %dma_wait3A_575 = tpu.memref_slice %arg3[%multiple_of3A_571, %dma_wait3A_574] : memref<8192x768xf32, #tpu.memory_space<hbm>> -> memref<16x768xf32, #tpu.memory_space<hbm>>
    tpu.wait_dma2 semaphore(%arg16 : memref<!tpu.dma_semaphore, #tpu.memory_space<semaphore_mem>>) src(%dma_wait3A_575 : memref<16x768xf32, #tpu.memory_space<hbm>>) dst(%arg6 : memref<16x768xf32, #tpu.memory_space<vmem>>)
    %add3A_576 = arith.constant 240 : i32
    %add3A_577 = arith.addi %mul3A_2, %add3A_576 : i32
    %multiple_of3A_578 = tpu.assume_multiple %add3A_577, 8 : i32
    %dma_wait3A_579 = arith.constant 0 : i32
    %dma_wait3A_580 = arith.constant 0 : i32
    %dma_wait3A_581 = tpu.memref_slice %arg2[%dma_wait3A_579, %multiple_of3A_578, %dma_wait3A_580] : memref<4x8192x768xf32, #tpu.memory_space<hbm>> -> memref<1x16x768xf32, #tpu.memory_space<hbm>>
    %dma_wait3A_582 = tpu.memref_squeeze %dma_wait3A_581 : memref<1x16x768xf32, #tpu.memory_space<hbm>> -> memref<16x768xf32, #tpu.memory_space<hbm>>
    %dma_wait3A_583 = arith.constant 0 : i32
    %dma_wait3A_584 = tpu.memref_slice %arg2[%dma_wait3A_579, %multiple_of3A_578, %dma_wait3A_583] : memref<4x8192x768xf32, #tpu.memory_space<hbm>> -> memref<1x16x768xf32, #tpu.memory_space<hbm>>
    %dma_wait3A_585 = tpu.memref_squeeze %dma_wait3A_584 : memref<1x16x768xf32, #tpu.memory_space<hbm>> -> memref<16x768xf32, #tpu.memory_space<hbm>>
    tpu.wait_dma2 semaphore(%arg21 : memref<!tpu.dma_semaphore, #tpu.memory_space<semaphore_mem>>) src(%dma_wait3A_585 : memref<16x768xf32, #tpu.memory_space<hbm>>) dst(%arg11 : memref<16x768xf32, #tpu.memory_space<vmem>>)
    %parallel_loop3A_586 = arith.constant 0 : i32
    %parallel_loop3A_587 = arith.constant 768 : i32
    %parallel_loop3A_588 = arith.constant 1 : i32
    scf.for %parallel_loop3A_748 = %parallel_loop3A_586 to %parallel_loop3A_587 step %parallel_loop3A_588  : i32 {
      %parallel_loop3A_749 = arith.constant 48 : i32
      %parallel_loop3A_750 = arith.divsi %parallel_loop3A_748, %parallel_loop3A_749 : i32
      %parallel_loop3A_751 = arith.constant 0 : i32
      %parallel_loop3A_752 = arith.cmpi sgt, %parallel_loop3A_748, %parallel_loop3A_751 : i32
      %parallel_loop3A_753 = arith.extui %parallel_loop3A_752 : i1 to i32
      %parallel_loop3A_754 = arith.constant 0 : i32
      %parallel_loop3A_755 = arith.cmpi slt, %parallel_loop3A_748, %parallel_loop3A_754 : i32
      %parallel_loop3A_756 = arith.extui %parallel_loop3A_755 : i1 to i32
      %parallel_loop3A_757 = arith.subi %parallel_loop3A_753, %parallel_loop3A_756 : i32
      %parallel_loop3A_758 = arith.constant 0 : i32
      %parallel_loop3A_759 = arith.cmpi sgt, %parallel_loop3A_749, %parallel_loop3A_758 : i32
      %parallel_loop3A_760 = arith.extui %parallel_loop3A_759 : i1 to i32
      %parallel_loop3A_761 = arith.constant 0 : i32
      %parallel_loop3A_762 = arith.cmpi slt, %parallel_loop3A_749, %parallel_loop3A_761 : i32
      %parallel_loop3A_763 = arith.extui %parallel_loop3A_762 : i1 to i32
      %parallel_loop3A_764 = arith.subi %parallel_loop3A_760, %parallel_loop3A_763 : i32
      %parallel_loop3A_765 = arith.cmpi ne, %parallel_loop3A_757, %parallel_loop3A_764 : i32
      %parallel_loop3A_766 = arith.remsi %parallel_loop3A_748, %parallel_loop3A_749 : i32
      %parallel_loop3A_767 = arith.constant 0 : i32
      %parallel_loop3A_768 = arith.cmpi ne, %parallel_loop3A_766, %parallel_loop3A_767 : i32
      %parallel_loop3A_769 = arith.andi %parallel_loop3A_765, %parallel_loop3A_768 : i1
      %parallel_loop3A_770 = arith.constant 1 : i32
      %parallel_loop3A_771 = arith.subi %parallel_loop3A_750, %parallel_loop3A_770 : i32
      %parallel_loop3A_772 = arith.select %parallel_loop3A_769, %parallel_loop3A_771, %parallel_loop3A_750 : i32
      %parallel_loop3A_773 = arith.constant 48 : i32
      %parallel_loop3A_774 = arith.muli %parallel_loop3A_772, %parallel_loop3A_773 : i32
      %parallel_loop3A_775 = arith.subi %parallel_loop3A_748, %parallel_loop3A_774 : i32
      %parallel_loop3A_776 = arith.constant 16 : i32
      %parallel_loop3A_777 = arith.muli %parallel_loop3A_775, %parallel_loop3A_776 : i32
      %parallel_loop3A_778 = arith.index_cast %parallel_loop3A_772 : i32 to index
      %parallel_loop3A_779 = arith.index_cast %parallel_loop3A_777 : i32 to index
      %parallel_loop3A_780 = tpu.vector_load %arg6[%parallel_loop3A_778, %parallel_loop3A_779] {strides = array<i32>} : memref<16x768xf32, #tpu.memory_space<vmem>>, vector<1x16xf32>,
      %parallel_loop3A_781 = vector.shape_cast %parallel_loop3A_780 : vector<1x16xf32> to vector<16xf32>
      %parallel_loop3A_782 = arith.index_cast %parallel_loop3A_772 : i32 to index
      %parallel_loop3A_783 = arith.index_cast %parallel_loop3A_777 : i32 to index
      %parallel_loop3A_784 = tpu.vector_load %arg11[%parallel_loop3A_782, %parallel_loop3A_783] {strides = array<i32>} : memref<16x768xf32, #tpu.memory_space<vmem>>, vector<1x16xf32>,
      %parallel_loop3A_785 = vector.shape_cast %parallel_loop3A_784 : vector<1x16xf32> to vector<16xf32>
      %parallel_loop3A_786 = vector.shape_cast %parallel_loop3A_781 : vector<16xf32> to vector<1x16xf32>
      tpu.vector_store %arg11[%parallel_loop3A_782, %parallel_loop3A_783], %parallel_loop3A_786 {add = true, strides = array<i32>} : memref<16x768xf32, #tpu.memory_space<vmem>>, vector<1x16xf32>,
    } {sc.loop_unroll_factor = 8 : i64, sc.parallel_access}
    %add3A_589 = arith.constant 240 : i32
    %add3A_590 = arith.addi %mul3A_2, %add3A_589 : i32
    %multiple_of3A_591 = tpu.assume_multiple %add3A_590, 8 : i32
    %dma_start3A_592 = arith.constant 0 : i32
    %dma_start3A_593 = arith.constant 0 : i32
    %dma_start3A_594 = tpu.memref_slice %arg4[%dma_start3A_592, %multiple_of3A_591, %dma_start3A_593] : memref<4x8192x768xf32, #tpu.memory_space<hbm>> -> memref<1x16x768xf32, #tpu.memory_space<hbm>>
    %dma_start3A_595 = tpu.memref_squeeze %dma_start3A_594 : memref<1x16x768xf32, #tpu.memory_space<hbm>> -> memref<16x768xf32, #tpu.memory_space<hbm>>
    %dma_start3A_596 = arith.constant 0 : i32
    %dma_start3A_597 = tpu.memref_slice %arg4[%dma_start3A_592, %multiple_of3A_591, %dma_start3A_596] : memref<4x8192x768xf32, #tpu.memory_space<hbm>> -> memref<1x16x768xf32, #tpu.memory_space<hbm>>
    %dma_start3A_598 = tpu.memref_squeeze %dma_start3A_597 : memref<1x16x768xf32, #tpu.memory_space<hbm>> -> memref<16x768xf32, #tpu.memory_space<hbm>>
    tpu.enqueue_dma source(%arg11 : memref<16x768xf32, #tpu.memory_space<vmem>>) target(%dma_start3A_598 : memref<16x768xf32, #tpu.memory_space<hbm>>) target_semaphore(%arg29 : memref<!tpu.dma_semaphore, #tpu.memory_space<semaphore_mem>>)
    %add3A_599 = arith.constant 240 : i32
    %add3A_600 = arith.addi %mul3A_2, %add3A_599 : i32
    %multiple_of3A_601 = tpu.assume_multiple %add3A_600, 8 : i32
    %dma_wait3A_602 = arith.constant 1 : i32
    %dma_wait3A_603 = arith.constant 0 : i32
    %dma_wait3A_604 = tpu.memref_slice %arg2[%dma_wait3A_602, %multiple_of3A_601, %dma_wait3A_603] : memref<4x8192x768xf32, #tpu.memory_space<hbm>> -> memref<1x16x768xf32, #tpu.memory_space<hbm>>
    %dma_wait3A_605 = tpu.memref_squeeze %dma_wait3A_604 : memref<1x16x768xf32, #tpu.memory_space<hbm>> -> memref<16x768xf32, #tpu.memory_space<hbm>>
    %dma_wait3A_606 = arith.constant 0 : i32
    %dma_wait3A_607 = tpu.memref_slice %arg2[%dma_wait3A_602, %multiple_of3A_601, %dma_wait3A_606] : memref<4x8192x768xf32, #tpu.memory_space<hbm>> -> memref<1x16x768xf32, #tpu.memory_space<hbm>>
    %dma_wait3A_608 = tpu.memref_squeeze %dma_wait3A_607 : memref<1x16x768xf32, #tpu.memory_space<hbm>> -> memref<16x768xf32, #tpu.memory_space<hbm>>
    tpu.wait_dma2 semaphore(%arg22 : memref<!tpu.dma_semaphore, #tpu.memory_space<semaphore_mem>>) src(%dma_wait3A_608 : memref<16x768xf32, #tpu.memory_space<hbm>>) dst(%arg12 : memref<16x768xf32, #tpu.memory_space<vmem>>)
    %parallel_loop3A_609 = arith.constant 0 : i32
    %parallel_loop3A_610 = arith.constant 768 : i32
    %parallel_loop3A_611 = arith.constant 1 : i32
    scf.for %parallel_loop3A_748 = %parallel_loop3A_609 to %parallel_loop3A_610 step %parallel_loop3A_611  : i32 {
      %parallel_loop3A_749 = arith.constant 48 : i32
      %parallel_loop3A_750 = arith.divsi %parallel_loop3A_748, %parallel_loop3A_749 : i32
      %parallel_loop3A_751 = arith.constant 0 : i32
      %parallel_loop3A_752 = arith.cmpi sgt, %parallel_loop3A_748, %parallel_loop3A_751 : i32
      %parallel_loop3A_753 = arith.extui %parallel_loop3A_752 : i1 to i32
      %parallel_loop3A_754 = arith.constant 0 : i32
      %parallel_loop3A_755 = arith.cmpi slt, %parallel_loop3A_748, %parallel_loop3A_754 : i32
      %parallel_loop3A_756 = arith.extui %parallel_loop3A_755 : i1 to i32
      %parallel_loop3A_757 = arith.subi %parallel_loop3A_753, %parallel_loop3A_756 : i32
      %parallel_loop3A_758 = arith.constant 0 : i32
      %parallel_loop3A_759 = arith.cmpi sgt, %parallel_loop3A_749, %parallel_loop3A_758 : i32
      %parallel_loop3A_760 = arith.extui %parallel_loop3A_759 : i1 to i32
      %parallel_loop3A_761 = arith.constant 0 : i32
      %parallel_loop3A_762 = arith.cmpi slt, %parallel_loop3A_749, %parallel_loop3A_761 : i32
      %parallel_loop3A_763 = arith.extui %parallel_loop3A_762 : i1 to i32
      %parallel_loop3A_764 = arith.subi %parallel_loop3A_760, %parallel_loop3A_763 : i32
      %parallel_loop3A_765 = arith.cmpi ne, %parallel_loop3A_757, %parallel_loop3A_764 : i32
      %parallel_loop3A_766 = arith.remsi %parallel_loop3A_748, %parallel_loop3A_749 : i32
      %parallel_loop3A_767 = arith.constant 0 : i32
      %parallel_loop3A_768 = arith.cmpi ne, %parallel_loop3A_766, %parallel_loop3A_767 : i32
      %parallel_loop3A_769 = arith.andi %parallel_loop3A_765, %parallel_loop3A_768 : i1
      %parallel_loop3A_770 = arith.constant 1 : i32
      %parallel_loop3A_771 = arith.subi %parallel_loop3A_750, %parallel_loop3A_770 : i32
      %parallel_loop3A_772 = arith.select %parallel_loop3A_769, %parallel_loop3A_771, %parallel_loop3A_750 : i32
      %parallel_loop3A_773 = arith.constant 48 : i32
      %parallel_loop3A_774 = arith.muli %parallel_loop3A_772, %parallel_loop3A_773 : i32
      %parallel_loop3A_775 = arith.subi %parallel_loop3A_748, %parallel_loop3A_774 : i32
      %parallel_loop3A_776 = arith.constant 16 : i32
      %parallel_loop3A_777 = arith.muli %parallel_loop3A_775, %parallel_loop3A_776 : i32
      %parallel_loop3A_778 = arith.index_cast %parallel_loop3A_772 : i32 to index
      %parallel_loop3A_779 = arith.index_cast %parallel_loop3A_777 : i32 to index
      %parallel_loop3A_780 = tpu.vector_load %arg6[%parallel_loop3A_778, %parallel_loop3A_779] {strides = array<i32>} : memref<16x768xf32, #tpu.memory_space<vmem>>, vector<1x16xf32>,
      %parallel_loop3A_781 = vector.shape_cast %parallel_loop3A_780 : vector<1x16xf32> to vector<16xf32>
      %parallel_loop3A_782 = arith.index_cast %parallel_loop3A_772 : i32 to index
      %parallel_loop3A_783 = arith.index_cast %parallel_loop3A_777 : i32 to index
      %parallel_loop3A_784 = tpu.vector_load %arg12[%parallel_loop3A_782, %parallel_loop3A_783] {strides = array<i32>} : memref<16x768xf32, #tpu.memory_space<vmem>>, vector<1x16xf32>,
      %parallel_loop3A_785 = vector.shape_cast %parallel_loop3A_784 : vector<1x16xf32> to vector<16xf32>
      %parallel_loop3A_786 = vector.shape_cast %parallel_loop3A_781 : vector<16xf32> to vector<1x16xf32>
      tpu.vector_store %arg12[%parallel_loop3A_782, %parallel_loop3A_783], %parallel_loop3A_786 {add = true, strides = array<i32>} : memref<16x768xf32, #tpu.memory_space<vmem>>, vector<1x16xf32>,
    } {sc.loop_unroll_factor = 8 : i64, sc.parallel_access}
    %add3A_612 = arith.constant 240 : i32
    %add3A_613 = arith.addi %mul3A_2, %add3A_612 : i32
    %multiple_of3A_614 = tpu.assume_multiple %add3A_613, 8 : i32
    %dma_start3A_615 = arith.constant 1 : i32
    %dma_start3A_616 = arith.constant 0 : i32
    %dma_start3A_617 = tpu.memref_slice %arg4[%dma_start3A_615, %multiple_of3A_614, %dma_start3A_616] : memref<4x8192x768xf32, #tpu.memory_space<hbm>> -> memref<1x16x768xf32, #tpu.memory_space<hbm>>
    %dma_start3A_618 = tpu.memref_squeeze %dma_start3A_617 : memref<1x16x768xf32, #tpu.memory_space<hbm>> -> memref<16x768xf32, #tpu.memory_space<hbm>>
    %dma_start3A_619 = arith.constant 0 : i32
    %dma_start3A_620 = tpu.memref_slice %arg4[%dma_start3A_615, %multiple_of3A_614, %dma_start3A_619] : memref<4x8192x768xf32, #tpu.memory_space<hbm>> -> memref<1x16x768xf32, #tpu.memory_space<hbm>>
    %dma_start3A_621 = tpu.memref_squeeze %dma_start3A_620 : memref<1x16x768xf32, #tpu.memory_space<hbm>> -> memref<16x768xf32, #tpu.memory_space<hbm>>
    tpu.enqueue_dma source(%arg12 : memref<16x768xf32, #tpu.memory_space<vmem>>) target(%dma_start3A_621 : memref<16x768xf32, #tpu.memory_space<hbm>>) target_semaphore(%arg30 : memref<!tpu.dma_semaphore, #tpu.memory_space<semaphore_mem>>)
    %add3A_622 = arith.constant 240 : i32
    %add3A_623 = arith.addi %mul3A_2, %add3A_622 : i32
    %multiple_of3A_624 = tpu.assume_multiple %add3A_623, 8 : i32
    %dma_wait3A_625 = arith.constant 2 : i32
    %dma_wait3A_626 = arith.constant 0 : i32
    %dma_wait3A_627 = tpu.memref_slice %arg2[%dma_wait3A_625, %multiple_of3A_624, %dma_wait3A_626] : memref<4x8192x768xf32, #tpu.memory_space<hbm>> -> memref<1x16x768xf32, #tpu.memory_space<hbm>>
    %dma_wait3A_628 = tpu.memref_squeeze %dma_wait3A_627 : memref<1x16x768xf32, #tpu.memory_space<hbm>> -> memref<16x768xf32, #tpu.memory_space<hbm>>
    %dma_wait3A_629 = arith.constant 0 : i32
    %dma_wait3A_630 = tpu.memref_slice %arg2[%dma_wait3A_625, %multiple_of3A_624, %dma_wait3A_629] : memref<4x8192x768xf32, #tpu.memory_space<hbm>> -> memref<1x16x768xf32, #tpu.memory_space<hbm>>
    %dma_wait3A_631 = tpu.memref_squeeze %dma_wait3A_630 : memref<1x16x768xf32, #tpu.memory_space<hbm>> -> memref<16x768xf32, #tpu.memory_space<hbm>>
    tpu.wait_dma2 semaphore(%arg23 : memref<!tpu.dma_semaphore, #tpu.memory_space<semaphore_mem>>) src(%dma_wait3A_631 : memref<16x768xf32, #tpu.memory_space<hbm>>) dst(%arg13 : memref<16x768xf32, #tpu.memory_space<vmem>>)
    %parallel_loop3A_632 = arith.constant 0 : i32
    %parallel_loop3A_633 = arith.constant 768 : i32
    %parallel_loop3A_634 = arith.constant 1 : i32
    scf.for %parallel_loop3A_748 = %parallel_loop3A_632 to %parallel_loop3A_633 step %parallel_loop3A_634  : i32 {
      %parallel_loop3A_749 = arith.constant 48 : i32
      %parallel_loop3A_750 = arith.divsi %parallel_loop3A_748, %parallel_loop3A_749 : i32
      %parallel_loop3A_751 = arith.constant 0 : i32
      %parallel_loop3A_752 = arith.cmpi sgt, %parallel_loop3A_748, %parallel_loop3A_751 : i32
      %parallel_loop3A_753 = arith.extui %parallel_loop3A_752 : i1 to i32
      %parallel_loop3A_754 = arith.constant 0 : i32
      %parallel_loop3A_755 = arith.cmpi slt, %parallel_loop3A_748, %parallel_loop3A_754 : i32
      %parallel_loop3A_756 = arith.extui %parallel_loop3A_755 : i1 to i32
      %parallel_loop3A_757 = arith.subi %parallel_loop3A_753, %parallel_loop3A_756 : i32
      %parallel_loop3A_758 = arith.constant 0 : i32
      %parallel_loop3A_759 = arith.cmpi sgt, %parallel_loop3A_749, %parallel_loop3A_758 : i32
      %parallel_loop3A_760 = arith.extui %parallel_loop3A_759 : i1 to i32
      %parallel_loop3A_761 = arith.constant 0 : i32
      %parallel_loop3A_762 = arith.cmpi slt, %parallel_loop3A_749, %parallel_loop3A_761 : i32
      %parallel_loop3A_763 = arith.extui %parallel_loop3A_762 : i1 to i32
      %parallel_loop3A_764 = arith.subi %parallel_loop3A_760, %parallel_loop3A_763 : i32
      %parallel_loop3A_765 = arith.cmpi ne, %parallel_loop3A_757, %parallel_loop3A_764 : i32
      %parallel_loop3A_766 = arith.remsi %parallel_loop3A_748, %parallel_loop3A_749 : i32
      %parallel_loop3A_767 = arith.constant 0 : i32
      %parallel_loop3A_768 = arith.cmpi ne, %parallel_loop3A_766, %parallel_loop3A_767 : i32
      %parallel_loop3A_769 = arith.andi %parallel_loop3A_765, %parallel_loop3A_768 : i1
      %parallel_loop3A_770 = arith.constant 1 : i32
      %parallel_loop3A_771 = arith.subi %parallel_loop3A_750, %parallel_loop3A_770 : i32
      %parallel_loop3A_772 = arith.select %parallel_loop3A_769, %parallel_loop3A_771, %parallel_loop3A_750 : i32
      %parallel_loop3A_773 = arith.constant 48 : i32
      %parallel_loop3A_774 = arith.muli %parallel_loop3A_772, %parallel_loop3A_773 : i32
      %parallel_loop3A_775 = arith.subi %parallel_loop3A_748, %parallel_loop3A_774 : i32
      %parallel_loop3A_776 = arith.constant 16 : i32
      %parallel_loop3A_777 = arith.muli %parallel_loop3A_775, %parallel_loop3A_776 : i32
      %parallel_loop3A_778 = arith.index_cast %parallel_loop3A_772 : i32 to index
      %parallel_loop3A_779 = arith.index_cast %parallel_loop3A_777 : i32 to index
      %parallel_loop3A_780 = tpu.vector_load %arg6[%parallel_loop3A_778, %parallel_loop3A_779] {strides = array<i32>} : memref<16x768xf32, #tpu.memory_space<vmem>>, vector<1x16xf32>,
      %parallel_loop3A_781 = vector.shape_cast %parallel_loop3A_780 : vector<1x16xf32> to vector<16xf32>
      %parallel_loop3A_782 = arith.index_cast %parallel_loop3A_772 : i32 to index
      %parallel_loop3A_783 = arith.index_cast %parallel_loop3A_777 : i32 to index
      %parallel_loop3A_784 = tpu.vector_load %arg13[%parallel_loop3A_782, %parallel_loop3A_783] {strides = array<i32>} : memref<16x768xf32, #tpu.memory_space<vmem>>, vector<1x16xf32>,
      %parallel_loop3A_785 = vector.shape_cast %parallel_loop3A_784 : vector<1x16xf32> to vector<16xf32>
      %parallel_loop3A_786 = vector.shape_cast %parallel_loop3A_781 : vector<16xf32> to vector<1x16xf32>
      tpu.vector_store %arg13[%parallel_loop3A_782, %parallel_loop3A_783], %parallel_loop3A_786 {add = true, strides = array<i32>} : memref<16x768xf32, #tpu.memory_space<vmem>>, vector<1x16xf32>,
    } {sc.loop_unroll_factor = 8 : i64, sc.parallel_access}
    %add3A_635 = arith.constant 240 : i32
    %add3A_636 = arith.addi %mul3A_2, %add3A_635 : i32
    %multiple_of3A_637 = tpu.assume_multiple %add3A_636, 8 : i32
    %dma_start3A_638 = arith.constant 2 : i32
    %dma_start3A_639 = arith.constant 0 : i32
    %dma_start3A_640 = tpu.memref_slice %arg4[%dma_start3A_638, %multiple_of3A_637, %dma_start3A_639] : memref<4x8192x768xf32, #tpu.memory_space<hbm>> -> memref<1x16x768xf32, #tpu.memory_space<hbm>>
    %dma_start3A_641 = tpu.memref_squeeze %dma_start3A_640 : memref<1x16x768xf32, #tpu.memory_space<hbm>> -> memref<16x768xf32, #tpu.memory_space<hbm>>
    %dma_start3A_642 = arith.constant 0 : i32
    %dma_start3A_643 = tpu.memref_slice %arg4[%dma_start3A_638, %multiple_of3A_637, %dma_start3A_642] : memref<4x8192x768xf32, #tpu.memory_space<hbm>> -> memref<1x16x768xf32, #tpu.memory_space<hbm>>
    %dma_start3A_644 = tpu.memref_squeeze %dma_start3A_643 : memref<1x16x768xf32, #tpu.memory_space<hbm>> -> memref<16x768xf32, #tpu.memory_space<hbm>>
    tpu.enqueue_dma source(%arg13 : memref<16x768xf32, #tpu.memory_space<vmem>>) target(%dma_start3A_644 : memref<16x768xf32, #tpu.memory_space<hbm>>) target_semaphore(%arg31 : memref<!tpu.dma_semaphore, #tpu.memory_space<semaphore_mem>>)
    %add3A_645 = arith.constant 240 : i32
    %add3A_646 = arith.addi %mul3A_2, %add3A_645 : i32
    %multiple_of3A_647 = tpu.assume_multiple %add3A_646, 8 : i32
    %dma_wait3A_648 = arith.constant 3 : i32
    %dma_wait3A_649 = arith.constant 0 : i32
    %dma_wait3A_650 = tpu.memref_slice %arg2[%dma_wait3A_648, %multiple_of3A_647, %dma_wait3A_649] : memref<4x8192x768xf32, #tpu.memory_space<hbm>> -> memref<1x16x768xf32, #tpu.memory_space<hbm>>
    %dma_wait3A_651 = tpu.memref_squeeze %dma_wait3A_650 : memref<1x16x768xf32, #tpu.memory_space<hbm>> -> memref<16x768xf32, #tpu.memory_space<hbm>>
    %dma_wait3A_652 = arith.constant 0 : i32
    %dma_wait3A_653 = tpu.memref_slice %arg2[%dma_wait3A_648, %multiple_of3A_647, %dma_wait3A_652] : memref<4x8192x768xf32, #tpu.memory_space<hbm>> -> memref<1x16x768xf32, #tpu.memory_space<hbm>>
    %dma_wait3A_654 = tpu.memref_squeeze %dma_wait3A_653 : memref<1x16x768xf32, #tpu.memory_space<hbm>> -> memref<16x768xf32, #tpu.memory_space<hbm>>
    tpu.wait_dma2 semaphore(%arg24 : memref<!tpu.dma_semaphore, #tpu.memory_space<semaphore_mem>>) src(%dma_wait3A_654 : memref<16x768xf32, #tpu.memory_space<hbm>>) dst(%arg14 : memref<16x768xf32, #tpu.memory_space<vmem>>)
    %parallel_loop3A_655 = arith.constant 0 : i32
    %parallel_loop3A_656 = arith.constant 768 : i32
    %parallel_loop3A_657 = arith.constant 1 : i32
    scf.for %parallel_loop3A_748 = %parallel_loop3A_655 to %parallel_loop3A_656 step %parallel_loop3A_657  : i32 {
      %parallel_loop3A_749 = arith.constant 48 : i32
      %parallel_loop3A_750 = arith.divsi %parallel_loop3A_748, %parallel_loop3A_749 : i32
      %parallel_loop3A_751 = arith.constant 0 : i32
      %parallel_loop3A_752 = arith.cmpi sgt, %parallel_loop3A_748, %parallel_loop3A_751 : i32
      %parallel_loop3A_753 = arith.extui %parallel_loop3A_752 : i1 to i32
      %parallel_loop3A_754 = arith.constant 0 : i32
      %parallel_loop3A_755 = arith.cmpi slt, %parallel_loop3A_748, %parallel_loop3A_754 : i32
      %parallel_loop3A_756 = arith.extui %parallel_loop3A_755 : i1 to i32
      %parallel_loop3A_757 = arith.subi %parallel_loop3A_753, %parallel_loop3A_756 : i32
      %parallel_loop3A_758 = arith.constant 0 : i32
      %parallel_loop3A_759 = arith.cmpi sgt, %parallel_loop3A_749, %parallel_loop3A_758 : i32
      %parallel_loop3A_760 = arith.extui %parallel_loop3A_759 : i1 to i32
      %parallel_loop3A_761 = arith.constant 0 : i32
      %parallel_loop3A_762 = arith.cmpi slt, %parallel_loop3A_749, %parallel_loop3A_761 : i32
      %parallel_loop3A_763 = arith.extui %parallel_loop3A_762 : i1 to i32
      %parallel_loop3A_764 = arith.subi %parallel_loop3A_760, %parallel_loop3A_763 : i32
      %parallel_loop3A_765 = arith.cmpi ne, %parallel_loop3A_757, %parallel_loop3A_764 : i32
      %parallel_loop3A_766 = arith.remsi %parallel_loop3A_748, %parallel_loop3A_749 : i32
      %parallel_loop3A_767 = arith.constant 0 : i32
      %parallel_loop3A_768 = arith.cmpi ne, %parallel_loop3A_766, %parallel_loop3A_767 : i32
      %parallel_loop3A_769 = arith.andi %parallel_loop3A_765, %parallel_loop3A_768 : i1
      %parallel_loop3A_770 = arith.constant 1 : i32
      %parallel_loop3A_771 = arith.subi %parallel_loop3A_750, %parallel_loop3A_770 : i32
      %parallel_loop3A_772 = arith.select %parallel_loop3A_769, %parallel_loop3A_771, %parallel_loop3A_750 : i32
      %parallel_loop3A_773 = arith.constant 48 : i32
      %parallel_loop3A_774 = arith.muli %parallel_loop3A_772, %parallel_loop3A_773 : i32
      %parallel_loop3A_775 = arith.subi %parallel_loop3A_748, %parallel_loop3A_774 : i32
      %parallel_loop3A_776 = arith.constant 16 : i32
      %parallel_loop3A_777 = arith.muli %parallel_loop3A_775, %parallel_loop3A_776 : i32
      %parallel_loop3A_778 = arith.index_cast %parallel_loop3A_772 : i32 to index
      %parallel_loop3A_779 = arith.index_cast %parallel_loop3A_777 : i32 to index
      %parallel_loop3A_780 = tpu.vector_load %arg6[%parallel_loop3A_778, %parallel_loop3A_779] {strides = array<i32>} : memref<16x768xf32, #tpu.memory_space<vmem>>, vector<1x16xf32>,
      %parallel_loop3A_781 = vector.shape_cast %parallel_loop3A_780 : vector<1x16xf32> to vector<16xf32>
      %parallel_loop3A_782 = arith.index_cast %parallel_loop3A_772 : i32 to index
      %parallel_loop3A_783 = arith.index_cast %parallel_loop3A_777 : i32 to index
      %parallel_loop3A_784 = tpu.vector_load %arg14[%parallel_loop3A_782, %parallel_loop3A_783] {strides = array<i32>} : memref<16x768xf32, #tpu.memory_space<vmem>>, vector<1x16xf32>,
      %parallel_loop3A_785 = vector.shape_cast %parallel_loop3A_784 : vector<1x16xf32> to vector<16xf32>
      %parallel_loop3A_786 = vector.shape_cast %parallel_loop3A_781 : vector<16xf32> to vector<1x16xf32>
      tpu.vector_store %arg14[%parallel_loop3A_782, %parallel_loop3A_783], %parallel_loop3A_786 {add = true, strides = array<i32>} : memref<16x768xf32, #tpu.memory_space<vmem>>, vector<1x16xf32>,
    } {sc.loop_unroll_factor = 8 : i64, sc.parallel_access}
    %add3A_658 = arith.constant 240 : i32
    %add3A_659 = arith.addi %mul3A_2, %add3A_658 : i32
    %multiple_of3A_660 = tpu.assume_multiple %add3A_659, 8 : i32
    %dma_start3A_661 = arith.constant 3 : i32
    %dma_start3A_662 = arith.constant 0 : i32
    %dma_start3A_663 = tpu.memref_slice %arg4[%dma_start3A_661, %multiple_of3A_660, %dma_start3A_662] : memref<4x8192x768xf32, #tpu.memory_space<hbm>> -> memref<1x16x768xf32, #tpu.memory_space<hbm>>
    %dma_start3A_664 = tpu.memref_squeeze %dma_start3A_663 : memref<1x16x768xf32, #tpu.memory_space<hbm>> -> memref<16x768xf32, #tpu.memory_space<hbm>>
    %dma_start3A_665 = arith.constant 0 : i32
    %dma_start3A_666 = tpu.memref_slice %arg4[%dma_start3A_661, %multiple_of3A_660, %dma_start3A_665] : memref<4x8192x768xf32, #tpu.memory_space<hbm>> -> memref<1x16x768xf32, #tpu.memory_space<hbm>>
    %dma_start3A_667 = tpu.memref_squeeze %dma_start3A_666 : memref<1x16x768xf32, #tpu.memory_space<hbm>> -> memref<16x768xf32, #tpu.memory_space<hbm>>
    tpu.enqueue_dma source(%arg14 : memref<16x768xf32, #tpu.memory_space<vmem>>) target(%dma_start3A_667 : memref<16x768xf32, #tpu.memory_space<hbm>>) target_semaphore(%arg32 : memref<!tpu.dma_semaphore, #tpu.memory_space<semaphore_mem>>)
    %add3A_668 = arith.constant 224 : i32
    %add3A_669 = arith.addi %mul3A_2, %add3A_668 : i32
    %multiple_of3A_670 = tpu.assume_multiple %add3A_669, 8 : i32
    %dma_wait3A_671 = arith.constant 0 : i32
    %dma_wait3A_672 = arith.constant 0 : i32
    %dma_wait3A_673 = tpu.memref_slice %arg4[%dma_wait3A_671, %multiple_of3A_670, %dma_wait3A_672] : memref<4x8192x768xf32, #tpu.memory_space<hbm>> -> memref<1x16x768xf32, #tpu.memory_space<hbm>>
    %dma_wait3A_674 = tpu.memref_squeeze %dma_wait3A_673 : memref<1x16x768xf32, #tpu.memory_space<hbm>> -> memref<16x768xf32, #tpu.memory_space<hbm>>
    %dma_wait3A_675 = arith.constant 0 : i32
    %dma_wait3A_676 = tpu.memref_slice %arg4[%dma_wait3A_671, %multiple_of3A_670, %dma_wait3A_675] : memref<4x8192x768xf32, #tpu.memory_space<hbm>> -> memref<1x16x768xf32, #tpu.memory_space<hbm>>
    %dma_wait3A_677 = tpu.memref_squeeze %dma_wait3A_676 : memref<1x16x768xf32, #tpu.memory_space<hbm>> -> memref<16x768xf32, #tpu.memory_space<hbm>>
    tpu.wait_dma2 semaphore(%arg25 : memref<!tpu.dma_semaphore, #tpu.memory_space<semaphore_mem>>) src(%arg7 : memref<16x768xf32, #tpu.memory_space<vmem>>) dst(%dma_wait3A_677 : memref<16x768xf32, #tpu.memory_space<hbm>>)
    %add3A_678 = arith.constant 224 : i32
    %add3A_679 = arith.addi %mul3A_2, %add3A_678 : i32
    %multiple_of3A_680 = tpu.assume_multiple %add3A_679, 8 : i32
    %dma_wait3A_681 = arith.constant 1 : i32
    %dma_wait3A_682 = arith.constant 0 : i32
    %dma_wait3A_683 = tpu.memref_slice %arg4[%dma_wait3A_681, %multiple_of3A_680, %dma_wait3A_682] : memref<4x8192x768xf32, #tpu.memory_space<hbm>> -> memref<1x16x768xf32, #tpu.memory_space<hbm>>
    %dma_wait3A_684 = tpu.memref_squeeze %dma_wait3A_683 : memref<1x16x768xf32, #tpu.memory_space<hbm>> -> memref<16x768xf32, #tpu.memory_space<hbm>>
    %dma_wait3A_685 = arith.constant 0 : i32
    %dma_wait3A_686 = tpu.memref_slice %arg4[%dma_wait3A_681, %multiple_of3A_680, %dma_wait3A_685] : memref<4x8192x768xf32, #tpu.memory_space<hbm>> -> memref<1x16x768xf32, #tpu.memory_space<hbm>>
    %dma_wait3A_687 = tpu.memref_squeeze %dma_wait3A_686 : memref<1x16x768xf32, #tpu.memory_space<hbm>> -> memref<16x768xf32, #tpu.memory_space<hbm>>
    tpu.wait_dma2 semaphore(%arg26 : memref<!tpu.dma_semaphore, #tpu.memory_space<semaphore_mem>>) src(%arg8 : memref<16x768xf32, #tpu.memory_space<vmem>>) dst(%dma_wait3A_687 : memref<16x768xf32, #tpu.memory_space<hbm>>)
    %add3A_688 = arith.constant 224 : i32
    %add3A_689 = arith.addi %mul3A_2, %add3A_688 : i32
    %multiple_of3A_690 = tpu.assume_multiple %add3A_689, 8 : i32
    %dma_wait3A_691 = arith.constant 2 : i32
    %dma_wait3A_692 = arith.constant 0 : i32
    %dma_wait3A_693 = tpu.memref_slice %arg4[%dma_wait3A_691, %multiple_of3A_690, %dma_wait3A_692] : memref<4x8192x768xf32, #tpu.memory_space<hbm>> -> memref<1x16x768xf32, #tpu.memory_space<hbm>>
    %dma_wait3A_694 = tpu.memref_squeeze %dma_wait3A_693 : memref<1x16x768xf32, #tpu.memory_space<hbm>> -> memref<16x768xf32, #tpu.memory_space<hbm>>
    %dma_wait3A_695 = arith.constant 0 : i32
    %dma_wait3A_696 = tpu.memref_slice %arg4[%dma_wait3A_691, %multiple_of3A_690, %dma_wait3A_695] : memref<4x8192x768xf32, #tpu.memory_space<hbm>> -> memref<1x16x768xf32, #tpu.memory_space<hbm>>
    %dma_wait3A_697 = tpu.memref_squeeze %dma_wait3A_696 : memref<1x16x768xf32, #tpu.memory_space<hbm>> -> memref<16x768xf32, #tpu.memory_space<hbm>>
    tpu.wait_dma2 semaphore(%arg27 : memref<!tpu.dma_semaphore, #tpu.memory_space<semaphore_mem>>) src(%arg9 : memref<16x768xf32, #tpu.memory_space<vmem>>) dst(%dma_wait3A_697 : memref<16x768xf32, #tpu.memory_space<hbm>>)
    %add3A_698 = arith.constant 224 : i32
    %add3A_699 = arith.addi %mul3A_2, %add3A_698 : i32
    %multiple_of3A_700 = tpu.assume_multiple %add3A_699, 8 : i32
    %dma_wait3A_701 = arith.constant 3 : i32
    %dma_wait3A_702 = arith.constant 0 : i32
    %dma_wait3A_703 = tpu.memref_slice %arg4[%dma_wait3A_701, %multiple_of3A_700, %dma_wait3A_702] : memref<4x8192x768xf32, #tpu.memory_space<hbm>> -> memref<1x16x768xf32, #tpu.memory_space<hbm>>
    %dma_wait3A_704 = tpu.memref_squeeze %dma_wait3A_703 : memref<1x16x768xf32, #tpu.memory_space<hbm>> -> memref<16x768xf32, #tpu.memory_space<hbm>>
    %dma_wait3A_705 = arith.constant 0 : i32
    %dma_wait3A_706 = tpu.memref_slice %arg4[%dma_wait3A_701, %multiple_of3A_700, %dma_wait3A_705] : memref<4x8192x768xf32, #tpu.memory_space<hbm>> -> memref<1x16x768xf32, #tpu.memory_space<hbm>>
    %dma_wait3A_707 = tpu.memref_squeeze %dma_wait3A_706 : memref<1x16x768xf32, #tpu.memory_space<hbm>> -> memref<16x768xf32, #tpu.memory_space<hbm>>
    tpu.wait_dma2 semaphore(%arg28 : memref<!tpu.dma_semaphore, #tpu.memory_space<semaphore_mem>>) src(%arg10 : memref<16x768xf32, #tpu.memory_space<vmem>>) dst(%dma_wait3A_707 : memref<16x768xf32, #tpu.memory_space<hbm>>)
    %add3A_708 = arith.constant 240 : i32
    %add3A_709 = arith.addi %mul3A_2, %add3A_708 : i32
    %multiple_of3A_710 = tpu.assume_multiple %add3A_709, 8 : i32
    %dma_wait3A_711 = arith.constant 0 : i32
    %dma_wait3A_712 = arith.constant 0 : i32
    %dma_wait3A_713 = tpu.memref_slice %arg4[%dma_wait3A_711, %multiple_of3A_710, %dma_wait3A_712] : memref<4x8192x768xf32, #tpu.memory_space<hbm>> -> memref<1x16x768xf32, #tpu.memory_space<hbm>>
    %dma_wait3A_714 = tpu.memref_squeeze %dma_wait3A_713 : memref<1x16x768xf32, #tpu.memory_space<hbm>> -> memref<16x768xf32, #tpu.memory_space<hbm>>
    %dma_wait3A_715 = arith.constant 0 : i32
    %dma_wait3A_716 = tpu.memref_slice %arg4[%dma_wait3A_711, %multiple_of3A_710, %dma_wait3A_715] : memref<4x8192x768xf32, #tpu.memory_space<hbm>> -> memref<1x16x768xf32, #tpu.memory_space<hbm>>
    %dma_wait3A_717 = tpu.memref_squeeze %dma_wait3A_716 : memref<1x16x768xf32, #tpu.memory_space<hbm>> -> memref<16x768xf32, #tpu.memory_space<hbm>>
    tpu.wait_dma2 semaphore(%arg29 : memref<!tpu.dma_semaphore, #tpu.memory_space<semaphore_mem>>) src(%arg11 : memref<16x768xf32, #tpu.memory_space<vmem>>) dst(%dma_wait3A_717 : memref<16x768xf32, #tpu.memory_space<hbm>>)
    %add3A_718 = arith.constant 240 : i32
    %add3A_719 = arith.addi %mul3A_2, %add3A_718 : i32
    %multiple_of3A_720 = tpu.assume_multiple %add3A_719, 8 : i32
    %dma_wait3A_721 = arith.constant 1 : i32
    %dma_wait3A_722 = arith.constant 0 : i32
    %dma_wait3A_723 = tpu.memref_slice %arg4[%dma_wait3A_721, %multiple_of3A_720, %dma_wait3A_722] : memref<4x8192x768xf32, #tpu.memory_space<hbm>> -> memref<1x16x768xf32, #tpu.memory_space<hbm>>
    %dma_wait3A_724 = tpu.memref_squeeze %dma_wait3A_723 : memref<1x16x768xf32, #tpu.memory_space<hbm>> -> memref<16x768xf32, #tpu.memory_space<hbm>>
    %dma_wait3A_725 = arith.constant 0 : i32
    %dma_wait3A_726 = tpu.memref_slice %arg4[%dma_wait3A_721, %multiple_of3A_720, %dma_wait3A_725] : memref<4x8192x768xf32, #tpu.memory_space<hbm>> -> memref<1x16x768xf32, #tpu.memory_space<hbm>>
    %dma_wait3A_727 = tpu.memref_squeeze %dma_wait3A_726 : memref<1x16x768xf32, #tpu.memory_space<hbm>> -> memref<16x768xf32, #tpu.memory_space<hbm>>
    tpu.wait_dma2 semaphore(%arg30 : memref<!tpu.dma_semaphore, #tpu.memory_space<semaphore_mem>>) src(%arg12 : memref<16x768xf32, #tpu.memory_space<vmem>>) dst(%dma_wait3A_727 : memref<16x768xf32, #tpu.memory_space<hbm>>)
    %add3A_728 = arith.constant 240 : i32
    %add3A_729 = arith.addi %mul3A_2, %add3A_728 : i32
    %multiple_of3A_730 = tpu.assume_multiple %add3A_729, 8 : i32
    %dma_wait3A_731 = arith.constant 2 : i32
    %dma_wait3A_732 = arith.constant 0 : i32
    %dma_wait3A_733 = tpu.memref_slice %arg4[%dma_wait3A_731, %multiple_of3A_730, %dma_wait3A_732] : memref<4x8192x768xf32, #tpu.memory_space<hbm>> -> memref<1x16x768xf32, #tpu.memory_space<hbm>>
    %dma_wait3A_734 = tpu.memref_squeeze %dma_wait3A_733 : memref<1x16x768xf32, #tpu.memory_space<hbm>> -> memref<16x768xf32, #tpu.memory_space<hbm>>
    %dma_wait3A_735 = arith.constant 0 : i32
    %dma_wait3A_736 = tpu.memref_slice %arg4[%dma_wait3A_731, %multiple_of3A_730, %dma_wait3A_735] : memref<4x8192x768xf32, #tpu.memory_space<hbm>> -> memref<1x16x768xf32, #tpu.memory_space<hbm>>
    %dma_wait3A_737 = tpu.memref_squeeze %dma_wait3A_736 : memref<1x16x768xf32, #tpu.memory_space<hbm>> -> memref<16x768xf32, #tpu.memory_space<hbm>>
    tpu.wait_dma2 semaphore(%arg31 : memref<!tpu.dma_semaphore, #tpu.memory_space<semaphore_mem>>) src(%arg13 : memref<16x768xf32, #tpu.memory_space<vmem>>) dst(%dma_wait3A_737 : memref<16x768xf32, #tpu.memory_space<hbm>>)
    %add3A_738 = arith.constant 240 : i32
    %add3A_739 = arith.addi %mul3A_2, %add3A_738 : i32
    %multiple_of3A_740 = tpu.assume_multiple %add3A_739, 8 : i32
    %dma_wait3A_741 = arith.constant 3 : i32
    %dma_wait3A_742 = arith.constant 0 : i32
    %dma_wait3A_743 = tpu.memref_slice %arg4[%dma_wait3A_741, %multiple_of3A_740, %dma_wait3A_742] : memref<4x8192x768xf32, #tpu.memory_space<hbm>> -> memref<1x16x768xf32, #tpu.memory_space<hbm>>
    %dma_wait3A_744 = tpu.memref_squeeze %dma_wait3A_743 : memref<1x16x768xf32, #tpu.memory_space<hbm>> -> memref<16x768xf32, #tpu.memory_space<hbm>>
    %dma_wait3A_745 = arith.constant 0 : i32
    %dma_wait3A_746 = tpu.memref_slice %arg4[%dma_wait3A_741, %multiple_of3A_740, %dma_wait3A_745] : memref<4x8192x768xf32, #tpu.memory_space<hbm>> -> memref<1x16x768xf32, #tpu.memory_space<hbm>>
    %dma_wait3A_747 = tpu.memref_squeeze %dma_wait3A_746 : memref<1x16x768xf32, #tpu.memory_space<hbm>> -> memref<16x768xf32, #tpu.memory_space<hbm>>
    tpu.wait_dma2 semaphore(%arg32 : memref<!tpu.dma_semaphore, #tpu.memory_space<semaphore_mem>>) src(%arg14 : memref<16x768xf32, #tpu.memory_space<vmem>>) dst(%dma_wait3A_747 : memref<16x768xf32, #tpu.memory_space<hbm>>)
    return
  }
}

</mosaic_0001>

<sc_bundles>
// kernel: kernel.3.cloned.1.call-start
scs
__scs_entry_jumppad:
0x0: {  	(pc) =	sbr.rel $0x88, $3  }
0x1: {  	(tag) =	ssettag $0x0;
	lr =	simm.s32 $0x1  }
0x2: {  	[smem:$0x3F9F] =	sst lr;
	_ =	strace $0xD0000000  }
0x3: {  	_ = 	snop  }
0x4: {  	_ = 	snop  }
0x5: {  	_ = 	snop  }
0x6: {  	_ = 	snop  }
0x7: {  	_ = 	snop  }
__scs_overlays_trampoline_lowered:
0x8: {  	[smem:$0x3FAE] =	sst s0  }
0x9: {  	[smem:$0x3FAF] =	sst s1  }
0xa: {  	[smem:$0x3FB0] =	sst s2  }
0xb: {  	[smem:$0x3FB1] =	sst s3  }
0xc: {  	[smem:$0x3FB2] =	sst s4  }
0xd: {  	[smem:$0x3FB3] =	sst s5  }
0xe: {  	[smem:$0x3FB4] =	sst s6  }
0xf: {  	[smem:$0x3FB5] =	sst s7  }
0x10: {  	[smem:$0x3FB6] =	sst s8  }
0x11: {  	[smem:$0x3FB7] =	sst s9;
	s0 =	simm.s32 @!p0 $0x0  }
0x12: {  	s1 =	sld [smem:$0x3F9D];
	s0 =	simm.s32 @p0 $0x1  }
0x13: {  	[smem:$0x3FB8] =	sst s0;
	s0 =	simm.s32 @!p1 $0x0  }
0x14: {  	s2 =	sld [smem:$0x3F9C];
	s0 =	simm.s32 @p1 $0x1  }
0x15: {  	[smem:$0x3FB9] =	sst s0;
	s0 =	simm.s32 @!p2 $0x0  }
0x16: {  	s3 =	sld [smem:$0x3FDB];
	s0 =	simm.s32 @p2 $0x1  }
0x17: {  	s4 =	simm.s32 $0x1BF5;
	[smem:$0x3FBB] =	sst s0  }
0x18: {  	s0 =	sld [smem:$0x3F9E];
	_ =	swait.ge [sflag:s4], $0x0  }
0x19: {  	s7 =	sld [smem:$0x3F9F]  }
0x1a: {  	s8 =	sadd.s32 $0xFFFFE003, lr  }
0x1b: {  	s9 =	sadd.s32 $0xFFFFFEF7, lr;
	s5 =	simm.s32 $0xFFFFFFFF;
	p2 =	slt.u32 s8, $0xFFFFF086  }
0x1c: {  	p1 =	slt.u32 s9, $0xF7A;
	s5 =	simm.s32 @!p2 $0x0  }
0x1d: {  	s5 =	simm.s32 @p1 $0x1;
	p0 =	seq.s32 s7, s2  }
0x1e: {  	s7 =	smul.u32 @!p0 $0xF7A, s2;
	p2 =	seq.s32 @!p0 s5, $0x0  }
0x1f: {  	s9 =	smul.u32 $0xF7A, s1;
	s8 =	simm.s32 @!p0 $0x1BF5;
	p2 =	por !p2, p0  }
0x20: {  	[sflag:s8] =	ssyncset.s32 @!p0 $0xFFFFF086;
	s6 =	sadd.s32 @!p0 s3, s7;
	s7 =	simm.s32 @!p0 $0x108  }
0x21: {  	s3 =	sadd.s32 s3, s9;
	s6 =	sadd.s32 @!p0 $0x88, s6;
	s7 =	simm.s32 @p2 $0x1082  }
0x22: {  	[simem:s7], [sflag:s8] =	dma.local @!p0 [hbm:s6], $0xF7A  }
0x23: {  	s9 =	sor.u32 $0xD0000000, s2;
	s6 =	simm.s32 $0x108;
	_ =	swait.ge @!p0 [sflag:s8], $0x0  }
0x24: {  	s3 =	sadd.s32 $0x88, s3;
	s6 =	simm.s32 @!p1 $0x1082;
	[sflag:s4] =	ssyncset.s32 $0xFFFFF086  }
0x25: {  	[simem:s6], [sflag:s4] =	dma.local [hbm:s3], $0xF7A  }
0x26: {  	[smem:$0x3F9F] =	sst s1;
	(tag) =	ssettag s2;
	_ =	strace s9  }
0x27: {  	s1 =	sld [smem:$0x3FAF]  }
0x28: {  	s2 =	sld [smem:$0x3FB0]  }
0x29: {  	s4 =	sld [smem:$0x3FB2]  }
0x2a: {  	p0 =	seq.s32 s5, $0x0;
	s5 =	sld [smem:$0x3FB3]  }
0x2b: {  	s6 =	sld [smem:$0x3FB4]  }
0x2c: {  	s7 =	sld [smem:$0x3FB5]  }
0x2d: {  	s3 =	simm.s32 $0x108;
	s8 =	sld [smem:$0x3FB6]  }
0x2e: {  	s3 =	simm.s32 @!p0 $0x1082;
	s9 =	sld [smem:$0x3FB7]  }
0x2f: {  	lr =	sadd.s32 s0, s3;
	s0 =	sld [smem:$0x3FAE]  }
0x30: {  	s3 =	sld [smem:$0x3FB1]  }
0x31: {  	[smem:$0x3FBA] =	sst s10  }
0x32: {  	s10 =	sld [smem:$0x3FB8];
	_ =	sdelay $0x3  }
0x33: {  	p0 =	seq.s32 s10, $0x1;
	s10 =	sld [smem:$0x3FBA];
	_ =	sdelay $0x3  }
0x34: {  	[smem:$0x3FBA] =	sst s10  }
0x35: {  	s10 =	sld [smem:$0x3FB9];
	_ =	sdelay $0x3  }
0x36: {  	p1 =	seq.s32 s10, $0x1;
	s10 =	sld [smem:$0x3FBA];
	_ =	sdelay $0x3  }
0x37: {  	[smem:$0x3FBA] =	sst s10  }
0x38: {  	s10 =	sld [smem:$0x3FBB]  }
0x39: {  	_ = 	snop;
	(pc) =	sbr.ind lr, $3  }
0x3a: {  	_ = 	snop  }
0x3b: {  	_ = 	snop  }
0x3c: {  	p2 =	seq.s32 s10, $0x1;
	s10 =	sld [smem:$0x3FBA]  }
0x3d: {  	_ =	shalt  }
0x3e: {  	_ =	shalt  }
0x3f: {  	_ =	shalt  }
0x40: {  	_ =	shalt  }
0x41: {  	_ =	shalt  }
0x42: {  	_ =	shalt  }
0x43: {  	_ =	shalt  }
0x44: {  	_ =	shalt  }
0x45: {  	_ =	shalt  }
0x46: {  	_ =	shalt  }
0x47: {  	_ =	shalt  }
0x48: {  	_ =	shalt  }
0x49: {  	_ =	shalt  }
0x4a: {  	_ =	shalt  }
0x4b: {  	_ =	shalt  }
0x4c: {  	_ =	shalt  }
0x4d: {  	_ =	shalt  }
0x4e: {  	_ =	shalt  }
0x4f: {  	_ =	shalt  }
0x50: {  	_ =	shalt  }
0x51: {  	_ =	shalt  }
0x52: {  	_ =	shalt  }
0x53: {  	_ =	shalt  }
0x54: {  	_ =	shalt  }
0x55: {  	_ =	shalt  }
0x56: {  	_ =	shalt  }
0x57: {  	_ =	shalt  }
0x58: {  	_ =	shalt  }
0x59: {  	_ =	shalt  }
0x5a: {  	_ =	shalt  }
0x5b: {  	_ =	shalt  }
0x5c: {  	_ =	shalt  }
0x5d: {  	_ =	shalt  }
0x5e: {  	_ =	shalt  }
0x5f: {  	_ =	shalt  }
0x60: {  	_ =	shalt  }
0x61: {  	_ =	shalt  }
0x62: {  	_ =	shalt  }
0x63: {  	_ =	shalt  }
0x64: {  	_ =	shalt  }
0x65: {  	_ =	shalt  }
0x66: {  	_ =	shalt  }
0x67: {  	_ =	shalt  }
0x68: {  	_ =	shalt  }
0x69: {  	_ =	shalt  }
0x6a: {  	_ =	shalt  }
0x6b: {  	_ =	shalt  }
0x6c: {  	_ =	shalt  }
0x6d: {  	_ =	shalt  }
0x6e: {  	_ =	shalt  }
0x6f: {  	_ =	shalt  }
0x70: {  	_ =	shalt  }
0x71: {  	_ =	shalt  }
0x72: {  	_ =	shalt  }
0x73: {  	_ =	shalt  }
0x74: {  	_ =	shalt  }
0x75: {  	_ =	shalt  }
0x76: {  	_ =	shalt  }
0x77: {  	_ =	shalt  }
0x78: {  	_ =	shalt  }
0x79: {  	_ =	shalt  }
0x7a: {  	_ =	shalt  }
0x7b: {  	_ =	shalt  }
0x7c: {  	_ =	shalt  }
0x7d: {  	_ =	shalt  }
0x7e: {  	_ =	shalt  }
0x7f: {  	_ =	shalt  }
0x80: {  	_ =	shalt  }
0x81: {  	_ =	shalt  }
0x82: {  	_ =	shalt  }
0x83: {  	_ =	shalt  }
0x84: {  	_ =	shalt  }
0x85: {  	_ =	shalt  }
0x86: {  	_ =	shalt  }
0x87: {  	_ =	shalt  }
.Lfunc_end0:
.L_simem_size_0:
called_computation_lowered:
.L_overlay_start_0:
0x88: {  	s2 =	sld [smem:$0x3FD9]  }
0x89: {  	s3 =	sld [smem:$0x3FFE];
	_ =	sdelay $0x1  }
0x8a: {  	s1 =	srdreg.scid  }
0x8b: {  	s0 =	sand.u32 $0x1, s1  }
0x8c: {  	s18 =	sshll.u32 s0, $0xA;
	s2 =	sadd.s32 s3, s2  }
0x8d: {  	s2 =	sadd.s32 s2, s18  }
0x8e: {  	[smem:$0x3FC6] =	sst s2  }
0x8f: {  	_ = 	snop  }
0x90: {  	s2 =	sld [smem:$0x3FC9]  }
0x91: {  	s19 =	sld [smem:$0x3FC8]  }
0x92: {  	s4 =	sld [smem:$0x3FD0];
	(tm) =	ssettm $0x1  }
0x93: {  	s5 =	sld [smem:$0x3FFB];
	_ =	sdelay $0x3  }
0x94: {  	_ =	strace s5  }
0x95: {  	s5 =	sld [smem:$0x3FFC];
	_ =	sdelay $0x3  }
0x96: {  	_ =	strace s5  }
0x97: {  	s5 =	sld [smem:$0x3FFD];
	_ =	sdelay $0x3  }
0x98: {  	_ =	strace s5  }
0x99: {  	_ =	strace $0x8FFFFFFF  }
0x9a: {  	s20 =	sld [smem:$0x3FDB];
	_ =	sdelay $0x1  }
0x9b: {  	s6 =	simm.s32 $_scs_section_size  }
0x9c: {  	s7 =	simm.s32 $_size__tile_overlayer_lowered;
	s8 =	simm.s32 $_tile_overlayer_lowered  }
0x9d: {  	s23 =	simm.s32 $0x1BFF;
	s22 =	sshll.u32 s8, $0x1;
	s5 =	sadd.s32 s6, s20  }
0x9e: {  	s9 =	simm.s32 $0x0;
	s21 =	sshll.u32 s7, $0x1;
	s7 =	sadd.s32 s22, s5  }
0x9f: {  	[timem:s9], [sflag:s23] =	dma.local [hbm:s7], s21  }
0xa0: {  	_ =	swait.ge [sflag:s23], s21  }
0xa1: {  	s6 =	ssub.s32 $0x0, s21;
	[sflag:s23] =	ssyncset.done $0x0  }
0xa2: {  	[sflag:s23] =	ssyncadd.s32 s6;
	_ =	sdelay $0x1  }
0xa3: {  	s24 =	simm.s32 $0x1B8B  }
0xa4: {  	_ =	swait.ge [sflag:s24], $0x1  }
0xa5: {  	[sflag:s24] =	ssyncset.done $0x0  }
0xa6: {  	s25 =	simm.s32 $0x1B8E;
	[sflag:s24] =	ssyncadd.s32 $0xFFFFFFFF  }
0xa7: {  	s26 =	simm.s32 $execute0_lowered;
	[smem:$0x3FD2] =	sst s25  }
0xa8: {  	s6 =	sshll.u32 s26, $0x1;
	_ =	strace $0x80000046;
	[dreg:$0x1] =	wrdreg $0xFFFFFFFF  }
0xa9: {  	s28 =	simm.s32 $_size_execute0_lowered;
	s5 =	sadd.s32 s5, s6;
	[dreg:$0x0] =	wrdreg $0x0  }
0xaa: {  	s6 =	sshll.u32 s28, $0x1;
	[dreg:$0x2] =	wrdreg s5  }
0xab: {  	[dreg:$0x3] =	wrdreg s6  }
0xac: {  	[dreg:$0x4] =	wrdreg $0xC0  }
0xad: {  	_ =	task [dreg:s9], $0x5FFFF  }
0xae: {  	[dreg:$0x1] =	wrdreg $0xFFFFFFFF  }
0xaf: {  	[dreg:$0x0] =	wrdreg $0x60  }
0xb0: {  	[dreg:$0x2] =	wrdreg s2  }
0xb1: {  	[dreg:$0x3] =	wrdreg s19  }
0xb2: {  	[dreg:$0x4] =	wrdreg s4  }
0xb3: {  	[dreg:$0x5] =	wrdreg $0x9  }
0xb4: {  	_ =	task.clear_ibuf [dreg:s9], $0x6FFFF;
	_ =	strace $0x90000046  }
0xb5: {  	s29 =	simm.s32 $0x9;
	_ =	strace $0x80000048  }
0xb6: {  	_ =	swait.ge [sflag:s29], $0x1  }
0xb7: {  	[sflag:s29] =	ssyncadd.s32 $0xFFFFFFFF  }
0xb8: {  	_ =	strace $0x90000048  }
0xb9: {  	_ =	sfence  }
0xba: {  	s30 =	sld [smem:$0x0];
	_ =	sdelay $0x2  }
0xbb: {  	s31 =	sshll.u32 s1, $0xD;
	s1 =	sshrl.u32 s1, $0x2  }
0xbc: {  	s3 =	sand.u32 $0x4000, s31;
	s1 =	sadd.s32 s1, s30  }
0xbd: {  	s0 =	sor.u32 s3, s0;
	s1 =	sshll.u32 s1, $0x11  }
0xbe: {  	s0 =	sor.u32 s1, s0  }
0xbf: {  	s0 =	sadd.s32 $0x8F2B, s0  }
0xc0: {  	[sflag:s0] =	ssyncadd.remote.s32 $0x1  }
0xc1: {  	_ =	sfence.sel $0xFFFF  }
0xc2: {  	[dreg:$0x0] =	wrdreg $0xFFFFFFFF;
	(pc) =	sbr.abs _section_cstart, $3  }
0xc3: {  	[dreg:$0x1] =	wrdreg $0xFFFFFFFF  }
0xc4: {  	_ =	task.clear_ibuf [dreg:s9], $0x2FFFF;
	_ =	strace $0x9FFFFFFF  }
0xc5: {  	(tm) =	ssettm $0x7FFFFFFF  }
tec
execute0_lowered:
.L_overlay_start_1:
0x0: {  	(tag) =	ssettag $0x1  }
0x1: {  	s0 =	srdreg.scid  }
0x2: {  	s1 =	stileid.u32;
	s0 =	sand.u32 $0x1, s0  }
0x3: {  	s1 =	sshll.u32 s1, $0x9;
	s3 =	sshll.u32 s0, $0x8  }
0x4: {  	s3 =	sor.u32 s3, s1  }
0x5: {  	s2 =	rddreg [dreg:$0x0];
	s1 =	sshrl.u32 s3, $0x3  }
0x6: {  	s31 =	rddreg [dreg:$0x1];
	s0 =	ssub.s32 $0x2, s0;
	s1 =	smul.u32 $0x1800, s1  }
0x7: {  	s5 =	rddreg [dreg:$0x2];
	s22 =	simm.s32 $0x0;
	s4 =	sshrl.u32 s0, $0x1  }
0x8: {  	[smem:$0x7FF] =	sst s22;
	s0 =	ssub.s32 s0, s4;
	s1 =	sshrl.u32 s1, $0x3  }
0x9: {  	_ =	strace $0x80000047;
	s0 =	smax.u32 s0, $0x1;
	s6 =	sadd.s32 $0xC0000, s1  }
0xa: {  	[smem:$0x7F6] =	sst s0;
	s26 =	sadd.s32 $0x180000, s1;
	s25 =	sadd.s32 s2, s6  }
0xb: {  	s28 =	sadd.s32 $0x240000, s1;
	s7 =	sadd.s32 s2, s26;
	[dreg:$0x4] =	wrdreg s25  }
0xc: {  	s8 =	sor.u32 $0x600, s1;
	s9 =	sadd.s32 s2, s28;
	[dreg:$0x5] =	wrdreg s7  }
0xd: {  	s11 =	sadd.s32 s31, s8;
	[dreg:$0x6] =	wrdreg s9  }
0xe: {  	s12 =	sadd.s32 $0xC0600, s1;
	s10 =	sadd.s32 s2, s8;
	[dreg:$0x7] =	wrdreg s11  }
0xf: {  	s13 =	sadd.s32 s2, s12;
	[dreg:$0x8] =	wrdreg s10  }
0x10: {  	s14 =	sadd.s32 $0x180600, s1;
	s6 =	sadd.s32 s5, s6;
	[dreg:$0x9] =	wrdreg s13  }
0x11: {  	s15 =	sadd.s32 s2, s14;
	[dreg:$0xa] =	wrdreg s6  }
0x12: {  	s16 =	sadd.s32 $0x240600, s1;
	s4 =	sadd.s32 s5, s26;
	[dreg:$0xb] =	wrdreg s15  }
0x13: {  	s18 =	sor.u32 $0xC00, s1;
	s17 =	sadd.s32 s2, s16;
	[dreg:$0xc] =	wrdreg s4  }
0x14: {  	s19 =	sadd.s32 s31, s18;
	[dreg:$0xd] =	wrdreg s17  }
0x15: {  	s20 =	sadd.s32 s5, s8;
	[dreg:$0xf] =	wrdreg s19  }
0x16: {  	s21 =	sadd.s32 s5, s12;
	[dreg:$0x11] =	wrdreg s20  }
0x17: {  	s23 =	sadd.s32 s5, s14;
	[dreg:$0x12] =	wrdreg s21  }
0x18: {  	s24 =	sadd.s32 s5, s16;
	[dreg:$0x13] =	wrdreg s23  }
0x19: {  	s26 =	sadd.s32 s2, s1;
	[dreg:$0x14] =	wrdreg s24  }
0x1a: {  	s7 =	sadd.s32 s5, s28;
	[dreg:$0x16] =	wrdreg s26  }
0x1b: {  	s4 =	sadd.s32 s2, s18;
	[dreg:$0xe] =	wrdreg s7  }
0x1c: {  	s25 =	sadd.s32 s31, s1;
	[dreg:$0x10] =	wrdreg s4  }
0x1d: {  	s19 =	sadd.s32 $0xC0C00, s26;
	[dreg:$0x15] =	wrdreg s25  }
0x1e: {  	s20 =	sadd.s32 $0x180C00, s26;
	[smem:$0x7F5] =	sst s19  }
0x1f: {  	s21 =	sadd.s32 $0x240C00, s26;
	[smem:$0x7F7] =	sst s20  }
0x20: {  	s30 =	simm.s32 $0x12000;
	s23 =	sor.u32 $0x20, s3;
	[smem:$0x7F8] =	sst s21  }
0x21: {  	s28 =	sadd.s32 s5, s1;
	s6 =	sadd.s32 $0x5A00, s1;
	[smem:$0x7F9] =	sst s23  }
0x22: {  	s29 =	simm.s32 $0x15000;
	s12 =	sadd.s32 s31, s6;
	[dreg:$0x17] =	wrdreg s28  }
0x23: {  	s11 =	sadd.s32 $0x185A00, s1;
	s13 =	sadd.s32 s2, s6;
	[dreg:$0x18] =	wrdreg s12  }
0x24: {  	s9 =	simm.s32 $0x2;
	s4 =	sadd.s32 s5, s6;
	[dreg:$0x19] =	wrdreg s13  }
0x25: {  	s10 =	simm.s32 $0xB;
	s16 =	sadd.s32 s2, s11;
	[dreg:$0x1a] =	wrdreg s4  }
0x26: {  	s7 =	sadd.s32 $0xC5A00, s1;
	s17 =	sadd.s32 s5, s11;
	[dreg:$0x1d] =	wrdreg s16  }
0x27: {  	s1 =	sadd.s32 $0x245A00, s1;
	s24 =	sadd.s32 $0x5400, s28;
	[dreg:$0x1e] =	wrdreg s17  }
0x28: {  	s25 =	sadd.s32 $0x185400, s28;
	s26 =	sadd.s32 $0xC5400, s28;
	[smem:$0x7FA] =	sst s24  }
0x29: {  	s28 =	sadd.s32 $0x245400, s28;
	s11 =	simm.s32 $0x7;
	[smem:$0x7FB] =	sst s25  }
0x2a: {  	s6 =	simm.s32 $0x12;
	s14 =	sadd.s32 s2, s7;
	[smem:$0x7FC] =	sst s26  }
0x2b: {  	s15 =	sadd.s32 s5, s7;
	s18 =	sadd.s32 s2, s1;
	[smem:$0x7FD] =	sst s28  }
0x2c: {  	s1 =	sadd.s32 s5, s1;
	s12 =	simm.s32 $0xC;
	[dreg:$0x1b] =	wrdreg s14  }
0x2d: {  	s13 =	simm.s32 $0x8;
	s16 =	simm.s32 $0x9;
	[dreg:$0x1c] =	wrdreg s15  }
0x2e: {  	s17 =	simm.s32 $0xE;
	s25 =	simm.s32 $0xF;
	[dreg:$0x1f] =	wrdreg s18  }
0x2f: {  	s26 =	simm.s32 $0x10;
	s24 =	simm.s32 $0x11;
	[smem:$0x7F4] =	sst s1  }
0x30: {  	s15 =	simm.s32 $0xD;
	s18 =	simm.s32 $0xA;
	s1 =	simm.s32 $0x0  }
.LBB2_1:
0x31: {  	[smem:$0x7F3] =	sst s1  }
0x32: {  	s0 =	rddreg [dreg:$0x15]  }
0x33: {  	s20 =	rddreg [dreg:$0x16]  }
0x34: {  	[tilespmem:s22], [sflag:$0x1] =	stream.linear.gather [hbm4b:s0+s22], $0x3000, $0x38;
	[tilespmem:$0x1E000] =	vst v63  }
0x35: {  	s21 =	simm.s32 $0x6000;
	s23 =	rddreg [dreg:$0x4]  }
0x36: {  	[tilespmem:s21], [sflag:$0x3] =	stream.linear.gather [hbm4b:s20+s22], $0x3000, $0x38;
	[tilespmem:$0x1E000] =	vst v63  }
0x37: {  	s28 =	simm.s32 $0x9000;
	s1 =	rddreg [dreg:$0x5]  }
0x38: {  	[tilespmem:s28], [sflag:$0x4] =	stream.linear.gather [hbm4b:s23+s22], $0x3000, $0x38;
	[tilespmem:$0x1E000] =	vst v63  }
0x39: {  	s4 =	simm.s32 $0xC000;
	s7 =	rddreg [dreg:$0x6]  }
0x3a: {  	[tilespmem:s4], [sflag:$0x5] =	stream.linear.gather [hbm4b:s1+s22], $0x3000, $0x38;
	[tilespmem:$0x1E000] =	vst v63  }
0x3b: {  	s8 =	simm.s32 $0xF000;
	s14 =	simm.s32 $0x1;
	s21 =	smulhi.u32 $0xAAAAAAAB, s22  }
0x3c: {  	[tilespmem:s8], [sflag:$0x6] =	stream.linear.gather [hbm4b:s7+s22], $0x3000, $0x38;
	[tilespmem:$0x1E000] =	vst v63  }
0x3d: {  	s20 =	simm.s32 $0x3000;
	s28 =	simm.s32 $0x3;
	_ =	swait.ge [sflag:s14], $0x3000  }
0x3e: {  	s4 =	sshrl.u32 s21, $0x8;
	s1 =	sshll.u32 s21, $0x2;
	[sflag:s14] =	ssyncset.done $0x0  }
0x3f: {  	s4 =	smul.u32 $0x1800, s4;
	s19 =	rddreg [dreg:$0x7];
	[sflag:s14] =	ssyncadd.s32 $0xFFFFD000  }
0x40: {  	[tilespmem:s20], [sflag:$0x2] =	stream.linear.gather [hbm4b:s19+s22], $0x3000, $0x38;
	[tilespmem:$0x1E000] =	vst v63  }
0x41: {  	s1 =	sand.u32 $0x380, s1;
	s7 =	sshrl.u32 s21, $0x5;
	s23 =	rddreg [dreg:$0x8]  }
0x42: {  	[tilespmem:s30], [sflag:$0x7] =	stream.linear.gather [hbm4b:s23+s22], $0x3000, $0x38;
	[tilespmem:$0x1E000] =	vst v63  }
0x43: {  	s4 =	sadd.s32 $0x0, s4;
	s7 =	smul.u32 $0x1800, s7;
	_ =	swait.ge [sflag:s28], $0x3000  }
0x44: {  	s1 =	sadd.s32 s1, s4;
	[sflag:s28] =	ssyncset.done $0x0  }
0x45: {  	s4 =	ssub.s32 s1, s7;
	[sflag:s28] =	ssyncadd.s32 $0xFFFFD000  }
0x46: {  	v0 =	vld [tilespmem:s4+$0x70]  }
0x47: {  	v5 =	vld [tilespmem:s4+$0x0]  }
0x48: {  	v4 =	vld [tilespmem:s4+$0x10]  }
0x49: {  	v3 =	vld [tilespmem:s4+$0x20]  }
0x4a: {  	v2 =	vld [tilespmem:s4+$0x30]  }
0x4b: {  	v1 =	vld [tilespmem:s4+$0x50]  }
0x4c: {  	[tilespmem:s4+$0x6070] =	vst.add.f32.msk $0xffff, v0  }
0x4d: {  	s1 =	simm.s32 $0x0;
	s7 =	simm.s32 $0x8;
	s14 =	simm.s32 $0x0;
	v0 =	vld [tilespmem:s4+$0x40]  }
.LBB2_2:
0x4e: {  	s19 =	smulhi.u32 $0xAAAAAAAB, s7;
	s1 =	sadd.s32 $0x8, s1;
	v6 =	vld [tilespmem:s4+$0x60]  }
0x4f: {  	p0 =	slt.u32 s1, $0x2F8;
	[tilespmem:s4+$0x6000] =	vst.add.f32.msk $0xffff, v5  }
0x50: {  	s20 =	sshrl.u32 s19, $0x8;
	[tilespmem:s4+$0x6010] =	vst.add.f32.msk $0xffff, v4  }
0x51: {  	s20 =	smul.u32 $0x1800, s20;
	[tilespmem:s4+$0x6020] =	vst.add.f32.msk $0xffff, v3  }
0x52: {  	s14 =	sadd.s32 $0x400, s14;
	s21 =	sshrl.u32 s19, $0x5;
	s19 =	sshll.u32 s19, $0x2;
	[tilespmem:s4+$0x6030] =	vst.add.f32.msk $0xffff, v2  }
0x53: {  	s19 =	sand.u32 $0x380, s19;
	s21 =	smul.u32 $0x1800, s21;
	s20 =	sadd.s32 s20, s14;
	[tilespmem:s4+$0x6040] =	vst.add.f32.msk $0xffff, v0  }
0x54: {  	s19 =	sadd.s32 s19, s20;
	[tilespmem:s4+$0x6050] =	vst.add.f32.msk $0xffff, v1  }
0x55: {  	[tilespmem:s4+$0x6060] =	vst.add.f32.msk $0xffff, v6;
	s4 =	ssub.s32 s19, s21  }
0x56: {  	v0 =	vld [tilespmem:s4+$0x70]  }
0x57: {  	v5 =	vld [tilespmem:s4+$0x0]  }
0x58: {  	v4 =	vld [tilespmem:s4+$0x10]  }
.Ltmp0:
0x59: {  	v3 =	vld [tilespmem:s4+$0x20];
	(pc) =	sbr.rel @p0 .LBB2_2-.Ltmp0, $4  }
0x5a: {  	v2 =	vld [tilespmem:s4+$0x30]  }
0x5b: {  	[tilespmem:s4+$0x6070] =	vst.add.f32.msk $0xffff, v0  }
0x5c: {  	v0 =	vld [tilespmem:s4+$0x40]  }
0x5d: {  	s7 =	sadd.s32 $0x8, s7;
	v1 =	vld [tilespmem:s4+$0x50]  }
0x5e: {  	v6 =	vld [tilespmem:s4+$0x60]  }
0x5f: {  	[tilespmem:s4+$0x6000] =	vst.add.f32.msk $0xffff, v5  }
0x60: {  	[tilespmem:s4+$0x6010] =	vst.add.f32.msk $0xffff, v4  }
0x61: {  	[tilespmem:s4+$0x6020] =	vst.add.f32.msk $0xffff, v3  }
0x62: {  	[tilespmem:s4+$0x6030] =	vst.add.f32.msk $0xffff, v2  }
0x63: {  	[tilespmem:s4+$0x6040] =	vst.add.f32.msk $0xffff, v0  }
0x64: {  	[tilespmem:s4+$0x6050] =	vst.add.f32.msk $0xffff, v1  }
0x65: {  	[tilespmem:s4+$0x6060] =	vst.add.f32.msk $0xffff, v6;
	s4 =	simm.s32 $0x0  }
0x66: {  	s1 =	simm.s32 $0x6000;
	s0 =	rddreg [dreg:$0x17];
	s21 =	smulhi.u32 $0xAAAAAAAB, s4  }
0x67: {  	[hbm4b:s0+s4] =	stream.linear.scatter [tilespmem:s1], [sflag:$0xB], $0x3000, $0x38;
	[tilespmem:$0x1E000] =	vst v63  }
0x68: {  	s23 =	rddreg [dreg:$0x9];
	s7 =	sshrl.u32 s21, $0x8  }
0x69: {  	[tilespmem:s29], [sflag:$0x8] =	stream.linear.gather [hbm4b:s23+s4], $0x3000, $0x38;
	[tilespmem:$0x1E000] =	vst v63  }
0x6a: {  	s1 =	sshll.u32 s21, $0x2;
	s7 =	smul.u32 $0x1800, s7  }
0x6b: {  	s28 =	simm.s32 $0x4;
	s14 =	sshrl.u32 s21, $0x5;
	s1 =	sand.u32 $0x380, s1  }
0x6c: {  	s14 =	smul.u32 $0x1800, s14;
	_ =	swait.ge [sflag:s28], $0x3000;
	s7 =	sadd.s32 $0x0, s7  }
0x6d: {  	[sflag:s28] =	ssyncset.done $0x0;
	s1 =	sadd.s32 s1, s7  }
0x6e: {  	[sflag:s28] =	ssyncadd.s32 $0xFFFFD000;
	s14 =	ssub.s32 s1, s14  }
0x6f: {  	v0 =	vld [tilespmem:s14+$0x70]  }
0x70: {  	v5 =	vld [tilespmem:s14+$0x0]  }
0x71: {  	v4 =	vld [tilespmem:s14+$0x10]  }
0x72: {  	v3 =	vld [tilespmem:s14+$0x20]  }
0x73: {  	v2 =	vld [tilespmem:s14+$0x30]  }
0x74: {  	v1 =	vld [tilespmem:s14+$0x50]  }
0x75: {  	[tilespmem:s14+$0x9070] =	vst.add.f32.msk $0xffff, v0  }
0x76: {  	s7 =	simm.s32 $0x8;
	s1 =	simm.s32 $0x0;
	v0 =	vld [tilespmem:s14+$0x40]  }
.LBB2_4:
0x77: {  	s19 =	smulhi.u32 $0xAAAAAAAB, s7;
	s1 =	sadd.s32 $0x8, s1;
	v6 =	vld [tilespmem:s14+$0x60]  }
0x78: {  	p0 =	slt.u32 s1, $0x2F8;
	[tilespmem:s14+$0x9000] =	vst.add.f32.msk $0xffff, v5  }
0x79: {  	s20 =	sshrl.u32 s19, $0x8;
	[tilespmem:s14+$0x9010] =	vst.add.f32.msk $0xffff, v4  }
0x7a: {  	s20 =	smul.u32 $0x1800, s20;
	[tilespmem:s14+$0x9020] =	vst.add.f32.msk $0xffff, v3  }
0x7b: {  	s4 =	sadd.s32 $0x400, s4;
	s21 =	sshrl.u32 s19, $0x5;
	s19 =	sshll.u32 s19, $0x2;
	[tilespmem:s14+$0x9030] =	vst.add.f32.msk $0xffff, v2  }
0x7c: {  	s19 =	sand.u32 $0x380, s19;
	s21 =	smul.u32 $0x1800, s21;
	s20 =	sadd.s32 s20, s4;
	[tilespmem:s14+$0x9040] =	vst.add.f32.msk $0xffff, v0  }
0x7d: {  	s19 =	sadd.s32 s19, s20;
	[tilespmem:s14+$0x9050] =	vst.add.f32.msk $0xffff, v1  }
0x7e: {  	[tilespmem:s14+$0x9060] =	vst.add.f32.msk $0xffff, v6;
	s14 =	ssub.s32 s19, s21  }
0x7f: {  	v0 =	vld [tilespmem:s14+$0x70]  }
0x80: {  	v5 =	vld [tilespmem:s14+$0x0]  }
0x81: {  	v4 =	vld [tilespmem:s14+$0x10]  }
.Ltmp1:
0x82: {  	v3 =	vld [tilespmem:s14+$0x20];
	(pc) =	sbr.rel @p0 .LBB2_4-.Ltmp1, $4  }
0x83: {  	v2 =	vld [tilespmem:s14+$0x30]  }
0x84: {  	[tilespmem:s14+$0x9070] =	vst.add.f32.msk $0xffff, v0  }
0x85: {  	v0 =	vld [tilespmem:s14+$0x40]  }
0x86: {  	s7 =	sadd.s32 $0x8, s7;
	v1 =	vld [tilespmem:s14+$0x50]  }
0x87: {  	v6 =	vld [tilespmem:s14+$0x60]  }
0x88: {  	[tilespmem:s14+$0x9000] =	vst.add.f32.msk $0xffff, v5  }
0x89: {  	[tilespmem:s14+$0x9010] =	vst.add.f32.msk $0xffff, v4  }
0x8a: {  	[tilespmem:s14+$0x9020] =	vst.add.f32.msk $0xffff, v3  }
0x8b: {  	[tilespmem:s14+$0x9030] =	vst.add.f32.msk $0xffff, v2  }
0x8c: {  	[tilespmem:s14+$0x9040] =	vst.add.f32.msk $0xffff, v0  }
0x8d: {  	[tilespmem:s14+$0x9050] =	vst.add.f32.msk $0xffff, v1  }
0x8e: {  	s4 =	simm.s32 $0x0;
	[tilespmem:s14+$0x9060] =	vst.add.f32.msk $0xffff, v6  }
0x8f: {  	s1 =	simm.s32 $0x9000;
	s19 =	smulhi.u32 $0xAAAAAAAB, s4;
	s0 =	rddreg [dreg:$0xa]  }
0x90: {  	[hbm4b:s0+s4] =	stream.linear.scatter [tilespmem:s1], [sflag:$0xC], $0x3000, $0x38;
	[tilespmem:$0x1E000] =	vst v63  }
0x91: {  	s7 =	simm.s32 $0x18000;
	s21 =	sshrl.u32 s19, $0x8;
	s20 =	rddreg [dreg:$0xb]  }
0x92: {  	[tilespmem:s7], [sflag:$0x9] =	stream.linear.gather [hbm4b:s20+s4], $0x3000, $0x38;
	[tilespmem:$0x1E000] =	vst v63  }
0x93: {  	s28 =	sshrl.u32 s19, $0x5;
	s7 =	smul.u32 $0x1800, s21  }
0x94: {  	s23 =	simm.s32 $0x5;
	s14 =	smul.u32 $0x1800, s28;
	s1 =	sshll.u32 s19, $0x2  }
0x95: {  	s1 =	sand.u32 $0x380, s1;
	_ =	swait.ge [sflag:s23], $0x3000;
	s7 =	sadd.s32 $0x0, s7  }
0x96: {  	[sflag:s23] =	ssyncset.done $0x0;
	s1 =	sadd.s32 s1, s7  }
0x97: {  	[sflag:s23] =	ssyncadd.s32 $0xFFFFD000;
	s14 =	ssub.s32 s1, s14  }
0x98: {  	v0 =	vld [tilespmem:s14+$0x70]  }
0x99: {  	v5 =	vld [tilespmem:s14+$0x0]  }
0x9a: {  	v4 =	vld [tilespmem:s14+$0x10]  }
0x9b: {  	v3 =	vld [tilespmem:s14+$0x20]  }
0x9c: {  	v2 =	vld [tilespmem:s14+$0x30]  }
0x9d: {  	v1 =	vld [tilespmem:s14+$0x50]  }
0x9e: {  	[tilespmem:s14+$0xC070] =	vst.add.f32.msk $0xffff, v0  }
0x9f: {  	s7 =	simm.s32 $0x8;
	s1 =	simm.s32 $0x0;
	v0 =	vld [tilespmem:s14+$0x40]  }
.LBB2_6:
0xa0: {  	s19 =	smulhi.u32 $0xAAAAAAAB, s7;
	s1 =	sadd.s32 $0x8, s1;
	v6 =	vld [tilespmem:s14+$0x60]  }
0xa1: {  	p0 =	slt.u32 s1, $0x2F8;
	[tilespmem:s14+$0xC000] =	vst.add.f32.msk $0xffff, v5  }
0xa2: {  	s20 =	sshrl.u32 s19, $0x8;
	[tilespmem:s14+$0xC010] =	vst.add.f32.msk $0xffff, v4  }
0xa3: {  	s20 =	smul.u32 $0x1800, s20;
	[tilespmem:s14+$0xC020] =	vst.add.f32.msk $0xffff, v3  }
0xa4: {  	s4 =	sadd.s32 $0x400, s4;
	s21 =	sshrl.u32 s19, $0x5;
	s19 =	sshll.u32 s19, $0x2;
	[tilespmem:s14+$0xC030] =	vst.add.f32.msk $0xffff, v2  }
0xa5: {  	s19 =	sand.u32 $0x380, s19;
	s21 =	smul.u32 $0x1800, s21;
	s20 =	sadd.s32 s20, s4;
	[tilespmem:s14+$0xC040] =	vst.add.f32.msk $0xffff, v0  }
0xa6: {  	s19 =	sadd.s32 s19, s20;
	[tilespmem:s14+$0xC050] =	vst.add.f32.msk $0xffff, v1  }
0xa7: {  	[tilespmem:s14+$0xC060] =	vst.add.f32.msk $0xffff, v6;
	s14 =	ssub.s32 s19, s21  }
0xa8: {  	v0 =	vld [tilespmem:s14+$0x70]  }
0xa9: {  	v5 =	vld [tilespmem:s14+$0x0]  }
0xaa: {  	v4 =	vld [tilespmem:s14+$0x10]  }
.Ltmp2:
0xab: {  	v3 =	vld [tilespmem:s14+$0x20];
	(pc) =	sbr.rel @p0 .LBB2_6-.Ltmp2, $4  }
0xac: {  	v2 =	vld [tilespmem:s14+$0x30]  }
0xad: {  	[tilespmem:s14+$0xC070] =	vst.add.f32.msk $0xffff, v0  }
0xae: {  	v0 =	vld [tilespmem:s14+$0x40]  }
0xaf: {  	s7 =	sadd.s32 $0x8, s7;
	v1 =	vld [tilespmem:s14+$0x50]  }
0xb0: {  	v6 =	vld [tilespmem:s14+$0x60]  }
0xb1: {  	[tilespmem:s14+$0xC000] =	vst.add.f32.msk $0xffff, v5  }
0xb2: {  	[tilespmem:s14+$0xC010] =	vst.add.f32.msk $0xffff, v4  }
0xb3: {  	[tilespmem:s14+$0xC020] =	vst.add.f32.msk $0xffff, v3  }
0xb4: {  	[tilespmem:s14+$0xC030] =	vst.add.f32.msk $0xffff, v2  }
0xb5: {  	[tilespmem:s14+$0xC040] =	vst.add.f32.msk $0xffff, v0  }
0xb6: {  	[tilespmem:s14+$0xC050] =	vst.add.f32.msk $0xffff, v1  }
0xb7: {  	s4 =	simm.s32 $0x0;
	[tilespmem:s14+$0xC060] =	vst.add.f32.msk $0xffff, v6  }
0xb8: {  	s1 =	simm.s32 $0xC000;
	s19 =	smulhi.u32 $0xAAAAAAAB, s4;
	s0 =	rddreg [dreg:$0xc]  }
0xb9: {  	[hbm4b:s0+s4] =	stream.linear.scatter [tilespmem:s1], [sflag:$0xD], $0x3000, $0x38;
	[tilespmem:$0x1E000] =	vst v63  }
0xba: {  	s7 =	simm.s32 $0x1B000;
	s21 =	sshrl.u32 s19, $0x8;
	s20 =	rddreg [dreg:$0xd]  }
0xbb: {  	[tilespmem:s7], [sflag:$0xA] =	stream.linear.gather [hbm4b:s20+s4], $0x3000, $0x38;
	[tilespmem:$0x1E000] =	vst v63  }
0xbc: {  	s28 =	sshrl.u32 s19, $0x5;
	s7 =	smul.u32 $0x1800, s21  }
0xbd: {  	s23 =	simm.s32 $0x6;
	s14 =	smul.u32 $0x1800, s28;
	s1 =	sshll.u32 s19, $0x2  }
0xbe: {  	s1 =	sand.u32 $0x380, s1;
	_ =	swait.ge [sflag:s23], $0x3000;
	s7 =	sadd.s32 $0x0, s7  }
0xbf: {  	[sflag:s23] =	ssyncset.done $0x0;
	s1 =	sadd.s32 s1, s7  }
0xc0: {  	[sflag:s23] =	ssyncadd.s32 $0xFFFFD000;
	s14 =	ssub.s32 s1, s14  }
0xc1: {  	v0 =	vld [tilespmem:s14+$0x70]  }
0xc2: {  	v5 =	vld [tilespmem:s14+$0x0]  }
0xc3: {  	v4 =	vld [tilespmem:s14+$0x10]  }
0xc4: {  	v3 =	vld [tilespmem:s14+$0x20]  }
0xc5: {  	v2 =	vld [tilespmem:s14+$0x30]  }
0xc6: {  	v1 =	vld [tilespmem:s14+$0x50]  }
0xc7: {  	[tilespmem:s14+$0xF070] =	vst.add.f32.msk $0xffff, v0  }
0xc8: {  	s7 =	simm.s32 $0x8;
	s1 =	simm.s32 $0x0;
	v0 =	vld [tilespmem:s14+$0x40]  }
.LBB2_8:
0xc9: {  	s19 =	smulhi.u32 $0xAAAAAAAB, s7;
	s1 =	sadd.s32 $0x8, s1;
	v6 =	vld [tilespmem:s14+$0x60]  }
0xca: {  	p0 =	slt.u32 s1, $0x2F8;
	[tilespmem:s14+$0xF000] =	vst.add.f32.msk $0xffff, v5  }
0xcb: {  	s20 =	sshrl.u32 s19, $0x8;
	[tilespmem:s14+$0xF010] =	vst.add.f32.msk $0xffff, v4  }
0xcc: {  	s20 =	smul.u32 $0x1800, s20;
	[tilespmem:s14+$0xF020] =	vst.add.f32.msk $0xffff, v3  }
0xcd: {  	s4 =	sadd.s32 $0x400, s4;
	s21 =	sshrl.u32 s19, $0x5;
	s19 =	sshll.u32 s19, $0x2;
	[tilespmem:s14+$0xF030] =	vst.add.f32.msk $0xffff, v2  }
0xce: {  	s19 =	sand.u32 $0x380, s19;
	s21 =	smul.u32 $0x1800, s21;
	s20 =	sadd.s32 s20, s4;
	[tilespmem:s14+$0xF040] =	vst.add.f32.msk $0xffff, v0  }
0xcf: {  	s19 =	sadd.s32 s19, s20;
	[tilespmem:s14+$0xF050] =	vst.add.f32.msk $0xffff, v1  }
0xd0: {  	[tilespmem:s14+$0xF060] =	vst.add.f32.msk $0xffff, v6;
	s14 =	ssub.s32 s19, s21  }
0xd1: {  	v0 =	vld [tilespmem:s14+$0x70]  }
0xd2: {  	v5 =	vld [tilespmem:s14+$0x0]  }
0xd3: {  	v4 =	vld [tilespmem:s14+$0x10]  }
.Ltmp3:
0xd4: {  	v3 =	vld [tilespmem:s14+$0x20];
	(pc) =	sbr.rel @p0 .LBB2_8-.Ltmp3, $4  }
0xd5: {  	v2 =	vld [tilespmem:s14+$0x30]  }
0xd6: {  	[tilespmem:s14+$0xF070] =	vst.add.f32.msk $0xffff, v0  }
0xd7: {  	v0 =	vld [tilespmem:s14+$0x40]  }
0xd8: {  	s7 =	sadd.s32 $0x8, s7;
	v1 =	vld [tilespmem:s14+$0x50]  }
0xd9: {  	v6 =	vld [tilespmem:s14+$0x60]  }
0xda: {  	[tilespmem:s14+$0xF000] =	vst.add.f32.msk $0xffff, v5  }
0xdb: {  	[tilespmem:s14+$0xF010] =	vst.add.f32.msk $0xffff, v4  }
0xdc: {  	[tilespmem:s14+$0xF020] =	vst.add.f32.msk $0xffff, v3  }
0xdd: {  	[tilespmem:s14+$0xF030] =	vst.add.f32.msk $0xffff, v2  }
0xde: {  	[tilespmem:s14+$0xF040] =	vst.add.f32.msk $0xffff, v0  }
0xdf: {  	[tilespmem:s14+$0xF050] =	vst.add.f32.msk $0xffff, v1  }
0xe0: {  	[tilespmem:s14+$0xF060] =	vst.add.f32.msk $0xffff, v6  }
0xe1: {  	s4 =	simm.s32 $0x0;
	s1 =	simm.s32 $0xF000;
	s0 =	rddreg [dreg:$0xe]  }
0xe2: {  	[hbm4b:s0+s4] =	stream.linear.scatter [tilespmem:s1], [sflag:$0xE], $0x3000, $0x38;
	[tilespmem:$0x1E000] =	vst v63  }
0xe3: {  	_ =	swait.ge [sflag:s9], $0x3000  }
0xe4: {  	[sflag:s9] =	ssyncset.done $0x0  }
0xe5: {  	s19 =	rddreg [dreg:$0xf];
	[sflag:s9] =	ssyncadd.s32 $0xFFFFD000  }
0xe6: {  	[tilespmem:s4], [sflag:$0x1] =	stream.linear.gather [hbm4b:s19+s4], $0x3000, $0x38;
	[tilespmem:$0x1E000] =	vst v63  }
0xe7: {  	s20 =	smulhi.u32 $0xAAAAAAAB, s4;
	_ =	swait.ge [sflag:s10], $0x3000  }
0xe8: {  	s7 =	simm.s32 $0x6000;
	[sflag:s10] =	ssyncset.done $0x0  }
0xe9: {  	s23 =	sshrl.u32 s20, $0x8;
	s21 =	rddreg [dreg:$0x10];
	[sflag:s10] =	ssyncadd.s32 $0xFFFFD000  }
0xea: {  	[tilespmem:s7], [sflag:$0x3] =	stream.linear.gather [hbm4b:s21+s4], $0x3000, $0x38;
	[tilespmem:$0x1E000] =	vst v63  }
0xeb: {  	s28 =	sshrl.u32 s20, $0x5;
	s7 =	smul.u32 $0x1800, s23  }
0xec: {  	s14 =	smul.u32 $0x1800, s28;
	s1 =	sshll.u32 s20, $0x2  }
0xed: {  	s1 =	sand.u32 $0x380, s1;
	_ =	swait.ge [sflag:s11], $0x3000;
	s7 =	sadd.s32 $0x0, s7  }
0xee: {  	[sflag:s11] =	ssyncset.done $0x0;
	s1 =	sadd.s32 s1, s7  }
0xef: {  	[sflag:s11] =	ssyncadd.s32 $0xFFFFD000;
	s14 =	ssub.s32 s1, s14  }
0xf0: {  	v0 =	vld [tilespmem:s14+$0x3070]  }
0xf1: {  	v5 =	vld [tilespmem:s14+$0x3000]  }
0xf2: {  	v4 =	vld [tilespmem:s14+$0x3010]  }
0xf3: {  	v3 =	vld [tilespmem:s14+$0x3020]  }
0xf4: {  	v2 =	vld [tilespmem:s14+$0x3030]  }
0xf5: {  	v1 =	vld [tilespmem:s14+$0x3050]  }
0xf6: {  	[tilespmem:s14+$0x12070] =	vst.add.f32.msk $0xffff, v0  }
0xf7: {  	s7 =	simm.s32 $0x8;
	s1 =	simm.s32 $0x0;
	v0 =	vld [tilespmem:s14+$0x3040]  }
.LBB2_10:
0xf8: {  	s19 =	smulhi.u32 $0xAAAAAAAB, s7;
	s1 =	sadd.s32 $0x8, s1;
	v6 =	vld [tilespmem:s14+$0x3060]  }
0xf9: {  	p0 =	slt.u32 s1, $0x2F8;
	[tilespmem:s14+$0x12000] =	vst.add.f32.msk $0xffff, v5  }
0xfa: {  	s20 =	sshrl.u32 s19, $0x8;
	[tilespmem:s14+$0x12010] =	vst.add.f32.msk $0xffff, v4  }
0xfb: {  	s20 =	smul.u32 $0x1800, s20;
	[tilespmem:s14+$0x12020] =	vst.add.f32.msk $0xffff, v3  }
0xfc: {  	s4 =	sadd.s32 $0x400, s4;
	s21 =	sshrl.u32 s19, $0x5;
	s19 =	sshll.u32 s19, $0x2;
	[tilespmem:s14+$0x12030] =	vst.add.f32.msk $0xffff, v2  }
0xfd: {  	s19 =	sand.u32 $0x380, s19;
	s21 =	smul.u32 $0x1800, s21;
	s20 =	sadd.s32 s20, s4;
	[tilespmem:s14+$0x12040] =	vst.add.f32.msk $0xffff, v0  }
0xfe: {  	s19 =	sadd.s32 s19, s20;
	[tilespmem:s14+$0x12050] =	vst.add.f32.msk $0xffff, v1  }
0xff: {  	[tilespmem:s14+$0x12060] =	vst.add.f32.msk $0xffff, v6;
	s14 =	ssub.s32 s19, s21  }
0x100: {  	v0 =	vld [tilespmem:s14+$0x3070]  }
0x101: {  	v5 =	vld [tilespmem:s14+$0x3000]  }
0x102: {  	v4 =	vld [tilespmem:s14+$0x3010]  }
.Ltmp4:
0x103: {  	v3 =	vld [tilespmem:s14+$0x3020];
	(pc) =	sbr.rel @p0 .LBB2_10-.Ltmp4, $4  }
0x104: {  	v2 =	vld [tilespmem:s14+$0x3030]  }
0x105: {  	[tilespmem:s14+$0x12070] =	vst.add.f32.msk $0xffff, v0  }
0x106: {  	v0 =	vld [tilespmem:s14+$0x3040]  }
0x107: {  	s7 =	sadd.s32 $0x8, s7;
	v1 =	vld [tilespmem:s14+$0x3050]  }
0x108: {  	v6 =	vld [tilespmem:s14+$0x3060]  }
0x109: {  	[tilespmem:s14+$0x12000] =	vst.add.f32.msk $0xffff, v5  }
0x10a: {  	[tilespmem:s14+$0x12010] =	vst.add.f32.msk $0xffff, v4  }
0x10b: {  	[tilespmem:s14+$0x12020] =	vst.add.f32.msk $0xffff, v3  }
0x10c: {  	[tilespmem:s14+$0x12030] =	vst.add.f32.msk $0xffff, v2  }
0x10d: {  	[tilespmem:s14+$0x12040] =	vst.add.f32.msk $0xffff, v0  }
0x10e: {  	[tilespmem:s14+$0x12050] =	vst.add.f32.msk $0xffff, v1  }
0x10f: {  	[tilespmem:s14+$0x12060] =	vst.add.f32.msk $0xffff, v6  }
0x110: {  	s4 =	simm.s32 $0x0;
	s0 =	rddreg [dreg:$0x11]  }
0x111: {  	[hbm4b:s0+s4] =	stream.linear.scatter [tilespmem:s30], [sflag:$0xF], $0x3000, $0x38;
	[tilespmem:$0x1E000] =	vst v63  }
0x112: {  	_ =	swait.ge [sflag:s12], $0x3000  }
0x113: {  	s1 =	smulhi.u32 $0xAAAAAAAB, s4;
	s21 =	sld [smem:$0x7F5]  }
0x114: {  	[sflag:s12] =	ssyncset.done $0x0  }
0x115: {  	s7 =	simm.s32 $0x9000;
	s23 =	sshrl.u32 s1, $0x8;
	[sflag:s12] =	ssyncadd.s32 $0xFFFFD000  }
0x116: {  	[tilespmem:s7], [sflag:$0x4] =	stream.linear.gather [hbm4b:s21+s4], $0x3000, $0x38;
	[tilespmem:$0x1E000] =	vst v63  }
0x117: {  	s28 =	sshrl.u32 s1, $0x5;
	s1 =	sshll.u32 s1, $0x2;
	s7 =	smul.u32 $0x1800, s23  }
0x118: {  	s1 =	sand.u32 $0x380, s1  }
0x119: {  	s14 =	smul.u32 $0x1800, s28;
	_ =	swait.ge [sflag:s13], $0x3000;
	s7 =	sadd.s32 $0x0, s7  }
0x11a: {  	[sflag:s13] =	ssyncset.done $0x0;
	s1 =	sadd.s32 s1, s7  }
0x11b: {  	[sflag:s13] =	ssyncadd.s32 $0xFFFFD000;
	s14 =	ssub.s32 s1, s14  }
0x11c: {  	v0 =	vld [tilespmem:s14+$0x3070]  }
0x11d: {  	v5 =	vld [tilespmem:s14+$0x3000]  }
0x11e: {  	v4 =	vld [tilespmem:s14+$0x3010]  }
0x11f: {  	v3 =	vld [tilespmem:s14+$0x3020]  }
0x120: {  	v2 =	vld [tilespmem:s14+$0x3030]  }
0x121: {  	v1 =	vld [tilespmem:s14+$0x3050]  }
0x122: {  	[tilespmem:s14+$0x15070] =	vst.add.f32.msk $0xffff, v0  }
0x123: {  	s7 =	simm.s32 $0x8;
	s1 =	simm.s32 $0x0;
	v0 =	vld [tilespmem:s14+$0x3040]  }
.LBB2_12:
0x124: {  	s19 =	smulhi.u32 $0xAAAAAAAB, s7;
	s1 =	sadd.s32 $0x8, s1;
	v6 =	vld [tilespmem:s14+$0x3060]  }
0x125: {  	p0 =	slt.u32 s1, $0x2F8;
	[tilespmem:s14+$0x15000] =	vst.add.f32.msk $0xffff, v5  }
0x126: {  	s20 =	sshrl.u32 s19, $0x8;
	[tilespmem:s14+$0x15010] =	vst.add.f32.msk $0xffff, v4  }
0x127: {  	s20 =	smul.u32 $0x1800, s20;
	[tilespmem:s14+$0x15020] =	vst.add.f32.msk $0xffff, v3  }
0x128: {  	s4 =	sadd.s32 $0x400, s4;
	s21 =	sshrl.u32 s19, $0x5;
	s19 =	sshll.u32 s19, $0x2;
	[tilespmem:s14+$0x15030] =	vst.add.f32.msk $0xffff, v2  }
0x129: {  	s19 =	sand.u32 $0x380, s19;
	s21 =	smul.u32 $0x1800, s21;
	s20 =	sadd.s32 s20, s4;
	[tilespmem:s14+$0x15040] =	vst.add.f32.msk $0xffff, v0  }
0x12a: {  	s19 =	sadd.s32 s19, s20;
	[tilespmem:s14+$0x15050] =	vst.add.f32.msk $0xffff, v1  }
0x12b: {  	[tilespmem:s14+$0x15060] =	vst.add.f32.msk $0xffff, v6;
	s14 =	ssub.s32 s19, s21  }
0x12c: {  	v0 =	vld [tilespmem:s14+$0x3070]  }
0x12d: {  	v5 =	vld [tilespmem:s14+$0x3000]  }
0x12e: {  	v4 =	vld [tilespmem:s14+$0x3010]  }
.Ltmp5:
0x12f: {  	v3 =	vld [tilespmem:s14+$0x3020];
	(pc) =	sbr.rel @p0 .LBB2_12-.Ltmp5, $4  }
0x130: {  	v2 =	vld [tilespmem:s14+$0x3030]  }
0x131: {  	[tilespmem:s14+$0x15070] =	vst.add.f32.msk $0xffff, v0  }
0x132: {  	v0 =	vld [tilespmem:s14+$0x3040]  }
0x133: {  	s7 =	sadd.s32 $0x8, s7;
	v1 =	vld [tilespmem:s14+$0x3050]  }
0x134: {  	v6 =	vld [tilespmem:s14+$0x3060]  }
0x135: {  	[tilespmem:s14+$0x15000] =	vst.add.f32.msk $0xffff, v5  }
0x136: {  	[tilespmem:s14+$0x15010] =	vst.add.f32.msk $0xffff, v4  }
0x137: {  	[tilespmem:s14+$0x15020] =	vst.add.f32.msk $0xffff, v3  }
0x138: {  	[tilespmem:s14+$0x15030] =	vst.add.f32.msk $0xffff, v2  }
0x139: {  	[tilespmem:s14+$0x15040] =	vst.add.f32.msk $0xffff, v0  }
0x13a: {  	[tilespmem:s14+$0x15050] =	vst.add.f32.msk $0xffff, v1  }
0x13b: {  	[tilespmem:s14+$0x15060] =	vst.add.f32.msk $0xffff, v6  }
0x13c: {  	s4 =	simm.s32 $0x0;
	s0 =	rddreg [dreg:$0x12]  }
0x13d: {  	[hbm4b:s0+s4] =	stream.linear.scatter [tilespmem:s29], [sflag:$0x10], $0x3000, $0x38;
	[tilespmem:$0x1E000] =	vst v63  }
0x13e: {  	_ =	swait.ge [sflag:s15], $0x3000  }
0x13f: {  	s1 =	smulhi.u32 $0xAAAAAAAB, s4;
	s21 =	sld [smem:$0x7F7]  }
0x140: {  	[sflag:s15] =	ssyncset.done $0x0  }
0x141: {  	s7 =	simm.s32 $0xC000;
	s23 =	sshrl.u32 s1, $0x8;
	[sflag:s15] =	ssyncadd.s32 $0xFFFFD000  }
0x142: {  	[tilespmem:s7], [sflag:$0x5] =	stream.linear.gather [hbm4b:s21+s4], $0x3000, $0x38;
	[tilespmem:$0x1E000] =	vst v63  }
0x143: {  	s28 =	sshrl.u32 s1, $0x5;
	s1 =	sshll.u32 s1, $0x2;
	s7 =	smul.u32 $0x1800, s23  }
0x144: {  	s1 =	sand.u32 $0x380, s1  }
0x145: {  	s14 =	smul.u32 $0x1800, s28;
	_ =	swait.ge [sflag:s16], $0x3000;
	s7 =	sadd.s32 $0x0, s7  }
0x146: {  	[sflag:s16] =	ssyncset.done $0x0;
	s1 =	sadd.s32 s1, s7  }
0x147: {  	[sflag:s16] =	ssyncadd.s32 $0xFFFFD000;
	s14 =	ssub.s32 s1, s14  }
0x148: {  	v0 =	vld [tilespmem:s14+$0x3070]  }
0x149: {  	v5 =	vld [tilespmem:s14+$0x3000]  }
0x14a: {  	v4 =	vld [tilespmem:s14+$0x3010]  }
0x14b: {  	v3 =	vld [tilespmem:s14+$0x3020]  }
0x14c: {  	v2 =	vld [tilespmem:s14+$0x3030]  }
0x14d: {  	v1 =	vld [tilespmem:s14+$0x3050]  }
0x14e: {  	[tilespmem:s14+$0x18070] =	vst.add.f32.msk $0xffff, v0  }
0x14f: {  	s7 =	simm.s32 $0x8;
	s1 =	simm.s32 $0x0;
	v0 =	vld [tilespmem:s14+$0x3040]  }
.LBB2_14:
0x150: {  	s19 =	smulhi.u32 $0xAAAAAAAB, s7;
	s1 =	sadd.s32 $0x8, s1;
	v6 =	vld [tilespmem:s14+$0x3060]  }
0x151: {  	p0 =	slt.u32 s1, $0x2F8;
	[tilespmem:s14+$0x18000] =	vst.add.f32.msk $0xffff, v5  }
0x152: {  	s20 =	sshrl.u32 s19, $0x8;
	[tilespmem:s14+$0x18010] =	vst.add.f32.msk $0xffff, v4  }
0x153: {  	s20 =	smul.u32 $0x1800, s20;
	[tilespmem:s14+$0x18020] =	vst.add.f32.msk $0xffff, v3  }
0x154: {  	s4 =	sadd.s32 $0x400, s4;
	s21 =	sshrl.u32 s19, $0x5;
	s19 =	sshll.u32 s19, $0x2;
	[tilespmem:s14+$0x18030] =	vst.add.f32.msk $0xffff, v2  }
0x155: {  	s19 =	sand.u32 $0x380, s19;
	s21 =	smul.u32 $0x1800, s21;
	s20 =	sadd.s32 s20, s4;
	[tilespmem:s14+$0x18040] =	vst.add.f32.msk $0xffff, v0  }
0x156: {  	s19 =	sadd.s32 s19, s20;
	[tilespmem:s14+$0x18050] =	vst.add.f32.msk $0xffff, v1  }
0x157: {  	[tilespmem:s14+$0x18060] =	vst.add.f32.msk $0xffff, v6;
	s14 =	ssub.s32 s19, s21  }
0x158: {  	v0 =	vld [tilespmem:s14+$0x3070]  }
0x159: {  	v5 =	vld [tilespmem:s14+$0x3000]  }
0x15a: {  	v4 =	vld [tilespmem:s14+$0x3010]  }
.Ltmp6:
0x15b: {  	v3 =	vld [tilespmem:s14+$0x3020];
	(pc) =	sbr.rel @p0 .LBB2_14-.Ltmp6, $4  }
0x15c: {  	v2 =	vld [tilespmem:s14+$0x3030]  }
0x15d: {  	[tilespmem:s14+$0x18070] =	vst.add.f32.msk $0xffff, v0  }
0x15e: {  	v0 =	vld [tilespmem:s14+$0x3040]  }
0x15f: {  	s7 =	sadd.s32 $0x8, s7;
	v1 =	vld [tilespmem:s14+$0x3050]  }
0x160: {  	v6 =	vld [tilespmem:s14+$0x3060]  }
0x161: {  	[tilespmem:s14+$0x18000] =	vst.add.f32.msk $0xffff, v5  }
0x162: {  	[tilespmem:s14+$0x18010] =	vst.add.f32.msk $0xffff, v4  }
0x163: {  	[tilespmem:s14+$0x18020] =	vst.add.f32.msk $0xffff, v3  }
0x164: {  	[tilespmem:s14+$0x18030] =	vst.add.f32.msk $0xffff, v2  }
0x165: {  	[tilespmem:s14+$0x18040] =	vst.add.f32.msk $0xffff, v0  }
0x166: {  	[tilespmem:s14+$0x18050] =	vst.add.f32.msk $0xffff, v1  }
0x167: {  	[tilespmem:s14+$0x18060] =	vst.add.f32.msk $0xffff, v6  }
0x168: {  	s4 =	simm.s32 $0x0;
	s1 =	simm.s32 $0x18000;
	s0 =	rddreg [dreg:$0x13]  }
0x169: {  	[hbm4b:s0+s4] =	stream.linear.scatter [tilespmem:s1], [sflag:$0x11], $0x3000, $0x38;
	[tilespmem:$0x1E000] =	vst v63  }
0x16a: {  	_ =	swait.ge [sflag:s17], $0x3000  }
0x16b: {  	s20 =	smulhi.u32 $0xAAAAAAAB, s4;
	s21 =	sld [smem:$0x7F8]  }
0x16c: {  	[sflag:s17] =	ssyncset.done $0x0  }
0x16d: {  	s7 =	simm.s32 $0xF000;
	s23 =	sshrl.u32 s20, $0x8;
	[sflag:s17] =	ssyncadd.s32 $0xFFFFD000  }
0x16e: {  	[tilespmem:s7], [sflag:$0x6] =	stream.linear.gather [hbm4b:s21+s4], $0x3000, $0x38;
	[tilespmem:$0x1E000] =	vst v63  }
0x16f: {  	s28 =	sshrl.u32 s20, $0x5;
	s7 =	smul.u32 $0x1800, s23  }
0x170: {  	s14 =	smul.u32 $0x1800, s28;
	s1 =	sshll.u32 s20, $0x2  }
0x171: {  	s1 =	sand.u32 $0x380, s1;
	_ =	swait.ge [sflag:s18], $0x3000;
	s7 =	sadd.s32 $0x0, s7  }
0x172: {  	[sflag:s18] =	ssyncset.done $0x0;
	s1 =	sadd.s32 s1, s7  }
0x173: {  	[sflag:s18] =	ssyncadd.s32 $0xFFFFD000;
	s14 =	ssub.s32 s1, s14  }
0x174: {  	v0 =	vld [tilespmem:s14+$0x3070]  }
0x175: {  	v5 =	vld [tilespmem:s14+$0x3000]  }
0x176: {  	v4 =	vld [tilespmem:s14+$0x3010]  }
0x177: {  	v3 =	vld [tilespmem:s14+$0x3020]  }
0x178: {  	v2 =	vld [tilespmem:s14+$0x3030]  }
0x179: {  	v1 =	vld [tilespmem:s14+$0x3050]  }
0x17a: {  	[tilespmem:s14+$0x1B070] =	vst.add.f32.msk $0xffff, v0  }
0x17b: {  	s7 =	simm.s32 $0x8;
	s1 =	simm.s32 $0x0;
	v0 =	vld [tilespmem:s14+$0x3040]  }
.LBB2_16:
0x17c: {  	s19 =	smulhi.u32 $0xAAAAAAAB, s7;
	s1 =	sadd.s32 $0x8, s1;
	v6 =	vld [tilespmem:s14+$0x3060]  }
0x17d: {  	p0 =	slt.u32 s1, $0x2F8;
	[tilespmem:s14+$0x1B000] =	vst.add.f32.msk $0xffff, v5  }
0x17e: {  	s20 =	sshrl.u32 s19, $0x8;
	[tilespmem:s14+$0x1B010] =	vst.add.f32.msk $0xffff, v4  }
0x17f: {  	s20 =	smul.u32 $0x1800, s20;
	[tilespmem:s14+$0x1B020] =	vst.add.f32.msk $0xffff, v3  }
0x180: {  	s4 =	sadd.s32 $0x400, s4;
	s21 =	sshrl.u32 s19, $0x5;
	s19 =	sshll.u32 s19, $0x2;
	[tilespmem:s14+$0x1B030] =	vst.add.f32.msk $0xffff, v2  }
0x181: {  	s19 =	sand.u32 $0x380, s19;
	s21 =	smul.u32 $0x1800, s21;
	s20 =	sadd.s32 s20, s4;
	[tilespmem:s14+$0x1B040] =	vst.add.f32.msk $0xffff, v0  }
0x182: {  	s19 =	sadd.s32 s19, s20;
	[tilespmem:s14+$0x1B050] =	vst.add.f32.msk $0xffff, v1  }
0x183: {  	[tilespmem:s14+$0x1B060] =	vst.add.f32.msk $0xffff, v6;
	s14 =	ssub.s32 s19, s21  }
0x184: {  	v0 =	vld [tilespmem:s14+$0x3070]  }
0x185: {  	v5 =	vld [tilespmem:s14+$0x3000]  }
0x186: {  	v4 =	vld [tilespmem:s14+$0x3010]  }
.Ltmp7:
0x187: {  	v3 =	vld [tilespmem:s14+$0x3020];
	(pc) =	sbr.rel @p0 .LBB2_16-.Ltmp7, $4  }
0x188: {  	v2 =	vld [tilespmem:s14+$0x3030]  }
0x189: {  	[tilespmem:s14+$0x1B070] =	vst.add.f32.msk $0xffff, v0  }
0x18a: {  	v0 =	vld [tilespmem:s14+$0x3040]  }
0x18b: {  	s7 =	sadd.s32 $0x8, s7;
	v1 =	vld [tilespmem:s14+$0x3050]  }
0x18c: {  	v6 =	vld [tilespmem:s14+$0x3060]  }
0x18d: {  	[tilespmem:s14+$0x1B000] =	vst.add.f32.msk $0xffff, v5  }
0x18e: {  	[tilespmem:s14+$0x1B010] =	vst.add.f32.msk $0xffff, v4  }
0x18f: {  	[tilespmem:s14+$0x1B020] =	vst.add.f32.msk $0xffff, v3  }
0x190: {  	[tilespmem:s14+$0x1B030] =	vst.add.f32.msk $0xffff, v2  }
0x191: {  	[tilespmem:s14+$0x1B040] =	vst.add.f32.msk $0xffff, v0  }
0x192: {  	[tilespmem:s14+$0x1B050] =	vst.add.f32.msk $0xffff, v1  }
0x193: {  	[tilespmem:s14+$0x1B060] =	vst.add.f32.msk $0xffff, v6  }
0x194: {  	s1 =	simm.s32 $0x1B000;
	s4 =	simm.s32 $0x1;
	s0 =	rddreg [dreg:$0x14]  }
0x195: {  	[hbm4b:s0+s22] =	stream.linear.scatter [tilespmem:s1], [sflag:$0x12], $0x3000, $0x38;
	[tilespmem:$0x1E000] =	vst v63  }
.LBB2_18:
0x196: {  	s22 =	sshll.u32 s4, $0x5  }
0x197: {  	s1 =	sor.u32 s22, s3  }
0x198: {  	s1 =	sshrl.u32 s1, $0x3  }
0x199: {  	s1 =	smul.u32 $0x1800, s1  }
0x19a: {  	s0 =	simm.s32 $0x1  }
0x19b: {  	_ =	swait.ge [sflag:s0], $0x3000;
	s21 =	sshrl.u32 s1, $0x3  }
0x19c: {  	s19 =	simm.s32 $0x0;
	[sflag:s0] =	ssyncset.done $0x0;
	s14 =	sadd.s32 $0x600, s21  }
0x19d: {  	s23 =	simm.s32 $0x3000;
	[sflag:s0] =	ssyncadd.s32 $0xFFFFD000;
	s20 =	sadd.s32 s31, s14  }
0x19e: {  	[tilespmem:s23], [sflag:$0x2] =	stream.linear.gather [hbm4b:s20+s19], $0x3000, $0x38;
	[tilespmem:$0x1E000] =	vst v63  }
0x19f: {  	_ =	swait.ge [sflag:s25], $0x3000  }
0x1a0: {  	[sflag:s25] =	ssyncset.done $0x0  }
0x1a1: {  	s7 =	smulhi.u32 $0xAAAAAAAB, s19;
	s28 =	sadd.s32 s2, s14;
	[sflag:s25] =	ssyncadd.s32 $0xFFFFD000  }
0x1a2: {  	[tilespmem:s30], [sflag:$0x7] =	stream.linear.gather [hbm4b:s28+s19], $0x3000, $0x38;
	[tilespmem:$0x1E000] =	vst v63  }
0x1a3: {  	s30 =	sshrl.u32 s7, $0x8  }
0x1a4: {  	s8 =	smov.u32 s31;
	s20 =	sshrl.u32 s7, $0x5;
	s1 =	smul.u32 $0x1800, s30  }
0x1a5: {  	s31 =	simm.s32 $0x3;
	s20 =	smul.u32 $0x1800, s20;
	s7 =	sshll.u32 s7, $0x2  }
0x1a6: {  	_ =	swait.ge [sflag:s31], $0x3000;
	s7 =	sand.u32 $0x380, s7;
	s1 =	sadd.s32 $0x0, s1  }
0x1a7: {  	[sflag:s31] =	ssyncset.done $0x0;
	s1 =	sadd.s32 s7, s1  }
0x1a8: {  	[sflag:s31] =	ssyncadd.s32 $0xFFFFD000;
	s20 =	ssub.s32 s1, s20  }
0x1a9: {  	v0 =	vld [tilespmem:s20+$0x70]  }
0x1aa: {  	v5 =	vld [tilespmem:s20+$0x0]  }
0x1ab: {  	v4 =	vld [tilespmem:s20+$0x10]  }
0x1ac: {  	v3 =	vld [tilespmem:s20+$0x20]  }
0x1ad: {  	v2 =	vld [tilespmem:s20+$0x30]  }
0x1ae: {  	v1 =	vld [tilespmem:s20+$0x50]  }
0x1af: {  	[tilespmem:s20+$0x6070] =	vst.add.f32.msk $0xffff, v0  }
0x1b0: {  	s7 =	simm.s32 $0x8;
	s1 =	simm.s32 $0x0;
	v0 =	vld [tilespmem:s20+$0x40]  }
.LBB2_19:
0x1b1: {  	s23 =	smulhi.u32 $0xAAAAAAAB, s7;
	s1 =	sadd.s32 $0x8, s1;
	v6 =	vld [tilespmem:s20+$0x60]  }
0x1b2: {  	p0 =	slt.u32 s1, $0x2F8;
	[tilespmem:s20+$0x6000] =	vst.add.f32.msk $0xffff, v5  }
0x1b3: {  	s28 =	sshrl.u32 s23, $0x8;
	[tilespmem:s20+$0x6010] =	vst.add.f32.msk $0xffff, v4  }
0x1b4: {  	s28 =	smul.u32 $0x1800, s28;
	[tilespmem:s20+$0x6020] =	vst.add.f32.msk $0xffff, v3  }
0x1b5: {  	s19 =	sadd.s32 $0x400, s19;
	s30 =	sshrl.u32 s23, $0x5;
	s23 =	sshll.u32 s23, $0x2;
	[tilespmem:s20+$0x6030] =	vst.add.f32.msk $0xffff, v2  }
0x1b6: {  	s23 =	sand.u32 $0x380, s23;
	s30 =	smul.u32 $0x1800, s30;
	s28 =	sadd.s32 s28, s19;
	[tilespmem:s20+$0x6040] =	vst.add.f32.msk $0xffff, v0  }
0x1b7: {  	s23 =	sadd.s32 s23, s28;
	[tilespmem:s20+$0x6050] =	vst.add.f32.msk $0xffff, v1  }
0x1b8: {  	[tilespmem:s20+$0x6060] =	vst.add.f32.msk $0xffff, v6;
	s20 =	ssub.s32 s23, s30  }
0x1b9: {  	v0 =	vld [tilespmem:s20+$0x70]  }
0x1ba: {  	v5 =	vld [tilespmem:s20+$0x0]  }
0x1bb: {  	v4 =	vld [tilespmem:s20+$0x10]  }
.Ltmp8:
0x1bc: {  	v3 =	vld [tilespmem:s20+$0x20];
	(pc) =	sbr.rel @p0 .LBB2_19-.Ltmp8, $4  }
0x1bd: {  	v2 =	vld [tilespmem:s20+$0x30]  }
0x1be: {  	[tilespmem:s20+$0x6070] =	vst.add.f32.msk $0xffff, v0  }
0x1bf: {  	v0 =	vld [tilespmem:s20+$0x40]  }
0x1c0: {  	s7 =	sadd.s32 $0x8, s7;
	v1 =	vld [tilespmem:s20+$0x50]  }
0x1c1: {  	v6 =	vld [tilespmem:s20+$0x60]  }
0x1c2: {  	[tilespmem:s20+$0x6000] =	vst.add.f32.msk $0xffff, v5  }
0x1c3: {  	[tilespmem:s20+$0x6010] =	vst.add.f32.msk $0xffff, v4  }
0x1c4: {  	[tilespmem:s20+$0x6020] =	vst.add.f32.msk $0xffff, v3  }
0x1c5: {  	[tilespmem:s20+$0x6030] =	vst.add.f32.msk $0xffff, v2  }
0x1c6: {  	[tilespmem:s20+$0x6040] =	vst.add.f32.msk $0xffff, v0  }
0x1c7: {  	[tilespmem:s20+$0x6050] =	vst.add.f32.msk $0xffff, v1  }
0x1c8: {  	s28 =	sadd.s32 s5, s21;
	s0 =	simm.s32 $0x6000;
	[tilespmem:s20+$0x6060] =	vst.add.f32.msk $0xffff, v6;
	s20 =	simm.s32 $0x0  }
0x1c9: {  	[hbm4b:s28+s20] =	stream.linear.scatter [tilespmem:s0], [sflag:$0xB], $0x3000, $0x38;
	[tilespmem:$0x1E000] =	vst v63  }
0x1ca: {  	_ =	swait.ge [sflag:s26], $0x3000  }
0x1cb: {  	s19 =	sadd.s32 $0xC0600, s21;
	[sflag:s26] =	ssyncset.done $0x0  }
0x1cc: {  	s1 =	sadd.s32 s2, s19;
	s7 =	smulhi.u32 $0xAAAAAAAB, s20;
	[sflag:s26] =	ssyncadd.s32 $0xFFFFD000  }
0x1cd: {  	[tilespmem:s29], [sflag:$0x8] =	stream.linear.gather [hbm4b:s1+s20], $0x3000, $0x38;
	[tilespmem:$0x1E000] =	vst v63  }
0x1ce: {  	s29 =	sshrl.u32 s7, $0x8  }
0x1cf: {  	s23 =	sshrl.u32 s7, $0x5;
	s1 =	smul.u32 $0x1800, s29  }
0x1d0: {  	s31 =	simm.s32 $0x4;
	s23 =	smul.u32 $0x1800, s23;
	s7 =	sshll.u32 s7, $0x2  }
0x1d1: {  	_ =	swait.ge [sflag:s31], $0x3000;
	s7 =	sand.u32 $0x380, s7;
	s1 =	sadd.s32 $0x0, s1  }
0x1d2: {  	[sflag:s31] =	ssyncset.done $0x0;
	s1 =	sadd.s32 s7, s1  }
0x1d3: {  	[sflag:s31] =	ssyncadd.s32 $0xFFFFD000;
	s30 =	ssub.s32 s1, s23  }
0x1d4: {  	v0 =	vld [tilespmem:s30+$0x70]  }
0x1d5: {  	v5 =	vld [tilespmem:s30+$0x0]  }
0x1d6: {  	v4 =	vld [tilespmem:s30+$0x10]  }
0x1d7: {  	v3 =	vld [tilespmem:s30+$0x20]  }
0x1d8: {  	v2 =	vld [tilespmem:s30+$0x30]  }
0x1d9: {  	v1 =	vld [tilespmem:s30+$0x50]  }
0x1da: {  	[tilespmem:s30+$0x9070] =	vst.add.f32.msk $0xffff, v0  }
0x1db: {  	s7 =	simm.s32 $0x8;
	s1 =	simm.s32 $0x0;
	v0 =	vld [tilespmem:s30+$0x40]  }
.LBB2_21:
0x1dc: {  	s23 =	smulhi.u32 $0xAAAAAAAB, s7;
	s1 =	sadd.s32 $0x8, s1;
	v6 =	vld [tilespmem:s30+$0x60]  }
0x1dd: {  	p0 =	slt.u32 s1, $0x2F8;
	[tilespmem:s30+$0x9000] =	vst.add.f32.msk $0xffff, v5  }
0x1de: {  	s29 =	sshrl.u32 s23, $0x8;
	[tilespmem:s30+$0x9010] =	vst.add.f32.msk $0xffff, v4  }
0x1df: {  	s29 =	smul.u32 $0x1800, s29;
	[tilespmem:s30+$0x9020] =	vst.add.f32.msk $0xffff, v3  }
0x1e0: {  	s20 =	sadd.s32 $0x400, s20;
	s31 =	sshrl.u32 s23, $0x5;
	s23 =	sshll.u32 s23, $0x2;
	[tilespmem:s30+$0x9030] =	vst.add.f32.msk $0xffff, v2  }
0x1e1: {  	s23 =	sand.u32 $0x380, s23;
	s31 =	smul.u32 $0x1800, s31;
	s29 =	sadd.s32 s29, s20;
	[tilespmem:s30+$0x9040] =	vst.add.f32.msk $0xffff, v0  }
0x1e2: {  	s23 =	sadd.s32 s23, s29;
	[tilespmem:s30+$0x9050] =	vst.add.f32.msk $0xffff, v1  }
0x1e3: {  	[tilespmem:s30+$0x9060] =	vst.add.f32.msk $0xffff, v6;
	s30 =	ssub.s32 s23, s31  }
0x1e4: {  	v0 =	vld [tilespmem:s30+$0x70]  }
0x1e5: {  	v5 =	vld [tilespmem:s30+$0x0]  }
0x1e6: {  	v4 =	vld [tilespmem:s30+$0x10]  }
.Ltmp9:
0x1e7: {  	v3 =	vld [tilespmem:s30+$0x20];
	(pc) =	sbr.rel @p0 .LBB2_21-.Ltmp9, $4  }
0x1e8: {  	v2 =	vld [tilespmem:s30+$0x30]  }
0x1e9: {  	[tilespmem:s30+$0x9070] =	vst.add.f32.msk $0xffff, v0  }
0x1ea: {  	v0 =	vld [tilespmem:s30+$0x40]  }
0x1eb: {  	s7 =	sadd.s32 $0x8, s7;
	v1 =	vld [tilespmem:s30+$0x50]  }
0x1ec: {  	v6 =	vld [tilespmem:s30+$0x60]  }
0x1ed: {  	[tilespmem:s30+$0x9000] =	vst.add.f32.msk $0xffff, v5  }
0x1ee: {  	[tilespmem:s30+$0x9010] =	vst.add.f32.msk $0xffff, v4  }
0x1ef: {  	[tilespmem:s30+$0x9020] =	vst.add.f32.msk $0xffff, v3  }
0x1f0: {  	[tilespmem:s30+$0x9030] =	vst.add.f32.msk $0xffff, v2  }
0x1f1: {  	[tilespmem:s30+$0x9040] =	vst.add.f32.msk $0xffff, v0  }
0x1f2: {  	[tilespmem:s30+$0x9050] =	vst.add.f32.msk $0xffff, v1  }
0x1f3: {  	s1 =	sadd.s32 $0xC0000, s28;
	s0 =	simm.s32 $0x9000;
	[tilespmem:s30+$0x9060] =	vst.add.f32.msk $0xffff, v6;
	s30 =	simm.s32 $0x0  }
0x1f4: {  	[hbm4b:s1+s30] =	stream.linear.scatter [tilespmem:s0], [sflag:$0xC], $0x3000, $0x38;
	[tilespmem:$0x1E000] =	vst v63  }
0x1f5: {  	s7 =	smulhi.u32 $0xAAAAAAAB, s30  }
0x1f6: {  	s20 =	sadd.s32 $0x180600, s21;
	s23 =	simm.s32 $0x18000;
	_ =	swait.ge [sflag:s24], $0x3000  }
0x1f7: {  	s31 =	simm.s32 $0x5;
	[sflag:s24] =	ssyncset.done $0x0;
	s29 =	sshrl.u32 s7, $0x8  }
0x1f8: {  	s0 =	sadd.s32 s2, s20;
	[sflag:s24] =	ssyncadd.s32 $0xFFFFD000;
	s1 =	smul.u32 $0x1800, s29  }
0x1f9: {  	[tilespmem:s23], [sflag:$0x9] =	stream.linear.gather [hbm4b:s0+s30], $0x3000, $0x38;
	[tilespmem:$0x1E000] =	vst v63  }
0x1fa: {  	s23 =	sshrl.u32 s7, $0x5;
	s7 =	sshll.u32 s7, $0x2;
	_ =	swait.ge [sflag:s31], $0x3000  }
0x1fb: {  	s1 =	sadd.s32 $0x0, s1;
	s7 =	sand.u32 $0x380, s7;
	s23 =	smul.u32 $0x1800, s23  }
0x1fc: {  	[sflag:s31] =	ssyncset.done $0x0;
	s1 =	sadd.s32 s7, s1  }
0x1fd: {  	[sflag:s31] =	ssyncadd.s32 $0xFFFFD000;
	s1 =	ssub.s32 s1, s23  }
0x1fe: {  	v0 =	vld [tilespmem:s1+$0x70]  }
0x1ff: {  	v5 =	vld [tilespmem:s1+$0x0]  }
0x200: {  	v4 =	vld [tilespmem:s1+$0x10]  }
0x201: {  	v3 =	vld [tilespmem:s1+$0x20]  }
0x202: {  	v2 =	vld [tilespmem:s1+$0x30]  }
0x203: {  	v1 =	vld [tilespmem:s1+$0x50]  }
0x204: {  	[tilespmem:s1+$0xC070] =	vst.add.f32.msk $0xffff, v0  }
0x205: {  	s7 =	simm.s32 $0x0;
	s23 =	simm.s32 $0x8;
	v0 =	vld [tilespmem:s1+$0x40]  }
.LBB2_23:
0x206: {  	s29 =	smulhi.u32 $0xAAAAAAAB, s23;
	s7 =	sadd.s32 $0x8, s7;
	v6 =	vld [tilespmem:s1+$0x60]  }
0x207: {  	p0 =	slt.u32 s7, $0x2F8;
	[tilespmem:s1+$0xC000] =	vst.add.f32.msk $0xffff, v5  }
0x208: {  	s31 =	sshrl.u32 s29, $0x8;
	[tilespmem:s1+$0xC010] =	vst.add.f32.msk $0xffff, v4  }
0x209: {  	s31 =	smul.u32 $0x1800, s31;
	[tilespmem:s1+$0xC020] =	vst.add.f32.msk $0xffff, v3  }
0x20a: {  	s30 =	sadd.s32 $0x400, s30;
	s0 =	sshrl.u32 s29, $0x5;
	s29 =	sshll.u32 s29, $0x2;
	[tilespmem:s1+$0xC030] =	vst.add.f32.msk $0xffff, v2  }
0x20b: {  	s29 =	sand.u32 $0x380, s29;
	s0 =	smul.u32 $0x1800, s0;
	s31 =	sadd.s32 s31, s30;
	[tilespmem:s1+$0xC040] =	vst.add.f32.msk $0xffff, v0  }
0x20c: {  	s29 =	sadd.s32 s29, s31;
	[tilespmem:s1+$0xC050] =	vst.add.f32.msk $0xffff, v1  }
0x20d: {  	[tilespmem:s1+$0xC060] =	vst.add.f32.msk $0xffff, v6;
	s1 =	ssub.s32 s29, s0  }
0x20e: {  	v0 =	vld [tilespmem:s1+$0x70]  }
0x20f: {  	v5 =	vld [tilespmem:s1+$0x0]  }
0x210: {  	v4 =	vld [tilespmem:s1+$0x10]  }
.Ltmp10:
0x211: {  	v3 =	vld [tilespmem:s1+$0x20];
	(pc) =	sbr.rel @p0 .LBB2_23-.Ltmp10, $4  }
0x212: {  	v2 =	vld [tilespmem:s1+$0x30]  }
0x213: {  	[tilespmem:s1+$0xC070] =	vst.add.f32.msk $0xffff, v0  }
0x214: {  	v0 =	vld [tilespmem:s1+$0x40]  }
0x215: {  	s23 =	sadd.s32 $0x8, s23;
	v1 =	vld [tilespmem:s1+$0x50]  }
0x216: {  	v6 =	vld [tilespmem:s1+$0x60]  }
0x217: {  	[tilespmem:s1+$0xC000] =	vst.add.f32.msk $0xffff, v5  }
0x218: {  	[tilespmem:s1+$0xC010] =	vst.add.f32.msk $0xffff, v4  }
0x219: {  	[tilespmem:s1+$0xC020] =	vst.add.f32.msk $0xffff, v3  }
0x21a: {  	[tilespmem:s1+$0xC030] =	vst.add.f32.msk $0xffff, v2  }
0x21b: {  	[tilespmem:s1+$0xC040] =	vst.add.f32.msk $0xffff, v0  }
0x21c: {  	s0 =	sadd.s32 $0x180000, s28;
	s30 =	simm.s32 $0x0;
	s7 =	simm.s32 $0xC000;
	[tilespmem:s1+$0xC050] =	vst.add.f32.msk $0xffff, v1  }
0x21d: {  	s21 =	sadd.s32 $0x240600, s21;
	[tilespmem:s1+$0xC060] =	vst.add.f32.msk $0xffff, v6;
	s1 =	smulhi.u32 $0xAAAAAAAB, s30  }
0x21e: {  	[hbm4b:s0+s30] =	stream.linear.scatter [tilespmem:s7], [sflag:$0xD], $0x3000, $0x38;
	[tilespmem:$0x1E000] =	vst v63  }
0x21f: {  	s23 =	sadd.s32 s2, s21;
	s7 =	simm.s32 $0x1B000;
	_ =	swait.ge [sflag:s6], $0x3000  }
0x220: {  	s29 =	sshrl.u32 s1, $0x8;
	s31 =	sshrl.u32 s1, $0x5;
	[sflag:s6] =	ssyncset.done $0x0  }
0x221: {  	s1 =	sshll.u32 s1, $0x2;
	s0 =	smul.u32 $0x1800, s29;
	[sflag:s6] =	ssyncadd.s32 $0xFFFFD000  }
0x222: {  	[tilespmem:s7], [sflag:$0xA] =	stream.linear.gather [hbm4b:s23+s30], $0x3000, $0x38;
	[tilespmem:$0x1E000] =	vst v63  }
0x223: {  	s1 =	sand.u32 $0x380, s1;
	s23 =	simm.s32 $0x6  }
0x224: {  	s0 =	sadd.s32 $0x0, s0;
	s7 =	smul.u32 $0x1800, s31;
	_ =	swait.ge [sflag:s23], $0x3000  }
0x225: {  	s0 =	sadd.s32 s1, s0;
	[sflag:s23] =	ssyncset.done $0x0  }
0x226: {  	s1 =	ssub.s32 s0, s7;
	[sflag:s23] =	ssyncadd.s32 $0xFFFFD000  }
0x227: {  	v0 =	vld [tilespmem:s1+$0x70]  }
0x228: {  	v5 =	vld [tilespmem:s1+$0x0]  }
0x229: {  	v4 =	vld [tilespmem:s1+$0x10]  }
0x22a: {  	v3 =	vld [tilespmem:s1+$0x20]  }
0x22b: {  	v2 =	vld [tilespmem:s1+$0x30]  }
0x22c: {  	v1 =	vld [tilespmem:s1+$0x50]  }
0x22d: {  	[tilespmem:s1+$0xF070] =	vst.add.f32.msk $0xffff, v0  }
0x22e: {  	s7 =	simm.s32 $0x0;
	s23 =	simm.s32 $0x8;
	v0 =	vld [tilespmem:s1+$0x40]  }
.LBB2_25:
0x22f: {  	s0 =	smulhi.u32 $0xAAAAAAAB, s23;
	s7 =	sadd.s32 $0x8, s7;
	v6 =	vld [tilespmem:s1+$0x60]  }
0x230: {  	p0 =	slt.u32 s7, $0x2F8;
	[tilespmem:s1+$0xF000] =	vst.add.f32.msk $0xffff, v5  }
0x231: {  	s29 =	sshrl.u32 s0, $0x8;
	[tilespmem:s1+$0xF010] =	vst.add.f32.msk $0xffff, v4  }
0x232: {  	s29 =	smul.u32 $0x1800, s29;
	[tilespmem:s1+$0xF020] =	vst.add.f32.msk $0xffff, v3  }
0x233: {  	s30 =	sadd.s32 $0x400, s30;
	s31 =	sshrl.u32 s0, $0x5;
	s0 =	sshll.u32 s0, $0x2;
	[tilespmem:s1+$0xF030] =	vst.add.f32.msk $0xffff, v2  }
0x234: {  	s0 =	sand.u32 $0x380, s0;
	s31 =	smul.u32 $0x1800, s31;
	s29 =	sadd.s32 s29, s30;
	[tilespmem:s1+$0xF040] =	vst.add.f32.msk $0xffff, v0  }
0x235: {  	s0 =	sadd.s32 s0, s29;
	[tilespmem:s1+$0xF050] =	vst.add.f32.msk $0xffff, v1  }
0x236: {  	[tilespmem:s1+$0xF060] =	vst.add.f32.msk $0xffff, v6;
	s1 =	ssub.s32 s0, s31  }
0x237: {  	v0 =	vld [tilespmem:s1+$0x70]  }
0x238: {  	v5 =	vld [tilespmem:s1+$0x0]  }
0x239: {  	v4 =	vld [tilespmem:s1+$0x10]  }
.Ltmp11:
0x23a: {  	v3 =	vld [tilespmem:s1+$0x20];
	(pc) =	sbr.rel @p0 .LBB2_25-.Ltmp11, $4  }
0x23b: {  	v2 =	vld [tilespmem:s1+$0x30]  }
0x23c: {  	[tilespmem:s1+$0xF070] =	vst.add.f32.msk $0xffff, v0  }
0x23d: {  	v0 =	vld [tilespmem:s1+$0x40]  }
0x23e: {  	s23 =	sadd.s32 $0x8, s23;
	v1 =	vld [tilespmem:s1+$0x50]  }
0x23f: {  	v6 =	vld [tilespmem:s1+$0x60]  }
0x240: {  	[tilespmem:s1+$0xF000] =	vst.add.f32.msk $0xffff, v5  }
0x241: {  	[tilespmem:s1+$0xF010] =	vst.add.f32.msk $0xffff, v4  }
0x242: {  	[tilespmem:s1+$0xF020] =	vst.add.f32.msk $0xffff, v3  }
0x243: {  	[tilespmem:s1+$0xF030] =	vst.add.f32.msk $0xffff, v2  }
0x244: {  	[tilespmem:s1+$0xF040] =	vst.add.f32.msk $0xffff, v0  }
0x245: {  	[tilespmem:s1+$0xF050] =	vst.add.f32.msk $0xffff, v1  }
0x246: {  	[tilespmem:s1+$0xF060] =	vst.add.f32.msk $0xffff, v6  }
0x247: {  	s7 =	sld [smem:$0x7F9]  }
0x248: {  	s0 =	sadd.s32 $0x240000, s28;
	s28 =	simm.s32 $0x0;
	s30 =	simm.s32 $0xF000  }
0x249: {  	[hbm4b:s0+s28] =	stream.linear.scatter [tilespmem:s30], [sflag:$0xE], $0x3000, $0x38;
	[tilespmem:$0x1E000] =	vst v63  }
0x24a: {  	s0 =	sadd.s32 s22, s7  }
0x24b: {  	s0 =	sshrl.u32 s0, $0x3  }
0x24c: {  	_ =	swait.ge [sflag:s9], $0x3000;
	s0 =	smul.u32 $0x300, s0  }
0x24d: {  	s4 =	sadd.s32 $0x1, s4;
	s23 =	smulhi.u32 $0xAAAAAAAB, s28;
	[sflag:s9] =	ssyncset.done $0x0  }
0x24e: {  	[sflag:s9] =	ssyncadd.s32 $0xFFFFD000;
	s22 =	sshll.u32 s4, $0x5;
	s0 =	sadd.s32 s8, s0  }
0x24f: {  	[tilespmem:s28], [sflag:$0x1] =	stream.linear.gather [hbm4b:s0+s28], $0x3000, $0x38;
	[tilespmem:$0x1E000] =	vst v63  }
0x250: {  	s30 =	sshrl.u32 s23, $0x8;
	s0 =	sadd.s32 s3, s22  }
0x251: {  	s1 =	smul.u32 $0x1800, s30;
	s0 =	sshrl.u32 s0, $0x3  }
0x252: {  	s0 =	smul.u32 $0x1800, s0  }
0x253: {  	s29 =	simm.s32 $0x6000;
	s7 =	sshrl.u32 s23, $0x5;
	_ =	swait.ge [sflag:s10], $0x3000  }
0x254: {  	s1 =	sadd.s32 $0x0, s1;
	[sflag:s10] =	ssyncset.done $0x0;
	s0 =	sshrl.u32 s0, $0x3  }
0x255: {  	[sflag:s10] =	ssyncadd.s32 $0xFFFFD000;
	s22 =	sadd.s32 s2, s0;
	s0 =	sshll.u32 s23, $0x2  }
0x256: {  	[tilespmem:s29], [sflag:$0x3] =	stream.linear.gather [hbm4b:s22+s28], $0x3000, $0x38;
	[tilespmem:$0x1E000] =	vst v63  }
0x257: {  	s7 =	smul.u32 $0x1800, s7;
	s0 =	sand.u32 $0x380, s0;
	_ =	swait.ge [sflag:s11], $0x3000  }
0x258: {  	s0 =	sadd.s32 s0, s1;
	[sflag:s11] =	ssyncset.done $0x0  }
0x259: {  	s1 =	ssub.s32 s0, s7;
	[sflag:s11] =	ssyncadd.s32 $0xFFFFD000  }
0x25a: {  	v0 =	vld [tilespmem:s1+$0x3070]  }
0x25b: {  	v5 =	vld [tilespmem:s1+$0x3000]  }
0x25c: {  	v4 =	vld [tilespmem:s1+$0x3010]  }
0x25d: {  	v3 =	vld [tilespmem:s1+$0x3020]  }
0x25e: {  	v2 =	vld [tilespmem:s1+$0x3030]  }
0x25f: {  	v1 =	vld [tilespmem:s1+$0x3050]  }
0x260: {  	[tilespmem:s1+$0x12070] =	vst.add.f32.msk $0xffff, v0  }
0x261: {  	s31 =	smov.u32 s8;
	s23 =	simm.s32 $0x8;
	s7 =	simm.s32 $0x0;
	v0 =	vld [tilespmem:s1+$0x3040]  }
.LBB2_27:
0x262: {  	s0 =	smulhi.u32 $0xAAAAAAAB, s23;
	s7 =	sadd.s32 $0x8, s7;
	v6 =	vld [tilespmem:s1+$0x3060]  }
0x263: {  	p0 =	slt.u32 s7, $0x2F8;
	[tilespmem:s1+$0x12000] =	vst.add.f32.msk $0xffff, v5  }
0x264: {  	s29 =	sshrl.u32 s0, $0x8;
	[tilespmem:s1+$0x12010] =	vst.add.f32.msk $0xffff, v4  }
0x265: {  	s29 =	smul.u32 $0x1800, s29;
	[tilespmem:s1+$0x12020] =	vst.add.f32.msk $0xffff, v3  }
0x266: {  	s28 =	sadd.s32 $0x400, s28;
	s30 =	sshrl.u32 s0, $0x5;
	s0 =	sshll.u32 s0, $0x2;
	[tilespmem:s1+$0x12030] =	vst.add.f32.msk $0xffff, v2  }
0x267: {  	s0 =	sand.u32 $0x380, s0;
	s30 =	smul.u32 $0x1800, s30;
	s29 =	sadd.s32 s29, s28;
	[tilespmem:s1+$0x12040] =	vst.add.f32.msk $0xffff, v0  }
0x268: {  	s0 =	sadd.s32 s0, s29;
	[tilespmem:s1+$0x12050] =	vst.add.f32.msk $0xffff, v1  }
0x269: {  	[tilespmem:s1+$0x12060] =	vst.add.f32.msk $0xffff, v6;
	s1 =	ssub.s32 s0, s30  }
0x26a: {  	v0 =	vld [tilespmem:s1+$0x3070]  }
0x26b: {  	v5 =	vld [tilespmem:s1+$0x3000]  }
0x26c: {  	v4 =	vld [tilespmem:s1+$0x3010]  }
.Ltmp12:
0x26d: {  	v3 =	vld [tilespmem:s1+$0x3020];
	(pc) =	sbr.rel @p0 .LBB2_27-.Ltmp12, $4  }
0x26e: {  	v2 =	vld [tilespmem:s1+$0x3030]  }
0x26f: {  	[tilespmem:s1+$0x12070] =	vst.add.f32.msk $0xffff, v0  }
0x270: {  	v0 =	vld [tilespmem:s1+$0x3040]  }
0x271: {  	s23 =	sadd.s32 $0x8, s23;
	v1 =	vld [tilespmem:s1+$0x3050]  }
0x272: {  	v6 =	vld [tilespmem:s1+$0x3060]  }
0x273: {  	[tilespmem:s1+$0x12000] =	vst.add.f32.msk $0xffff, v5  }
0x274: {  	[tilespmem:s1+$0x12010] =	vst.add.f32.msk $0xffff, v4  }
0x275: {  	[tilespmem:s1+$0x12020] =	vst.add.f32.msk $0xffff, v3  }
0x276: {  	[tilespmem:s1+$0x12030] =	vst.add.f32.msk $0xffff, v2  }
0x277: {  	[tilespmem:s1+$0x12040] =	vst.add.f32.msk $0xffff, v0  }
0x278: {  	s0 =	sadd.s32 s5, s14;
	s14 =	simm.s32 $0x0;
	[tilespmem:s1+$0x12050] =	vst.add.f32.msk $0xffff, v1  }
0x279: {  	s30 =	simm.s32 $0x12000;
	s8 =	sadd.s32 $0xC0000, s22;
	s23 =	smulhi.u32 $0xAAAAAAAB, s14;
	[tilespmem:s1+$0x12060] =	vst.add.f32.msk $0xffff, v6  }
0x27a: {  	[hbm4b:s0+s14] =	stream.linear.scatter [tilespmem:s30], [sflag:$0xF], $0x3000, $0x38;
	[tilespmem:$0x1E000] =	vst v63  }
0x27b: {  	s7 =	simm.s32 $0x9000;
	s28 =	sshrl.u32 s23, $0x8;
	_ =	swait.ge [sflag:s12], $0x3000  }
0x27c: {  	s29 =	sshrl.u32 s23, $0x5;
	s1 =	sshll.u32 s23, $0x2;
	[sflag:s12] =	ssyncset.done $0x0  }
0x27d: {  	s0 =	smul.u32 $0x1800, s28;
	s1 =	sand.u32 $0x380, s1;
	[sflag:s12] =	ssyncadd.s32 $0xFFFFD000  }
0x27e: {  	[tilespmem:s7], [sflag:$0x4] =	stream.linear.gather [hbm4b:s8+s14], $0x3000, $0x38;
	[tilespmem:$0x1E000] =	vst v63  }
0x27f: {  	s0 =	sadd.s32 $0x0, s0;
	s7 =	smul.u32 $0x1800, s29;
	_ =	swait.ge [sflag:s13], $0x3000  }
0x280: {  	s0 =	sadd.s32 s1, s0;
	[sflag:s13] =	ssyncset.done $0x0  }
0x281: {  	s1 =	ssub.s32 s0, s7;
	[sflag:s13] =	ssyncadd.s32 $0xFFFFD000  }
0x282: {  	v0 =	vld [tilespmem:s1+$0x3070]  }
0x283: {  	v5 =	vld [tilespmem:s1+$0x3000]  }
0x284: {  	v4 =	vld [tilespmem:s1+$0x3010]  }
0x285: {  	v3 =	vld [tilespmem:s1+$0x3020]  }
0x286: {  	v2 =	vld [tilespmem:s1+$0x3030]  }
0x287: {  	v1 =	vld [tilespmem:s1+$0x3050]  }
0x288: {  	[tilespmem:s1+$0x15070] =	vst.add.f32.msk $0xffff, v0  }
0x289: {  	s23 =	simm.s32 $0x8;
	s7 =	simm.s32 $0x0;
	v0 =	vld [tilespmem:s1+$0x3040]  }
.LBB2_29:
0x28a: {  	s0 =	smulhi.u32 $0xAAAAAAAB, s23;
	s7 =	sadd.s32 $0x8, s7;
	v6 =	vld [tilespmem:s1+$0x3060]  }
0x28b: {  	p0 =	slt.u32 s7, $0x2F8;
	[tilespmem:s1+$0x15000] =	vst.add.f32.msk $0xffff, v5  }
0x28c: {  	s28 =	sshrl.u32 s0, $0x8;
	[tilespmem:s1+$0x15010] =	vst.add.f32.msk $0xffff, v4  }
0x28d: {  	s28 =	smul.u32 $0x1800, s28;
	[tilespmem:s1+$0x15020] =	vst.add.f32.msk $0xffff, v3  }
0x28e: {  	s14 =	sadd.s32 $0x400, s14;
	s29 =	sshrl.u32 s0, $0x5;
	s0 =	sshll.u32 s0, $0x2;
	[tilespmem:s1+$0x15030] =	vst.add.f32.msk $0xffff, v2  }
0x28f: {  	s0 =	sand.u32 $0x380, s0;
	s29 =	smul.u32 $0x1800, s29;
	s28 =	sadd.s32 s28, s14;
	[tilespmem:s1+$0x15040] =	vst.add.f32.msk $0xffff, v0  }
0x290: {  	s0 =	sadd.s32 s0, s28;
	[tilespmem:s1+$0x15050] =	vst.add.f32.msk $0xffff, v1  }
0x291: {  	[tilespmem:s1+$0x15060] =	vst.add.f32.msk $0xffff, v6;
	s1 =	ssub.s32 s0, s29  }
0x292: {  	v0 =	vld [tilespmem:s1+$0x3070]  }
0x293: {  	v5 =	vld [tilespmem:s1+$0x3000]  }
0x294: {  	v4 =	vld [tilespmem:s1+$0x3010]  }
.Ltmp13:
0x295: {  	v3 =	vld [tilespmem:s1+$0x3020];
	(pc) =	sbr.rel @p0 .LBB2_29-.Ltmp13, $4  }
0x296: {  	v2 =	vld [tilespmem:s1+$0x3030]  }
0x297: {  	[tilespmem:s1+$0x15070] =	vst.add.f32.msk $0xffff, v0  }
0x298: {  	v0 =	vld [tilespmem:s1+$0x3040]  }
0x299: {  	s23 =	sadd.s32 $0x8, s23;
	v1 =	vld [tilespmem:s1+$0x3050]  }
0x29a: {  	v6 =	vld [tilespmem:s1+$0x3060]  }
0x29b: {  	[tilespmem:s1+$0x15000] =	vst.add.f32.msk $0xffff, v5  }
0x29c: {  	[tilespmem:s1+$0x15010] =	vst.add.f32.msk $0xffff, v4  }
0x29d: {  	[tilespmem:s1+$0x15020] =	vst.add.f32.msk $0xffff, v3  }
0x29e: {  	[tilespmem:s1+$0x15030] =	vst.add.f32.msk $0xffff, v2  }
0x29f: {  	[tilespmem:s1+$0x15040] =	vst.add.f32.msk $0xffff, v0  }
0x2a0: {  	s0 =	sadd.s32 s5, s19;
	s14 =	simm.s32 $0x0;
	[tilespmem:s1+$0x15050] =	vst.add.f32.msk $0xffff, v1  }
0x2a1: {  	s29 =	simm.s32 $0x15000;
	s8 =	sadd.s32 $0x180000, s22;
	s19 =	smulhi.u32 $0xAAAAAAAB, s14;
	[tilespmem:s1+$0x15060] =	vst.add.f32.msk $0xffff, v6  }
0x2a2: {  	[hbm4b:s0+s14] =	stream.linear.scatter [tilespmem:s29], [sflag:$0x10], $0x3000, $0x38;
	[tilespmem:$0x1E000] =	vst v63  }
0x2a3: {  	s7 =	simm.s32 $0xC000;
	s23 =	sshrl.u32 s19, $0x8;
	_ =	swait.ge [sflag:s15], $0x3000  }
0x2a4: {  	s28 =	sshrl.u32 s19, $0x5;
	s1 =	sshll.u32 s19, $0x2;
	[sflag:s15] =	ssyncset.done $0x0  }
0x2a5: {  	s0 =	smul.u32 $0x1800, s23;
	s1 =	sand.u32 $0x380, s1;
	[sflag:s15] =	ssyncadd.s32 $0xFFFFD000  }
0x2a6: {  	[tilespmem:s7], [sflag:$0x5] =	stream.linear.gather [hbm4b:s8+s14], $0x3000, $0x38;
	[tilespmem:$0x1E000] =	vst v63  }
0x2a7: {  	s0 =	sadd.s32 $0x0, s0;
	s7 =	smul.u32 $0x1800, s28;
	_ =	swait.ge [sflag:s16], $0x3000  }
0x2a8: {  	s0 =	sadd.s32 s1, s0;
	[sflag:s16] =	ssyncset.done $0x0  }
0x2a9: {  	s1 =	ssub.s32 s0, s7;
	[sflag:s16] =	ssyncadd.s32 $0xFFFFD000  }
0x2aa: {  	v0 =	vld [tilespmem:s1+$0x3070]  }
0x2ab: {  	v5 =	vld [tilespmem:s1+$0x3000]  }
0x2ac: {  	v4 =	vld [tilespmem:s1+$0x3010]  }
0x2ad: {  	v3 =	vld [tilespmem:s1+$0x3020]  }
0x2ae: {  	v2 =	vld [tilespmem:s1+$0x3030]  }
0x2af: {  	v1 =	vld [tilespmem:s1+$0x3050]  }
0x2b0: {  	[tilespmem:s1+$0x18070] =	vst.add.f32.msk $0xffff, v0  }
0x2b1: {  	s19 =	simm.s32 $0x8;
	s7 =	simm.s32 $0x0;
	v0 =	vld [tilespmem:s1+$0x3040]  }
.LBB2_31:
0x2b2: {  	s0 =	smulhi.u32 $0xAAAAAAAB, s19;
	s7 =	sadd.s32 $0x8, s7;
	v6 =	vld [tilespmem:s1+$0x3060]  }
0x2b3: {  	p0 =	slt.u32 s7, $0x2F8;
	[tilespmem:s1+$0x18000] =	vst.add.f32.msk $0xffff, v5  }
0x2b4: {  	s23 =	sshrl.u32 s0, $0x8;
	[tilespmem:s1+$0x18010] =	vst.add.f32.msk $0xffff, v4  }
0x2b5: {  	s23 =	smul.u32 $0x1800, s23;
	[tilespmem:s1+$0x18020] =	vst.add.f32.msk $0xffff, v3  }
0x2b6: {  	s14 =	sadd.s32 $0x400, s14;
	s28 =	sshrl.u32 s0, $0x5;
	s0 =	sshll.u32 s0, $0x2;
	[tilespmem:s1+$0x18030] =	vst.add.f32.msk $0xffff, v2  }
0x2b7: {  	s0 =	sand.u32 $0x380, s0;
	s28 =	smul.u32 $0x1800, s28;
	s23 =	sadd.s32 s23, s14;
	[tilespmem:s1+$0x18040] =	vst.add.f32.msk $0xffff, v0  }
0x2b8: {  	s0 =	sadd.s32 s0, s23;
	[tilespmem:s1+$0x18050] =	vst.add.f32.msk $0xffff, v1  }
0x2b9: {  	[tilespmem:s1+$0x18060] =	vst.add.f32.msk $0xffff, v6;
	s1 =	ssub.s32 s0, s28  }
0x2ba: {  	v0 =	vld [tilespmem:s1+$0x3070]  }
0x2bb: {  	v5 =	vld [tilespmem:s1+$0x3000]  }
0x2bc: {  	v4 =	vld [tilespmem:s1+$0x3010]  }
.Ltmp14:
0x2bd: {  	v3 =	vld [tilespmem:s1+$0x3020];
	(pc) =	sbr.rel @p0 .LBB2_31-.Ltmp14, $4  }
0x2be: {  	v2 =	vld [tilespmem:s1+$0x3030]  }
0x2bf: {  	[tilespmem:s1+$0x18070] =	vst.add.f32.msk $0xffff, v0  }
0x2c0: {  	v0 =	vld [tilespmem:s1+$0x3040]  }
0x2c1: {  	s19 =	sadd.s32 $0x8, s19;
	v1 =	vld [tilespmem:s1+$0x3050]  }
0x2c2: {  	v6 =	vld [tilespmem:s1+$0x3060]  }
0x2c3: {  	[tilespmem:s1+$0x18000] =	vst.add.f32.msk $0xffff, v5  }
0x2c4: {  	[tilespmem:s1+$0x18010] =	vst.add.f32.msk $0xffff, v4  }
0x2c5: {  	[tilespmem:s1+$0x18020] =	vst.add.f32.msk $0xffff, v3  }
0x2c6: {  	[tilespmem:s1+$0x18030] =	vst.add.f32.msk $0xffff, v2  }
0x2c7: {  	[tilespmem:s1+$0x18040] =	vst.add.f32.msk $0xffff, v0  }
0x2c8: {  	s0 =	sadd.s32 s5, s20;
	s14 =	simm.s32 $0x0;
	[tilespmem:s1+$0x18050] =	vst.add.f32.msk $0xffff, v1  }
0x2c9: {  	s19 =	simm.s32 $0x18000;
	s20 =	sadd.s32 $0x240000, s22;
	s22 =	smulhi.u32 $0xAAAAAAAB, s14;
	[tilespmem:s1+$0x18060] =	vst.add.f32.msk $0xffff, v6  }
0x2ca: {  	[hbm4b:s0+s14] =	stream.linear.scatter [tilespmem:s19], [sflag:$0x11], $0x3000, $0x38;
	[tilespmem:$0x1E000] =	vst v63  }
0x2cb: {  	s7 =	simm.s32 $0xF000;
	s23 =	sshrl.u32 s22, $0x8;
	_ =	swait.ge [sflag:s17], $0x3000  }
0x2cc: {  	s28 =	sshrl.u32 s22, $0x5;
	s1 =	sshll.u32 s22, $0x2;
	[sflag:s17] =	ssyncset.done $0x0  }
0x2cd: {  	s0 =	smul.u32 $0x1800, s23;
	s1 =	sand.u32 $0x380, s1;
	[sflag:s17] =	ssyncadd.s32 $0xFFFFD000  }
0x2ce: {  	[tilespmem:s7], [sflag:$0x6] =	stream.linear.gather [hbm4b:s20+s14], $0x3000, $0x38;
	[tilespmem:$0x1E000] =	vst v63  }
0x2cf: {  	s0 =	sadd.s32 $0x0, s0;
	s7 =	smul.u32 $0x1800, s28;
	_ =	swait.ge [sflag:s18], $0x3000  }
0x2d0: {  	s0 =	sadd.s32 s1, s0;
	[sflag:s18] =	ssyncset.done $0x0  }
0x2d1: {  	s1 =	ssub.s32 s0, s7;
	[sflag:s18] =	ssyncadd.s32 $0xFFFFD000  }
0x2d2: {  	v0 =	vld [tilespmem:s1+$0x3070]  }
0x2d3: {  	v5 =	vld [tilespmem:s1+$0x3000]  }
0x2d4: {  	v4 =	vld [tilespmem:s1+$0x3010]  }
0x2d5: {  	v3 =	vld [tilespmem:s1+$0x3020]  }
0x2d6: {  	v2 =	vld [tilespmem:s1+$0x3030]  }
0x2d7: {  	v1 =	vld [tilespmem:s1+$0x3050]  }
0x2d8: {  	[tilespmem:s1+$0x1B070] =	vst.add.f32.msk $0xffff, v0  }
0x2d9: {  	s19 =	simm.s32 $0x8;
	s7 =	simm.s32 $0x0;
	v0 =	vld [tilespmem:s1+$0x3040]  }
.LBB2_33:
0x2da: {  	s0 =	smulhi.u32 $0xAAAAAAAB, s19;
	s7 =	sadd.s32 $0x8, s7;
	v6 =	vld [tilespmem:s1+$0x3060]  }
0x2db: {  	p0 =	slt.u32 s7, $0x2F8;
	[tilespmem:s1+$0x1B000] =	vst.add.f32.msk $0xffff, v5  }
0x2dc: {  	s20 =	sshrl.u32 s0, $0x8;
	[tilespmem:s1+$0x1B010] =	vst.add.f32.msk $0xffff, v4  }
0x2dd: {  	s20 =	smul.u32 $0x1800, s20;
	[tilespmem:s1+$0x1B020] =	vst.add.f32.msk $0xffff, v3  }
0x2de: {  	s14 =	sadd.s32 $0x400, s14;
	s22 =	sshrl.u32 s0, $0x5;
	s0 =	sshll.u32 s0, $0x2;
	[tilespmem:s1+$0x1B030] =	vst.add.f32.msk $0xffff, v2  }
0x2df: {  	s0 =	sand.u32 $0x380, s0;
	s22 =	smul.u32 $0x1800, s22;
	s20 =	sadd.s32 s20, s14;
	[tilespmem:s1+$0x1B040] =	vst.add.f32.msk $0xffff, v0  }
0x2e0: {  	s0 =	sadd.s32 s0, s20;
	[tilespmem:s1+$0x1B050] =	vst.add.f32.msk $0xffff, v1  }
0x2e1: {  	[tilespmem:s1+$0x1B060] =	vst.add.f32.msk $0xffff, v6;
	s1 =	ssub.s32 s0, s22  }
0x2e2: {  	v0 =	vld [tilespmem:s1+$0x3070]  }
0x2e3: {  	v5 =	vld [tilespmem:s1+$0x3000]  }
0x2e4: {  	v4 =	vld [tilespmem:s1+$0x3010]  }
.Ltmp15:
0x2e5: {  	v3 =	vld [tilespmem:s1+$0x3020];
	(pc) =	sbr.rel @p0 .LBB2_33-.Ltmp15, $4  }
0x2e6: {  	v2 =	vld [tilespmem:s1+$0x3030]  }
0x2e7: {  	[tilespmem:s1+$0x1B070] =	vst.add.f32.msk $0xffff, v0  }
0x2e8: {  	v0 =	vld [tilespmem:s1+$0x3040]  }
0x2e9: {  	s19 =	sadd.s32 $0x8, s19;
	v1 =	vld [tilespmem:s1+$0x3050]  }
0x2ea: {  	v6 =	vld [tilespmem:s1+$0x3060]  }
0x2eb: {  	[tilespmem:s1+$0x1B000] =	vst.add.f32.msk $0xffff, v5  }
0x2ec: {  	[tilespmem:s1+$0x1B010] =	vst.add.f32.msk $0xffff, v4  }
0x2ed: {  	[tilespmem:s1+$0x1B020] =	vst.add.f32.msk $0xffff, v3;
	p0 =	sne.s32 s4, $0x7  }
.Ltmp16:
0x2ee: {  	[tilespmem:s1+$0x1B030] =	vst.add.f32.msk $0xffff, v2;
	(pc) =	sbr.rel @p0 .LBB2_18-.Ltmp16, $4  }
0x2ef: {  	[tilespmem:s1+$0x1B040] =	vst.add.f32.msk $0xffff, v0  }
0x2f0: {  	[tilespmem:s1+$0x1B050] =	vst.add.f32.msk $0xffff, v1  }
0x2f1: {  	s0 =	sadd.s32 s5, s21;
	s22 =	simm.s32 $0x0;
	s28 =	simm.s32 $0x1B000;
	[tilespmem:s1+$0x1B060] =	vst.add.f32.msk $0xffff, v6  }
0x2f2: {  	[hbm4b:s0+s22] =	stream.linear.scatter [tilespmem:s28], [sflag:$0x12], $0x3000, $0x38;
	[tilespmem:$0x1E000] =	vst v63  }
0x2f3: {  	s0 =	simm.s32 $0x1  }
0x2f4: {  	s4 =	simm.s32 $0x0;
	_ =	swait.ge [sflag:s0], $0x3000  }
0x2f5: {  	s1 =	simm.s32 $0x3000;
	s8 =	simm.s32 $0x3;
	[sflag:s0] =	ssyncset.done $0x0  }
0x2f6: {  	s21 =	smulhi.u32 $0xAAAAAAAB, s4;
	s20 =	rddreg [dreg:$0x18];
	[sflag:s0] =	ssyncadd.s32 $0xFFFFD000  }
0x2f7: {  	[tilespmem:s1], [sflag:$0x2] =	stream.linear.gather [hbm4b:s20+s4], $0x3000, $0x38;
	[tilespmem:$0x1E000] =	vst v63  }
0x2f8: {  	s28 =	sshrl.u32 s21, $0x8;
	s7 =	sshrl.u32 s21, $0x5;
	_ =	swait.ge [sflag:s25], $0x3000  }
0x2f9: {  	s0 =	sshll.u32 s21, $0x2;
	s1 =	smul.u32 $0x1800, s28;
	[sflag:s25] =	ssyncset.done $0x0  }
0x2fa: {  	s0 =	sand.u32 $0x380, s0;
	s23 =	rddreg [dreg:$0x19];
	[sflag:s25] =	ssyncadd.s32 $0xFFFFD000  }
0x2fb: {  	[tilespmem:s30], [sflag:$0x7] =	stream.linear.gather [hbm4b:s23+s4], $0x3000, $0x38;
	[tilespmem:$0x1E000] =	vst v63  }
0x2fc: {  	s7 =	smul.u32 $0x1800, s7;
	s1 =	sadd.s32 $0x0, s1;
	_ =	swait.ge [sflag:s8], $0x3000  }
0x2fd: {  	s0 =	sadd.s32 s0, s1;
	[sflag:s8] =	ssyncset.done $0x0  }
0x2fe: {  	s1 =	ssub.s32 s0, s7;
	[sflag:s8] =	ssyncadd.s32 $0xFFFFD000  }
0x2ff: {  	v0 =	vld [tilespmem:s1+$0x70]  }
0x300: {  	v5 =	vld [tilespmem:s1+$0x0]  }
0x301: {  	v4 =	vld [tilespmem:s1+$0x10]  }
0x302: {  	v3 =	vld [tilespmem:s1+$0x20]  }
0x303: {  	v2 =	vld [tilespmem:s1+$0x30]  }
0x304: {  	v1 =	vld [tilespmem:s1+$0x50]  }
0x305: {  	[tilespmem:s1+$0x6070] =	vst.add.f32.msk $0xffff, v0  }
0x306: {  	s14 =	simm.s32 $0x8;
	s7 =	simm.s32 $0x0;
	v0 =	vld [tilespmem:s1+$0x40]  }
.LBB2_36:
0x307: {  	s0 =	smulhi.u32 $0xAAAAAAAB, s14;
	s7 =	sadd.s32 $0x8, s7;
	v6 =	vld [tilespmem:s1+$0x60]  }
0x308: {  	p0 =	slt.u32 s7, $0x2F8;
	[tilespmem:s1+$0x6000] =	vst.add.f32.msk $0xffff, v5  }
0x309: {  	s19 =	sshrl.u32 s0, $0x8;
	[tilespmem:s1+$0x6010] =	vst.add.f32.msk $0xffff, v4  }
0x30a: {  	s19 =	smul.u32 $0x1800, s19;
	[tilespmem:s1+$0x6020] =	vst.add.f32.msk $0xffff, v3  }
0x30b: {  	s4 =	sadd.s32 $0x400, s4;
	s20 =	sshrl.u32 s0, $0x5;
	s0 =	sshll.u32 s0, $0x2;
	[tilespmem:s1+$0x6030] =	vst.add.f32.msk $0xffff, v2  }
0x30c: {  	s0 =	sand.u32 $0x380, s0;
	s20 =	smul.u32 $0x1800, s20;
	s19 =	sadd.s32 s19, s4;
	[tilespmem:s1+$0x6040] =	vst.add.f32.msk $0xffff, v0  }
0x30d: {  	s0 =	sadd.s32 s0, s19;
	[tilespmem:s1+$0x6050] =	vst.add.f32.msk $0xffff, v1  }
0x30e: {  	[tilespmem:s1+$0x6060] =	vst.add.f32.msk $0xffff, v6;
	s1 =	ssub.s32 s0, s20  }
0x30f: {  	v0 =	vld [tilespmem:s1+$0x70]  }
0x310: {  	v5 =	vld [tilespmem:s1+$0x0]  }
0x311: {  	v4 =	vld [tilespmem:s1+$0x10]  }
.Ltmp17:
0x312: {  	v3 =	vld [tilespmem:s1+$0x20];
	(pc) =	sbr.rel @p0 .LBB2_36-.Ltmp17, $4  }
0x313: {  	v2 =	vld [tilespmem:s1+$0x30]  }
0x314: {  	[tilespmem:s1+$0x6070] =	vst.add.f32.msk $0xffff, v0  }
0x315: {  	v0 =	vld [tilespmem:s1+$0x40]  }
0x316: {  	s14 =	sadd.s32 $0x8, s14;
	v1 =	vld [tilespmem:s1+$0x50]  }
0x317: {  	v6 =	vld [tilespmem:s1+$0x60]  }
0x318: {  	[tilespmem:s1+$0x6000] =	vst.add.f32.msk $0xffff, v5  }
0x319: {  	[tilespmem:s1+$0x6010] =	vst.add.f32.msk $0xffff, v4  }
0x31a: {  	[tilespmem:s1+$0x6020] =	vst.add.f32.msk $0xffff, v3  }
0x31b: {  	[tilespmem:s1+$0x6030] =	vst.add.f32.msk $0xffff, v2  }
0x31c: {  	[tilespmem:s1+$0x6040] =	vst.add.f32.msk $0xffff, v0  }
0x31d: {  	[tilespmem:s1+$0x6050] =	vst.add.f32.msk $0xffff, v1  }
0x31e: {  	s4 =	simm.s32 $0x0;
	[tilespmem:s1+$0x6060] =	vst.add.f32.msk $0xffff, v6  }
0x31f: {  	s21 =	smulhi.u32 $0xAAAAAAAB, s4;
	s0 =	sld [smem:$0x7FA]  }
0x320: {  	_ = 	snop  }
0x321: {  	s20 =	simm.s32 $0x6000;
	s7 =	sshrl.u32 s21, $0x5  }
0x322: {  	[hbm4b:s0+s4] =	stream.linear.scatter [tilespmem:s20], [sflag:$0xB], $0x3000, $0x38;
	[tilespmem:$0x1E000] =	vst v63  }
0x323: {  	s28 =	sshrl.u32 s21, $0x8;
	s7 =	smul.u32 $0x1800, s7;
	_ =	swait.ge [sflag:s26], $0x3000  }
0x324: {  	s8 =	simm.s32 $0x4;
	s1 =	smul.u32 $0x1800, s28;
	[sflag:s26] =	ssyncset.done $0x0  }
0x325: {  	s0 =	sshll.u32 s21, $0x2;
	s23 =	rddreg [dreg:$0x1b];
	[sflag:s26] =	ssyncadd.s32 $0xFFFFD000  }
0x326: {  	[tilespmem:s29], [sflag:$0x8] =	stream.linear.gather [hbm4b:s23+s4], $0x3000, $0x38;
	[tilespmem:$0x1E000] =	vst v63  }
0x327: {  	s1 =	sadd.s32 $0x0, s1;
	s0 =	sand.u32 $0x380, s0;
	_ =	swait.ge [sflag:s8], $0x3000  }
0x328: {  	s0 =	sadd.s32 s0, s1;
	[sflag:s8] =	ssyncset.done $0x0  }
0x329: {  	s1 =	ssub.s32 s0, s7;
	[sflag:s8] =	ssyncadd.s32 $0xFFFFD000  }
0x32a: {  	v0 =	vld [tilespmem:s1+$0x70]  }
0x32b: {  	v5 =	vld [tilespmem:s1+$0x0]  }
0x32c: {  	v4 =	vld [tilespmem:s1+$0x10]  }
0x32d: {  	v3 =	vld [tilespmem:s1+$0x20]  }
0x32e: {  	v2 =	vld [tilespmem:s1+$0x30]  }
0x32f: {  	v1 =	vld [tilespmem:s1+$0x50]  }
0x330: {  	[tilespmem:s1+$0x9070] =	vst.add.f32.msk $0xffff, v0  }
0x331: {  	s14 =	simm.s32 $0x8;
	s7 =	simm.s32 $0x0;
	v0 =	vld [tilespmem:s1+$0x40]  }
.LBB2_38:
0x332: {  	s0 =	smulhi.u32 $0xAAAAAAAB, s14;
	s7 =	sadd.s32 $0x8, s7;
	v6 =	vld [tilespmem:s1+$0x60]  }
0x333: {  	p0 =	slt.u32 s7, $0x2F8;
	[tilespmem:s1+$0x9000] =	vst.add.f32.msk $0xffff, v5  }
0x334: {  	s19 =	sshrl.u32 s0, $0x8;
	[tilespmem:s1+$0x9010] =	vst.add.f32.msk $0xffff, v4  }
0x335: {  	s19 =	smul.u32 $0x1800, s19;
	[tilespmem:s1+$0x9020] =	vst.add.f32.msk $0xffff, v3  }
0x336: {  	s4 =	sadd.s32 $0x400, s4;
	s20 =	sshrl.u32 s0, $0x5;
	s0 =	sshll.u32 s0, $0x2;
	[tilespmem:s1+$0x9030] =	vst.add.f32.msk $0xffff, v2  }
0x337: {  	s0 =	sand.u32 $0x380, s0;
	s20 =	smul.u32 $0x1800, s20;
	s19 =	sadd.s32 s19, s4;
	[tilespmem:s1+$0x9040] =	vst.add.f32.msk $0xffff, v0  }
0x338: {  	s0 =	sadd.s32 s0, s19;
	[tilespmem:s1+$0x9050] =	vst.add.f32.msk $0xffff, v1  }
0x339: {  	[tilespmem:s1+$0x9060] =	vst.add.f32.msk $0xffff, v6;
	s1 =	ssub.s32 s0, s20  }
0x33a: {  	v0 =	vld [tilespmem:s1+$0x70]  }
0x33b: {  	v5 =	vld [tilespmem:s1+$0x0]  }
0x33c: {  	v4 =	vld [tilespmem:s1+$0x10]  }
.Ltmp18:
0x33d: {  	v3 =	vld [tilespmem:s1+$0x20];
	(pc) =	sbr.rel @p0 .LBB2_38-.Ltmp18, $4  }
0x33e: {  	v2 =	vld [tilespmem:s1+$0x30]  }
0x33f: {  	[tilespmem:s1+$0x9070] =	vst.add.f32.msk $0xffff, v0  }
0x340: {  	v0 =	vld [tilespmem:s1+$0x40]  }
0x341: {  	s14 =	sadd.s32 $0x8, s14;
	v1 =	vld [tilespmem:s1+$0x50]  }
0x342: {  	v6 =	vld [tilespmem:s1+$0x60]  }
0x343: {  	[tilespmem:s1+$0x9000] =	vst.add.f32.msk $0xffff, v5  }
0x344: {  	[tilespmem:s1+$0x9010] =	vst.add.f32.msk $0xffff, v4  }
0x345: {  	[tilespmem:s1+$0x9020] =	vst.add.f32.msk $0xffff, v3  }
0x346: {  	[tilespmem:s1+$0x9030] =	vst.add.f32.msk $0xffff, v2  }
0x347: {  	[tilespmem:s1+$0x9040] =	vst.add.f32.msk $0xffff, v0  }
0x348: {  	s4 =	simm.s32 $0x0;
	[tilespmem:s1+$0x9050] =	vst.add.f32.msk $0xffff, v1  }
0x349: {  	s20 =	smulhi.u32 $0xAAAAAAAB, s4;
	[tilespmem:s1+$0x9060] =	vst.add.f32.msk $0xffff, v6  }
0x34a: {  	s0 =	sld [smem:$0x7FC]  }
0x34b: {  	s23 =	sshrl.u32 s20, $0x8  }
0x34c: {  	s19 =	simm.s32 $0x9000;
	s1 =	smul.u32 $0x1800, s23  }
0x34d: {  	[hbm4b:s0+s4] =	stream.linear.scatter [tilespmem:s19], [sflag:$0xC], $0x3000, $0x38;
	[tilespmem:$0x1E000] =	vst v63  }
0x34e: {  	s7 =	simm.s32 $0x18000;
	s8 =	simm.s32 $0x5;
	_ =	swait.ge [sflag:s24], $0x3000  }
0x34f: {  	s28 =	sshrl.u32 s20, $0x5;
	s1 =	sadd.s32 $0x0, s1;
	[sflag:s24] =	ssyncset.done $0x0  }
0x350: {  	s0 =	sshll.u32 s20, $0x2;
	s21 =	rddreg [dreg:$0x1d];
	[sflag:s24] =	ssyncadd.s32 $0xFFFFD000  }
0x351: {  	[tilespmem:s7], [sflag:$0x9] =	stream.linear.gather [hbm4b:s21+s4], $0x3000, $0x38;
	[tilespmem:$0x1E000] =	vst v63  }
0x352: {  	s0 =	sand.u32 $0x380, s0;
	s7 =	smul.u32 $0x1800, s28;
	_ =	swait.ge [sflag:s8], $0x3000  }
0x353: {  	s0 =	sadd.s32 s0, s1;
	[sflag:s8] =	ssyncset.done $0x0  }
0x354: {  	s1 =	ssub.s32 s0, s7;
	[sflag:s8] =	ssyncadd.s32 $0xFFFFD000  }
0x355: {  	v0 =	vld [tilespmem:s1+$0x70]  }
0x356: {  	v5 =	vld [tilespmem:s1+$0x0]  }
0x357: {  	v4 =	vld [tilespmem:s1+$0x10]  }
0x358: {  	v3 =	vld [tilespmem:s1+$0x20]  }
0x359: {  	v2 =	vld [tilespmem:s1+$0x30]  }
0x35a: {  	v1 =	vld [tilespmem:s1+$0x50]  }
0x35b: {  	[tilespmem:s1+$0xC070] =	vst.add.f32.msk $0xffff, v0  }
0x35c: {  	s14 =	simm.s32 $0x8;
	s7 =	simm.s32 $0x0;
	v0 =	vld [tilespmem:s1+$0x40]  }
.LBB2_40:
0x35d: {  	s0 =	smulhi.u32 $0xAAAAAAAB, s14;
	s7 =	sadd.s32 $0x8, s7;
	v6 =	vld [tilespmem:s1+$0x60]  }
0x35e: {  	p0 =	slt.u32 s7, $0x2F8;
	[tilespmem:s1+$0xC000] =	vst.add.f32.msk $0xffff, v5  }
0x35f: {  	s19 =	sshrl.u32 s0, $0x8;
	[tilespmem:s1+$0xC010] =	vst.add.f32.msk $0xffff, v4  }
0x360: {  	s19 =	smul.u32 $0x1800, s19;
	[tilespmem:s1+$0xC020] =	vst.add.f32.msk $0xffff, v3  }
0x361: {  	s4 =	sadd.s32 $0x400, s4;
	s20 =	sshrl.u32 s0, $0x5;
	s0 =	sshll.u32 s0, $0x2;
	[tilespmem:s1+$0xC030] =	vst.add.f32.msk $0xffff, v2  }
0x362: {  	s0 =	sand.u32 $0x380, s0;
	s20 =	smul.u32 $0x1800, s20;
	s19 =	sadd.s32 s19, s4;
	[tilespmem:s1+$0xC040] =	vst.add.f32.msk $0xffff, v0  }
0x363: {  	s0 =	sadd.s32 s0, s19;
	[tilespmem:s1+$0xC050] =	vst.add.f32.msk $0xffff, v1  }
0x364: {  	[tilespmem:s1+$0xC060] =	vst.add.f32.msk $0xffff, v6;
	s1 =	ssub.s32 s0, s20  }
0x365: {  	v0 =	vld [tilespmem:s1+$0x70]  }
0x366: {  	v5 =	vld [tilespmem:s1+$0x0]  }
0x367: {  	v4 =	vld [tilespmem:s1+$0x10]  }
.Ltmp19:
0x368: {  	v3 =	vld [tilespmem:s1+$0x20];
	(pc) =	sbr.rel @p0 .LBB2_40-.Ltmp19, $4  }
0x369: {  	v2 =	vld [tilespmem:s1+$0x30]  }
0x36a: {  	[tilespmem:s1+$0xC070] =	vst.add.f32.msk $0xffff, v0  }
0x36b: {  	v0 =	vld [tilespmem:s1+$0x40]  }
0x36c: {  	s14 =	sadd.s32 $0x8, s14;
	v1 =	vld [tilespmem:s1+$0x50]  }
0x36d: {  	v6 =	vld [tilespmem:s1+$0x60]  }
0x36e: {  	[tilespmem:s1+$0xC000] =	vst.add.f32.msk $0xffff, v5  }
0x36f: {  	[tilespmem:s1+$0xC010] =	vst.add.f32.msk $0xffff, v4  }
0x370: {  	[tilespmem:s1+$0xC020] =	vst.add.f32.msk $0xffff, v3  }
0x371: {  	[tilespmem:s1+$0xC030] =	vst.add.f32.msk $0xffff, v2  }
0x372: {  	[tilespmem:s1+$0xC040] =	vst.add.f32.msk $0xffff, v0  }
0x373: {  	s4 =	simm.s32 $0x0;
	[tilespmem:s1+$0xC050] =	vst.add.f32.msk $0xffff, v1  }
0x374: {  	s20 =	smulhi.u32 $0xAAAAAAAB, s4;
	[tilespmem:s1+$0xC060] =	vst.add.f32.msk $0xffff, v6  }
0x375: {  	s0 =	sld [smem:$0x7FB]  }
0x376: {  	s23 =	sshrl.u32 s20, $0x8  }
0x377: {  	s19 =	simm.s32 $0xC000;
	s1 =	smul.u32 $0x1800, s23  }
0x378: {  	[hbm4b:s0+s4] =	stream.linear.scatter [tilespmem:s19], [sflag:$0xD], $0x3000, $0x38;
	[tilespmem:$0x1E000] =	vst v63  }
0x379: {  	s7 =	simm.s32 $0x1B000;
	s8 =	simm.s32 $0x6;
	_ =	swait.ge [sflag:s6], $0x3000  }
0x37a: {  	s28 =	sshrl.u32 s20, $0x5;
	s1 =	sadd.s32 $0x0, s1;
	[sflag:s6] =	ssyncset.done $0x0  }
0x37b: {  	s0 =	sshll.u32 s20, $0x2;
	s21 =	rddreg [dreg:$0x1f];
	[sflag:s6] =	ssyncadd.s32 $0xFFFFD000  }
0x37c: {  	[tilespmem:s7], [sflag:$0xA] =	stream.linear.gather [hbm4b:s21+s4], $0x3000, $0x38;
	[tilespmem:$0x1E000] =	vst v63  }
0x37d: {  	s0 =	sand.u32 $0x380, s0;
	s7 =	smul.u32 $0x1800, s28;
	_ =	swait.ge [sflag:s8], $0x3000  }
0x37e: {  	s0 =	sadd.s32 s0, s1;
	[sflag:s8] =	ssyncset.done $0x0  }
0x37f: {  	s1 =	ssub.s32 s0, s7;
	[sflag:s8] =	ssyncadd.s32 $0xFFFFD000  }
0x380: {  	v0 =	vld [tilespmem:s1+$0x70]  }
0x381: {  	v5 =	vld [tilespmem:s1+$0x0]  }
0x382: {  	v4 =	vld [tilespmem:s1+$0x10]  }
0x383: {  	v3 =	vld [tilespmem:s1+$0x20]  }
0x384: {  	v2 =	vld [tilespmem:s1+$0x30]  }
0x385: {  	v1 =	vld [tilespmem:s1+$0x50]  }
0x386: {  	[tilespmem:s1+$0xF070] =	vst.add.f32.msk $0xffff, v0  }
0x387: {  	s14 =	simm.s32 $0x8;
	s7 =	simm.s32 $0x0;
	v0 =	vld [tilespmem:s1+$0x40]  }
.LBB2_42:
0x388: {  	s0 =	smulhi.u32 $0xAAAAAAAB, s14;
	s7 =	sadd.s32 $0x8, s7;
	v6 =	vld [tilespmem:s1+$0x60]  }
0x389: {  	p0 =	slt.u32 s7, $0x2F8;
	[tilespmem:s1+$0xF000] =	vst.add.f32.msk $0xffff, v5  }
0x38a: {  	s19 =	sshrl.u32 s0, $0x8;
	[tilespmem:s1+$0xF010] =	vst.add.f32.msk $0xffff, v4  }
0x38b: {  	s19 =	smul.u32 $0x1800, s19;
	[tilespmem:s1+$0xF020] =	vst.add.f32.msk $0xffff, v3  }
0x38c: {  	s4 =	sadd.s32 $0x400, s4;
	s20 =	sshrl.u32 s0, $0x5;
	s0 =	sshll.u32 s0, $0x2;
	[tilespmem:s1+$0xF030] =	vst.add.f32.msk $0xffff, v2  }
0x38d: {  	s0 =	sand.u32 $0x380, s0;
	s20 =	smul.u32 $0x1800, s20;
	s19 =	sadd.s32 s19, s4;
	[tilespmem:s1+$0xF040] =	vst.add.f32.msk $0xffff, v0  }
0x38e: {  	s0 =	sadd.s32 s0, s19;
	[tilespmem:s1+$0xF050] =	vst.add.f32.msk $0xffff, v1  }
0x38f: {  	[tilespmem:s1+$0xF060] =	vst.add.f32.msk $0xffff, v6;
	s1 =	ssub.s32 s0, s20  }
0x390: {  	v0 =	vld [tilespmem:s1+$0x70]  }
0x391: {  	v5 =	vld [tilespmem:s1+$0x0]  }
0x392: {  	v4 =	vld [tilespmem:s1+$0x10]  }
.Ltmp20:
0x393: {  	v3 =	vld [tilespmem:s1+$0x20];
	(pc) =	sbr.rel @p0 .LBB2_42-.Ltmp20, $4  }
0x394: {  	v2 =	vld [tilespmem:s1+$0x30]  }
0x395: {  	[tilespmem:s1+$0xF070] =	vst.add.f32.msk $0xffff, v0  }
0x396: {  	v0 =	vld [tilespmem:s1+$0x40]  }
0x397: {  	s14 =	sadd.s32 $0x8, s14;
	v1 =	vld [tilespmem:s1+$0x50]  }
0x398: {  	v6 =	vld [tilespmem:s1+$0x60]  }
0x399: {  	[tilespmem:s1+$0xF000] =	vst.add.f32.msk $0xffff, v5  }
0x39a: {  	[tilespmem:s1+$0xF010] =	vst.add.f32.msk $0xffff, v4  }
0x39b: {  	[tilespmem:s1+$0xF020] =	vst.add.f32.msk $0xffff, v3  }
0x39c: {  	[tilespmem:s1+$0xF030] =	vst.add.f32.msk $0xffff, v2  }
0x39d: {  	[tilespmem:s1+$0xF040] =	vst.add.f32.msk $0xffff, v0  }
0x39e: {  	[tilespmem:s1+$0xF050] =	vst.add.f32.msk $0xffff, v1  }
0x39f: {  	[tilespmem:s1+$0xF060] =	vst.add.f32.msk $0xffff, v6  }
0x3a0: {  	s0 =	sld [smem:$0x7FD]  }
0x3a1: {  	s4 =	simm.s32 $0x0  }
0x3a2: {  	s21 =	simm.s32 $0xF000;
	s23 =	smulhi.u32 $0xAAAAAAAB, s4  }
0x3a3: {  	[hbm4b:s0+s4] =	stream.linear.scatter [tilespmem:s21], [sflag:$0xE], $0x3000, $0x38;
	[tilespmem:$0x1E000] =	vst v63  }
0x3a4: {  	s28 =	sshrl.u32 s23, $0x8;
	_ =	swait.ge [sflag:s9], $0x3000  }
0x3a5: {  	s7 =	sshrl.u32 s23, $0x5;
	s1 =	smul.u32 $0x1800, s28;
	[sflag:s9] =	ssyncset.done $0x0  }
0x3a6: {  	s7 =	smul.u32 $0x1800, s7;
	s0 =	sshll.u32 s23, $0x2;
	[sflag:s9] =	ssyncadd.s32 $0xFFFFD000  }
0x3a7: {  	s1 =	sadd.s32 $0x0, s1;
	s0 =	sand.u32 $0x380, s0;
	_ =	swait.ge [sflag:s11], $0x3000  }
0x3a8: {  	s0 =	sadd.s32 s0, s1;
	[sflag:s11] =	ssyncset.done $0x0  }
0x3a9: {  	s14 =	ssub.s32 s0, s7;
	[sflag:s11] =	ssyncadd.s32 $0xFFFFD000  }
0x3aa: {  	v0 =	vld [tilespmem:s14+$0x3070]  }
0x3ab: {  	v5 =	vld [tilespmem:s14+$0x3000]  }
0x3ac: {  	v4 =	vld [tilespmem:s14+$0x3010]  }
0x3ad: {  	v3 =	vld [tilespmem:s14+$0x3020]  }
0x3ae: {  	v2 =	vld [tilespmem:s14+$0x3030]  }
0x3af: {  	v1 =	vld [tilespmem:s14+$0x3050]  }
0x3b0: {  	[tilespmem:s14+$0x12070] =	vst.add.f32.msk $0xffff, v0  }
0x3b1: {  	s1 =	simm.s32 $0x0;
	s7 =	simm.s32 $0x8;
	v0 =	vld [tilespmem:s14+$0x3040]  }
.LBB2_44:
0x3b2: {  	s0 =	smulhi.u32 $0xAAAAAAAB, s7;
	s1 =	sadd.s32 $0x8, s1;
	v6 =	vld [tilespmem:s14+$0x3060]  }
0x3b3: {  	p0 =	slt.u32 s1, $0x2F8;
	[tilespmem:s14+$0x12000] =	vst.add.f32.msk $0xffff, v5  }
0x3b4: {  	s19 =	sshrl.u32 s0, $0x8;
	[tilespmem:s14+$0x12010] =	vst.add.f32.msk $0xffff, v4  }
0x3b5: {  	s19 =	smul.u32 $0x1800, s19;
	[tilespmem:s14+$0x12020] =	vst.add.f32.msk $0xffff, v3  }
0x3b6: {  	s4 =	sadd.s32 $0x400, s4;
	s20 =	sshrl.u32 s0, $0x5;
	s0 =	sshll.u32 s0, $0x2;
	[tilespmem:s14+$0x12030] =	vst.add.f32.msk $0xffff, v2  }
0x3b7: {  	s0 =	sand.u32 $0x380, s0;
	s20 =	smul.u32 $0x1800, s20;
	s19 =	sadd.s32 s19, s4;
	[tilespmem:s14+$0x12040] =	vst.add.f32.msk $0xffff, v0  }
0x3b8: {  	s0 =	sadd.s32 s0, s19;
	[tilespmem:s14+$0x12050] =	vst.add.f32.msk $0xffff, v1  }
0x3b9: {  	[tilespmem:s14+$0x12060] =	vst.add.f32.msk $0xffff, v6;
	s14 =	ssub.s32 s0, s20  }
0x3ba: {  	v0 =	vld [tilespmem:s14+$0x3070]  }
0x3bb: {  	v5 =	vld [tilespmem:s14+$0x3000]  }
0x3bc: {  	v4 =	vld [tilespmem:s14+$0x3010]  }
.Ltmp21:
0x3bd: {  	v3 =	vld [tilespmem:s14+$0x3020];
	(pc) =	sbr.rel @p0 .LBB2_44-.Ltmp21, $4  }
0x3be: {  	v2 =	vld [tilespmem:s14+$0x3030]  }
0x3bf: {  	[tilespmem:s14+$0x12070] =	vst.add.f32.msk $0xffff, v0  }
0x3c0: {  	v0 =	vld [tilespmem:s14+$0x3040]  }
0x3c1: {  	s7 =	sadd.s32 $0x8, s7;
	v1 =	vld [tilespmem:s14+$0x3050]  }
0x3c2: {  	v6 =	vld [tilespmem:s14+$0x3060]  }
0x3c3: {  	[tilespmem:s14+$0x12000] =	vst.add.f32.msk $0xffff, v5  }
0x3c4: {  	[tilespmem:s14+$0x12010] =	vst.add.f32.msk $0xffff, v4  }
0x3c5: {  	[tilespmem:s14+$0x12020] =	vst.add.f32.msk $0xffff, v3  }
0x3c6: {  	[tilespmem:s14+$0x12030] =	vst.add.f32.msk $0xffff, v2  }
0x3c7: {  	s4 =	simm.s32 $0x0;
	[tilespmem:s14+$0x12040] =	vst.add.f32.msk $0xffff, v0  }
0x3c8: {  	s0 =	smulhi.u32 $0xAAAAAAAB, s4;
	[tilespmem:s14+$0x12050] =	vst.add.f32.msk $0xffff, v1  }
0x3c9: {  	[tilespmem:s14+$0x12060] =	vst.add.f32.msk $0xffff, v6  }
0x3ca: {  	s28 =	sshrl.u32 s0, $0x8;
	s1 =	rddreg [dreg:$0x1a]  }
0x3cb: {  	[hbm4b:s1+s4] =	stream.linear.scatter [tilespmem:s30], [sflag:$0xF], $0x3000, $0x38;
	[tilespmem:$0x1E000] =	vst v63  }
0x3cc: {  	s7 =	sshrl.u32 s0, $0x5;
	s0 =	sshll.u32 s0, $0x2;
	s1 =	smul.u32 $0x1800, s28  }
0x3cd: {  	s0 =	sand.u32 $0x380, s0  }
0x3ce: {  	s7 =	smul.u32 $0x1800, s7;
	_ =	swait.ge [sflag:s13], $0x3000;
	s1 =	sadd.s32 $0x0, s1  }
0x3cf: {  	[sflag:s13] =	ssyncset.done $0x0;
	s0 =	sadd.s32 s0, s1  }
0x3d0: {  	[sflag:s13] =	ssyncadd.s32 $0xFFFFD000;
	s14 =	ssub.s32 s0, s7  }
0x3d1: {  	v0 =	vld [tilespmem:s14+$0x3070]  }
0x3d2: {  	v5 =	vld [tilespmem:s14+$0x3000]  }
0x3d3: {  	v4 =	vld [tilespmem:s14+$0x3010]  }
0x3d4: {  	v3 =	vld [tilespmem:s14+$0x3020]  }
0x3d5: {  	v2 =	vld [tilespmem:s14+$0x3030]  }
0x3d6: {  	v1 =	vld [tilespmem:s14+$0x3050]  }
0x3d7: {  	[tilespmem:s14+$0x15070] =	vst.add.f32.msk $0xffff, v0  }
0x3d8: {  	s1 =	simm.s32 $0x0;
	s7 =	simm.s32 $0x8;
	v0 =	vld [tilespmem:s14+$0x3040]  }
.LBB2_46:
0x3d9: {  	s0 =	smulhi.u32 $0xAAAAAAAB, s7;
	s1 =	sadd.s32 $0x8, s1;
	v6 =	vld [tilespmem:s14+$0x3060]  }
0x3da: {  	p0 =	slt.u32 s1, $0x2F8;
	[tilespmem:s14+$0x15000] =	vst.add.f32.msk $0xffff, v5  }
0x3db: {  	s19 =	sshrl.u32 s0, $0x8;
	[tilespmem:s14+$0x15010] =	vst.add.f32.msk $0xffff, v4  }
0x3dc: {  	s19 =	smul.u32 $0x1800, s19;
	[tilespmem:s14+$0x15020] =	vst.add.f32.msk $0xffff, v3  }
0x3dd: {  	s4 =	sadd.s32 $0x400, s4;
	s20 =	sshrl.u32 s0, $0x5;
	s0 =	sshll.u32 s0, $0x2;
	[tilespmem:s14+$0x15030] =	vst.add.f32.msk $0xffff, v2  }
0x3de: {  	s0 =	sand.u32 $0x380, s0;
	s20 =	smul.u32 $0x1800, s20;
	s19 =	sadd.s32 s19, s4;
	[tilespmem:s14+$0x15040] =	vst.add.f32.msk $0xffff, v0  }
0x3df: {  	s0 =	sadd.s32 s0, s19;
	[tilespmem:s14+$0x15050] =	vst.add.f32.msk $0xffff, v1  }
0x3e0: {  	[tilespmem:s14+$0x15060] =	vst.add.f32.msk $0xffff, v6;
	s14 =	ssub.s32 s0, s20  }
0x3e1: {  	v0 =	vld [tilespmem:s14+$0x3070]  }
0x3e2: {  	v5 =	vld [tilespmem:s14+$0x3000]  }
0x3e3: {  	v4 =	vld [tilespmem:s14+$0x3010]  }
.Ltmp22:
0x3e4: {  	v3 =	vld [tilespmem:s14+$0x3020];
	(pc) =	sbr.rel @p0 .LBB2_46-.Ltmp22, $4  }
0x3e5: {  	v2 =	vld [tilespmem:s14+$0x3030]  }
0x3e6: {  	[tilespmem:s14+$0x15070] =	vst.add.f32.msk $0xffff, v0  }
0x3e7: {  	v0 =	vld [tilespmem:s14+$0x3040]  }
0x3e8: {  	s7 =	sadd.s32 $0x8, s7;
	v1 =	vld [tilespmem:s14+$0x3050]  }
0x3e9: {  	v6 =	vld [tilespmem:s14+$0x3060]  }
0x3ea: {  	[tilespmem:s14+$0x15000] =	vst.add.f32.msk $0xffff, v5  }
0x3eb: {  	[tilespmem:s14+$0x15010] =	vst.add.f32.msk $0xffff, v4  }
0x3ec: {  	[tilespmem:s14+$0x15020] =	vst.add.f32.msk $0xffff, v3  }
0x3ed: {  	[tilespmem:s14+$0x15030] =	vst.add.f32.msk $0xffff, v2  }
0x3ee: {  	s4 =	simm.s32 $0x0;
	[tilespmem:s14+$0x15040] =	vst.add.f32.msk $0xffff, v0  }
0x3ef: {  	s0 =	smulhi.u32 $0xAAAAAAAB, s4;
	[tilespmem:s14+$0x15050] =	vst.add.f32.msk $0xffff, v1  }
0x3f0: {  	[tilespmem:s14+$0x15060] =	vst.add.f32.msk $0xffff, v6  }
0x3f1: {  	s28 =	sshrl.u32 s0, $0x8;
	s1 =	rddreg [dreg:$0x1c]  }
0x3f2: {  	[hbm4b:s1+s4] =	stream.linear.scatter [tilespmem:s29], [sflag:$0x10], $0x3000, $0x38;
	[tilespmem:$0x1E000] =	vst v63  }
0x3f3: {  	s7 =	sshrl.u32 s0, $0x5;
	s0 =	sshll.u32 s0, $0x2;
	s1 =	smul.u32 $0x1800, s28  }
0x3f4: {  	s0 =	sand.u32 $0x380, s0  }
0x3f5: {  	s7 =	smul.u32 $0x1800, s7;
	_ =	swait.ge [sflag:s16], $0x3000;
	s1 =	sadd.s32 $0x0, s1  }
0x3f6: {  	[sflag:s16] =	ssyncset.done $0x0;
	s0 =	sadd.s32 s0, s1  }
0x3f7: {  	[sflag:s16] =	ssyncadd.s32 $0xFFFFD000;
	s14 =	ssub.s32 s0, s7  }
0x3f8: {  	v0 =	vld [tilespmem:s14+$0x3070]  }
0x3f9: {  	v5 =	vld [tilespmem:s14+$0x3000]  }
0x3fa: {  	v4 =	vld [tilespmem:s14+$0x3010]  }
0x3fb: {  	v3 =	vld [tilespmem:s14+$0x3020]  }
0x3fc: {  	v2 =	vld [tilespmem:s14+$0x3030]  }
0x3fd: {  	v1 =	vld [tilespmem:s14+$0x3050]  }
0x3fe: {  	[tilespmem:s14+$0x18070] =	vst.add.f32.msk $0xffff, v0  }
0x3ff: {  	s1 =	simm.s32 $0x0;
	s7 =	simm.s32 $0x8;
	v0 =	vld [tilespmem:s14+$0x3040]  }
.LBB2_48:
0x400: {  	s0 =	smulhi.u32 $0xAAAAAAAB, s7;
	s1 =	sadd.s32 $0x8, s1;
	v6 =	vld [tilespmem:s14+$0x3060]  }
0x401: {  	p0 =	slt.u32 s1, $0x2F8;
	[tilespmem:s14+$0x18000] =	vst.add.f32.msk $0xffff, v5  }
0x402: {  	s19 =	sshrl.u32 s0, $0x8;
	[tilespmem:s14+$0x18010] =	vst.add.f32.msk $0xffff, v4  }
0x403: {  	s19 =	smul.u32 $0x1800, s19;
	[tilespmem:s14+$0x18020] =	vst.add.f32.msk $0xffff, v3  }
0x404: {  	s4 =	sadd.s32 $0x400, s4;
	s20 =	sshrl.u32 s0, $0x5;
	s0 =	sshll.u32 s0, $0x2;
	[tilespmem:s14+$0x18030] =	vst.add.f32.msk $0xffff, v2  }
0x405: {  	s0 =	sand.u32 $0x380, s0;
	s20 =	smul.u32 $0x1800, s20;
	s19 =	sadd.s32 s19, s4;
	[tilespmem:s14+$0x18040] =	vst.add.f32.msk $0xffff, v0  }
0x406: {  	s0 =	sadd.s32 s0, s19;
	[tilespmem:s14+$0x18050] =	vst.add.f32.msk $0xffff, v1  }
0x407: {  	[tilespmem:s14+$0x18060] =	vst.add.f32.msk $0xffff, v6;
	s14 =	ssub.s32 s0, s20  }
0x408: {  	v0 =	vld [tilespmem:s14+$0x3070]  }
0x409: {  	v5 =	vld [tilespmem:s14+$0x3000]  }
0x40a: {  	v4 =	vld [tilespmem:s14+$0x3010]  }
.Ltmp23:
0x40b: {  	v3 =	vld [tilespmem:s14+$0x3020];
	(pc) =	sbr.rel @p0 .LBB2_48-.Ltmp23, $4  }
0x40c: {  	v2 =	vld [tilespmem:s14+$0x3030]  }
0x40d: {  	[tilespmem:s14+$0x18070] =	vst.add.f32.msk $0xffff, v0  }
0x40e: {  	v0 =	vld [tilespmem:s14+$0x3040]  }
0x40f: {  	s7 =	sadd.s32 $0x8, s7;
	v1 =	vld [tilespmem:s14+$0x3050]  }
0x410: {  	v6 =	vld [tilespmem:s14+$0x3060]  }
0x411: {  	[tilespmem:s14+$0x18000] =	vst.add.f32.msk $0xffff, v5  }
0x412: {  	[tilespmem:s14+$0x18010] =	vst.add.f32.msk $0xffff, v4  }
0x413: {  	[tilespmem:s14+$0x18020] =	vst.add.f32.msk $0xffff, v3  }
0x414: {  	[tilespmem:s14+$0x18030] =	vst.add.f32.msk $0xffff, v2  }
0x415: {  	s4 =	simm.s32 $0x0;
	[tilespmem:s14+$0x18040] =	vst.add.f32.msk $0xffff, v0  }
0x416: {  	s0 =	smulhi.u32 $0xAAAAAAAB, s4;
	[tilespmem:s14+$0x18050] =	vst.add.f32.msk $0xffff, v1  }
0x417: {  	[tilespmem:s14+$0x18060] =	vst.add.f32.msk $0xffff, v6  }
0x418: {  	s7 =	simm.s32 $0x18000;
	s23 =	sshrl.u32 s0, $0x8;
	s1 =	rddreg [dreg:$0x1e]  }
0x419: {  	[hbm4b:s1+s4] =	stream.linear.scatter [tilespmem:s7], [sflag:$0x11], $0x3000, $0x38;
	[tilespmem:$0x1E000] =	vst v63  }
0x41a: {  	s28 =	sshrl.u32 s0, $0x5;
	s0 =	sshll.u32 s0, $0x2;
	s1 =	smul.u32 $0x1800, s23  }
0x41b: {  	s0 =	sand.u32 $0x380, s0  }
0x41c: {  	s7 =	smul.u32 $0x1800, s28;
	_ =	swait.ge [sflag:s18], $0x3000;
	s1 =	sadd.s32 $0x0, s1  }
0x41d: {  	[sflag:s18] =	ssyncset.done $0x0;
	s0 =	sadd.s32 s0, s1  }
0x41e: {  	[sflag:s18] =	ssyncadd.s32 $0xFFFFD000;
	s1 =	ssub.s32 s0, s7  }
0x41f: {  	v0 =	vld [tilespmem:s1+$0x3070]  }
0x420: {  	v5 =	vld [tilespmem:s1+$0x3000]  }
0x421: {  	v4 =	vld [tilespmem:s1+$0x3010]  }
0x422: {  	v3 =	vld [tilespmem:s1+$0x3020]  }
0x423: {  	v2 =	vld [tilespmem:s1+$0x3030]  }
0x424: {  	v1 =	vld [tilespmem:s1+$0x3050]  }
0x425: {  	[tilespmem:s1+$0x1B070] =	vst.add.f32.msk $0xffff, v0  }
0x426: {  	s14 =	simm.s32 $0x8;
	s7 =	simm.s32 $0x0;
	v0 =	vld [tilespmem:s1+$0x3040]  }
.LBB2_50:
0x427: {  	s0 =	smulhi.u32 $0xAAAAAAAB, s14;
	s7 =	sadd.s32 $0x8, s7;
	v6 =	vld [tilespmem:s1+$0x3060]  }
0x428: {  	p0 =	slt.u32 s7, $0x2F8;
	[tilespmem:s1+$0x1B000] =	vst.add.f32.msk $0xffff, v5  }
0x429: {  	s19 =	sshrl.u32 s0, $0x8;
	[tilespmem:s1+$0x1B010] =	vst.add.f32.msk $0xffff, v4  }
0x42a: {  	s19 =	smul.u32 $0x1800, s19;
	[tilespmem:s1+$0x1B020] =	vst.add.f32.msk $0xffff, v3  }
0x42b: {  	s4 =	sadd.s32 $0x400, s4;
	s20 =	sshrl.u32 s0, $0x5;
	s0 =	sshll.u32 s0, $0x2;
	[tilespmem:s1+$0x1B030] =	vst.add.f32.msk $0xffff, v2  }
0x42c: {  	s0 =	sand.u32 $0x380, s0;
	s20 =	smul.u32 $0x1800, s20;
	s19 =	sadd.s32 s19, s4;
	[tilespmem:s1+$0x1B040] =	vst.add.f32.msk $0xffff, v0  }
0x42d: {  	s0 =	sadd.s32 s0, s19;
	[tilespmem:s1+$0x1B050] =	vst.add.f32.msk $0xffff, v1  }
0x42e: {  	[tilespmem:s1+$0x1B060] =	vst.add.f32.msk $0xffff, v6;
	s1 =	ssub.s32 s0, s20  }
0x42f: {  	v0 =	vld [tilespmem:s1+$0x3070]  }
0x430: {  	v5 =	vld [tilespmem:s1+$0x3000]  }
0x431: {  	v4 =	vld [tilespmem:s1+$0x3010]  }
.Ltmp24:
0x432: {  	v3 =	vld [tilespmem:s1+$0x3020];
	(pc) =	sbr.rel @p0 .LBB2_50-.Ltmp24, $4  }
0x433: {  	v2 =	vld [tilespmem:s1+$0x3030]  }
0x434: {  	[tilespmem:s1+$0x1B070] =	vst.add.f32.msk $0xffff, v0  }
0x435: {  	v0 =	vld [tilespmem:s1+$0x3040]  }
0x436: {  	s14 =	sadd.s32 $0x8, s14;
	v1 =	vld [tilespmem:s1+$0x3050]  }
0x437: {  	v6 =	vld [tilespmem:s1+$0x3060]  }
0x438: {  	[tilespmem:s1+$0x1B000] =	vst.add.f32.msk $0xffff, v5  }
0x439: {  	[tilespmem:s1+$0x1B010] =	vst.add.f32.msk $0xffff, v4  }
0x43a: {  	[tilespmem:s1+$0x1B020] =	vst.add.f32.msk $0xffff, v3  }
0x43b: {  	[tilespmem:s1+$0x1B030] =	vst.add.f32.msk $0xffff, v2  }
0x43c: {  	[tilespmem:s1+$0x1B040] =	vst.add.f32.msk $0xffff, v0  }
0x43d: {  	[tilespmem:s1+$0x1B050] =	vst.add.f32.msk $0xffff, v1  }
0x43e: {  	[tilespmem:s1+$0x1B060] =	vst.add.f32.msk $0xffff, v6  }
0x43f: {  	s0 =	sld [smem:$0x7F4];
	_ =	sdelay $0x1  }
0x440: {  	s21 =	simm.s32 $0x1B000  }
0x441: {  	[hbm4b:s0+s22] =	stream.linear.scatter [tilespmem:s21], [sflag:$0x12], $0x3000, $0x38;
	[tilespmem:$0x1E000] =	vst v63  }
0x442: {  	_ =	swait.ge [sflag:s10], $0x3000  }
0x443: {  	[sflag:s10] =	ssyncset.done $0x0  }
0x444: {  	[sflag:s10] =	ssyncadd.s32 $0xFFFFD000  }
0x445: {  	_ =	swait.ge [sflag:s12], $0x3000  }
0x446: {  	[sflag:s12] =	ssyncset.done $0x0  }
0x447: {  	[sflag:s12] =	ssyncadd.s32 $0xFFFFD000  }
0x448: {  	_ =	swait.ge [sflag:s15], $0x3000  }
0x449: {  	[sflag:s15] =	ssyncset.done $0x0  }
0x44a: {  	[sflag:s15] =	ssyncadd.s32 $0xFFFFD000  }
0x44b: {  	_ =	swait.ge [sflag:s17], $0x3000  }
0x44c: {  	[sflag:s17] =	ssyncset.done $0x0  }
0x44d: {  	[sflag:s17] =	ssyncadd.s32 $0xFFFFD000  }
0x44e: {  	_ =	swait.ge [sflag:s25], $0x3000  }
0x44f: {  	[sflag:s25] =	ssyncset.done $0x0  }
0x450: {  	[sflag:s25] =	ssyncadd.s32 $0xFFFFD000  }
0x451: {  	_ =	swait.ge [sflag:s26], $0x3000  }
0x452: {  	[sflag:s26] =	ssyncset.done $0x0  }
0x453: {  	[sflag:s26] =	ssyncadd.s32 $0xFFFFD000  }
0x454: {  	_ =	swait.ge [sflag:s24], $0x3000  }
0x455: {  	[sflag:s24] =	ssyncset.done $0x0  }
0x456: {  	[sflag:s24] =	ssyncadd.s32 $0xFFFFD000  }
0x457: {  	_ =	swait.ge [sflag:s6], $0x3000  }
0x458: {  	s23 =	sld [smem:$0x7F3]  }
0x459: {  	s28 =	sld [smem:$0x7F6];
	_ =	sdelay $0x1  }
0x45a: {  	s1 =	sadd.s32 $0x1, s23  }
0x45b: {  	p0 =	sne.s32 s1, s28  }
.Ltmp25:
0x45c: {  	_ = 	snop;
	(pc) =	sbr.rel @p0 .LBB2_1-.Ltmp25, $3  }
0x45d: {  	_ =	sdelay $0x1  }
0x45e: {  	[sflag:s6] =	ssyncset.done $0x0  }
0x45f: {  	[sflag:s6] =	ssyncadd.s32 $0xFFFFD000  }
0x460: {  	_ =	sfence.sel $0x180000  }
0x461: {  	[bflag:$0x0] =	sbarrier.arrive $0xFFFF  }
0x462: {  	_ =	strace $0x90000047  }
0x463: {  	s0 =	stileid.u32;
	[bflag:$0x2] =	sbarrier.arrive $0xFFFF  }
0x464: {  	p0 =	sne.s32 s0, $0x0;
	s0 =	rddreg [dreg:$0x3]  }
0x465: {  	s0 =	sadd.s32 @!p0 $0x100000, s0  }
0x466: {  	[sflag:s0] =	ssyncadd.tile.s32 @!p0 $0x1;
	_ =	shalt  }
.Lfunc_end2:
_tile_overlayer_lowered:
.L_overlay_start_2:
0x467: {  	(tag) =	ssettag $0x2  }
0x468: {  	s0 =	rddreg [dreg:$0x0];
	s2 =	stileid.u32  }
0x469: {  	s1 =	rddreg [dreg:$0x1];
	p0 =	sne.s32 s2, $0x0  }
0x46a: {  	s3 =	rddreg [dreg:$0x2];
	[bflag:$0x3] =	sbarrier.arrive $0xFFFF;
	s2 =	simm.s32 @!p0 $0x1C13  }
0x46b: {  	[timem:s3], [sflag:s2] =	dma.local @!p0 [hbm:s0], s1  }
0x46c: {  	s0 =	simm.s32 @!p0 $0x13  }
0x46d: {  	_ =	swait.ge @!p0 [sflag:s0], s1  }
0x46e: {  	s1 =	ssub.s32 @!p0 $0x0, s1;
	[sflag:s0] =	ssyncset.done @!p0 $0x0  }
0x46f: {  	[sflag:s0] =	ssyncadd.s32 @!p0 s1  }
0x470: {  	[bflag:$0x3] =	sbarrier.arrive $0xFFFF  }
0x471: {  	_ =	shalt  }

</sc_bundles>
